<compile_context>
chip_gen: v7x
topology: tpu7x:2x2x1
jax: 0.10.2.dev20260603
libtpu: 0.0.44.dev20260713+nightly
codegen_flags: <defaults>
</compile_context>

<pallas_src>
import functools

import jax
import jax.numpy as jnp
from jax import lax
from jax.experimental import pallas as pl
from jax.experimental.pallas import tpu as pltpu
from jax.experimental.pallas import tpu_sc as plsc

NLEARN = 40000
NCOURSE = 10000
EMB = 64
HALF = EMB // 2
NEDGE = 800000

LPAD = 40960
CPAD = 10240
PADL = 40480
PADC = 10120

NSUB = 16
CB = 128
NCHUNK = 396
EPAD = NSUB * NCHUNK * CB

LROWS = LPAD // NSUB
CROWS = CPAD // NSUB

_mesh = plsc.VectorSubcoreMesh(core_axis_name="c", subcore_axis_name="s")
_sc_params = pltpu.CompilerParams(use_tc_tiling_on_sc=False)


def _deg_body(src_hbm, dst_hbm, ones_hbm, zl_hbm, zc_hbm,
              degl_hbm, degc_hbm,
              accl_sh, accc_sh, idx_v0, idx_v1, idx_v2, idx_v3, ones_v,
              si0, si1, si2, si3, sd0, sd1, sd2, sd3):
  c = lax.axis_index("c")
  s = lax.axis_index("s")
  pltpu.sync_copy(ones_hbm, ones_v)

  @pl.when(c == 0)
  def _zero_l():
    pltpu.sync_copy(zl_hbm.at[pl.ds(s * LROWS, LROWS)],
                    accl_sh.at[pl.ds(s * LROWS, LROWS)])

  @pl.when(c == 1)
  def _zero_c():
    pltpu.sync_copy(zc_hbm.at[pl.ds(s * CROWS, CROWS)],
                    accc_sh.at[pl.ds(s * CROWS, CROWS)])

  plsc.subcore_barrier()

  ibufs = ((idx_v0, si0, sd0), (idx_v1, si1, sd1),
           (idx_v2, si2, sd2), (idx_v3, si3, sd3))
  idx_hbm = (src_hbm, dst_hbm)
  acc_sh = (accl_sh, accc_sh)

  def _core(k):
    ihbm = idx_hbm[k]
    acc = acc_sh[k]

    for b in range(2):
      idx_v, si, _ = ibufs[b]
      pltpu.async_copy(ihbm.at[s, b], idx_v, si)

    def body(g, carry):
      for b in range(4):
        idx_v, si, sd = ibufs[b]
        j = 4 * g + b
        idx_p, si_p, sd_p = ibufs[(b + 2) % 4]

        @pl.when(j >= 2)
        def _drain():
          pltpu.make_async_copy(ones_v, acc.at[idx_p], sd_p).wait()

        @pl.when(j + 2 < NCHUNK)
        def _pref():
          pltpu.async_copy(ihbm.at[s, j + 2], idx_p, si_p)

        pltpu.make_async_copy(ihbm.at[s, j], idx_v, si).wait()
        pltpu.async_copy(ones_v, acc.at[idx_v], sd, add=True)
      return carry

    lax.fori_loop(0, NCHUNK // 4, body, 0)
    for b in (2, 3):
      idx_v, _, sd = ibufs[b]
      pltpu.make_async_copy(ones_v, acc.at[idx_v], sd).wait()

  @pl.when(c == 0)
  def _core_l():
    _core(0)

  @pl.when(c == 1)
  def _core_c():
    _core(1)

  plsc.subcore_barrier()

  @pl.when(c == 0)
  def _out_l():
    pltpu.sync_copy(accl_sh.at[pl.ds(s * LROWS, LROWS)],
                    degl_hbm.at[pl.ds(s * LROWS, LROWS)])

  @pl.when(c == 1)
  def _out_c():
    pltpu.sync_copy(accc_sh.at[pl.ds(s * CROWS, CROWS)],
                    degc_hbm.at[pl.ds(s * CROWS, CROWS)])


_deg_call = pl.kernel(
    _deg_body,
    mesh=_mesh,
    out_type=[
        jax.ShapeDtypeStruct((LPAD, 16), jnp.float32),
        jax.ShapeDtypeStruct((CPAD, 16), jnp.float32),
    ],
    scratch_types=[
        pltpu.VMEM_SHARED((LPAD, 16), jnp.float32),
        pltpu.VMEM_SHARED((CPAD, 16), jnp.float32),
        pltpu.VMEM((CB,), jnp.int32),
        pltpu.VMEM((CB,), jnp.int32),
        pltpu.VMEM((CB,), jnp.int32),
        pltpu.VMEM((CB,), jnp.int32),
        pltpu.VMEM((CB, 16), jnp.float32),
        pltpu.SemaphoreType.DMA,
        pltpu.SemaphoreType.DMA,
        pltpu.SemaphoreType.DMA,
        pltpu.SemaphoreType.DMA,
        pltpu.SemaphoreType.DMA,
        pltpu.SemaphoreType.DMA,
        pltpu.SemaphoreType.DMA,
        pltpu.SemaphoreType.DMA,
    ],
    compiler_params=_sc_params,
)


def _agg_body(src_hbm, dst_hbm, xp_hbm, yp_hbm, zl_hbm, zc_hbm,
              outx_hbm, outy_hbm,
              accx_sh, accy_sh, *ring):
  c = lax.axis_index("c")
  s = lax.axis_index("s")
  offx = c * LPAD
  offy = c * CPAD

  bufs = tuple(ring[6 * b:6 * b + 6] + ring[18 + 4 * b:18 + 4 * b + 4]
               for b in range(3))

  pltpu.sync_copy(zl_hbm.at[pl.ds(s * LROWS, LROWS)],
                  accx_sh.at[pl.ds(s * LROWS, LROWS)])
  pltpu.sync_copy(zc_hbm.at[pl.ds(s * CROWS, CROWS)],
                  accy_sh.at[pl.ds(s * CROWS, CROWS)])
  plsc.subcore_barrier()

  def _prefetch(j, b):
    src_v, dst_v, srcg_v, dstg_v, xrows_v, yrows_v, gx, gy, _, _ = bufs[b]
    pltpu.sync_copy(src_hbm.at[s, j], src_v)
    pltpu.sync_copy(dst_hbm.at[s, j], dst_v)
    for r in range(CB // 16):
      sl = pl.ds(r * 16, 16)
      srcg_v[sl] = src_v[sl] + offx
      dstg_v[sl] = dst_v[sl] + offy
    pltpu.async_copy(xp_hbm.at[srcg_v], xrows_v, gx)
    pltpu.async_copy(yp_hbm.at[dstg_v], yrows_v, gy)

  def _drain_scatter(b):
    src_v, dst_v, _, _, xrows_v, yrows_v, _, _, sx, sy = bufs[b]
    pltpu.make_async_copy(yrows_v, accx_sh.at[src_v], sx).wait()
    pltpu.make_async_copy(xrows_v, accy_sh.at[dst_v], sy).wait()

  for b in range(2):
    _prefetch(b, b)

  def body(g, carry):
    for b in range(3):
      src_v, dst_v, srcg_v, dstg_v, xrows_v, yrows_v, gx, gy, sx, sy = bufs[b]
      j = 3 * g + b

      pltpu.make_async_copy(xp_hbm.at[srcg_v], xrows_v, gx).wait()
      pltpu.make_async_copy(yp_hbm.at[dstg_v], yrows_v, gy).wait()
      pltpu.async_copy(yrows_v, accx_sh.at[src_v], sx, add=True)
      pltpu.async_copy(xrows_v, accy_sh.at[dst_v], sy, add=True)

      @pl.when(j >= 1)
      def _drain():
        _drain_scatter((b + 2) % 3)

      @pl.when(j + 2 < NCHUNK)
      def _pref():
        _prefetch(j + 2, (b + 2) % 3)

    return carry

  lax.fori_loop(0, NCHUNK // 3, body, 0)
  _drain_scatter((NCHUNK - 1) % 3)
  plsc.subcore_barrier()

  pltpu.sync_copy(accx_sh.at[pl.ds(s * LROWS, LROWS)],
                  outx_hbm.at[pl.ds(offx + s * LROWS, LROWS)])
  pltpu.sync_copy(accy_sh.at[pl.ds(s * CROWS, CROWS)],
                  outy_hbm.at[pl.ds(offy + s * CROWS, CROWS)])


_agg_call = pl.kernel(
    _agg_body,
    mesh=_mesh,
    out_type=[
        jax.ShapeDtypeStruct((2 * LPAD, HALF), jnp.float32),
        jax.ShapeDtypeStruct((2 * CPAD, HALF), jnp.float32),
    ],
    scratch_types=(
        [
            pltpu.VMEM_SHARED((LPAD, HALF), jnp.float32),
            pltpu.VMEM_SHARED((CPAD, HALF), jnp.float32),
        ]
        + [
            pltpu.VMEM((CB,), jnp.int32),
            pltpu.VMEM((CB,), jnp.int32),
            pltpu.VMEM((CB,), jnp.int32),
            pltpu.VMEM((CB,), jnp.int32),
            pltpu.VMEM((CB, HALF), jnp.float32),
            pltpu.VMEM((CB, HALF), jnp.float32),
        ] * 3
        + [pltpu.SemaphoreType.DMA] * 12
    ),
    compiler_params=_sc_params,
)


BLK = 2048


def _scale0_body(nreal, deg_ref, feat_ref, isd_ref, featp_ref):
  i = pl.program_id(0)
  rows = lax.broadcasted_iota(jnp.int32, (BLK, 1), 0) + i * BLK
  mask = rows < nreal
  deg = deg_ref[:, 0:1]
  isd = 1.0 / (jnp.sqrt(deg) + 1e-8)
  isd = jnp.where(mask, isd, 0.0)
  isd_ref[...] = jnp.broadcast_to(isd, (BLK, 16))
  f = feat_ref[...]
  featp_ref[0] = jnp.where(mask, f[:, 0:HALF] * isd, 0.0)
  featp_ref[1] = jnp.where(mask, f[:, HALF:EMB] * isd, 0.0)


def _make_scale0(nreal, npad):
  grid = npad // BLK
  return pl.pallas_call(
      functools.partial(_scale0_body, nreal),
      grid=(grid,),
      in_specs=[
          pl.BlockSpec((BLK, 16), lambda i: (i, 0)),
          pl.BlockSpec((BLK, EMB), lambda i: (i, 0)),
      ],
      out_specs=[
          pl.BlockSpec((BLK, 16), lambda i: (i, 0)),
          pl.BlockSpec((2, BLK, HALF), lambda i: (0, i, 0)),
      ],
      out_shape=[
          jax.ShapeDtypeStruct((npad, 16), jnp.float32),
          jax.ShapeDtypeStruct((2, npad, HALF), jnp.float32),
      ],
  )


def _mid_body(acc_ref, isd_ref, f1_ref, fp1_ref):
  isd = isd_ref[:, 0:1]
  x0 = acc_ref[0] * isd
  x1 = acc_ref[1] * isd
  f1_ref[...] = jnp.concatenate([x0, x1], axis=1)
  fp1_ref[0] = x0 * isd
  fp1_ref[1] = x1 * isd


def _make_mid(npad):
  grid = npad // BLK
  return pl.pallas_call(
      _mid_body,
      grid=(grid,),
      in_specs=[
          pl.BlockSpec((2, BLK, HALF), lambda i: (0, i, 0)),
          pl.BlockSpec((BLK, 16), lambda i: (i, 0)),
      ],
      out_specs=[
          pl.BlockSpec((BLK, EMB), lambda i: (i, 0)),
          pl.BlockSpec((2, BLK, HALF), lambda i: (0, i, 0)),
      ],
      out_shape=[
          jax.ShapeDtypeStruct((npad, EMB), jnp.float32),
          jax.ShapeDtypeStruct((2, npad, HALF), jnp.float32),
      ],
  )


FBLK = 2000


def _final_body(f0_ref, f1_ref, acc_ref, isd_ref, out_ref):
  isd = isd_ref[:, 0:1]
  a = jnp.concatenate([acc_ref[0] * isd, acc_ref[1] * isd], axis=1)
  out_ref[...] = (f0_ref[...] + f1_ref[...] + a) * (1.0 / 3.0)


def _make_final(nreal):
  grid = nreal // FBLK
  return pl.pallas_call(
      _final_body,
      grid=(grid,),
      in_specs=[
          pl.BlockSpec((FBLK, EMB), lambda i: (i, 0)),
          pl.BlockSpec((FBLK, EMB), lambda i: (i, 0)),
          pl.BlockSpec((2, FBLK, HALF), lambda i: (0, i, 0)),
          pl.BlockSpec((FBLK, 16), lambda i: (i, 0)),
      ],
      out_specs=pl.BlockSpec((FBLK, EMB), lambda i: (i, 0)),
      out_shape=jax.ShapeDtypeStruct((nreal, EMB), jnp.float32),
  )


_scale0_l = _make_scale0(NLEARN, LPAD)
_scale0_c = _make_scale0(NCOURSE, CPAD)
_mid_l = _make_mid(LPAD)
_mid_c = _make_mid(CPAD)
_final_l = _make_final(NLEARN)
_final_c = _make_final(NCOURSE)


@jax.jit
def kernel(learners_feature, courses_feature, edge_src, edge_dst):
  src = jnp.concatenate(
      [edge_src, jnp.full((EPAD - NEDGE,), PADL, jnp.int32)]
  ).reshape(NSUB, NCHUNK, CB)
  dst = jnp.concatenate(
      [edge_dst, jnp.full((EPAD - NEDGE,), PADC, jnp.int32)]
  ).reshape(NSUB, NCHUNK, CB)

  ones16 = jnp.ones((CB, 16), jnp.float32)
  zl16 = jnp.zeros((LPAD, 16), jnp.float32)
  zc16 = jnp.zeros((CPAD, 16), jnp.float32)
  zl32 = jnp.zeros((LPAD, HALF), jnp.float32)
  zc32 = jnp.zeros((CPAD, HALF), jnp.float32)

  degl, degc = _deg_call(src, dst, ones16, zl16, zc16)
  isdl, xp0 = _scale0_l(degl, learners_feature)
  isdc, yp0 = _scale0_c(degc, courses_feature)

  ax1, ay1 = _agg_call(src, dst,
                       xp0.reshape(2 * LPAD, HALF),
                       yp0.reshape(2 * CPAD, HALF),
                       zl32, zc32)
  x1, xp1 = _mid_l(ax1.reshape(2, LPAD, HALF), isdl)
  y1, yp1 = _mid_c(ay1.reshape(2, CPAD, HALF), isdc)

  ax2, ay2 = _agg_call(src, dst,
                       xp1.reshape(2 * LPAD, HALF),
                       yp1.reshape(2 * CPAD, HALF),
                       zl32, zc32)

  learners_out = _final_l(learners_feature, x1[:NLEARN],
                          ax2.reshape(2, LPAD, HALF)[:, :NLEARN],
                          isdl[:NLEARN])
  courses_out = _final_c(courses_feature, y1[:NCOURSE],
                         ay2.reshape(2, CPAD, HALF)[:, :NCOURSE],
                         isdc[:NCOURSE])
  return learners_out, courses_out

# --- scband reference (transcript-rebuilt; emitter-appended) ---
"""Pipeline reference for scband-llmcrec-81982335746485 (READ-ONLY COPY).

The authoritative reference and input builder live on the scoring server;
editing this copy changes nothing except your own understanding.
"""

import jax, jax.numpy as jnp
import numpy as np

NUM_LEARNERS = 40000
NUM_COURSES = 10000
N_EDGES = 800000
EMB = 64
LAYERS = 2


def setup_inputs(seed: int = 0) -> dict:
    key = jax.random.key(seed)
    k1, k2, k3, k4 = jax.random.split(key, 4)
    learners_feature = jax.random.normal(k1, (NUM_LEARNERS, EMB), dtype=jnp.float32)
    courses_feature = jax.random.normal(k2, (NUM_COURSES, EMB), dtype=jnp.float32)
    edge_src = jax.random.randint(k3, (N_EDGES,), 0, NUM_LEARNERS, dtype=jnp.int32)
    edge_dst = jax.random.randint(k4, (N_EDGES,), 0, NUM_COURSES, dtype=jnp.int32)
    return {
        "learners_feature": learners_feature,
        "courses_feature": courses_feature,
        "edge_src": edge_src,
        "edge_dst": edge_dst,
    }


def reference(learners_feature, courses_feature, edge_src, edge_dst):
    # Faithful jax translation of LLMCRec.graph_propagate over the
    # symmetric laplace-normalized learner-course bipartite graph
    # (course-grained graph). Course nodes are offset by NUM_LEARNERS
    # in the joint adjacency, matching sp.bmat([[0, G],[G.T, 0]]).
    n_total = NUM_LEARNERS + NUM_COURSES
    src = edge_src
    dst = edge_dst + NUM_LEARNERS

    # symmetric degree (row-sum of bipartite block adjacency)
    deg = jnp.zeros((n_total,), dtype=jnp.float32)
    deg = deg.at[src].add(1.0)
    deg = deg.at[dst].add(1.0)
    inv_sqrt_deg = 1.0 / (jnp.sqrt(deg) + 1e-8)
    edge_w = inv_sqrt_deg[src] * inv_sqrt_deg[dst]  # D^-1/2 A D^-1/2 values

    # features = torch.cat((A_feature, B_feature), 0)
    features = jnp.concatenate([learners_feature, courses_feature], axis=0)

    all_features = [features]
    for _ in range(LAYERS):
        # sparse symmetric matmul: gather -> weight -> scatter-add
        msg_to_dst = features[src] * edge_w[:, None]
        msg_to_src = features[dst] * edge_w[:, None]
        new_features = jnp.zeros_like(features)
        new_features = new_features.at[dst].add(msg_to_dst)
        new_features = new_features.at[src].add(msg_to_src)
        features = new_features
        all_features.append(features)

    # LightGCN-style layer mean aggregation
    out = jnp.mean(jnp.stack(all_features, axis=0), axis=0)
    learners_out = out[:NUM_LEARNERS]
    courses_out = out[NUM_LEARNERS:]
    return learners_out, courses_out

if __name__ == "__main__":
    import jax
    _d = setup_inputs()
    print(jax.jit(kernel)(*tuple(_d.values())))

</pallas_src>

<mosaic_0001>
#map = affine_map<(d0, d1) -> (0, 0, 0)>
#map1 = affine_map<(d0, d1) -> (0, 0)>
module attributes {stable_mosaic.version = 14 : i64} {
  func.func @_deg_body(%arg0: i32, %arg1: i32, %arg2: memref<16x396x128xi32, #tpu.memory_space<hbm>>, %arg3: memref<16x396x128xi32, #tpu.memory_space<hbm>>, %arg4: memref<128x16xf32, #tpu.memory_space<hbm>>, %arg5: memref<40960x16xf32, #tpu.memory_space<hbm>>, %arg6: memref<10240x16xf32, #tpu.memory_space<hbm>>, %arg7: memref<40960x16xf32, #tpu.memory_space<hbm>>, %arg8: memref<10240x16xf32, #tpu.memory_space<hbm>>, %arg9: memref<40960x16xf32, #tpu.memory_space<vmem_shared>>, %arg10: memref<10240x16xf32, #tpu.memory_space<vmem_shared>>, %arg11: memref<128xi32, #tpu.memory_space<vmem>>, %arg12: memref<128xi32, #tpu.memory_space<vmem>>, %arg13: memref<128xi32, #tpu.memory_space<vmem>>, %arg14: memref<128xi32, #tpu.memory_space<vmem>>, %arg15: memref<128x16xf32, #tpu.memory_space<vmem>>, %arg16: memref<!tpu.dma_semaphore, #tpu.memory_space<semaphore_mem>>, %arg17: memref<!tpu.dma_semaphore, #tpu.memory_space<semaphore_mem>>, %arg18: memref<!tpu.dma_semaphore, #tpu.memory_space<semaphore_mem>>, %arg19: memref<!tpu.dma_semaphore, #tpu.memory_space<semaphore_mem>>, %arg20: memref<!tpu.dma_semaphore, #tpu.memory_space<semaphore_mem>>, %arg21: memref<!tpu.dma_semaphore, #tpu.memory_space<semaphore_mem>>, %arg22: memref<!tpu.dma_semaphore, #tpu.memory_space<semaphore_mem>>, %arg23: memref<!tpu.dma_semaphore, #tpu.memory_space<semaphore_mem>>) attributes {dimension_semantics = [#tpu.dimension_semantics<core_parallel>, #tpu.dimension_semantics<subcore_parallel>], iteration_bounds = array<i64: 2, 16>, scalar_prefetch = 0 : i64, scratch_operands = 15 : i64, tpu.core_type = #tpu.core_type<sc_vector_subcore>, window_params = [{transform_indices = #map}, {transform_indices = #map}, {transform_indices = #map1}, {transform_indices = #map1}, {transform_indices = #map1}, {transform_indices = #map1}, {transform_indices = #map1}]} {
    "tpu.region"() ({
      %run_scoped3A = tpu.sem_alloc : memref<!tpu.dma_semaphore, #tpu.memory_space<semaphore_mem>>
      tpu.enqueue_dma source(%arg4 : memref<128x16xf32, #tpu.memory_space<hbm>>) target(%arg15 : memref<128x16xf32, #tpu.memory_space<vmem>>) target_semaphore(%run_scoped3A : memref<!tpu.dma_semaphore, #tpu.memory_space<semaphore_mem>>)
      tpu.wait_dma2 semaphore(%run_scoped3A : memref<!tpu.dma_semaphore, #tpu.memory_space<semaphore_mem>>) src(%arg4 : memref<128x16xf32, #tpu.memory_space<hbm>>) dst(%arg15 : memref<128x16xf32, #tpu.memory_space<vmem>>)
      tpu.yield
    }) : () -> ()
    %eq3A = arith.constant 0 : i32
    %eq3A_0 = arith.cmpi eq, %arg0, %eq3A : i32
    %convert_element_type3A = arith.extui %eq3A_0 : i1 to i32
    %cond3A = arith.constant 0 : i32
    %cond3A_1 = arith.cmpi ne, %convert_element_type3A, %cond3A : i32
    scf.if %cond3A_1 {
      %mul3A = arith.constant 2560 : i32
      %mul3A_28 = arith.muli %arg1, %mul3A : i32
      %mul3A_29 = arith.constant 2560 : i32
      %mul3A_30 = arith.muli %arg1, %mul3A_29 : i32
      "tpu.region"() ({
        %run_scoped3A = tpu.sem_alloc : memref<!tpu.dma_semaphore, #tpu.memory_space<semaphore_mem>>
        %dma_start3A = arith.constant 0 : i32
        %dma_start3A_31 = tpu.memref_slice %arg9[%mul3A_30, %dma_start3A] : memref<40960x16xf32, #tpu.memory_space<vmem_shared>> -> memref<2560x16xf32, #tpu.memory_space<vmem_shared>>
        %dma_start3A_32 = arith.constant 0 : i32
        %dma_start3A_33 = tpu.memref_slice %arg5[%mul3A_28, %dma_start3A_32] : memref<40960x16xf32, #tpu.memory_space<hbm>> -> memref<2560x16xf32, #tpu.memory_space<hbm>>
        tpu.enqueue_dma source(%dma_start3A_33 : memref<2560x16xf32, #tpu.memory_space<hbm>>) target(%dma_start3A_31 : memref<2560x16xf32, #tpu.memory_space<vmem_shared>>) target_semaphore(%run_scoped3A : memref<!tpu.dma_semaphore, #tpu.memory_space<semaphore_mem>>)
        %dma_wait3A = arith.constant 0 : i32
        %dma_wait3A_34 = tpu.memref_slice %arg9[%mul3A_30, %dma_wait3A] : memref<40960x16xf32, #tpu.memory_space<vmem_shared>> -> memref<2560x16xf32, #tpu.memory_space<vmem_shared>>
        %dma_wait3A_35 = arith.constant 0 : i32
        %dma_wait3A_36 = tpu.memref_slice %arg5[%mul3A_28, %dma_wait3A_35] : memref<40960x16xf32, #tpu.memory_space<hbm>> -> memref<2560x16xf32, #tpu.memory_space<hbm>>
        tpu.wait_dma2 semaphore(%run_scoped3A : memref<!tpu.dma_semaphore, #tpu.memory_space<semaphore_mem>>) src(%dma_wait3A_36 : memref<2560x16xf32, #tpu.memory_space<hbm>>) dst(%dma_wait3A_34 : memref<2560x16xf32, #tpu.memory_space<vmem_shared>>)
        tpu.yield
      }) : () -> ()
    } else {
    }
    %eq3A_2 = arith.constant 1 : i32
    %eq3A_3 = arith.cmpi eq, %arg0, %eq3A_2 : i32
    %convert_element_type3A_4 = arith.extui %eq3A_3 : i1 to i32
    %cond3A_5 = arith.constant 0 : i32
    %cond3A_6 = arith.cmpi ne, %convert_element_type3A_4, %cond3A_5 : i32
    scf.if %cond3A_6 {
      %mul3A = arith.constant 640 : i32
      %mul3A_28 = arith.muli %arg1, %mul3A : i32
      %mul3A_29 = arith.constant 640 : i32
      %mul3A_30 = arith.muli %arg1, %mul3A_29 : i32
      "tpu.region"() ({
        %run_scoped3A = tpu.sem_alloc : memref<!tpu.dma_semaphore, #tpu.memory_space<semaphore_mem>>
        %dma_start3A = arith.constant 0 : i32
        %dma_start3A_31 = tpu.memref_slice %arg10[%mul3A_30, %dma_start3A] : memref<10240x16xf32, #tpu.memory_space<vmem_shared>> -> memref<640x16xf32, #tpu.memory_space<vmem_shared>>
        %dma_start3A_32 = arith.constant 0 : i32
        %dma_start3A_33 = tpu.memref_slice %arg6[%mul3A_28, %dma_start3A_32] : memref<10240x16xf32, #tpu.memory_space<hbm>> -> memref<640x16xf32, #tpu.memory_space<hbm>>
        tpu.enqueue_dma source(%dma_start3A_33 : memref<640x16xf32, #tpu.memory_space<hbm>>) target(%dma_start3A_31 : memref<640x16xf32, #tpu.memory_space<vmem_shared>>) target_semaphore(%run_scoped3A : memref<!tpu.dma_semaphore, #tpu.memory_space<semaphore_mem>>)
        %dma_wait3A = arith.constant 0 : i32
        %dma_wait3A_34 = tpu.memref_slice %arg10[%mul3A_30, %dma_wait3A] : memref<10240x16xf32, #tpu.memory_space<vmem_shared>> -> memref<640x16xf32, #tpu.memory_space<vmem_shared>>
        %dma_wait3A_35 = arith.constant 0 : i32
        %dma_wait3A_36 = tpu.memref_slice %arg6[%mul3A_28, %dma_wait3A_35] : memref<10240x16xf32, #tpu.memory_space<hbm>> -> memref<640x16xf32, #tpu.memory_space<hbm>>
        tpu.wait_dma2 semaphore(%run_scoped3A : memref<!tpu.dma_semaphore, #tpu.memory_space<semaphore_mem>>) src(%dma_wait3A_36 : memref<640x16xf32, #tpu.memory_space<hbm>>) dst(%dma_wait3A_34 : memref<640x16xf32, #tpu.memory_space<vmem_shared>>)
        tpu.yield
      }) : () -> ()
    } else {
    }
    %barrier3A = arith.constant 0 : index
    tpu.barrier barrier_id(%barrier3A)
    %eq3A_7 = arith.constant 0 : i32
    %eq3A_8 = arith.cmpi eq, %arg0, %eq3A_7 : i32
    %convert_element_type3A_9 = arith.extui %eq3A_8 : i1 to i32
    %cond3A_10 = arith.constant 0 : i32
    %cond3A_11 = arith.cmpi ne, %convert_element_type3A_9, %cond3A_10 : i32
    scf.if %cond3A_11 {
      %dma_start3A = arith.constant 0 : i32
      %dma_start3A_28 = arith.constant 0 : i32
      %dma_start3A_29 = tpu.memref_slice %arg2[%arg1, %dma_start3A, %dma_start3A_28] : memref<16x396x128xi32, #tpu.memory_space<hbm>> -> memref<1x1x128xi32, #tpu.memory_space<hbm>>
      %dma_start3A_30 = tpu.memref_squeeze %dma_start3A_29 : memref<1x1x128xi32, #tpu.memory_space<hbm>> -> memref<128xi32, #tpu.memory_space<hbm>>
      %dma_start3A_31 = arith.constant 0 : i32
      %dma_start3A_32 = tpu.memref_slice %arg2[%arg1, %dma_start3A, %dma_start3A_31] : memref<16x396x128xi32, #tpu.memory_space<hbm>> -> memref<1x1x128xi32, #tpu.memory_space<hbm>>
      %dma_start3A_33 = tpu.memref_squeeze %dma_start3A_32 : memref<1x1x128xi32, #tpu.memory_space<hbm>> -> memref<128xi32, #tpu.memory_space<hbm>>
      tpu.enqueue_dma source(%dma_start3A_33 : memref<128xi32, #tpu.memory_space<hbm>>) target(%arg11 : memref<128xi32, #tpu.memory_space<vmem>>) target_semaphore(%arg16 : memref<!tpu.dma_semaphore, #tpu.memory_space<semaphore_mem>>)
      %dma_start3A_34 = arith.constant 1 : i32
      %dma_start3A_35 = arith.constant 0 : i32
      %dma_start3A_36 = tpu.memref_slice %arg2[%arg1, %dma_start3A_34, %dma_start3A_35] : memref<16x396x128xi32, #tpu.memory_space<hbm>> -> memref<1x1x128xi32, #tpu.memory_space<hbm>>
      %dma_start3A_37 = tpu.memref_squeeze %dma_start3A_36 : memref<1x1x128xi32, #tpu.memory_space<hbm>> -> memref<128xi32, #tpu.memory_space<hbm>>
      %dma_start3A_38 = arith.constant 0 : i32
      %dma_start3A_39 = tpu.memref_slice %arg2[%arg1, %dma_start3A_34, %dma_start3A_38] : memref<16x396x128xi32, #tpu.memory_space<hbm>> -> memref<1x1x128xi32, #tpu.memory_space<hbm>>
      %dma_start3A_40 = tpu.memref_squeeze %dma_start3A_39 : memref<1x1x128xi32, #tpu.memory_space<hbm>> -> memref<128xi32, #tpu.memory_space<hbm>>
      tpu.enqueue_dma source(%dma_start3A_40 : memref<128xi32, #tpu.memory_space<hbm>>) target(%arg12 : memref<128xi32, #tpu.memory_space<vmem>>) target_semaphore(%arg17 : memref<!tpu.dma_semaphore, #tpu.memory_space<semaphore_mem>>)
      %scan3A = arith.constant 0 : i32
      %scan3A_41 = arith.constant 0 : i32
      %scan3A_42 = arith.constant 99 : i32
      %scan3A_43 = arith.addi %scan3A_41, %scan3A_42 : i32
      %scan3A_44 = arith.constant 1 : i32
      scf.for %scan3A_51 = %scan3A_41 to %scan3A_43 step %scan3A_44  : i32 {
        %mul3A = arith.constant 4 : i32
        %mul3A_52 = arith.muli %mul3A, %scan3A_51 : i32
        %add3A = arith.constant 0 : i32
        %add3A_53 = arith.addi %mul3A_52, %add3A : i32
        %ge3A = arith.constant 2 : i32
        %ge3A_54 = arith.cmpi sge, %add3A_53, %ge3A : i32
        %convert_element_type3A_55 = arith.extui %ge3A_54 : i1 to i32
        %cond3A_56 = arith.constant 0 : i32
        %cond3A_57 = arith.cmpi ne, %convert_element_type3A_55, %cond3A_56 : i32
        scf.if %cond3A_57 {
          %dma_wait3A_148 = arith.constant 0 : i32
          %dma_wait3A_149 = arith.constant 0 : i32
          %dma_wait3A_150 = tpu.memref_slice %arg9[%dma_wait3A_148, %dma_wait3A_149] : memref<40960x16xf32, #tpu.memory_space<vmem_shared>> -> memref<40960x16xf32, #tpu.memory_space<vmem_shared>>
          tpu.wait_indirect_dma semaphore(%arg22 : memref<!tpu.dma_semaphore, #tpu.memory_space<semaphore_mem>>) src(%arg15 : memref<128x16xf32, #tpu.memory_space<vmem>>) dst(%dma_wait3A_150 : memref<40960x16xf32, #tpu.memory_space<vmem_shared>>)
        } else {
        }
        %add3A_58 = arith.constant 2 : i32
        %add3A_59 = arith.addi %add3A_53, %add3A_58 : i32
        %lt3A = arith.constant 396 : i32
        %lt3A_60 = arith.cmpi slt, %add3A_59, %lt3A : i32
        %convert_element_type3A_61 = arith.extui %lt3A_60 : i1 to i32
        %cond3A_62 = arith.constant 0 : i32
        %cond3A_63 = arith.cmpi ne, %convert_element_type3A_61, %cond3A_62 : i32
        scf.if %cond3A_63 {
          %add3A_148 = arith.constant 2 : i32
          %add3A_149 = arith.addi %add3A_53, %add3A_148 : i32
          %dma_start3A_150 = arith.constant 0 : i32
          %dma_start3A_151 = tpu.memref_slice %arg2[%arg1, %add3A_149, %dma_start3A_150] : memref<16x396x128xi32, #tpu.memory_space<hbm>> -> memref<1x1x128xi32, #tpu.memory_space<hbm>>
          %dma_start3A_152 = tpu.memref_squeeze %dma_start3A_151 : memref<1x1x128xi32, #tpu.memory_space<hbm>> -> memref<128xi32, #tpu.memory_space<hbm>>
          %dma_start3A_153 = arith.constant 0 : i32
          %dma_start3A_154 = tpu.memref_slice %arg2[%arg1, %add3A_149, %dma_start3A_153] : memref<16x396x128xi32, #tpu.memory_space<hbm>> -> memref<1x1x128xi32, #tpu.memory_space<hbm>>
          %dma_start3A_155 = tpu.memref_squeeze %dma_start3A_154 : memref<1x1x128xi32, #tpu.memory_space<hbm>> -> memref<128xi32, #tpu.memory_space<hbm>>
          tpu.enqueue_dma source(%dma_start3A_155 : memref<128xi32, #tpu.memory_space<hbm>>) target(%arg13 : memref<128xi32, #tpu.memory_space<vmem>>) target_semaphore(%arg18 : memref<!tpu.dma_semaphore, #tpu.memory_space<semaphore_mem>>)
        } else {
        }
        %dma_wait3A_64 = arith.constant 0 : i32
        %dma_wait3A_65 = tpu.memref_slice %arg2[%arg1, %add3A_53, %dma_wait3A_64] : memref<16x396x128xi32, #tpu.memory_space<hbm>> -> memref<1x1x128xi32, #tpu.memory_space<hbm>>
        %dma_wait3A_66 = tpu.memref_squeeze %dma_wait3A_65 : memref<1x1x128xi32, #tpu.memory_space<hbm>> -> memref<128xi32, #tpu.memory_space<hbm>>
        %dma_wait3A_67 = arith.constant 0 : i32
        %dma_wait3A_68 = tpu.memref_slice %arg2[%arg1, %add3A_53, %dma_wait3A_67] : memref<16x396x128xi32, #tpu.memory_space<hbm>> -> memref<1x1x128xi32, #tpu.memory_space<hbm>>
        %dma_wait3A_69 = tpu.memref_squeeze %dma_wait3A_68 : memref<1x1x128xi32, #tpu.memory_space<hbm>> -> memref<128xi32, #tpu.memory_space<hbm>>
        tpu.wait_dma2 semaphore(%arg16 : memref<!tpu.dma_semaphore, #tpu.memory_space<semaphore_mem>>) src(%dma_wait3A_69 : memref<128xi32, #tpu.memory_space<hbm>>) dst(%arg11 : memref<128xi32, #tpu.memory_space<vmem>>)
        %dma_start3A_70 = arith.constant 0 : i32
        %dma_start3A_71 = arith.constant 0 : i32
        %dma_start3A_72 = tpu.memref_slice %arg9[%dma_start3A_70, %dma_start3A_71] : memref<40960x16xf32, #tpu.memory_space<vmem_shared>> -> memref<40960x16xf32, #tpu.memory_space<vmem_shared>>
        tpu.enqueue_indirect_dma source(%arg15 : memref<128x16xf32, #tpu.memory_space<vmem>>) target(%dma_start3A_72 : memref<40960x16xf32, #tpu.memory_space<vmem_shared>>) offsets(%arg11 : memref<128xi32, #tpu.memory_space<vmem>>) semaphore(%arg20 : memref<!tpu.dma_semaphore, #tpu.memory_space<semaphore_mem>>) {add = true}
        %mul3A_73 = arith.constant 4 : i32
        %mul3A_74 = arith.muli %mul3A_73, %scan3A_51 : i32
        %add3A_75 = arith.constant 1 : i32
        %add3A_76 = arith.addi %mul3A_74, %add3A_75 : i32
        %ge3A_77 = arith.constant 2 : i32
        %ge3A_78 = arith.cmpi sge, %add3A_76, %ge3A_77 : i32
        %convert_element_type3A_79 = arith.extui %ge3A_78 : i1 to i32
        %cond3A_80 = arith.constant 0 : i32
        %cond3A_81 = arith.cmpi ne, %convert_element_type3A_79, %cond3A_80 : i32
        scf.if %cond3A_81 {
          %dma_wait3A_148 = arith.constant 0 : i32
          %dma_wait3A_149 = arith.constant 0 : i32
          %dma_wait3A_150 = tpu.memref_slice %arg9[%dma_wait3A_148, %dma_wait3A_149] : memref<40960x16xf32, #tpu.memory_space<vmem_shared>> -> memref<40960x16xf32, #tpu.memory_space<vmem_shared>>
          tpu.wait_indirect_dma semaphore(%arg23 : memref<!tpu.dma_semaphore, #tpu.memory_space<semaphore_mem>>) src(%arg15 : memref<128x16xf32, #tpu.memory_space<vmem>>) dst(%dma_wait3A_150 : memref<40960x16xf32, #tpu.memory_space<vmem_shared>>)
        } else {
        }
        %add3A_82 = arith.constant 2 : i32
        %add3A_83 = arith.addi %add3A_76, %add3A_82 : i32
        %lt3A_84 = arith.constant 396 : i32
        %lt3A_85 = arith.cmpi slt, %add3A_83, %lt3A_84 : i32
        %convert_element_type3A_86 = arith.extui %lt3A_85 : i1 to i32
        %cond3A_87 = arith.constant 0 : i32
        %cond3A_88 = arith.cmpi ne, %convert_element_type3A_86, %cond3A_87 : i32
        scf.if %cond3A_88 {
          %add3A_148 = arith.constant 2 : i32
          %add3A_149 = arith.addi %add3A_76, %add3A_148 : i32
          %dma_start3A_150 = arith.constant 0 : i32
          %dma_start3A_151 = tpu.memref_slice %arg2[%arg1, %add3A_149, %dma_start3A_150] : memref<16x396x128xi32, #tpu.memory_space<hbm>> -> memref<1x1x128xi32, #tpu.memory_space<hbm>>
          %dma_start3A_152 = tpu.memref_squeeze %dma_start3A_151 : memref<1x1x128xi32, #tpu.memory_space<hbm>> -> memref<128xi32, #tpu.memory_space<hbm>>
          %dma_start3A_153 = arith.constant 0 : i32
          %dma_start3A_154 = tpu.memref_slice %arg2[%arg1, %add3A_149, %dma_start3A_153] : memref<16x396x128xi32, #tpu.memory_space<hbm>> -> memref<1x1x128xi32, #tpu.memory_space<hbm>>
          %dma_start3A_155 = tpu.memref_squeeze %dma_start3A_154 : memref<1x1x128xi32, #tpu.memory_space<hbm>> -> memref<128xi32, #tpu.memory_space<hbm>>
          tpu.enqueue_dma source(%dma_start3A_155 : memref<128xi32, #tpu.memory_space<hbm>>) target(%arg14 : memref<128xi32, #tpu.memory_space<vmem>>) target_semaphore(%arg19 : memref<!tpu.dma_semaphore, #tpu.memory_space<semaphore_mem>>)
        } else {
        }
        %dma_wait3A_89 = arith.constant 0 : i32
        %dma_wait3A_90 = tpu.memref_slice %arg2[%arg1, %add3A_76, %dma_wait3A_89] : memref<16x396x128xi32, #tpu.memory_space<hbm>> -> memref<1x1x128xi32, #tpu.memory_space<hbm>>
        %dma_wait3A_91 = tpu.memref_squeeze %dma_wait3A_90 : memref<1x1x128xi32, #tpu.memory_space<hbm>> -> memref<128xi32, #tpu.memory_space<hbm>>
        %dma_wait3A_92 = arith.constant 0 : i32
        %dma_wait3A_93 = tpu.memref_slice %arg2[%arg1, %add3A_76, %dma_wait3A_92] : memref<16x396x128xi32, #tpu.memory_space<hbm>> -> memref<1x1x128xi32, #tpu.memory_space<hbm>>
        %dma_wait3A_94 = tpu.memref_squeeze %dma_wait3A_93 : memref<1x1x128xi32, #tpu.memory_space<hbm>> -> memref<128xi32, #tpu.memory_space<hbm>>
        tpu.wait_dma2 semaphore(%arg17 : memref<!tpu.dma_semaphore, #tpu.memory_space<semaphore_mem>>) src(%dma_wait3A_94 : memref<128xi32, #tpu.memory_space<hbm>>) dst(%arg12 : memref<128xi32, #tpu.memory_space<vmem>>)
        %dma_start3A_95 = arith.constant 0 : i32
        %dma_start3A_96 = arith.constant 0 : i32
        %dma_start3A_97 = tpu.memref_slice %arg9[%dma_start3A_95, %dma_start3A_96] : memref<40960x16xf32, #tpu.memory_space<vmem_shared>> -> memref<40960x16xf32, #tpu.memory_space<vmem_shared>>
        tpu.enqueue_indirect_dma source(%arg15 : memref<128x16xf32, #tpu.memory_space<vmem>>) target(%dma_start3A_97 : memref<40960x16xf32, #tpu.memory_space<vmem_shared>>) offsets(%arg12 : memref<128xi32, #tpu.memory_space<vmem>>) semaphore(%arg21 : memref<!tpu.dma_semaphore, #tpu.memory_space<semaphore_mem>>) {add = true}
        %mul3A_98 = arith.constant 4 : i32
        %mul3A_99 = arith.muli %mul3A_98, %scan3A_51 : i32
        %add3A_100 = arith.constant 2 : i32
        %add3A_101 = arith.addi %mul3A_99, %add3A_100 : i32
        %ge3A_102 = arith.constant 2 : i32
        %ge3A_103 = arith.cmpi sge, %add3A_101, %ge3A_102 : i32
        %convert_element_type3A_104 = arith.extui %ge3A_103 : i1 to i32
        %cond3A_105 = arith.constant 0 : i32
        %cond3A_106 = arith.cmpi ne, %convert_element_type3A_104, %cond3A_105 : i32
        scf.if %cond3A_106 {
          %dma_wait3A_148 = arith.constant 0 : i32
          %dma_wait3A_149 = arith.constant 0 : i32
          %dma_wait3A_150 = tpu.memref_slice %arg9[%dma_wait3A_148, %dma_wait3A_149] : memref<40960x16xf32, #tpu.memory_space<vmem_shared>> -> memref<40960x16xf32, #tpu.memory_space<vmem_shared>>
          tpu.wait_indirect_dma semaphore(%arg20 : memref<!tpu.dma_semaphore, #tpu.memory_space<semaphore_mem>>) src(%arg15 : memref<128x16xf32, #tpu.memory_space<vmem>>) dst(%dma_wait3A_150 : memref<40960x16xf32, #tpu.memory_space<vmem_shared>>)
        } else {
        }
        %add3A_107 = arith.constant 2 : i32
        %add3A_108 = arith.addi %add3A_101, %add3A_107 : i32
        %lt3A_109 = arith.constant 396 : i32
        %lt3A_110 = arith.cmpi slt, %add3A_108, %lt3A_109 : i32
        %convert_element_type3A_111 = arith.extui %lt3A_110 : i1 to i32
        %cond3A_112 = arith.constant 0 : i32
        %cond3A_113 = arith.cmpi ne, %convert_element_type3A_111, %cond3A_112 : i32
        scf.if %cond3A_113 {
          %add3A_148 = arith.constant 2 : i32
          %add3A_149 = arith.addi %add3A_101, %add3A_148 : i32
          %dma_start3A_150 = arith.constant 0 : i32
          %dma_start3A_151 = tpu.memref_slice %arg2[%arg1, %add3A_149, %dma_start3A_150] : memref<16x396x128xi32, #tpu.memory_space<hbm>> -> memref<1x1x128xi32, #tpu.memory_space<hbm>>
          %dma_start3A_152 = tpu.memref_squeeze %dma_start3A_151 : memref<1x1x128xi32, #tpu.memory_space<hbm>> -> memref<128xi32, #tpu.memory_space<hbm>>
          %dma_start3A_153 = arith.constant 0 : i32
          %dma_start3A_154 = tpu.memref_slice %arg2[%arg1, %add3A_149, %dma_start3A_153] : memref<16x396x128xi32, #tpu.memory_space<hbm>> -> memref<1x1x128xi32, #tpu.memory_space<hbm>>
          %dma_start3A_155 = tpu.memref_squeeze %dma_start3A_154 : memref<1x1x128xi32, #tpu.memory_space<hbm>> -> memref<128xi32, #tpu.memory_space<hbm>>
          tpu.enqueue_dma source(%dma_start3A_155 : memref<128xi32, #tpu.memory_space<hbm>>) target(%arg11 : memref<128xi32, #tpu.memory_space<vmem>>) target_semaphore(%arg16 : memref<!tpu.dma_semaphore, #tpu.memory_space<semaphore_mem>>)
        } else {
        }
        %dma_wait3A_114 = arith.constant 0 : i32
        %dma_wait3A_115 = tpu.memref_slice %arg2[%arg1, %add3A_101, %dma_wait3A_114] : memref<16x396x128xi32, #tpu.memory_space<hbm>> -> memref<1x1x128xi32, #tpu.memory_space<hbm>>
        %dma_wait3A_116 = tpu.memref_squeeze %dma_wait3A_115 : memref<1x1x128xi32, #tpu.memory_space<hbm>> -> memref<128xi32, #tpu.memory_space<hbm>>
        %dma_wait3A_117 = arith.constant 0 : i32
        %dma_wait3A_118 = tpu.memref_slice %arg2[%arg1, %add3A_101, %dma_wait3A_117] : memref<16x396x128xi32, #tpu.memory_space<hbm>> -> memref<1x1x128xi32, #tpu.memory_space<hbm>>
        %dma_wait3A_119 = tpu.memref_squeeze %dma_wait3A_118 : memref<1x1x128xi32, #tpu.memory_space<hbm>> -> memref<128xi32, #tpu.memory_space<hbm>>
        tpu.wait_dma2 semaphore(%arg18 : memref<!tpu.dma_semaphore, #tpu.memory_space<semaphore_mem>>) src(%dma_wait3A_119 : memref<128xi32, #tpu.memory_space<hbm>>) dst(%arg13 : memref<128xi32, #tpu.memory_space<vmem>>)
        %dma_start3A_120 = arith.constant 0 : i32
        %dma_start3A_121 = arith.constant 0 : i32
        %dma_start3A_122 = tpu.memref_slice %arg9[%dma_start3A_120, %dma_start3A_121] : memref<40960x16xf32, #tpu.memory_space<vmem_shared>> -> memref<40960x16xf32, #tpu.memory_space<vmem_shared>>
        tpu.enqueue_indirect_dma source(%arg15 : memref<128x16xf32, #tpu.memory_space<vmem>>) target(%dma_start3A_122 : memref<40960x16xf32, #tpu.memory_space<vmem_shared>>) offsets(%arg13 : memref<128xi32, #tpu.memory_space<vmem>>) semaphore(%arg22 : memref<!tpu.dma_semaphore, #tpu.memory_space<semaphore_mem>>) {add = true}
        %mul3A_123 = arith.constant 4 : i32
        %mul3A_124 = arith.muli %mul3A_123, %scan3A_51 : i32
        %add3A_125 = arith.constant 3 : i32
        %add3A_126 = arith.addi %mul3A_124, %add3A_125 : i32
        %ge3A_127 = arith.constant 2 : i32
        %ge3A_128 = arith.cmpi sge, %add3A_126, %ge3A_127 : i32
        %convert_element_type3A_129 = arith.extui %ge3A_128 : i1 to i32
        %cond3A_130 = arith.constant 0 : i32
        %cond3A_131 = arith.cmpi ne, %convert_element_type3A_129, %cond3A_130 : i32
        scf.if %cond3A_131 {
          %dma_wait3A_148 = arith.constant 0 : i32
          %dma_wait3A_149 = arith.constant 0 : i32
          %dma_wait3A_150 = tpu.memref_slice %arg9[%dma_wait3A_148, %dma_wait3A_149] : memref<40960x16xf32, #tpu.memory_space<vmem_shared>> -> memref<40960x16xf32, #tpu.memory_space<vmem_shared>>
          tpu.wait_indirect_dma semaphore(%arg21 : memref<!tpu.dma_semaphore, #tpu.memory_space<semaphore_mem>>) src(%arg15 : memref<128x16xf32, #tpu.memory_space<vmem>>) dst(%dma_wait3A_150 : memref<40960x16xf32, #tpu.memory_space<vmem_shared>>)
        } else {
        }
        %add3A_132 = arith.constant 2 : i32
        %add3A_133 = arith.addi %add3A_126, %add3A_132 : i32
        %lt3A_134 = arith.constant 396 : i32
        %lt3A_135 = arith.cmpi slt, %add3A_133, %lt3A_134 : i32
        %convert_element_type3A_136 = arith.extui %lt3A_135 : i1 to i32
        %cond3A_137 = arith.constant 0 : i32
        %cond3A_138 = arith.cmpi ne, %convert_element_type3A_136, %cond3A_137 : i32
        scf.if %cond3A_138 {
          %add3A_148 = arith.constant 2 : i32
          %add3A_149 = arith.addi %add3A_126, %add3A_148 : i32
          %dma_start3A_150 = arith.constant 0 : i32
          %dma_start3A_151 = tpu.memref_slice %arg2[%arg1, %add3A_149, %dma_start3A_150] : memref<16x396x128xi32, #tpu.memory_space<hbm>> -> memref<1x1x128xi32, #tpu.memory_space<hbm>>
          %dma_start3A_152 = tpu.memref_squeeze %dma_start3A_151 : memref<1x1x128xi32, #tpu.memory_space<hbm>> -> memref<128xi32, #tpu.memory_space<hbm>>
          %dma_start3A_153 = arith.constant 0 : i32
          %dma_start3A_154 = tpu.memref_slice %arg2[%arg1, %add3A_149, %dma_start3A_153] : memref<16x396x128xi32, #tpu.memory_space<hbm>> -> memref<1x1x128xi32, #tpu.memory_space<hbm>>
          %dma_start3A_155 = tpu.memref_squeeze %dma_start3A_154 : memref<1x1x128xi32, #tpu.memory_space<hbm>> -> memref<128xi32, #tpu.memory_space<hbm>>
          tpu.enqueue_dma source(%dma_start3A_155 : memref<128xi32, #tpu.memory_space<hbm>>) target(%arg12 : memref<128xi32, #tpu.memory_space<vmem>>) target_semaphore(%arg17 : memref<!tpu.dma_semaphore, #tpu.memory_space<semaphore_mem>>)
        } else {
        }
        %dma_wait3A_139 = arith.constant 0 : i32
        %dma_wait3A_140 = tpu.memref_slice %arg2[%arg1, %add3A_126, %dma_wait3A_139] : memref<16x396x128xi32, #tpu.memory_space<hbm>> -> memref<1x1x128xi32, #tpu.memory_space<hbm>>
        %dma_wait3A_141 = tpu.memref_squeeze %dma_wait3A_140 : memref<1x1x128xi32, #tpu.memory_space<hbm>> -> memref<128xi32, #tpu.memory_space<hbm>>
        %dma_wait3A_142 = arith.constant 0 : i32
        %dma_wait3A_143 = tpu.memref_slice %arg2[%arg1, %add3A_126, %dma_wait3A_142] : memref<16x396x128xi32, #tpu.memory_space<hbm>> -> memref<1x1x128xi32, #tpu.memory_space<hbm>>
        %dma_wait3A_144 = tpu.memref_squeeze %dma_wait3A_143 : memref<1x1x128xi32, #tpu.memory_space<hbm>> -> memref<128xi32, #tpu.memory_space<hbm>>
        tpu.wait_dma2 semaphore(%arg19 : memref<!tpu.dma_semaphore, #tpu.memory_space<semaphore_mem>>) src(%dma_wait3A_144 : memref<128xi32, #tpu.memory_space<hbm>>) dst(%arg14 : memref<128xi32, #tpu.memory_space<vmem>>)
        %dma_start3A_145 = arith.constant 0 : i32
        %dma_start3A_146 = arith.constant 0 : i32
        %dma_start3A_147 = tpu.memref_slice %arg9[%dma_start3A_145, %dma_start3A_146] : memref<40960x16xf32, #tpu.memory_space<vmem_shared>> -> memref<40960x16xf32, #tpu.memory_space<vmem_shared>>
        tpu.enqueue_indirect_dma source(%arg15 : memref<128x16xf32, #tpu.memory_space<vmem>>) target(%dma_start3A_147 : memref<40960x16xf32, #tpu.memory_space<vmem_shared>>) offsets(%arg14 : memref<128xi32, #tpu.memory_space<vmem>>) semaphore(%arg23 : memref<!tpu.dma_semaphore, #tpu.memory_space<semaphore_mem>>) {add = true}
      }
      %scan3A_45 = arith.constant 99 : i32
      %dma_wait3A = arith.constant 0 : i32
      %dma_wait3A_46 = arith.constant 0 : i32
      %dma_wait3A_47 = tpu.memref_slice %arg9[%dma_wait3A, %dma_wait3A_46] : memref<40960x16xf32, #tpu.memory_space<vmem_shared>> -> memref<40960x16xf32, #tpu.memory_space<vmem_shared>>
      tpu.wait_indirect_dma semaphore(%arg22 : memref<!tpu.dma_semaphore, #tpu.memory_space<semaphore_mem>>) src(%arg15 : memref<128x16xf32, #tpu.memory_space<vmem>>) dst(%dma_wait3A_47 : memref<40960x16xf32, #tpu.memory_space<vmem_shared>>)
      %dma_wait3A_48 = arith.constant 0 : i32
      %dma_wait3A_49 = arith.constant 0 : i32
      %dma_wait3A_50 = tpu.memref_slice %arg9[%dma_wait3A_48, %dma_wait3A_49] : memref<40960x16xf32, #tpu.memory_space<vmem_shared>> -> memref<40960x16xf32, #tpu.memory_space<vmem_shared>>
      tpu.wait_indirect_dma semaphore(%arg23 : memref<!tpu.dma_semaphore, #tpu.memory_space<semaphore_mem>>) src(%arg15 : memref<128x16xf32, #tpu.memory_space<vmem>>) dst(%dma_wait3A_50 : memref<40960x16xf32, #tpu.memory_space<vmem_shared>>)
    } else {
    }
    %eq3A_12 = arith.constant 1 : i32
    %eq3A_13 = arith.cmpi eq, %arg0, %eq3A_12 : i32
    %convert_element_type3A_14 = arith.extui %eq3A_13 : i1 to i32
    %cond3A_15 = arith.constant 0 : i32
    %cond3A_16 = arith.cmpi ne, %convert_element_type3A_14, %cond3A_15 : i32
    scf.if %cond3A_16 {
      %dma_start3A = arith.constant 0 : i32
      %dma_start3A_28 = arith.constant 0 : i32
      %dma_start3A_29 = tpu.memref_slice %arg3[%arg1, %dma_start3A, %dma_start3A_28] : memref<16x396x128xi32, #tpu.memory_space<hbm>> -> memref<1x1x128xi32, #tpu.memory_space<hbm>>
      %dma_start3A_30 = tpu.memref_squeeze %dma_start3A_29 : memref<1x1x128xi32, #tpu.memory_space<hbm>> -> memref<128xi32, #tpu.memory_space<hbm>>
      %dma_start3A_31 = arith.constant 0 : i32
      %dma_start3A_32 = tpu.memref_slice %arg3[%arg1, %dma_start3A, %dma_start3A_31] : memref<16x396x128xi32, #tpu.memory_space<hbm>> -> memref<1x1x128xi32, #tpu.memory_space<hbm>>
      %dma_start3A_33 = tpu.memref_squeeze %dma_start3A_32 : memref<1x1x128xi32, #tpu.memory_space<hbm>> -> memref<128xi32, #tpu.memory_space<hbm>>
      tpu.enqueue_dma source(%dma_start3A_33 : memref<128xi32, #tpu.memory_space<hbm>>) target(%arg11 : memref<128xi32, #tpu.memory_space<vmem>>) target_semaphore(%arg16 : memref<!tpu.dma_semaphore, #tpu.memory_space<semaphore_mem>>)
      %dma_start3A_34 = arith.constant 1 : i32
      %dma_start3A_35 = arith.constant 0 : i32
      %dma_start3A_36 = tpu.memref_slice %arg3[%arg1, %dma_start3A_34, %dma_start3A_35] : memref<16x396x128xi32, #tpu.memory_space<hbm>> -> memref<1x1x128xi32, #tpu.memory_space<hbm>>
      %dma_start3A_37 = tpu.memref_squeeze %dma_start3A_36 : memref<1x1x128xi32, #tpu.memory_space<hbm>> -> memref<128xi32, #tpu.memory_space<hbm>>
      %dma_start3A_38 = arith.constant 0 : i32
      %dma_start3A_39 = tpu.memref_slice %arg3[%arg1, %dma_start3A_34, %dma_start3A_38] : memref<16x396x128xi32, #tpu.memory_space<hbm>> -> memref<1x1x128xi32, #tpu.memory_space<hbm>>
      %dma_start3A_40 = tpu.memref_squeeze %dma_start3A_39 : memref<1x1x128xi32, #tpu.memory_space<hbm>> -> memref<128xi32, #tpu.memory_space<hbm>>
      tpu.enqueue_dma source(%dma_start3A_40 : memref<128xi32, #tpu.memory_space<hbm>>) target(%arg12 : memref<128xi32, #tpu.memory_space<vmem>>) target_semaphore(%arg17 : memref<!tpu.dma_semaphore, #tpu.memory_space<semaphore_mem>>)
      %scan3A = arith.constant 0 : i32
      %scan3A_41 = arith.constant 0 : i32
      %scan3A_42 = arith.constant 99 : i32
      %scan3A_43 = arith.addi %scan3A_41, %scan3A_42 : i32
      %scan3A_44 = arith.constant 1 : i32
      scf.for %scan3A_51 = %scan3A_41 to %scan3A_43 step %scan3A_44  : i32 {
        %mul3A = arith.constant 4 : i32
        %mul3A_52 = arith.muli %mul3A, %scan3A_51 : i32
        %add3A = arith.constant 0 : i32
        %add3A_53 = arith.addi %mul3A_52, %add3A : i32
        %ge3A = arith.constant 2 : i32
        %ge3A_54 = arith.cmpi sge, %add3A_53, %ge3A : i32
        %convert_element_type3A_55 = arith.extui %ge3A_54 : i1 to i32
        %cond3A_56 = arith.constant 0 : i32
        %cond3A_57 = arith.cmpi ne, %convert_element_type3A_55, %cond3A_56 : i32
        scf.if %cond3A_57 {
          %dma_wait3A_148 = arith.constant 0 : i32
          %dma_wait3A_149 = arith.constant 0 : i32
          %dma_wait3A_150 = tpu.memref_slice %arg10[%dma_wait3A_148, %dma_wait3A_149] : memref<10240x16xf32, #tpu.memory_space<vmem_shared>> -> memref<10240x16xf32, #tpu.memory_space<vmem_shared>>
          tpu.wait_indirect_dma semaphore(%arg22 : memref<!tpu.dma_semaphore, #tpu.memory_space<semaphore_mem>>) src(%arg15 : memref<128x16xf32, #tpu.memory_space<vmem>>) dst(%dma_wait3A_150 : memref<10240x16xf32, #tpu.memory_space<vmem_shared>>)
        } else {
        }
        %add3A_58 = arith.constant 2 : i32
        %add3A_59 = arith.addi %add3A_53, %add3A_58 : i32
        %lt3A = arith.constant 396 : i32
        %lt3A_60 = arith.cmpi slt, %add3A_59, %lt3A : i32
        %convert_element_type3A_61 = arith.extui %lt3A_60 : i1 to i32
        %cond3A_62 = arith.constant 0 : i32
        %cond3A_63 = arith.cmpi ne, %convert_element_type3A_61, %cond3A_62 : i32
        scf.if %cond3A_63 {
          %add3A_148 = arith.constant 2 : i32
          %add3A_149 = arith.addi %add3A_53, %add3A_148 : i32
          %dma_start3A_150 = arith.constant 0 : i32
          %dma_start3A_151 = tpu.memref_slice %arg3[%arg1, %add3A_149, %dma_start3A_150] : memref<16x396x128xi32, #tpu.memory_space<hbm>> -> memref<1x1x128xi32, #tpu.memory_space<hbm>>
          %dma_start3A_152 = tpu.memref_squeeze %dma_start3A_151 : memref<1x1x128xi32, #tpu.memory_space<hbm>> -> memref<128xi32, #tpu.memory_space<hbm>>
          %dma_start3A_153 = arith.constant 0 : i32
          %dma_start3A_154 = tpu.memref_slice %arg3[%arg1, %add3A_149, %dma_start3A_153] : memref<16x396x128xi32, #tpu.memory_space<hbm>> -> memref<1x1x128xi32, #tpu.memory_space<hbm>>
          %dma_start3A_155 = tpu.memref_squeeze %dma_start3A_154 : memref<1x1x128xi32, #tpu.memory_space<hbm>> -> memref<128xi32, #tpu.memory_space<hbm>>
          tpu.enqueue_dma source(%dma_start3A_155 : memref<128xi32, #tpu.memory_space<hbm>>) target(%arg13 : memref<128xi32, #tpu.memory_space<vmem>>) target_semaphore(%arg18 : memref<!tpu.dma_semaphore, #tpu.memory_space<semaphore_mem>>)
        } else {
        }
        %dma_wait3A_64 = arith.constant 0 : i32
        %dma_wait3A_65 = tpu.memref_slice %arg3[%arg1, %add3A_53, %dma_wait3A_64] : memref<16x396x128xi32, #tpu.memory_space<hbm>> -> memref<1x1x128xi32, #tpu.memory_space<hbm>>
        %dma_wait3A_66 = tpu.memref_squeeze %dma_wait3A_65 : memref<1x1x128xi32, #tpu.memory_space<hbm>> -> memref<128xi32, #tpu.memory_space<hbm>>
        %dma_wait3A_67 = arith.constant 0 : i32
        %dma_wait3A_68 = tpu.memref_slice %arg3[%arg1, %add3A_53, %dma_wait3A_67] : memref<16x396x128xi32, #tpu.memory_space<hbm>> -> memref<1x1x128xi32, #tpu.memory_space<hbm>>
        %dma_wait3A_69 = tpu.memref_squeeze %dma_wait3A_68 : memref<1x1x128xi32, #tpu.memory_space<hbm>> -> memref<128xi32, #tpu.memory_space<hbm>>
        tpu.wait_dma2 semaphore(%arg16 : memref<!tpu.dma_semaphore, #tpu.memory_space<semaphore_mem>>) src(%dma_wait3A_69 : memref<128xi32, #tpu.memory_space<hbm>>) dst(%arg11 : memref<128xi32, #tpu.memory_space<vmem>>)
        %dma_start3A_70 = arith.constant 0 : i32
        %dma_start3A_71 = arith.constant 0 : i32
        %dma_start3A_72 = tpu.memref_slice %arg10[%dma_start3A_70, %dma_start3A_71] : memref<10240x16xf32, #tpu.memory_space<vmem_shared>> -> memref<10240x16xf32, #tpu.memory_space<vmem_shared>>
        tpu.enqueue_indirect_dma source(%arg15 : memref<128x16xf32, #tpu.memory_space<vmem>>) target(%dma_start3A_72 : memref<10240x16xf32, #tpu.memory_space<vmem_shared>>) offsets(%arg11 : memref<128xi32, #tpu.memory_space<vmem>>) semaphore(%arg20 : memref<!tpu.dma_semaphore, #tpu.memory_space<semaphore_mem>>) {add = true}
        %mul3A_73 = arith.constant 4 : i32
        %mul3A_74 = arith.muli %mul3A_73, %scan3A_51 : i32
        %add3A_75 = arith.constant 1 : i32
        %add3A_76 = arith.addi %mul3A_74, %add3A_75 : i32
        %ge3A_77 = arith.constant 2 : i32
        %ge3A_78 = arith.cmpi sge, %add3A_76, %ge3A_77 : i32
        %convert_element_type3A_79 = arith.extui %ge3A_78 : i1 to i32
        %cond3A_80 = arith.constant 0 : i32
        %cond3A_81 = arith.cmpi ne, %convert_element_type3A_79, %cond3A_80 : i32
        scf.if %cond3A_81 {
          %dma_wait3A_148 = arith.constant 0 : i32
          %dma_wait3A_149 = arith.constant 0 : i32
          %dma_wait3A_150 = tpu.memref_slice %arg10[%dma_wait3A_148, %dma_wait3A_149] : memref<10240x16xf32, #tpu.memory_space<vmem_shared>> -> memref<10240x16xf32, #tpu.memory_space<vmem_shared>>
          tpu.wait_indirect_dma semaphore(%arg23 : memref<!tpu.dma_semaphore, #tpu.memory_space<semaphore_mem>>) src(%arg15 : memref<128x16xf32, #tpu.memory_space<vmem>>) dst(%dma_wait3A_150 : memref<10240x16xf32, #tpu.memory_space<vmem_shared>>)
        } else {
        }
        %add3A_82 = arith.constant 2 : i32
        %add3A_83 = arith.addi %add3A_76, %add3A_82 : i32
        %lt3A_84 = arith.constant 396 : i32
        %lt3A_85 = arith.cmpi slt, %add3A_83, %lt3A_84 : i32
        %convert_element_type3A_86 = arith.extui %lt3A_85 : i1 to i32
        %cond3A_87 = arith.constant 0 : i32
        %cond3A_88 = arith.cmpi ne, %convert_element_type3A_86, %cond3A_87 : i32
        scf.if %cond3A_88 {
          %add3A_148 = arith.constant 2 : i32
          %add3A_149 = arith.addi %add3A_76, %add3A_148 : i32
          %dma_start3A_150 = arith.constant 0 : i32
          %dma_start3A_151 = tpu.memref_slice %arg3[%arg1, %add3A_149, %dma_start3A_150] : memref<16x396x128xi32, #tpu.memory_space<hbm>> -> memref<1x1x128xi32, #tpu.memory_space<hbm>>
          %dma_start3A_152 = tpu.memref_squeeze %dma_start3A_151 : memref<1x1x128xi32, #tpu.memory_space<hbm>> -> memref<128xi32, #tpu.memory_space<hbm>>
          %dma_start3A_153 = arith.constant 0 : i32
          %dma_start3A_154 = tpu.memref_slice %arg3[%arg1, %add3A_149, %dma_start3A_153] : memref<16x396x128xi32, #tpu.memory_space<hbm>> -> memref<1x1x128xi32, #tpu.memory_space<hbm>>
          %dma_start3A_155 = tpu.memref_squeeze %dma_start3A_154 : memref<1x1x128xi32, #tpu.memory_space<hbm>> -> memref<128xi32, #tpu.memory_space<hbm>>
          tpu.enqueue_dma source(%dma_start3A_155 : memref<128xi32, #tpu.memory_space<hbm>>) target(%arg14 : memref<128xi32, #tpu.memory_space<vmem>>) target_semaphore(%arg19 : memref<!tpu.dma_semaphore, #tpu.memory_space<semaphore_mem>>)
        } else {
        }
        %dma_wait3A_89 = arith.constant 0 : i32
        %dma_wait3A_90 = tpu.memref_slice %arg3[%arg1, %add3A_76, %dma_wait3A_89] : memref<16x396x128xi32, #tpu.memory_space<hbm>> -> memref<1x1x128xi32, #tpu.memory_space<hbm>>
        %dma_wait3A_91 = tpu.memref_squeeze %dma_wait3A_90 : memref<1x1x128xi32, #tpu.memory_space<hbm>> -> memref<128xi32, #tpu.memory_space<hbm>>
        %dma_wait3A_92 = arith.constant 0 : i32
        %dma_wait3A_93 = tpu.memref_slice %arg3[%arg1, %add3A_76, %dma_wait3A_92] : memref<16x396x128xi32, #tpu.memory_space<hbm>> -> memref<1x1x128xi32, #tpu.memory_space<hbm>>
        %dma_wait3A_94 = tpu.memref_squeeze %dma_wait3A_93 : memref<1x1x128xi32, #tpu.memory_space<hbm>> -> memref<128xi32, #tpu.memory_space<hbm>>
        tpu.wait_dma2 semaphore(%arg17 : memref<!tpu.dma_semaphore, #tpu.memory_space<semaphore_mem>>) src(%dma_wait3A_94 : memref<128xi32, #tpu.memory_space<hbm>>) dst(%arg12 : memref<128xi32, #tpu.memory_space<vmem>>)
        %dma_start3A_95 = arith.constant 0 : i32
        %dma_start3A_96 = arith.constant 0 : i32
        %dma_start3A_97 = tpu.memref_slice %arg10[%dma_start3A_95, %dma_start3A_96] : memref<10240x16xf32, #tpu.memory_space<vmem_shared>> -> memref<10240x16xf32, #tpu.memory_space<vmem_shared>>
        tpu.enqueue_indirect_dma source(%arg15 : memref<128x16xf32, #tpu.memory_space<vmem>>) target(%dma_start3A_97 : memref<10240x16xf32, #tpu.memory_space<vmem_shared>>) offsets(%arg12 : memref<128xi32, #tpu.memory_space<vmem>>) semaphore(%arg21 : memref<!tpu.dma_semaphore, #tpu.memory_space<semaphore_mem>>) {add = true}
        %mul3A_98 = arith.constant 4 : i32
        %mul3A_99 = arith.muli %mul3A_98, %scan3A_51 : i32
        %add3A_100 = arith.constant 2 : i32
        %add3A_101 = arith.addi %mul3A_99, %add3A_100 : i32
        %ge3A_102 = arith.constant 2 : i32
        %ge3A_103 = arith.cmpi sge, %add3A_101, %ge3A_102 : i32
        %convert_element_type3A_104 = arith.extui %ge3A_103 : i1 to i32
        %cond3A_105 = arith.constant 0 : i32
        %cond3A_106 = arith.cmpi ne, %convert_element_type3A_104, %cond3A_105 : i32
        scf.if %cond3A_106 {
          %dma_wait3A_148 = arith.constant 0 : i32
          %dma_wait3A_149 = arith.constant 0 : i32
          %dma_wait3A_150 = tpu.memref_slice %arg10[%dma_wait3A_148, %dma_wait3A_149] : memref<10240x16xf32, #tpu.memory_space<vmem_shared>> -> memref<10240x16xf32, #tpu.memory_space<vmem_shared>>
          tpu.wait_indirect_dma semaphore(%arg20 : memref<!tpu.dma_semaphore, #tpu.memory_space<semaphore_mem>>) src(%arg15 : memref<128x16xf32, #tpu.memory_space<vmem>>) dst(%dma_wait3A_150 : memref<10240x16xf32, #tpu.memory_space<vmem_shared>>)
        } else {
        }
        %add3A_107 = arith.constant 2 : i32
        %add3A_108 = arith.addi %add3A_101, %add3A_107 : i32
        %lt3A_109 = arith.constant 396 : i32
        %lt3A_110 = arith.cmpi slt, %add3A_108, %lt3A_109 : i32
        %convert_element_type3A_111 = arith.extui %lt3A_110 : i1 to i32
        %cond3A_112 = arith.constant 0 : i32
        %cond3A_113 = arith.cmpi ne, %convert_element_type3A_111, %cond3A_112 : i32
        scf.if %cond3A_113 {
          %add3A_148 = arith.constant 2 : i32
          %add3A_149 = arith.addi %add3A_101, %add3A_148 : i32
          %dma_start3A_150 = arith.constant 0 : i32
          %dma_start3A_151 = tpu.memref_slice %arg3[%arg1, %add3A_149, %dma_start3A_150] : memref<16x396x128xi32, #tpu.memory_space<hbm>> -> memref<1x1x128xi32, #tpu.memory_space<hbm>>
          %dma_start3A_152 = tpu.memref_squeeze %dma_start3A_151 : memref<1x1x128xi32, #tpu.memory_space<hbm>> -> memref<128xi32, #tpu.memory_space<hbm>>
          %dma_start3A_153 = arith.constant 0 : i32
          %dma_start3A_154 = tpu.memref_slice %arg3[%arg1, %add3A_149, %dma_start3A_153] : memref<16x396x128xi32, #tpu.memory_space<hbm>> -> memref<1x1x128xi32, #tpu.memory_space<hbm>>
          %dma_start3A_155 = tpu.memref_squeeze %dma_start3A_154 : memref<1x1x128xi32, #tpu.memory_space<hbm>> -> memref<128xi32, #tpu.memory_space<hbm>>
          tpu.enqueue_dma source(%dma_start3A_155 : memref<128xi32, #tpu.memory_space<hbm>>) target(%arg11 : memref<128xi32, #tpu.memory_space<vmem>>) target_semaphore(%arg16 : memref<!tpu.dma_semaphore, #tpu.memory_space<semaphore_mem>>)
        } else {
        }
        %dma_wait3A_114 = arith.constant 0 : i32
        %dma_wait3A_115 = tpu.memref_slice %arg3[%arg1, %add3A_101, %dma_wait3A_114] : memref<16x396x128xi32, #tpu.memory_space<hbm>> -> memref<1x1x128xi32, #tpu.memory_space<hbm>>
        %dma_wait3A_116 = tpu.memref_squeeze %dma_wait3A_115 : memref<1x1x128xi32, #tpu.memory_space<hbm>> -> memref<128xi32, #tpu.memory_space<hbm>>
        %dma_wait3A_117 = arith.constant 0 : i32
        %dma_wait3A_118 = tpu.memref_slice %arg3[%arg1, %add3A_101, %dma_wait3A_117] : memref<16x396x128xi32, #tpu.memory_space<hbm>> -> memref<1x1x128xi32, #tpu.memory_space<hbm>>
        %dma_wait3A_119 = tpu.memref_squeeze %dma_wait3A_118 : memref<1x1x128xi32, #tpu.memory_space<hbm>> -> memref<128xi32, #tpu.memory_space<hbm>>
        tpu.wait_dma2 semaphore(%arg18 : memref<!tpu.dma_semaphore, #tpu.memory_space<semaphore_mem>>) src(%dma_wait3A_119 : memref<128xi32, #tpu.memory_space<hbm>>) dst(%arg13 : memref<128xi32, #tpu.memory_space<vmem>>)
        %dma_start3A_120 = arith.constant 0 : i32
        %dma_start3A_121 = arith.constant 0 : i32
        %dma_start3A_122 = tpu.memref_slice %arg10[%dma_start3A_120, %dma_start3A_121] : memref<10240x16xf32, #tpu.memory_space<vmem_shared>> -> memref<10240x16xf32, #tpu.memory_space<vmem_shared>>
        tpu.enqueue_indirect_dma source(%arg15 : memref<128x16xf32, #tpu.memory_space<vmem>>) target(%dma_start3A_122 : memref<10240x16xf32, #tpu.memory_space<vmem_shared>>) offsets(%arg13 : memref<128xi32, #tpu.memory_space<vmem>>) semaphore(%arg22 : memref<!tpu.dma_semaphore, #tpu.memory_space<semaphore_mem>>) {add = true}
        %mul3A_123 = arith.constant 4 : i32
        %mul3A_124 = arith.muli %mul3A_123, %scan3A_51 : i32
        %add3A_125 = arith.constant 3 : i32
        %add3A_126 = arith.addi %mul3A_124, %add3A_125 : i32
        %ge3A_127 = arith.constant 2 : i32
        %ge3A_128 = arith.cmpi sge, %add3A_126, %ge3A_127 : i32
        %convert_element_type3A_129 = arith.extui %ge3A_128 : i1 to i32
        %cond3A_130 = arith.constant 0 : i32
        %cond3A_131 = arith.cmpi ne, %convert_element_type3A_129, %cond3A_130 : i32
        scf.if %cond3A_131 {
          %dma_wait3A_148 = arith.constant 0 : i32
          %dma_wait3A_149 = arith.constant 0 : i32
          %dma_wait3A_150 = tpu.memref_slice %arg10[%dma_wait3A_148, %dma_wait3A_149] : memref<10240x16xf32, #tpu.memory_space<vmem_shared>> -> memref<10240x16xf32, #tpu.memory_space<vmem_shared>>
          tpu.wait_indirect_dma semaphore(%arg21 : memref<!tpu.dma_semaphore, #tpu.memory_space<semaphore_mem>>) src(%arg15 : memref<128x16xf32, #tpu.memory_space<vmem>>) dst(%dma_wait3A_150 : memref<10240x16xf32, #tpu.memory_space<vmem_shared>>)
        } else {
        }
        %add3A_132 = arith.constant 2 : i32
        %add3A_133 = arith.addi %add3A_126, %add3A_132 : i32
        %lt3A_134 = arith.constant 396 : i32
        %lt3A_135 = arith.cmpi slt, %add3A_133, %lt3A_134 : i32
        %convert_element_type3A_136 = arith.extui %lt3A_135 : i1 to i32
        %cond3A_137 = arith.constant 0 : i32
        %cond3A_138 = arith.cmpi ne, %convert_element_type3A_136, %cond3A_137 : i32
        scf.if %cond3A_138 {
          %add3A_148 = arith.constant 2 : i32
          %add3A_149 = arith.addi %add3A_126, %add3A_148 : i32
          %dma_start3A_150 = arith.constant 0 : i32
          %dma_start3A_151 = tpu.memref_slice %arg3[%arg1, %add3A_149, %dma_start3A_150] : memref<16x396x128xi32, #tpu.memory_space<hbm>> -> memref<1x1x128xi32, #tpu.memory_space<hbm>>
          %dma_start3A_152 = tpu.memref_squeeze %dma_start3A_151 : memref<1x1x128xi32, #tpu.memory_space<hbm>> -> memref<128xi32, #tpu.memory_space<hbm>>
          %dma_start3A_153 = arith.constant 0 : i32
          %dma_start3A_154 = tpu.memref_slice %arg3[%arg1, %add3A_149, %dma_start3A_153] : memref<16x396x128xi32, #tpu.memory_space<hbm>> -> memref<1x1x128xi32, #tpu.memory_space<hbm>>
          %dma_start3A_155 = tpu.memref_squeeze %dma_start3A_154 : memref<1x1x128xi32, #tpu.memory_space<hbm>> -> memref<128xi32, #tpu.memory_space<hbm>>
          tpu.enqueue_dma source(%dma_start3A_155 : memref<128xi32, #tpu.memory_space<hbm>>) target(%arg12 : memref<128xi32, #tpu.memory_space<vmem>>) target_semaphore(%arg17 : memref<!tpu.dma_semaphore, #tpu.memory_space<semaphore_mem>>)
        } else {
        }
        %dma_wait3A_139 = arith.constant 0 : i32
        %dma_wait3A_140 = tpu.memref_slice %arg3[%arg1, %add3A_126, %dma_wait3A_139] : memref<16x396x128xi32, #tpu.memory_space<hbm>> -> memref<1x1x128xi32, #tpu.memory_space<hbm>>
        %dma_wait3A_141 = tpu.memref_squeeze %dma_wait3A_140 : memref<1x1x128xi32, #tpu.memory_space<hbm>> -> memref<128xi32, #tpu.memory_space<hbm>>
        %dma_wait3A_142 = arith.constant 0 : i32
        %dma_wait3A_143 = tpu.memref_slice %arg3[%arg1, %add3A_126, %dma_wait3A_142] : memref<16x396x128xi32, #tpu.memory_space<hbm>> -> memref<1x1x128xi32, #tpu.memory_space<hbm>>
        %dma_wait3A_144 = tpu.memref_squeeze %dma_wait3A_143 : memref<1x1x128xi32, #tpu.memory_space<hbm>> -> memref<128xi32, #tpu.memory_space<hbm>>
        tpu.wait_dma2 semaphore(%arg19 : memref<!tpu.dma_semaphore, #tpu.memory_space<semaphore_mem>>) src(%dma_wait3A_144 : memref<128xi32, #tpu.memory_space<hbm>>) dst(%arg14 : memref<128xi32, #tpu.memory_space<vmem>>)
        %dma_start3A_145 = arith.constant 0 : i32
        %dma_start3A_146 = arith.constant 0 : i32
        %dma_start3A_147 = tpu.memref_slice %arg10[%dma_start3A_145, %dma_start3A_146] : memref<10240x16xf32, #tpu.memory_space<vmem_shared>> -> memref<10240x16xf32, #tpu.memory_space<vmem_shared>>
        tpu.enqueue_indirect_dma source(%arg15 : memref<128x16xf32, #tpu.memory_space<vmem>>) target(%dma_start3A_147 : memref<10240x16xf32, #tpu.memory_space<vmem_shared>>) offsets(%arg14 : memref<128xi32, #tpu.memory_space<vmem>>) semaphore(%arg23 : memref<!tpu.dma_semaphore, #tpu.memory_space<semaphore_mem>>) {add = true}
      }
      %scan3A_45 = arith.constant 99 : i32
      %dma_wait3A = arith.constant 0 : i32
      %dma_wait3A_46 = arith.constant 0 : i32
      %dma_wait3A_47 = tpu.memref_slice %arg10[%dma_wait3A, %dma_wait3A_46] : memref<10240x16xf32, #tpu.memory_space<vmem_shared>> -> memref<10240x16xf32, #tpu.memory_space<vmem_shared>>
      tpu.wait_indirect_dma semaphore(%arg22 : memref<!tpu.dma_semaphore, #tpu.memory_space<semaphore_mem>>) src(%arg15 : memref<128x16xf32, #tpu.memory_space<vmem>>) dst(%dma_wait3A_47 : memref<10240x16xf32, #tpu.memory_space<vmem_shared>>)
      %dma_wait3A_48 = arith.constant 0 : i32
      %dma_wait3A_49 = arith.constant 0 : i32
      %dma_wait3A_50 = tpu.memref_slice %arg10[%dma_wait3A_48, %dma_wait3A_49] : memref<10240x16xf32, #tpu.memory_space<vmem_shared>> -> memref<10240x16xf32, #tpu.memory_space<vmem_shared>>
      tpu.wait_indirect_dma semaphore(%arg23 : memref<!tpu.dma_semaphore, #tpu.memory_space<semaphore_mem>>) src(%arg15 : memref<128x16xf32, #tpu.memory_space<vmem>>) dst(%dma_wait3A_50 : memref<10240x16xf32, #tpu.memory_space<vmem_shared>>)
    } else {
    }
    %barrier3A_17 = arith.constant 0 : index
    tpu.barrier barrier_id(%barrier3A_17)
    %eq3A_18 = arith.constant 0 : i32
    %eq3A_19 = arith.cmpi eq, %arg0, %eq3A_18 : i32
    %convert_element_type3A_20 = arith.extui %eq3A_19 : i1 to i32
    %cond3A_21 = arith.constant 0 : i32
    %cond3A_22 = arith.cmpi ne, %convert_element_type3A_20, %cond3A_21 : i32
    scf.if %cond3A_22 {
      %mul3A = arith.constant 2560 : i32
      %mul3A_28 = arith.muli %arg1, %mul3A : i32
      %mul3A_29 = arith.constant 2560 : i32
      %mul3A_30 = arith.muli %arg1, %mul3A_29 : i32
      "tpu.region"() ({
        %run_scoped3A = tpu.sem_alloc : memref<!tpu.dma_semaphore, #tpu.memory_space<semaphore_mem>>
        %dma_start3A = arith.constant 0 : i32
        %dma_start3A_31 = tpu.memref_slice %arg7[%mul3A_30, %dma_start3A] : memref<40960x16xf32, #tpu.memory_space<hbm>> -> memref<2560x16xf32, #tpu.memory_space<hbm>>
        %dma_start3A_32 = arith.constant 0 : i32
        %dma_start3A_33 = tpu.memref_slice %arg9[%mul3A_28, %dma_start3A_32] : memref<40960x16xf32, #tpu.memory_space<vmem_shared>> -> memref<2560x16xf32, #tpu.memory_space<vmem_shared>>
        tpu.enqueue_dma source(%dma_start3A_33 : memref<2560x16xf32, #tpu.memory_space<vmem_shared>>) target(%dma_start3A_31 : memref<2560x16xf32, #tpu.memory_space<hbm>>) target_semaphore(%run_scoped3A : memref<!tpu.dma_semaphore, #tpu.memory_space<semaphore_mem>>)
        %dma_wait3A = arith.constant 0 : i32
        %dma_wait3A_34 = tpu.memref_slice %arg7[%mul3A_30, %dma_wait3A] : memref<40960x16xf32, #tpu.memory_space<hbm>> -> memref<2560x16xf32, #tpu.memory_space<hbm>>
        %dma_wait3A_35 = arith.constant 0 : i32
        %dma_wait3A_36 = tpu.memref_slice %arg9[%mul3A_28, %dma_wait3A_35] : memref<40960x16xf32, #tpu.memory_space<vmem_shared>> -> memref<2560x16xf32, #tpu.memory_space<vmem_shared>>
        tpu.wait_dma2 semaphore(%run_scoped3A : memref<!tpu.dma_semaphore, #tpu.memory_space<semaphore_mem>>) src(%dma_wait3A_36 : memref<2560x16xf32, #tpu.memory_space<vmem_shared>>) dst(%dma_wait3A_34 : memref<2560x16xf32, #tpu.memory_space<hbm>>)
        tpu.yield
      }) : () -> ()
    } else {
    }
    %eq3A_23 = arith.constant 1 : i32
    %eq3A_24 = arith.cmpi eq, %arg0, %eq3A_23 : i32
    %convert_element_type3A_25 = arith.extui %eq3A_24 : i1 to i32
    %cond3A_26 = arith.constant 0 : i32
    %cond3A_27 = arith.cmpi ne, %convert_element_type3A_25, %cond3A_26 : i32
    scf.if %cond3A_27 {
      %mul3A = arith.constant 640 : i32
      %mul3A_28 = arith.muli %arg1, %mul3A : i32
      %mul3A_29 = arith.constant 640 : i32
      %mul3A_30 = arith.muli %arg1, %mul3A_29 : i32
      "tpu.region"() ({
        %run_scoped3A = tpu.sem_alloc : memref<!tpu.dma_semaphore, #tpu.memory_space<semaphore_mem>>
        %dma_start3A = arith.constant 0 : i32
        %dma_start3A_31 = tpu.memref_slice %arg8[%mul3A_30, %dma_start3A] : memref<10240x16xf32, #tpu.memory_space<hbm>> -> memref<640x16xf32, #tpu.memory_space<hbm>>
        %dma_start3A_32 = arith.constant 0 : i32
        %dma_start3A_33 = tpu.memref_slice %arg10[%mul3A_28, %dma_start3A_32] : memref<10240x16xf32, #tpu.memory_space<vmem_shared>> -> memref<640x16xf32, #tpu.memory_space<vmem_shared>>
        tpu.enqueue_dma source(%dma_start3A_33 : memref<640x16xf32, #tpu.memory_space<vmem_shared>>) target(%dma_start3A_31 : memref<640x16xf32, #tpu.memory_space<hbm>>) target_semaphore(%run_scoped3A : memref<!tpu.dma_semaphore, #tpu.memory_space<semaphore_mem>>)
        %dma_wait3A = arith.constant 0 : i32
        %dma_wait3A_34 = tpu.memref_slice %arg8[%mul3A_30, %dma_wait3A] : memref<10240x16xf32, #tpu.memory_space<hbm>> -> memref<640x16xf32, #tpu.memory_space<hbm>>
        %dma_wait3A_35 = arith.constant 0 : i32
        %dma_wait3A_36 = tpu.memref_slice %arg10[%mul3A_28, %dma_wait3A_35] : memref<10240x16xf32, #tpu.memory_space<vmem_shared>> -> memref<640x16xf32, #tpu.memory_space<vmem_shared>>
        tpu.wait_dma2 semaphore(%run_scoped3A : memref<!tpu.dma_semaphore, #tpu.memory_space<semaphore_mem>>) src(%dma_wait3A_36 : memref<640x16xf32, #tpu.memory_space<vmem_shared>>) dst(%dma_wait3A_34 : memref<640x16xf32, #tpu.memory_space<hbm>>)
        tpu.yield
      }) : () -> ()
    } else {
    }
    return
  }
}

#map = affine_map<(d0, d1) -> (0, 0, 0)>
#map1 = affine_map<(d0, d1) -> (0, 0)>
module attributes {stable_mosaic.version = 14 : i64} {
  func.func @_agg_body(%arg0: i32, %arg1: i32, %arg2: memref<16x396x128xi32, #tpu.memory_space<hbm>>, %arg3: memref<16x396x128xi32, #tpu.memory_space<hbm>>, %arg4: memref<81920x32xf32, #tpu.memory_space<hbm>>, %arg5: memref<20480x32xf32, #tpu.memory_space<hbm>>, %arg6: memref<40960x32xf32, #tpu.memory_space<hbm>>, %arg7: memref<10240x32xf32, #tpu.memory_space<hbm>>, %arg8: memref<81920x32xf32, #tpu.memory_space<hbm>>, %arg9: memref<20480x32xf32, #tpu.memory_space<hbm>>, %arg10: memref<40960x32xf32, #tpu.memory_space<vmem_shared>>, %arg11: memref<10240x32xf32, #tpu.memory_space<vmem_shared>>, %arg12: memref<128xi32, #tpu.memory_space<vmem>>, %arg13: memref<128xi32, #tpu.memory_space<vmem>>, %arg14: memref<128xi32, #tpu.memory_space<vmem>>, %arg15: memref<128xi32, #tpu.memory_space<vmem>>, %arg16: memref<128x32xf32, #tpu.memory_space<vmem>>, %arg17: memref<128x32xf32, #tpu.memory_space<vmem>>, %arg18: memref<128xi32, #tpu.memory_space<vmem>>, %arg19: memref<128xi32, #tpu.memory_space<vmem>>, %arg20: memref<128xi32, #tpu.memory_space<vmem>>, %arg21: memref<128xi32, #tpu.memory_space<vmem>>, %arg22: memref<128x32xf32, #tpu.memory_space<vmem>>, %arg23: memref<128x32xf32, #tpu.memory_space<vmem>>, %arg24: memref<128xi32, #tpu.memory_space<vmem>>, %arg25: memref<128xi32, #tpu.memory_space<vmem>>, %arg26: memref<128xi32, #tpu.memory_space<vmem>>, %arg27: memref<128xi32, #tpu.memory_space<vmem>>, %arg28: memref<128x32xf32, #tpu.memory_space<vmem>>, %arg29: memref<128x32xf32, #tpu.memory_space<vmem>>, %arg30: memref<!tpu.dma_semaphore, #tpu.memory_space<semaphore_mem>>, %arg31: memref<!tpu.dma_semaphore, #tpu.memory_space<semaphore_mem>>, %arg32: memref<!tpu.dma_semaphore, #tpu.memory_space<semaphore_mem>>, %arg33: memref<!tpu.dma_semaphore, #tpu.memory_space<semaphore_mem>>, %arg34: memref<!tpu.dma_semaphore, #tpu.memory_space<semaphore_mem>>, %arg35: memref<!tpu.dma_semaphore, #tpu.memory_space<semaphore_mem>>, %arg36: memref<!tpu.dma_semaphore, #tpu.memory_space<semaphore_mem>>, %arg37: memref<!tpu.dma_semaphore, #tpu.memory_space<semaphore_mem>>, %arg38: memref<!tpu.dma_semaphore, #tpu.memory_space<semaphore_mem>>, %arg39: memref<!tpu.dma_semaphore, #tpu.memory_space<semaphore_mem>>, %arg40: memref<!tpu.dma_semaphore, #tpu.memory_space<semaphore_mem>>, %arg41: memref<!tpu.dma_semaphore, #tpu.memory_space<semaphore_mem>>) attributes {dimension_semantics = [#tpu.dimension_semantics<core_parallel>, #tpu.dimension_semantics<subcore_parallel>], iteration_bounds = array<i64: 2, 16>, scalar_prefetch = 0 : i64, scratch_operands = 32 : i64, tpu.core_type = #tpu.core_type<sc_vector_subcore>, window_params = [{transform_indices = #map}, {transform_indices = #map}, {transform_indices = #map1}, {transform_indices = #map1}, {transform_indices = #map1}, {transform_indices = #map1}, {transform_indices = #map1}, {transform_indices = #map1}]} {
    %mul3A = arith.constant 40960 : i32
    %mul3A_0 = arith.muli %arg0, %mul3A : i32
    %mul3A_1 = arith.constant 10240 : i32
    %mul3A_2 = arith.muli %arg0, %mul3A_1 : i32
    %mul3A_3 = arith.constant 2560 : i32
    %mul3A_4 = arith.muli %arg1, %mul3A_3 : i32
    %mul3A_5 = arith.constant 2560 : i32
    %mul3A_6 = arith.muli %arg1, %mul3A_5 : i32
    "tpu.region"() ({
      %run_scoped3A_331 = tpu.sem_alloc : memref<!tpu.dma_semaphore, #tpu.memory_space<semaphore_mem>>
      %dma_start3A_332 = arith.constant 0 : i32
      %dma_start3A_333 = tpu.memref_slice %arg10[%mul3A_6, %dma_start3A_332] : memref<40960x32xf32, #tpu.memory_space<vmem_shared>> -> memref<2560x32xf32, #tpu.memory_space<vmem_shared>>
      %dma_start3A_334 = arith.constant 0 : i32
      %dma_start3A_335 = tpu.memref_slice %arg6[%mul3A_4, %dma_start3A_334] : memref<40960x32xf32, #tpu.memory_space<hbm>> -> memref<2560x32xf32, #tpu.memory_space<hbm>>
      tpu.enqueue_dma source(%dma_start3A_335 : memref<2560x32xf32, #tpu.memory_space<hbm>>) target(%dma_start3A_333 : memref<2560x32xf32, #tpu.memory_space<vmem_shared>>) target_semaphore(%run_scoped3A_331 : memref<!tpu.dma_semaphore, #tpu.memory_space<semaphore_mem>>)
      %dma_wait3A_336 = arith.constant 0 : i32
      %dma_wait3A_337 = tpu.memref_slice %arg10[%mul3A_6, %dma_wait3A_336] : memref<40960x32xf32, #tpu.memory_space<vmem_shared>> -> memref<2560x32xf32, #tpu.memory_space<vmem_shared>>
      %dma_wait3A_338 = arith.constant 0 : i32
      %dma_wait3A_339 = tpu.memref_slice %arg6[%mul3A_4, %dma_wait3A_338] : memref<40960x32xf32, #tpu.memory_space<hbm>> -> memref<2560x32xf32, #tpu.memory_space<hbm>>
      tpu.wait_dma2 semaphore(%run_scoped3A_331 : memref<!tpu.dma_semaphore, #tpu.memory_space<semaphore_mem>>) src(%dma_wait3A_339 : memref<2560x32xf32, #tpu.memory_space<hbm>>) dst(%dma_wait3A_337 : memref<2560x32xf32, #tpu.memory_space<vmem_shared>>)
      tpu.yield
    }) : () -> ()
    %mul3A_7 = arith.constant 640 : i32
    %mul3A_8 = arith.muli %arg1, %mul3A_7 : i32
    %mul3A_9 = arith.constant 640 : i32
    %mul3A_10 = arith.muli %arg1, %mul3A_9 : i32
    "tpu.region"() ({
      %run_scoped3A_331 = tpu.sem_alloc : memref<!tpu.dma_semaphore, #tpu.memory_space<semaphore_mem>>
      %dma_start3A_332 = arith.constant 0 : i32
      %dma_start3A_333 = tpu.memref_slice %arg11[%mul3A_10, %dma_start3A_332] : memref<10240x32xf32, #tpu.memory_space<vmem_shared>> -> memref<640x32xf32, #tpu.memory_space<vmem_shared>>
      %dma_start3A_334 = arith.constant 0 : i32
      %dma_start3A_335 = tpu.memref_slice %arg7[%mul3A_8, %dma_start3A_334] : memref<10240x32xf32, #tpu.memory_space<hbm>> -> memref<640x32xf32, #tpu.memory_space<hbm>>
      tpu.enqueue_dma source(%dma_start3A_335 : memref<640x32xf32, #tpu.memory_space<hbm>>) target(%dma_start3A_333 : memref<640x32xf32, #tpu.memory_space<vmem_shared>>) target_semaphore(%run_scoped3A_331 : memref<!tpu.dma_semaphore, #tpu.memory_space<semaphore_mem>>)
      %dma_wait3A_336 = arith.constant 0 : i32
      %dma_wait3A_337 = tpu.memref_slice %arg11[%mul3A_10, %dma_wait3A_336] : memref<10240x32xf32, #tpu.memory_space<vmem_shared>> -> memref<640x32xf32, #tpu.memory_space<vmem_shared>>
      %dma_wait3A_338 = arith.constant 0 : i32
      %dma_wait3A_339 = tpu.memref_slice %arg7[%mul3A_8, %dma_wait3A_338] : memref<10240x32xf32, #tpu.memory_space<hbm>> -> memref<640x32xf32, #tpu.memory_space<hbm>>
      tpu.wait_dma2 semaphore(%run_scoped3A_331 : memref<!tpu.dma_semaphore, #tpu.memory_space<semaphore_mem>>) src(%dma_wait3A_339 : memref<640x32xf32, #tpu.memory_space<hbm>>) dst(%dma_wait3A_337 : memref<640x32xf32, #tpu.memory_space<vmem_shared>>)
      tpu.yield
    }) : () -> ()
    %barrier3A = arith.constant 0 : index
    tpu.barrier barrier_id(%barrier3A)
    %run_scoped3A = arith.constant 0 : i32
    "tpu.region"() ({
      %run_scoped3A_331 = tpu.sem_alloc : memref<!tpu.dma_semaphore, #tpu.memory_space<semaphore_mem>>
      %dma_start3A_332 = arith.constant 0 : i32
      %dma_start3A_333 = tpu.memref_slice %arg2[%arg1, %run_scoped3A, %dma_start3A_332] : memref<16x396x128xi32, #tpu.memory_space<hbm>> -> memref<1x1x128xi32, #tpu.memory_space<hbm>>
      %dma_start3A_334 = tpu.memref_squeeze %dma_start3A_333 : memref<1x1x128xi32, #tpu.memory_space<hbm>> -> memref<128xi32, #tpu.memory_space<hbm>>
      %dma_start3A_335 = arith.constant 0 : i32
      %dma_start3A_336 = tpu.memref_slice %arg2[%arg1, %run_scoped3A, %dma_start3A_335] : memref<16x396x128xi32, #tpu.memory_space<hbm>> -> memref<1x1x128xi32, #tpu.memory_space<hbm>>
      %dma_start3A_337 = tpu.memref_squeeze %dma_start3A_336 : memref<1x1x128xi32, #tpu.memory_space<hbm>> -> memref<128xi32, #tpu.memory_space<hbm>>
      tpu.enqueue_dma source(%dma_start3A_337 : memref<128xi32, #tpu.memory_space<hbm>>) target(%arg12 : memref<128xi32, #tpu.memory_space<vmem>>) target_semaphore(%run_scoped3A_331 : memref<!tpu.dma_semaphore, #tpu.memory_space<semaphore_mem>>)
      %dma_wait3A_338 = arith.constant 0 : i32
      %dma_wait3A_339 = tpu.memref_slice %arg2[%arg1, %run_scoped3A, %dma_wait3A_338] : memref<16x396x128xi32, #tpu.memory_space<hbm>> -> memref<1x1x128xi32, #tpu.memory_space<hbm>>
      %dma_wait3A_340 = tpu.memref_squeeze %dma_wait3A_339 : memref<1x1x128xi32, #tpu.memory_space<hbm>> -> memref<128xi32, #tpu.memory_space<hbm>>
      %dma_wait3A_341 = arith.constant 0 : i32
      %dma_wait3A_342 = tpu.memref_slice %arg2[%arg1, %run_scoped3A, %dma_wait3A_341] : memref<16x396x128xi32, #tpu.memory_space<hbm>> -> memref<1x1x128xi32, #tpu.memory_space<hbm>>
      %dma_wait3A_343 = tpu.memref_squeeze %dma_wait3A_342 : memref<1x1x128xi32, #tpu.memory_space<hbm>> -> memref<128xi32, #tpu.memory_space<hbm>>
      tpu.wait_dma2 semaphore(%run_scoped3A_331 : memref<!tpu.dma_semaphore, #tpu.memory_space<semaphore_mem>>) src(%dma_wait3A_343 : memref<128xi32, #tpu.memory_space<hbm>>) dst(%arg12 : memref<128xi32, #tpu.memory_space<vmem>>)
      tpu.yield
    }) : () -> ()
    %run_scoped3A_11 = arith.constant 0 : i32
    "tpu.region"() ({
      %run_scoped3A_331 = tpu.sem_alloc : memref<!tpu.dma_semaphore, #tpu.memory_space<semaphore_mem>>
      %dma_start3A_332 = arith.constant 0 : i32
      %dma_start3A_333 = tpu.memref_slice %arg3[%arg1, %run_scoped3A_11, %dma_start3A_332] : memref<16x396x128xi32, #tpu.memory_space<hbm>> -> memref<1x1x128xi32, #tpu.memory_space<hbm>>
      %dma_start3A_334 = tpu.memref_squeeze %dma_start3A_333 : memref<1x1x128xi32, #tpu.memory_space<hbm>> -> memref<128xi32, #tpu.memory_space<hbm>>
      %dma_start3A_335 = arith.constant 0 : i32
      %dma_start3A_336 = tpu.memref_slice %arg3[%arg1, %run_scoped3A_11, %dma_start3A_335] : memref<16x396x128xi32, #tpu.memory_space<hbm>> -> memref<1x1x128xi32, #tpu.memory_space<hbm>>
      %dma_start3A_337 = tpu.memref_squeeze %dma_start3A_336 : memref<1x1x128xi32, #tpu.memory_space<hbm>> -> memref<128xi32, #tpu.memory_space<hbm>>
      tpu.enqueue_dma source(%dma_start3A_337 : memref<128xi32, #tpu.memory_space<hbm>>) target(%arg13 : memref<128xi32, #tpu.memory_space<vmem>>) target_semaphore(%run_scoped3A_331 : memref<!tpu.dma_semaphore, #tpu.memory_space<semaphore_mem>>)
      %dma_wait3A_338 = arith.constant 0 : i32
      %dma_wait3A_339 = tpu.memref_slice %arg3[%arg1, %run_scoped3A_11, %dma_wait3A_338] : memref<16x396x128xi32, #tpu.memory_space<hbm>> -> memref<1x1x128xi32, #tpu.memory_space<hbm>>
      %dma_wait3A_340 = tpu.memref_squeeze %dma_wait3A_339 : memref<1x1x128xi32, #tpu.memory_space<hbm>> -> memref<128xi32, #tpu.memory_space<hbm>>
      %dma_wait3A_341 = arith.constant 0 : i32
      %dma_wait3A_342 = tpu.memref_slice %arg3[%arg1, %run_scoped3A_11, %dma_wait3A_341] : memref<16x396x128xi32, #tpu.memory_space<hbm>> -> memref<1x1x128xi32, #tpu.memory_space<hbm>>
      %dma_wait3A_343 = tpu.memref_squeeze %dma_wait3A_342 : memref<1x1x128xi32, #tpu.memory_space<hbm>> -> memref<128xi32, #tpu.memory_space<hbm>>
      tpu.wait_dma2 semaphore(%run_scoped3A_331 : memref<!tpu.dma_semaphore, #tpu.memory_space<semaphore_mem>>) src(%dma_wait3A_343 : memref<128xi32, #tpu.memory_space<hbm>>) dst(%arg13 : memref<128xi32, #tpu.memory_space<vmem>>)
      tpu.yield
    }) : () -> ()
    %get3A = arith.constant 0 : index
    %get3A_12 = tpu.vector_load %arg12[%get3A] {strides = array<i32>} : memref<128xi32, #tpu.memory_space<vmem>>, vector<16xi32>,
    %get3A_13 = vector.shape_cast %get3A_12 : vector<16xi32> to vector<16xi32>
    %add3A = vector.broadcast %mul3A_0 : i32 to vector<16xi32>
    %add3A_14 = arith.addi %get3A_13, %add3A : vector<16xi32>
    %swap3A = arith.constant 0 : index
    %swap3A_15 = tpu.vector_load %arg14[%swap3A] {strides = array<i32>} : memref<128xi32, #tpu.memory_space<vmem>>, vector<16xi32>,
    %swap3A_16 = vector.shape_cast %swap3A_15 : vector<16xi32> to vector<16xi32>
    %swap3A_17 = vector.shape_cast %add3A_14 : vector<16xi32> to vector<16xi32>
    tpu.vector_store %arg14[%swap3A], %swap3A_17 {strides = array<i32>} : memref<128xi32, #tpu.memory_space<vmem>>, vector<16xi32>,
    %get3A_18 = arith.constant 0 : index
    %get3A_19 = tpu.vector_load %arg13[%get3A_18] {strides = array<i32>} : memref<128xi32, #tpu.memory_space<vmem>>, vector<16xi32>,
    %get3A_20 = vector.shape_cast %get3A_19 : vector<16xi32> to vector<16xi32>
    %add3A_21 = vector.broadcast %mul3A_2 : i32 to vector<16xi32>
    %add3A_22 = arith.addi %get3A_20, %add3A_21 : vector<16xi32>
    %swap3A_23 = arith.constant 0 : index
    %swap3A_24 = tpu.vector_load %arg15[%swap3A_23] {strides = array<i32>} : memref<128xi32, #tpu.memory_space<vmem>>, vector<16xi32>,
    %swap3A_25 = vector.shape_cast %swap3A_24 : vector<16xi32> to vector<16xi32>
    %swap3A_26 = vector.shape_cast %add3A_22 : vector<16xi32> to vector<16xi32>
    tpu.vector_store %arg15[%swap3A_23], %swap3A_26 {strides = array<i32>} : memref<128xi32, #tpu.memory_space<vmem>>, vector<16xi32>,
    %get3A_27 = arith.constant 16 : index
    %get3A_28 = tpu.vector_load %arg12[%get3A_27] {strides = array<i32>} : memref<128xi32, #tpu.memory_space<vmem>>, vector<16xi32>,
    %get3A_29 = vector.shape_cast %get3A_28 : vector<16xi32> to vector<16xi32>
    %add3A_30 = vector.broadcast %mul3A_0 : i32 to vector<16xi32>
    %add3A_31 = arith.addi %get3A_29, %add3A_30 : vector<16xi32>
    %swap3A_32 = arith.constant 16 : index
    %swap3A_33 = tpu.vector_load %arg14[%swap3A_32] {strides = array<i32>} : memref<128xi32, #tpu.memory_space<vmem>>, vector<16xi32>,
    %swap3A_34 = vector.shape_cast %swap3A_33 : vector<16xi32> to vector<16xi32>
    %swap3A_35 = vector.shape_cast %add3A_31 : vector<16xi32> to vector<16xi32>
    tpu.vector_store %arg14[%swap3A_32], %swap3A_35 {strides = array<i32>} : memref<128xi32, #tpu.memory_space<vmem>>, vector<16xi32>,
    %get3A_36 = arith.constant 16 : index
    %get3A_37 = tpu.vector_load %arg13[%get3A_36] {strides = array<i32>} : memref<128xi32, #tpu.memory_space<vmem>>, vector<16xi32>,
    %get3A_38 = vector.shape_cast %get3A_37 : vector<16xi32> to vector<16xi32>
    %add3A_39 = vector.broadcast %mul3A_2 : i32 to vector<16xi32>
    %add3A_40 = arith.addi %get3A_38, %add3A_39 : vector<16xi32>
    %swap3A_41 = arith.constant 16 : index
    %swap3A_42 = tpu.vector_load %arg15[%swap3A_41] {strides = array<i32>} : memref<128xi32, #tpu.memory_space<vmem>>, vector<16xi32>,
    %swap3A_43 = vector.shape_cast %swap3A_42 : vector<16xi32> to vector<16xi32>
    %swap3A_44 = vector.shape_cast %add3A_40 : vector<16xi32> to vector<16xi32>
    tpu.vector_store %arg15[%swap3A_41], %swap3A_44 {strides = array<i32>} : memref<128xi32, #tpu.memory_space<vmem>>, vector<16xi32>,
    %get3A_45 = arith.constant 32 : index
    %get3A_46 = tpu.vector_load %arg12[%get3A_45] {strides = array<i32>} : memref<128xi32, #tpu.memory_space<vmem>>, vector<16xi32>,
    %get3A_47 = vector.shape_cast %get3A_46 : vector<16xi32> to vector<16xi32>
    %add3A_48 = vector.broadcast %mul3A_0 : i32 to vector<16xi32>
    %add3A_49 = arith.addi %get3A_47, %add3A_48 : vector<16xi32>
    %swap3A_50 = arith.constant 32 : index
    %swap3A_51 = tpu.vector_load %arg14[%swap3A_50] {strides = array<i32>} : memref<128xi32, #tpu.memory_space<vmem>>, vector<16xi32>,
    %swap3A_52 = vector.shape_cast %swap3A_51 : vector<16xi32> to vector<16xi32>
    %swap3A_53 = vector.shape_cast %add3A_49 : vector<16xi32> to vector<16xi32>
    tpu.vector_store %arg14[%swap3A_50], %swap3A_53 {strides = array<i32>} : memref<128xi32, #tpu.memory_space<vmem>>, vector<16xi32>,
    %get3A_54 = arith.constant 32 : index
    %get3A_55 = tpu.vector_load %arg13[%get3A_54] {strides = array<i32>} : memref<128xi32, #tpu.memory_space<vmem>>, vector<16xi32>,
    %get3A_56 = vector.shape_cast %get3A_55 : vector<16xi32> to vector<16xi32>
    %add3A_57 = vector.broadcast %mul3A_2 : i32 to vector<16xi32>
    %add3A_58 = arith.addi %get3A_56, %add3A_57 : vector<16xi32>
    %swap3A_59 = arith.constant 32 : index
    %swap3A_60 = tpu.vector_load %arg15[%swap3A_59] {strides = array<i32>} : memref<128xi32, #tpu.memory_space<vmem>>, vector<16xi32>,
    %swap3A_61 = vector.shape_cast %swap3A_60 : vector<16xi32> to vector<16xi32>
    %swap3A_62 = vector.shape_cast %add3A_58 : vector<16xi32> to vector<16xi32>
    tpu.vector_store %arg15[%swap3A_59], %swap3A_62 {strides = array<i32>} : memref<128xi32, #tpu.memory_space<vmem>>, vector<16xi32>,
    %get3A_63 = arith.constant 48 : index
    %get3A_64 = tpu.vector_load %arg12[%get3A_63] {strides = array<i32>} : memref<128xi32, #tpu.memory_space<vmem>>, vector<16xi32>,
    %get3A_65 = vector.shape_cast %get3A_64 : vector<16xi32> to vector<16xi32>
    %add3A_66 = vector.broadcast %mul3A_0 : i32 to vector<16xi32>
    %add3A_67 = arith.addi %get3A_65, %add3A_66 : vector<16xi32>
    %swap3A_68 = arith.constant 48 : index
    %swap3A_69 = tpu.vector_load %arg14[%swap3A_68] {strides = array<i32>} : memref<128xi32, #tpu.memory_space<vmem>>, vector<16xi32>,
    %swap3A_70 = vector.shape_cast %swap3A_69 : vector<16xi32> to vector<16xi32>
    %swap3A_71 = vector.shape_cast %add3A_67 : vector<16xi32> to vector<16xi32>
    tpu.vector_store %arg14[%swap3A_68], %swap3A_71 {strides = array<i32>} : memref<128xi32, #tpu.memory_space<vmem>>, vector<16xi32>,
    %get3A_72 = arith.constant 48 : index
    %get3A_73 = tpu.vector_load %arg13[%get3A_72] {strides = array<i32>} : memref<128xi32, #tpu.memory_space<vmem>>, vector<16xi32>,
    %get3A_74 = vector.shape_cast %get3A_73 : vector<16xi32> to vector<16xi32>
    %add3A_75 = vector.broadcast %mul3A_2 : i32 to vector<16xi32>
    %add3A_76 = arith.addi %get3A_74, %add3A_75 : vector<16xi32>
    %swap3A_77 = arith.constant 48 : index
    %swap3A_78 = tpu.vector_load %arg15[%swap3A_77] {strides = array<i32>} : memref<128xi32, #tpu.memory_space<vmem>>, vector<16xi32>,
    %swap3A_79 = vector.shape_cast %swap3A_78 : vector<16xi32> to vector<16xi32>
    %swap3A_80 = vector.shape_cast %add3A_76 : vector<16xi32> to vector<16xi32>
    tpu.vector_store %arg15[%swap3A_77], %swap3A_80 {strides = array<i32>} : memref<128xi32, #tpu.memory_space<vmem>>, vector<16xi32>,
    %get3A_81 = arith.constant 64 : index
    %get3A_82 = tpu.vector_load %arg12[%get3A_81] {strides = array<i32>} : memref<128xi32, #tpu.memory_space<vmem>>, vector<16xi32>,
    %get3A_83 = vector.shape_cast %get3A_82 : vector<16xi32> to vector<16xi32>
    %add3A_84 = vector.broadcast %mul3A_0 : i32 to vector<16xi32>
    %add3A_85 = arith.addi %get3A_83, %add3A_84 : vector<16xi32>
    %swap3A_86 = arith.constant 64 : index
    %swap3A_87 = tpu.vector_load %arg14[%swap3A_86] {strides = array<i32>} : memref<128xi32, #tpu.memory_space<vmem>>, vector<16xi32>,
    %swap3A_88 = vector.shape_cast %swap3A_87 : vector<16xi32> to vector<16xi32>
    %swap3A_89 = vector.shape_cast %add3A_85 : vector<16xi32> to vector<16xi32>
    tpu.vector_store %arg14[%swap3A_86], %swap3A_89 {strides = array<i32>} : memref<128xi32, #tpu.memory_space<vmem>>, vector<16xi32>,
    %get3A_90 = arith.constant 64 : index
    %get3A_91 = tpu.vector_load %arg13[%get3A_90] {strides = array<i32>} : memref<128xi32, #tpu.memory_space<vmem>>, vector<16xi32>,
    %get3A_92 = vector.shape_cast %get3A_91 : vector<16xi32> to vector<16xi32>
    %add3A_93 = vector.broadcast %mul3A_2 : i32 to vector<16xi32>
    %add3A_94 = arith.addi %get3A_92, %add3A_93 : vector<16xi32>
    %swap3A_95 = arith.constant 64 : index
    %swap3A_96 = tpu.vector_load %arg15[%swap3A_95] {strides = array<i32>} : memref<128xi32, #tpu.memory_space<vmem>>, vector<16xi32>,
    %swap3A_97 = vector.shape_cast %swap3A_96 : vector<16xi32> to vector<16xi32>
    %swap3A_98 = vector.shape_cast %add3A_94 : vector<16xi32> to vector<16xi32>
    tpu.vector_store %arg15[%swap3A_95], %swap3A_98 {strides = array<i32>} : memref<128xi32, #tpu.memory_space<vmem>>, vector<16xi32>,
    %get3A_99 = arith.constant 80 : index
    %get3A_100 = tpu.vector_load %arg12[%get3A_99] {strides = array<i32>} : memref<128xi32, #tpu.memory_space<vmem>>, vector<16xi32>,
    %get3A_101 = vector.shape_cast %get3A_100 : vector<16xi32> to vector<16xi32>
    %add3A_102 = vector.broadcast %mul3A_0 : i32 to vector<16xi32>
    %add3A_103 = arith.addi %get3A_101, %add3A_102 : vector<16xi32>
    %swap3A_104 = arith.constant 80 : index
    %swap3A_105 = tpu.vector_load %arg14[%swap3A_104] {strides = array<i32>} : memref<128xi32, #tpu.memory_space<vmem>>, vector<16xi32>,
    %swap3A_106 = vector.shape_cast %swap3A_105 : vector<16xi32> to vector<16xi32>
    %swap3A_107 = vector.shape_cast %add3A_103 : vector<16xi32> to vector<16xi32>
    tpu.vector_store %arg14[%swap3A_104], %swap3A_107 {strides = array<i32>} : memref<128xi32, #tpu.memory_space<vmem>>, vector<16xi32>,
    %get3A_108 = arith.constant 80 : index
    %get3A_109 = tpu.vector_load %arg13[%get3A_108] {strides = array<i32>} : memref<128xi32, #tpu.memory_space<vmem>>, vector<16xi32>,
    %get3A_110 = vector.shape_cast %get3A_109 : vector<16xi32> to vector<16xi32>
    %add3A_111 = vector.broadcast %mul3A_2 : i32 to vector<16xi32>
    %add3A_112 = arith.addi %get3A_110, %add3A_111 : vector<16xi32>
    %swap3A_113 = arith.constant 80 : index
    %swap3A_114 = tpu.vector_load %arg15[%swap3A_113] {strides = array<i32>} : memref<128xi32, #tpu.memory_space<vmem>>, vector<16xi32>,
    %swap3A_115 = vector.shape_cast %swap3A_114 : vector<16xi32> to vector<16xi32>
    %swap3A_116 = vector.shape_cast %add3A_112 : vector<16xi32> to vector<16xi32>
    tpu.vector_store %arg15[%swap3A_113], %swap3A_116 {strides = array<i32>} : memref<128xi32, #tpu.memory_space<vmem>>, vector<16xi32>,
    %get3A_117 = arith.constant 96 : index
    %get3A_118 = tpu.vector_load %arg12[%get3A_117] {strides = array<i32>} : memref<128xi32, #tpu.memory_space<vmem>>, vector<16xi32>,
    %get3A_119 = vector.shape_cast %get3A_118 : vector<16xi32> to vector<16xi32>
    %add3A_120 = vector.broadcast %mul3A_0 : i32 to vector<16xi32>
    %add3A_121 = arith.addi %get3A_119, %add3A_120 : vector<16xi32>
    %swap3A_122 = arith.constant 96 : index
    %swap3A_123 = tpu.vector_load %arg14[%swap3A_122] {strides = array<i32>} : memref<128xi32, #tpu.memory_space<vmem>>, vector<16xi32>,
    %swap3A_124 = vector.shape_cast %swap3A_123 : vector<16xi32> to vector<16xi32>
    %swap3A_125 = vector.shape_cast %add3A_121 : vector<16xi32> to vector<16xi32>
    tpu.vector_store %arg14[%swap3A_122], %swap3A_125 {strides = array<i32>} : memref<128xi32, #tpu.memory_space<vmem>>, vector<16xi32>,
    %get3A_126 = arith.constant 96 : index
    %get3A_127 = tpu.vector_load %arg13[%get3A_126] {strides = array<i32>} : memref<128xi32, #tpu.memory_space<vmem>>, vector<16xi32>,
    %get3A_128 = vector.shape_cast %get3A_127 : vector<16xi32> to vector<16xi32>
    %add3A_129 = vector.broadcast %mul3A_2 : i32 to vector<16xi32>
    %add3A_130 = arith.addi %get3A_128, %add3A_129 : vector<16xi32>
    %swap3A_131 = arith.constant 96 : index
    %swap3A_132 = tpu.vector_load %arg15[%swap3A_131] {strides = array<i32>} : memref<128xi32, #tpu.memory_space<vmem>>, vector<16xi32>,
    %swap3A_133 = vector.shape_cast %swap3A_132 : vector<16xi32> to vector<16xi32>
    %swap3A_134 = vector.shape_cast %add3A_130 : vector<16xi32> to vector<16xi32>
    tpu.vector_store %arg15[%swap3A_131], %swap3A_134 {strides = array<i32>} : memref<128xi32, #tpu.memory_space<vmem>>, vector<16xi32>,
    %get3A_135 = arith.constant 112 : index
    %get3A_136 = tpu.vector_load %arg12[%get3A_135] {strides = array<i32>} : memref<128xi32, #tpu.memory_space<vmem>>, vector<16xi32>,
    %get3A_137 = vector.shape_cast %get3A_136 : vector<16xi32> to vector<16xi32>
    %add3A_138 = vector.broadcast %mul3A_0 : i32 to vector<16xi32>
    %add3A_139 = arith.addi %get3A_137, %add3A_138 : vector<16xi32>
    %swap3A_140 = arith.constant 112 : index
    %swap3A_141 = tpu.vector_load %arg14[%swap3A_140] {strides = array<i32>} : memref<128xi32, #tpu.memory_space<vmem>>, vector<16xi32>,
    %swap3A_142 = vector.shape_cast %swap3A_141 : vector<16xi32> to vector<16xi32>
    %swap3A_143 = vector.shape_cast %add3A_139 : vector<16xi32> to vector<16xi32>
    tpu.vector_store %arg14[%swap3A_140], %swap3A_143 {strides = array<i32>} : memref<128xi32, #tpu.memory_space<vmem>>, vector<16xi32>,
    %get3A_144 = arith.constant 112 : index
    %get3A_145 = tpu.vector_load %arg13[%get3A_144] {strides = array<i32>} : memref<128xi32, #tpu.memory_space<vmem>>, vector<16xi32>,
    %get3A_146 = vector.shape_cast %get3A_145 : vector<16xi32> to vector<16xi32>
    %add3A_147 = vector.broadcast %mul3A_2 : i32 to vector<16xi32>
    %add3A_148 = arith.addi %get3A_146, %add3A_147 : vector<16xi32>
    %swap3A_149 = arith.constant 112 : index
    %swap3A_150 = tpu.vector_load %arg15[%swap3A_149] {strides = array<i32>} : memref<128xi32, #tpu.memory_space<vmem>>, vector<16xi32>,
    %swap3A_151 = vector.shape_cast %swap3A_150 : vector<16xi32> to vector<16xi32>
    %swap3A_152 = vector.shape_cast %add3A_148 : vector<16xi32> to vector<16xi32>
    tpu.vector_store %arg15[%swap3A_149], %swap3A_152 {strides = array<i32>} : memref<128xi32, #tpu.memory_space<vmem>>, vector<16xi32>,
    %dma_start3A = arith.constant 0 : i32
    %dma_start3A_153 = arith.constant 0 : i32
    %dma_start3A_154 = tpu.memref_slice %arg4[%dma_start3A, %dma_start3A_153] : memref<81920x32xf32, #tpu.memory_space<hbm>> -> memref<81920x32xf32, #tpu.memory_space<hbm>>
    tpu.enqueue_indirect_dma source(%dma_start3A_154 : memref<81920x32xf32, #tpu.memory_space<hbm>>) target(%arg16 : memref<128x32xf32, #tpu.memory_space<vmem>>) offsets(%arg14 : memref<128xi32, #tpu.memory_space<vmem>>) semaphore(%arg30 : memref<!tpu.dma_semaphore, #tpu.memory_space<semaphore_mem>>)
    %dma_start3A_155 = arith.constant 0 : i32
    %dma_start3A_156 = arith.constant 0 : i32
    %dma_start3A_157 = tpu.memref_slice %arg5[%dma_start3A_155, %dma_start3A_156] : memref<20480x32xf32, #tpu.memory_space<hbm>> -> memref<20480x32xf32, #tpu.memory_space<hbm>>
    tpu.enqueue_indirect_dma source(%dma_start3A_157 : memref<20480x32xf32, #tpu.memory_space<hbm>>) target(%arg17 : memref<128x32xf32, #tpu.memory_space<vmem>>) offsets(%arg15 : memref<128xi32, #tpu.memory_space<vmem>>) semaphore(%arg31 : memref<!tpu.dma_semaphore, #tpu.memory_space<semaphore_mem>>)
    %run_scoped3A_158 = arith.constant 1 : i32
    "tpu.region"() ({
      %run_scoped3A_331 = tpu.sem_alloc : memref<!tpu.dma_semaphore, #tpu.memory_space<semaphore_mem>>
      %dma_start3A_332 = arith.constant 0 : i32
      %dma_start3A_333 = tpu.memref_slice %arg2[%arg1, %run_scoped3A_158, %dma_start3A_332] : memref<16x396x128xi32, #tpu.memory_space<hbm>> -> memref<1x1x128xi32, #tpu.memory_space<hbm>>
      %dma_start3A_334 = tpu.memref_squeeze %dma_start3A_333 : memref<1x1x128xi32, #tpu.memory_space<hbm>> -> memref<128xi32, #tpu.memory_space<hbm>>
      %dma_start3A_335 = arith.constant 0 : i32
      %dma_start3A_336 = tpu.memref_slice %arg2[%arg1, %run_scoped3A_158, %dma_start3A_335] : memref<16x396x128xi32, #tpu.memory_space<hbm>> -> memref<1x1x128xi32, #tpu.memory_space<hbm>>
      %dma_start3A_337 = tpu.memref_squeeze %dma_start3A_336 : memref<1x1x128xi32, #tpu.memory_space<hbm>> -> memref<128xi32, #tpu.memory_space<hbm>>
      tpu.enqueue_dma source(%dma_start3A_337 : memref<128xi32, #tpu.memory_space<hbm>>) target(%arg18 : memref<128xi32, #tpu.memory_space<vmem>>) target_semaphore(%run_scoped3A_331 : memref<!tpu.dma_semaphore, #tpu.memory_space<semaphore_mem>>)
      %dma_wait3A_338 = arith.constant 0 : i32
      %dma_wait3A_339 = tpu.memref_slice %arg2[%arg1, %run_scoped3A_158, %dma_wait3A_338] : memref<16x396x128xi32, #tpu.memory_space<hbm>> -> memref<1x1x128xi32, #tpu.memory_space<hbm>>
      %dma_wait3A_340 = tpu.memref_squeeze %dma_wait3A_339 : memref<1x1x128xi32, #tpu.memory_space<hbm>> -> memref<128xi32, #tpu.memory_space<hbm>>
      %dma_wait3A_341 = arith.constant 0 : i32
      %dma_wait3A_342 = tpu.memref_slice %arg2[%arg1, %run_scoped3A_158, %dma_wait3A_341] : memref<16x396x128xi32, #tpu.memory_space<hbm>> -> memref<1x1x128xi32, #tpu.memory_space<hbm>>
      %dma_wait3A_343 = tpu.memref_squeeze %dma_wait3A_342 : memref<1x1x128xi32, #tpu.memory_space<hbm>> -> memref<128xi32, #tpu.memory_space<hbm>>
      tpu.wait_dma2 semaphore(%run_scoped3A_331 : memref<!tpu.dma_semaphore, #tpu.memory_space<semaphore_mem>>) src(%dma_wait3A_343 : memref<128xi32, #tpu.memory_space<hbm>>) dst(%arg18 : memref<128xi32, #tpu.memory_space<vmem>>)
      tpu.yield
    }) : () -> ()
    %run_scoped3A_159 = arith.constant 1 : i32
    "tpu.region"() ({
      %run_scoped3A_331 = tpu.sem_alloc : memref<!tpu.dma_semaphore, #tpu.memory_space<semaphore_mem>>
      %dma_start3A_332 = arith.constant 0 : i32
      %dma_start3A_333 = tpu.memref_slice %arg3[%arg1, %run_scoped3A_159, %dma_start3A_332] : memref<16x396x128xi32, #tpu.memory_space<hbm>> -> memref<1x1x128xi32, #tpu.memory_space<hbm>>
      %dma_start3A_334 = tpu.memref_squeeze %dma_start3A_333 : memref<1x1x128xi32, #tpu.memory_space<hbm>> -> memref<128xi32, #tpu.memory_space<hbm>>
      %dma_start3A_335 = arith.constant 0 : i32
      %dma_start3A_336 = tpu.memref_slice %arg3[%arg1, %run_scoped3A_159, %dma_start3A_335] : memref<16x396x128xi32, #tpu.memory_space<hbm>> -> memref<1x1x128xi32, #tpu.memory_space<hbm>>
      %dma_start3A_337 = tpu.memref_squeeze %dma_start3A_336 : memref<1x1x128xi32, #tpu.memory_space<hbm>> -> memref<128xi32, #tpu.memory_space<hbm>>
      tpu.enqueue_dma source(%dma_start3A_337 : memref<128xi32, #tpu.memory_space<hbm>>) target(%arg19 : memref<128xi32, #tpu.memory_space<vmem>>) target_semaphore(%run_scoped3A_331 : memref<!tpu.dma_semaphore, #tpu.memory_space<semaphore_mem>>)
      %dma_wait3A_338 = arith.constant 0 : i32
      %dma_wait3A_339 = tpu.memref_slice %arg3[%arg1, %run_scoped3A_159, %dma_wait3A_338] : memref<16x396x128xi32, #tpu.memory_space<hbm>> -> memref<1x1x128xi32, #tpu.memory_space<hbm>>
      %dma_wait3A_340 = tpu.memref_squeeze %dma_wait3A_339 : memref<1x1x128xi32, #tpu.memory_space<hbm>> -> memref<128xi32, #tpu.memory_space<hbm>>
      %dma_wait3A_341 = arith.constant 0 : i32
      %dma_wait3A_342 = tpu.memref_slice %arg3[%arg1, %run_scoped3A_159, %dma_wait3A_341] : memref<16x396x128xi32, #tpu.memory_space<hbm>> -> memref<1x1x128xi32, #tpu.memory_space<hbm>>
      %dma_wait3A_343 = tpu.memref_squeeze %dma_wait3A_342 : memref<1x1x128xi32, #tpu.memory_space<hbm>> -> memref<128xi32, #tpu.memory_space<hbm>>
      tpu.wait_dma2 semaphore(%run_scoped3A_331 : memref<!tpu.dma_semaphore, #tpu.memory_space<semaphore_mem>>) src(%dma_wait3A_343 : memref<128xi32, #tpu.memory_space<hbm>>) dst(%arg19 : memref<128xi32, #tpu.memory_space<vmem>>)
      tpu.yield
    }) : () -> ()
    %get3A_160 = arith.constant 0 : index
    %get3A_161 = tpu.vector_load %arg18[%get3A_160] {strides = array<i32>} : memref<128xi32, #tpu.memory_space<vmem>>, vector<16xi32>,
    %get3A_162 = vector.shape_cast %get3A_161 : vector<16xi32> to vector<16xi32>
    %add3A_163 = vector.broadcast %mul3A_0 : i32 to vector<16xi32>
    %add3A_164 = arith.addi %get3A_162, %add3A_163 : vector<16xi32>
    %swap3A_165 = arith.constant 0 : index
    %swap3A_166 = tpu.vector_load %arg20[%swap3A_165] {strides = array<i32>} : memref<128xi32, #tpu.memory_space<vmem>>, vector<16xi32>,
    %swap3A_167 = vector.shape_cast %swap3A_166 : vector<16xi32> to vector<16xi32>
    %swap3A_168 = vector.shape_cast %add3A_164 : vector<16xi32> to vector<16xi32>
    tpu.vector_store %arg20[%swap3A_165], %swap3A_168 {strides = array<i32>} : memref<128xi32, #tpu.memory_space<vmem>>, vector<16xi32>,
    %get3A_169 = arith.constant 0 : index
    %get3A_170 = tpu.vector_load %arg19[%get3A_169] {strides = array<i32>} : memref<128xi32, #tpu.memory_space<vmem>>, vector<16xi32>,
    %get3A_171 = vector.shape_cast %get3A_170 : vector<16xi32> to vector<16xi32>
    %add3A_172 = vector.broadcast %mul3A_2 : i32 to vector<16xi32>
    %add3A_173 = arith.addi %get3A_171, %add3A_172 : vector<16xi32>
    %swap3A_174 = arith.constant 0 : index
    %swap3A_175 = tpu.vector_load %arg21[%swap3A_174] {strides = array<i32>} : memref<128xi32, #tpu.memory_space<vmem>>, vector<16xi32>,
    %swap3A_176 = vector.shape_cast %swap3A_175 : vector<16xi32> to vector<16xi32>
    %swap3A_177 = vector.shape_cast %add3A_173 : vector<16xi32> to vector<16xi32>
    tpu.vector_store %arg21[%swap3A_174], %swap3A_177 {strides = array<i32>} : memref<128xi32, #tpu.memory_space<vmem>>, vector<16xi32>,
    %get3A_178 = arith.constant 16 : index
    %get3A_179 = tpu.vector_load %arg18[%get3A_178] {strides = array<i32>} : memref<128xi32, #tpu.memory_space<vmem>>, vector<16xi32>,
    %get3A_180 = vector.shape_cast %get3A_179 : vector<16xi32> to vector<16xi32>
    %add3A_181 = vector.broadcast %mul3A_0 : i32 to vector<16xi32>
    %add3A_182 = arith.addi %get3A_180, %add3A_181 : vector<16xi32>
    %swap3A_183 = arith.constant 16 : index
    %swap3A_184 = tpu.vector_load %arg20[%swap3A_183] {strides = array<i32>} : memref<128xi32, #tpu.memory_space<vmem>>, vector<16xi32>,
    %swap3A_185 = vector.shape_cast %swap3A_184 : vector<16xi32> to vector<16xi32>
    %swap3A_186 = vector.shape_cast %add3A_182 : vector<16xi32> to vector<16xi32>
    tpu.vector_store %arg20[%swap3A_183], %swap3A_186 {strides = array<i32>} : memref<128xi32, #tpu.memory_space<vmem>>, vector<16xi32>,
    %get3A_187 = arith.constant 16 : index
    %get3A_188 = tpu.vector_load %arg19[%get3A_187] {strides = array<i32>} : memref<128xi32, #tpu.memory_space<vmem>>, vector<16xi32>,
    %get3A_189 = vector.shape_cast %get3A_188 : vector<16xi32> to vector<16xi32>
    %add3A_190 = vector.broadcast %mul3A_2 : i32 to vector<16xi32>
    %add3A_191 = arith.addi %get3A_189, %add3A_190 : vector<16xi32>
    %swap3A_192 = arith.constant 16 : index
    %swap3A_193 = tpu.vector_load %arg21[%swap3A_192] {strides = array<i32>} : memref<128xi32, #tpu.memory_space<vmem>>, vector<16xi32>,
    %swap3A_194 = vector.shape_cast %swap3A_193 : vector<16xi32> to vector<16xi32>
    %swap3A_195 = vector.shape_cast %add3A_191 : vector<16xi32> to vector<16xi32>
    tpu.vector_store %arg21[%swap3A_192], %swap3A_195 {strides = array<i32>} : memref<128xi32, #tpu.memory_space<vmem>>, vector<16xi32>,
    %get3A_196 = arith.constant 32 : index
    %get3A_197 = tpu.vector_load %arg18[%get3A_196] {strides = array<i32>} : memref<128xi32, #tpu.memory_space<vmem>>, vector<16xi32>,
    %get3A_198 = vector.shape_cast %get3A_197 : vector<16xi32> to vector<16xi32>
    %add3A_199 = vector.broadcast %mul3A_0 : i32 to vector<16xi32>
    %add3A_200 = arith.addi %get3A_198, %add3A_199 : vector<16xi32>
    %swap3A_201 = arith.constant 32 : index
    %swap3A_202 = tpu.vector_load %arg20[%swap3A_201] {strides = array<i32>} : memref<128xi32, #tpu.memory_space<vmem>>, vector<16xi32>,
    %swap3A_203 = vector.shape_cast %swap3A_202 : vector<16xi32> to vector<16xi32>
    %swap3A_204 = vector.shape_cast %add3A_200 : vector<16xi32> to vector<16xi32>
    tpu.vector_store %arg20[%swap3A_201], %swap3A_204 {strides = array<i32>} : memref<128xi32, #tpu.memory_space<vmem>>, vector<16xi32>,
    %get3A_205 = arith.constant 32 : index
    %get3A_206 = tpu.vector_load %arg19[%get3A_205] {strides = array<i32>} : memref<128xi32, #tpu.memory_space<vmem>>, vector<16xi32>,
    %get3A_207 = vector.shape_cast %get3A_206 : vector<16xi32> to vector<16xi32>
    %add3A_208 = vector.broadcast %mul3A_2 : i32 to vector<16xi32>
    %add3A_209 = arith.addi %get3A_207, %add3A_208 : vector<16xi32>
    %swap3A_210 = arith.constant 32 : index
    %swap3A_211 = tpu.vector_load %arg21[%swap3A_210] {strides = array<i32>} : memref<128xi32, #tpu.memory_space<vmem>>, vector<16xi32>,
    %swap3A_212 = vector.shape_cast %swap3A_211 : vector<16xi32> to vector<16xi32>
    %swap3A_213 = vector.shape_cast %add3A_209 : vector<16xi32> to vector<16xi32>
    tpu.vector_store %arg21[%swap3A_210], %swap3A_213 {strides = array<i32>} : memref<128xi32, #tpu.memory_space<vmem>>, vector<16xi32>,
    %get3A_214 = arith.constant 48 : index
    %get3A_215 = tpu.vector_load %arg18[%get3A_214] {strides = array<i32>} : memref<128xi32, #tpu.memory_space<vmem>>, vector<16xi32>,
    %get3A_216 = vector.shape_cast %get3A_215 : vector<16xi32> to vector<16xi32>
    %add3A_217 = vector.broadcast %mul3A_0 : i32 to vector<16xi32>
    %add3A_218 = arith.addi %get3A_216, %add3A_217 : vector<16xi32>
    %swap3A_219 = arith.constant 48 : index
    %swap3A_220 = tpu.vector_load %arg20[%swap3A_219] {strides = array<i32>} : memref<128xi32, #tpu.memory_space<vmem>>, vector<16xi32>,
    %swap3A_221 = vector.shape_cast %swap3A_220 : vector<16xi32> to vector<16xi32>
    %swap3A_222 = vector.shape_cast %add3A_218 : vector<16xi32> to vector<16xi32>
    tpu.vector_store %arg20[%swap3A_219], %swap3A_222 {strides = array<i32>} : memref<128xi32, #tpu.memory_space<vmem>>, vector<16xi32>,
    %get3A_223 = arith.constant 48 : index
    %get3A_224 = tpu.vector_load %arg19[%get3A_223] {strides = array<i32>} : memref<128xi32, #tpu.memory_space<vmem>>, vector<16xi32>,
    %get3A_225 = vector.shape_cast %get3A_224 : vector<16xi32> to vector<16xi32>
    %add3A_226 = vector.broadcast %mul3A_2 : i32 to vector<16xi32>
    %add3A_227 = arith.addi %get3A_225, %add3A_226 : vector<16xi32>
    %swap3A_228 = arith.constant 48 : index
    %swap3A_229 = tpu.vector_load %arg21[%swap3A_228] {strides = array<i32>} : memref<128xi32, #tpu.memory_space<vmem>>, vector<16xi32>,
    %swap3A_230 = vector.shape_cast %swap3A_229 : vector<16xi32> to vector<16xi32>
    %swap3A_231 = vector.shape_cast %add3A_227 : vector<16xi32> to vector<16xi32>
    tpu.vector_store %arg21[%swap3A_228], %swap3A_231 {strides = array<i32>} : memref<128xi32, #tpu.memory_space<vmem>>, vector<16xi32>,
    %get3A_232 = arith.constant 64 : index
    %get3A_233 = tpu.vector_load %arg18[%get3A_232] {strides = array<i32>} : memref<128xi32, #tpu.memory_space<vmem>>, vector<16xi32>,
    %get3A_234 = vector.shape_cast %get3A_233 : vector<16xi32> to vector<16xi32>
    %add3A_235 = vector.broadcast %mul3A_0 : i32 to vector<16xi32>
    %add3A_236 = arith.addi %get3A_234, %add3A_235 : vector<16xi32>
    %swap3A_237 = arith.constant 64 : index
    %swap3A_238 = tpu.vector_load %arg20[%swap3A_237] {strides = array<i32>} : memref<128xi32, #tpu.memory_space<vmem>>, vector<16xi32>,
    %swap3A_239 = vector.shape_cast %swap3A_238 : vector<16xi32> to vector<16xi32>
    %swap3A_240 = vector.shape_cast %add3A_236 : vector<16xi32> to vector<16xi32>
    tpu.vector_store %arg20[%swap3A_237], %swap3A_240 {strides = array<i32>} : memref<128xi32, #tpu.memory_space<vmem>>, vector<16xi32>,
    %get3A_241 = arith.constant 64 : index
    %get3A_242 = tpu.vector_load %arg19[%get3A_241] {strides = array<i32>} : memref<128xi32, #tpu.memory_space<vmem>>, vector<16xi32>,
    %get3A_243 = vector.shape_cast %get3A_242 : vector<16xi32> to vector<16xi32>
    %add3A_244 = vector.broadcast %mul3A_2 : i32 to vector<16xi32>
    %add3A_245 = arith.addi %get3A_243, %add3A_244 : vector<16xi32>
    %swap3A_246 = arith.constant 64 : index
    %swap3A_247 = tpu.vector_load %arg21[%swap3A_246] {strides = array<i32>} : memref<128xi32, #tpu.memory_space<vmem>>, vector<16xi32>,
    %swap3A_248 = vector.shape_cast %swap3A_247 : vector<16xi32> to vector<16xi32>
    %swap3A_249 = vector.shape_cast %add3A_245 : vector<16xi32> to vector<16xi32>
    tpu.vector_store %arg21[%swap3A_246], %swap3A_249 {strides = array<i32>} : memref<128xi32, #tpu.memory_space<vmem>>, vector<16xi32>,
    %get3A_250 = arith.constant 80 : index
    %get3A_251 = tpu.vector_load %arg18[%get3A_250] {strides = array<i32>} : memref<128xi32, #tpu.memory_space<vmem>>, vector<16xi32>,
    %get3A_252 = vector.shape_cast %get3A_251 : vector<16xi32> to vector<16xi32>
    %add3A_253 = vector.broadcast %mul3A_0 : i32 to vector<16xi32>
    %add3A_254 = arith.addi %get3A_252, %add3A_253 : vector<16xi32>
    %swap3A_255 = arith.constant 80 : index
    %swap3A_256 = tpu.vector_load %arg20[%swap3A_255] {strides = array<i32>} : memref<128xi32, #tpu.memory_space<vmem>>, vector<16xi32>,
    %swap3A_257 = vector.shape_cast %swap3A_256 : vector<16xi32> to vector<16xi32>
    %swap3A_258 = vector.shape_cast %add3A_254 : vector<16xi32> to vector<16xi32>
    tpu.vector_store %arg20[%swap3A_255], %swap3A_258 {strides = array<i32>} : memref<128xi32, #tpu.memory_space<vmem>>, vector<16xi32>,
    %get3A_259 = arith.constant 80 : index
    %get3A_260 = tpu.vector_load %arg19[%get3A_259] {strides = array<i32>} : memref<128xi32, #tpu.memory_space<vmem>>, vector<16xi32>,
    %get3A_261 = vector.shape_cast %get3A_260 : vector<16xi32> to vector<16xi32>
    %add3A_262 = vector.broadcast %mul3A_2 : i32 to vector<16xi32>
    %add3A_263 = arith.addi %get3A_261, %add3A_262 : vector<16xi32>
    %swap3A_264 = arith.constant 80 : index
    %swap3A_265 = tpu.vector_load %arg21[%swap3A_264] {strides = array<i32>} : memref<128xi32, #tpu.memory_space<vmem>>, vector<16xi32>,
    %swap3A_266 = vector.shape_cast %swap3A_265 : vector<16xi32> to vector<16xi32>
    %swap3A_267 = vector.shape_cast %add3A_263 : vector<16xi32> to vector<16xi32>
    tpu.vector_store %arg21[%swap3A_264], %swap3A_267 {strides = array<i32>} : memref<128xi32, #tpu.memory_space<vmem>>, vector<16xi32>,
    %get3A_268 = arith.constant 96 : index
    %get3A_269 = tpu.vector_load %arg18[%get3A_268] {strides = array<i32>} : memref<128xi32, #tpu.memory_space<vmem>>, vector<16xi32>,
    %get3A_270 = vector.shape_cast %get3A_269 : vector<16xi32> to vector<16xi32>
    %add3A_271 = vector.broadcast %mul3A_0 : i32 to vector<16xi32>
    %add3A_272 = arith.addi %get3A_270, %add3A_271 : vector<16xi32>
    %swap3A_273 = arith.constant 96 : index
    %swap3A_274 = tpu.vector_load %arg20[%swap3A_273] {strides = array<i32>} : memref<128xi32, #tpu.memory_space<vmem>>, vector<16xi32>,
    %swap3A_275 = vector.shape_cast %swap3A_274 : vector<16xi32> to vector<16xi32>
    %swap3A_276 = vector.shape_cast %add3A_272 : vector<16xi32> to vector<16xi32>
    tpu.vector_store %arg20[%swap3A_273], %swap3A_276 {strides = array<i32>} : memref<128xi32, #tpu.memory_space<vmem>>, vector<16xi32>,
    %get3A_277 = arith.constant 96 : index
    %get3A_278 = tpu.vector_load %arg19[%get3A_277] {strides = array<i32>} : memref<128xi32, #tpu.memory_space<vmem>>, vector<16xi32>,
    %get3A_279 = vector.shape_cast %get3A_278 : vector<16xi32> to vector<16xi32>
    %add3A_280 = vector.broadcast %mul3A_2 : i32 to vector<16xi32>
    %add3A_281 = arith.addi %get3A_279, %add3A_280 : vector<16xi32>
    %swap3A_282 = arith.constant 96 : index
    %swap3A_283 = tpu.vector_load %arg21[%swap3A_282] {strides = array<i32>} : memref<128xi32, #tpu.memory_space<vmem>>, vector<16xi32>,
    %swap3A_284 = vector.shape_cast %swap3A_283 : vector<16xi32> to vector<16xi32>
    %swap3A_285 = vector.shape_cast %add3A_281 : vector<16xi32> to vector<16xi32>
    tpu.vector_store %arg21[%swap3A_282], %swap3A_285 {strides = array<i32>} : memref<128xi32, #tpu.memory_space<vmem>>, vector<16xi32>,
    %get3A_286 = arith.constant 112 : index
    %get3A_287 = tpu.vector_load %arg18[%get3A_286] {strides = array<i32>} : memref<128xi32, #tpu.memory_space<vmem>>, vector<16xi32>,
    %get3A_288 = vector.shape_cast %get3A_287 : vector<16xi32> to vector<16xi32>
    %add3A_289 = vector.broadcast %mul3A_0 : i32 to vector<16xi32>
    %add3A_290 = arith.addi %get3A_288, %add3A_289 : vector<16xi32>
    %swap3A_291 = arith.constant 112 : index
    %swap3A_292 = tpu.vector_load %arg20[%swap3A_291] {strides = array<i32>} : memref<128xi32, #tpu.memory_space<vmem>>, vector<16xi32>,
    %swap3A_293 = vector.shape_cast %swap3A_292 : vector<16xi32> to vector<16xi32>
    %swap3A_294 = vector.shape_cast %add3A_290 : vector<16xi32> to vector<16xi32>
    tpu.vector_store %arg20[%swap3A_291], %swap3A_294 {strides = array<i32>} : memref<128xi32, #tpu.memory_space<vmem>>, vector<16xi32>,
    %get3A_295 = arith.constant 112 : index
    %get3A_296 = tpu.vector_load %arg19[%get3A_295] {strides = array<i32>} : memref<128xi32, #tpu.memory_space<vmem>>, vector<16xi32>,
    %get3A_297 = vector.shape_cast %get3A_296 : vector<16xi32> to vector<16xi32>
    %add3A_298 = vector.broadcast %mul3A_2 : i32 to vector<16xi32>
    %add3A_299 = arith.addi %get3A_297, %add3A_298 : vector<16xi32>
    %swap3A_300 = arith.constant 112 : index
    %swap3A_301 = tpu.vector_load %arg21[%swap3A_300] {strides = array<i32>} : memref<128xi32, #tpu.memory_space<vmem>>, vector<16xi32>,
    %swap3A_302 = vector.shape_cast %swap3A_301 : vector<16xi32> to vector<16xi32>
    %swap3A_303 = vector.shape_cast %add3A_299 : vector<16xi32> to vector<16xi32>
    tpu.vector_store %arg21[%swap3A_300], %swap3A_303 {strides = array<i32>} : memref<128xi32, #tpu.memory_space<vmem>>, vector<16xi32>,
    %dma_start3A_304 = arith.constant 0 : i32
    %dma_start3A_305 = arith.constant 0 : i32
    %dma_start3A_306 = tpu.memref_slice %arg4[%dma_start3A_304, %dma_start3A_305] : memref<81920x32xf32, #tpu.memory_space<hbm>> -> memref<81920x32xf32, #tpu.memory_space<hbm>>
    tpu.enqueue_indirect_dma source(%dma_start3A_306 : memref<81920x32xf32, #tpu.memory_space<hbm>>) target(%arg22 : memref<128x32xf32, #tpu.memory_space<vmem>>) offsets(%arg20 : memref<128xi32, #tpu.memory_space<vmem>>) semaphore(%arg34 : memref<!tpu.dma_semaphore, #tpu.memory_space<semaphore_mem>>)
    %dma_start3A_307 = arith.constant 0 : i32
    %dma_start3A_308 = arith.constant 0 : i32
    %dma_start3A_309 = tpu.memref_slice %arg5[%dma_start3A_307, %dma_start3A_308] : memref<20480x32xf32, #tpu.memory_space<hbm>> -> memref<20480x32xf32, #tpu.memory_space<hbm>>
    tpu.enqueue_indirect_dma source(%dma_start3A_309 : memref<20480x32xf32, #tpu.memory_space<hbm>>) target(%arg23 : memref<128x32xf32, #tpu.memory_space<vmem>>) offsets(%arg21 : memref<128xi32, #tpu.memory_space<vmem>>) semaphore(%arg35 : memref<!tpu.dma_semaphore, #tpu.memory_space<semaphore_mem>>)
    %scan3A = arith.constant 0 : i32
    %scan3A_310 = arith.constant 0 : i32
    %scan3A_311 = arith.constant 132 : i32
    %scan3A_312 = arith.addi %scan3A_310, %scan3A_311 : i32
    %scan3A_313 = arith.constant 1 : i32
    scf.for %scan3A_331 = %scan3A_310 to %scan3A_312 step %scan3A_313  : i32 {
      %mul3A_332 = arith.constant 3 : i32
      %mul3A_333 = arith.muli %mul3A_332, %scan3A_331 : i32
      %add3A_334 = arith.constant 0 : i32
      %add3A_335 = arith.addi %mul3A_333, %add3A_334 : i32
      %dma_wait3A_336 = arith.constant 0 : i32
      %dma_wait3A_337 = arith.constant 0 : i32
      %dma_wait3A_338 = tpu.memref_slice %arg4[%dma_wait3A_336, %dma_wait3A_337] : memref<81920x32xf32, #tpu.memory_space<hbm>> -> memref<81920x32xf32, #tpu.memory_space<hbm>>
      tpu.wait_indirect_dma semaphore(%arg30 : memref<!tpu.dma_semaphore, #tpu.memory_space<semaphore_mem>>) src(%dma_wait3A_338 : memref<81920x32xf32, #tpu.memory_space<hbm>>) dst(%arg16 : memref<128x32xf32, #tpu.memory_space<vmem>>)
      %dma_wait3A_339 = arith.constant 0 : i32
      %dma_wait3A_340 = arith.constant 0 : i32
      %dma_wait3A_341 = tpu.memref_slice %arg5[%dma_wait3A_339, %dma_wait3A_340] : memref<20480x32xf32, #tpu.memory_space<hbm>> -> memref<20480x32xf32, #tpu.memory_space<hbm>>
      tpu.wait_indirect_dma semaphore(%arg31 : memref<!tpu.dma_semaphore, #tpu.memory_space<semaphore_mem>>) src(%dma_wait3A_341 : memref<20480x32xf32, #tpu.memory_space<hbm>>) dst(%arg17 : memref<128x32xf32, #tpu.memory_space<vmem>>)
      %dma_start3A_342 = arith.constant 0 : i32
      %dma_start3A_343 = arith.constant 0 : i32
      %dma_start3A_344 = tpu.memref_slice %arg10[%dma_start3A_342, %dma_start3A_343] : memref<40960x32xf32, #tpu.memory_space<vmem_shared>> -> memref<40960x32xf32, #tpu.memory_space<vmem_shared>>
      tpu.enqueue_indirect_dma source(%arg17 : memref<128x32xf32, #tpu.memory_space<vmem>>) target(%dma_start3A_344 : memref<40960x32xf32, #tpu.memory_space<vmem_shared>>) offsets(%arg12 : memref<128xi32, #tpu.memory_space<vmem>>) semaphore(%arg32 : memref<!tpu.dma_semaphore, #tpu.memory_space<semaphore_mem>>) {add = true}
      %dma_start3A_345 = arith.constant 0 : i32
      %dma_start3A_346 = arith.constant 0 : i32
      %dma_start3A_347 = tpu.memref_slice %arg11[%dma_start3A_345, %dma_start3A_346] : memref<10240x32xf32, #tpu.memory_space<vmem_shared>> -> memref<10240x32xf32, #tpu.memory_space<vmem_shared>>
      tpu.enqueue_indirect_dma source(%arg16 : memref<128x32xf32, #tpu.memory_space<vmem>>) target(%dma_start3A_347 : memref<10240x32xf32, #tpu.memory_space<vmem_shared>>) offsets(%arg13 : memref<128xi32, #tpu.memory_space<vmem>>) semaphore(%arg33 : memref<!tpu.dma_semaphore, #tpu.memory_space<semaphore_mem>>) {add = true}
      %ge3A = arith.constant 1 : i32
      %ge3A_348 = arith.cmpi sge, %add3A_335, %ge3A : i32
      %convert_element_type3A = arith.extui %ge3A_348 : i1 to i32
      %cond3A = arith.constant 0 : i32
      %cond3A_349 = arith.cmpi ne, %convert_element_type3A, %cond3A : i32
      scf.if %cond3A_349 {
        %dma_wait3A_412 = arith.constant 0 : i32
        %dma_wait3A_413 = arith.constant 0 : i32
        %dma_wait3A_414 = tpu.memref_slice %arg10[%dma_wait3A_412, %dma_wait3A_413] : memref<40960x32xf32, #tpu.memory_space<vmem_shared>> -> memref<40960x32xf32, #tpu.memory_space<vmem_shared>>
        tpu.wait_indirect_dma semaphore(%arg40 : memref<!tpu.dma_semaphore, #tpu.memory_space<semaphore_mem>>) src(%arg29 : memref<128x32xf32, #tpu.memory_space<vmem>>) dst(%dma_wait3A_414 : memref<40960x32xf32, #tpu.memory_space<vmem_shared>>)
        %dma_wait3A_415 = arith.constant 0 : i32
        %dma_wait3A_416 = arith.constant 0 : i32
        %dma_wait3A_417 = tpu.memref_slice %arg11[%dma_wait3A_415, %dma_wait3A_416] : memref<10240x32xf32, #tpu.memory_space<vmem_shared>> -> memref<10240x32xf32, #tpu.memory_space<vmem_shared>>
        tpu.wait_indirect_dma semaphore(%arg41 : memref<!tpu.dma_semaphore, #tpu.memory_space<semaphore_mem>>) src(%arg28 : memref<128x32xf32, #tpu.memory_space<vmem>>) dst(%dma_wait3A_417 : memref<10240x32xf32, #tpu.memory_space<vmem_shared>>)
      } else {
      }
      %add3A_350 = arith.constant 2 : i32
      %add3A_351 = arith.addi %add3A_335, %add3A_350 : i32
      %lt3A = arith.constant 396 : i32
      %lt3A_352 = arith.cmpi slt, %add3A_351, %lt3A : i32
      %convert_element_type3A_353 = arith.extui %lt3A_352 : i1 to i32
      %cond3A_354 = arith.constant 0 : i32
      %cond3A_355 = arith.cmpi ne, %convert_element_type3A_353, %cond3A_354 : i32
      scf.if %cond3A_355 {
        %add3A_412 = arith.constant 2 : i32
        %add3A_413 = arith.addi %add3A_335, %add3A_412 : i32
        "tpu.region"() ({
          %run_scoped3A_564 = tpu.sem_alloc : memref<!tpu.dma_semaphore, #tpu.memory_space<semaphore_mem>>
          %dma_start3A_565 = arith.constant 0 : i32
          %dma_start3A_566 = tpu.memref_slice %arg2[%arg1, %add3A_413, %dma_start3A_565] : memref<16x396x128xi32, #tpu.memory_space<hbm>> -> memref<1x1x128xi32, #tpu.memory_space<hbm>>
          %dma_start3A_567 = tpu.memref_squeeze %dma_start3A_566 : memref<1x1x128xi32, #tpu.memory_space<hbm>> -> memref<128xi32, #tpu.memory_space<hbm>>
          %dma_start3A_568 = arith.constant 0 : i32
          %dma_start3A_569 = tpu.memref_slice %arg2[%arg1, %add3A_413, %dma_start3A_568] : memref<16x396x128xi32, #tpu.memory_space<hbm>> -> memref<1x1x128xi32, #tpu.memory_space<hbm>>
          %dma_start3A_570 = tpu.memref_squeeze %dma_start3A_569 : memref<1x1x128xi32, #tpu.memory_space<hbm>> -> memref<128xi32, #tpu.memory_space<hbm>>
          tpu.enqueue_dma source(%dma_start3A_570 : memref<128xi32, #tpu.memory_space<hbm>>) target(%arg24 : memref<128xi32, #tpu.memory_space<vmem>>) target_semaphore(%run_scoped3A_564 : memref<!tpu.dma_semaphore, #tpu.memory_space<semaphore_mem>>)
          %dma_wait3A_571 = arith.constant 0 : i32
          %dma_wait3A_572 = tpu.memref_slice %arg2[%arg1, %add3A_413, %dma_wait3A_571] : memref<16x396x128xi32, #tpu.memory_space<hbm>> -> memref<1x1x128xi32, #tpu.memory_space<hbm>>
          %dma_wait3A_573 = tpu.memref_squeeze %dma_wait3A_572 : memref<1x1x128xi32, #tpu.memory_space<hbm>> -> memref<128xi32, #tpu.memory_space<hbm>>
          %dma_wait3A_574 = arith.constant 0 : i32
          %dma_wait3A_575 = tpu.memref_slice %arg2[%arg1, %add3A_413, %dma_wait3A_574] : memref<16x396x128xi32, #tpu.memory_space<hbm>> -> memref<1x1x128xi32, #tpu.memory_space<hbm>>
          %dma_wait3A_576 = tpu.memref_squeeze %dma_wait3A_575 : memref<1x1x128xi32, #tpu.memory_space<hbm>> -> memref<128xi32, #tpu.memory_space<hbm>>
          tpu.wait_dma2 semaphore(%run_scoped3A_564 : memref<!tpu.dma_semaphore, #tpu.memory_space<semaphore_mem>>) src(%dma_wait3A_576 : memref<128xi32, #tpu.memory_space<hbm>>) dst(%arg24 : memref<128xi32, #tpu.memory_space<vmem>>)
          tpu.yield
        }) : () -> ()
        "tpu.region"() ({
          %run_scoped3A_564 = tpu.sem_alloc : memref<!tpu.dma_semaphore, #tpu.memory_space<semaphore_mem>>
          %dma_start3A_565 = arith.constant 0 : i32
          %dma_start3A_566 = tpu.memref_slice %arg3[%arg1, %add3A_413, %dma_start3A_565] : memref<16x396x128xi32, #tpu.memory_space<hbm>> -> memref<1x1x128xi32, #tpu.memory_space<hbm>>
          %dma_start3A_567 = tpu.memref_squeeze %dma_start3A_566 : memref<1x1x128xi32, #tpu.memory_space<hbm>> -> memref<128xi32, #tpu.memory_space<hbm>>
          %dma_start3A_568 = arith.constant 0 : i32
          %dma_start3A_569 = tpu.memref_slice %arg3[%arg1, %add3A_413, %dma_start3A_568] : memref<16x396x128xi32, #tpu.memory_space<hbm>> -> memref<1x1x128xi32, #tpu.memory_space<hbm>>
          %dma_start3A_570 = tpu.memref_squeeze %dma_start3A_569 : memref<1x1x128xi32, #tpu.memory_space<hbm>> -> memref<128xi32, #tpu.memory_space<hbm>>
          tpu.enqueue_dma source(%dma_start3A_570 : memref<128xi32, #tpu.memory_space<hbm>>) target(%arg25 : memref<128xi32, #tpu.memory_space<vmem>>) target_semaphore(%run_scoped3A_564 : memref<!tpu.dma_semaphore, #tpu.memory_space<semaphore_mem>>)
          %dma_wait3A_571 = arith.constant 0 : i32
          %dma_wait3A_572 = tpu.memref_slice %arg3[%arg1, %add3A_413, %dma_wait3A_571] : memref<16x396x128xi32, #tpu.memory_space<hbm>> -> memref<1x1x128xi32, #tpu.memory_space<hbm>>
          %dma_wait3A_573 = tpu.memref_squeeze %dma_wait3A_572 : memref<1x1x128xi32, #tpu.memory_space<hbm>> -> memref<128xi32, #tpu.memory_space<hbm>>
          %dma_wait3A_574 = arith.constant 0 : i32
          %dma_wait3A_575 = tpu.memref_slice %arg3[%arg1, %add3A_413, %dma_wait3A_574] : memref<16x396x128xi32, #tpu.memory_space<hbm>> -> memref<1x1x128xi32, #tpu.memory_space<hbm>>
          %dma_wait3A_576 = tpu.memref_squeeze %dma_wait3A_575 : memref<1x1x128xi32, #tpu.memory_space<hbm>> -> memref<128xi32, #tpu.memory_space<hbm>>
          tpu.wait_dma2 semaphore(%run_scoped3A_564 : memref<!tpu.dma_semaphore, #tpu.memory_space<semaphore_mem>>) src(%dma_wait3A_576 : memref<128xi32, #tpu.memory_space<hbm>>) dst(%arg25 : memref<128xi32, #tpu.memory_space<vmem>>)
          tpu.yield
        }) : () -> ()
        %get3A_414 = arith.constant 0 : index
        %get3A_415 = tpu.vector_load %arg24[%get3A_414] {strides = array<i32>} : memref<128xi32, #tpu.memory_space<vmem>>, vector<16xi32>,
        %get3A_416 = vector.shape_cast %get3A_415 : vector<16xi32> to vector<16xi32>
        %add3A_417 = vector.broadcast %mul3A_0 : i32 to vector<16xi32>
        %add3A_418 = arith.addi %get3A_416, %add3A_417 : vector<16xi32>
        %swap3A_419 = arith.constant 0 : index
        %swap3A_420 = tpu.vector_load %arg26[%swap3A_419] {strides = array<i32>} : memref<128xi32, #tpu.memory_space<vmem>>, vector<16xi32>,
        %swap3A_421 = vector.shape_cast %swap3A_420 : vector<16xi32> to vector<16xi32>
        %swap3A_422 = vector.shape_cast %add3A_418 : vector<16xi32> to vector<16xi32>
        tpu.vector_store %arg26[%swap3A_419], %swap3A_422 {strides = array<i32>} : memref<128xi32, #tpu.memory_space<vmem>>, vector<16xi32>,
        %get3A_423 = arith.constant 0 : index
        %get3A_424 = tpu.vector_load %arg25[%get3A_423] {strides = array<i32>} : memref<128xi32, #tpu.memory_space<vmem>>, vector<16xi32>,
        %get3A_425 = vector.shape_cast %get3A_424 : vector<16xi32> to vector<16xi32>
        %add3A_426 = vector.broadcast %mul3A_2 : i32 to vector<16xi32>
        %add3A_427 = arith.addi %get3A_425, %add3A_426 : vector<16xi32>
        %swap3A_428 = arith.constant 0 : index
        %swap3A_429 = tpu.vector_load %arg27[%swap3A_428] {strides = array<i32>} : memref<128xi32, #tpu.memory_space<vmem>>, vector<16xi32>,
        %swap3A_430 = vector.shape_cast %swap3A_429 : vector<16xi32> to vector<16xi32>
        %swap3A_431 = vector.shape_cast %add3A_427 : vector<16xi32> to vector<16xi32>
        tpu.vector_store %arg27[%swap3A_428], %swap3A_431 {strides = array<i32>} : memref<128xi32, #tpu.memory_space<vmem>>, vector<16xi32>,
        %get3A_432 = arith.constant 16 : index
        %get3A_433 = tpu.vector_load %arg24[%get3A_432] {strides = array<i32>} : memref<128xi32, #tpu.memory_space<vmem>>, vector<16xi32>,
        %get3A_434 = vector.shape_cast %get3A_433 : vector<16xi32> to vector<16xi32>
        %add3A_435 = vector.broadcast %mul3A_0 : i32 to vector<16xi32>
        %add3A_436 = arith.addi %get3A_434, %add3A_435 : vector<16xi32>
        %swap3A_437 = arith.constant 16 : index
        %swap3A_438 = tpu.vector_load %arg26[%swap3A_437] {strides = array<i32>} : memref<128xi32, #tpu.memory_space<vmem>>, vector<16xi32>,
        %swap3A_439 = vector.shape_cast %swap3A_438 : vector<16xi32> to vector<16xi32>
        %swap3A_440 = vector.shape_cast %add3A_436 : vector<16xi32> to vector<16xi32>
        tpu.vector_store %arg26[%swap3A_437], %swap3A_440 {strides = array<i32>} : memref<128xi32, #tpu.memory_space<vmem>>, vector<16xi32>,
        %get3A_441 = arith.constant 16 : index
        %get3A_442 = tpu.vector_load %arg25[%get3A_441] {strides = array<i32>} : memref<128xi32, #tpu.memory_space<vmem>>, vector<16xi32>,
        %get3A_443 = vector.shape_cast %get3A_442 : vector<16xi32> to vector<16xi32>
        %add3A_444 = vector.broadcast %mul3A_2 : i32 to vector<16xi32>
        %add3A_445 = arith.addi %get3A_443, %add3A_444 : vector<16xi32>
        %swap3A_446 = arith.constant 16 : index
        %swap3A_447 = tpu.vector_load %arg27[%swap3A_446] {strides = array<i32>} : memref<128xi32, #tpu.memory_space<vmem>>, vector<16xi32>,
        %swap3A_448 = vector.shape_cast %swap3A_447 : vector<16xi32> to vector<16xi32>
        %swap3A_449 = vector.shape_cast %add3A_445 : vector<16xi32> to vector<16xi32>
        tpu.vector_store %arg27[%swap3A_446], %swap3A_449 {strides = array<i32>} : memref<128xi32, #tpu.memory_space<vmem>>, vector<16xi32>,
        %get3A_450 = arith.constant 32 : index
        %get3A_451 = tpu.vector_load %arg24[%get3A_450] {strides = array<i32>} : memref<128xi32, #tpu.memory_space<vmem>>, vector<16xi32>,
        %get3A_452 = vector.shape_cast %get3A_451 : vector<16xi32> to vector<16xi32>
        %add3A_453 = vector.broadcast %mul3A_0 : i32 to vector<16xi32>
        %add3A_454 = arith.addi %get3A_452, %add3A_453 : vector<16xi32>
        %swap3A_455 = arith.constant 32 : index
        %swap3A_456 = tpu.vector_load %arg26[%swap3A_455] {strides = array<i32>} : memref<128xi32, #tpu.memory_space<vmem>>, vector<16xi32>,
        %swap3A_457 = vector.shape_cast %swap3A_456 : vector<16xi32> to vector<16xi32>
        %swap3A_458 = vector.shape_cast %add3A_454 : vector<16xi32> to vector<16xi32>
        tpu.vector_store %arg26[%swap3A_455], %swap3A_458 {strides = array<i32>} : memref<128xi32, #tpu.memory_space<vmem>>, vector<16xi32>,
        %get3A_459 = arith.constant 32 : index
        %get3A_460 = tpu.vector_load %arg25[%get3A_459] {strides = array<i32>} : memref<128xi32, #tpu.memory_space<vmem>>, vector<16xi32>,
        %get3A_461 = vector.shape_cast %get3A_460 : vector<16xi32> to vector<16xi32>
        %add3A_462 = vector.broadcast %mul3A_2 : i32 to vector<16xi32>
        %add3A_463 = arith.addi %get3A_461, %add3A_462 : vector<16xi32>
        %swap3A_464 = arith.constant 32 : index
        %swap3A_465 = tpu.vector_load %arg27[%swap3A_464] {strides = array<i32>} : memref<128xi32, #tpu.memory_space<vmem>>, vector<16xi32>,
        %swap3A_466 = vector.shape_cast %swap3A_465 : vector<16xi32> to vector<16xi32>
        %swap3A_467 = vector.shape_cast %add3A_463 : vector<16xi32> to vector<16xi32>
        tpu.vector_store %arg27[%swap3A_464], %swap3A_467 {strides = array<i32>} : memref<128xi32, #tpu.memory_space<vmem>>, vector<16xi32>,
        %get3A_468 = arith.constant 48 : index
        %get3A_469 = tpu.vector_load %arg24[%get3A_468] {strides = array<i32>} : memref<128xi32, #tpu.memory_space<vmem>>, vector<16xi32>,
        %get3A_470 = vector.shape_cast %get3A_469 : vector<16xi32> to vector<16xi32>
        %add3A_471 = vector.broadcast %mul3A_0 : i32 to vector<16xi32>
        %add3A_472 = arith.addi %get3A_470, %add3A_471 : vector<16xi32>
        %swap3A_473 = arith.constant 48 : index
        %swap3A_474 = tpu.vector_load %arg26[%swap3A_473] {strides = array<i32>} : memref<128xi32, #tpu.memory_space<vmem>>, vector<16xi32>,
        %swap3A_475 = vector.shape_cast %swap3A_474 : vector<16xi32> to vector<16xi32>
        %swap3A_476 = vector.shape_cast %add3A_472 : vector<16xi32> to vector<16xi32>
        tpu.vector_store %arg26[%swap3A_473], %swap3A_476 {strides = array<i32>} : memref<128xi32, #tpu.memory_space<vmem>>, vector<16xi32>,
        %get3A_477 = arith.constant 48 : index
        %get3A_478 = tpu.vector_load %arg25[%get3A_477] {strides = array<i32>} : memref<128xi32, #tpu.memory_space<vmem>>, vector<16xi32>,
        %get3A_479 = vector.shape_cast %get3A_478 : vector<16xi32> to vector<16xi32>
        %add3A_480 = vector.broadcast %mul3A_2 : i32 to vector<16xi32>
        %add3A_481 = arith.addi %get3A_479, %add3A_480 : vector<16xi32>
        %swap3A_482 = arith.constant 48 : index
        %swap3A_483 = tpu.vector_load %arg27[%swap3A_482] {strides = array<i32>} : memref<128xi32, #tpu.memory_space<vmem>>, vector<16xi32>,
        %swap3A_484 = vector.shape_cast %swap3A_483 : vector<16xi32> to vector<16xi32>
        %swap3A_485 = vector.shape_cast %add3A_481 : vector<16xi32> to vector<16xi32>
        tpu.vector_store %arg27[%swap3A_482], %swap3A_485 {strides = array<i32>} : memref<128xi32, #tpu.memory_space<vmem>>, vector<16xi32>,
        %get3A_486 = arith.constant 64 : index
        %get3A_487 = tpu.vector_load %arg24[%get3A_486] {strides = array<i32>} : memref<128xi32, #tpu.memory_space<vmem>>, vector<16xi32>,
        %get3A_488 = vector.shape_cast %get3A_487 : vector<16xi32> to vector<16xi32>
        %add3A_489 = vector.broadcast %mul3A_0 : i32 to vector<16xi32>
        %add3A_490 = arith.addi %get3A_488, %add3A_489 : vector<16xi32>
        %swap3A_491 = arith.constant 64 : index
        %swap3A_492 = tpu.vector_load %arg26[%swap3A_491] {strides = array<i32>} : memref<128xi32, #tpu.memory_space<vmem>>, vector<16xi32>,
        %swap3A_493 = vector.shape_cast %swap3A_492 : vector<16xi32> to vector<16xi32>
        %swap3A_494 = vector.shape_cast %add3A_490 : vector<16xi32> to vector<16xi32>
        tpu.vector_store %arg26[%swap3A_491], %swap3A_494 {strides = array<i32>} : memref<128xi32, #tpu.memory_space<vmem>>, vector<16xi32>,
        %get3A_495 = arith.constant 64 : index
        %get3A_496 = tpu.vector_load %arg25[%get3A_495] {strides = array<i32>} : memref<128xi32, #tpu.memory_space<vmem>>, vector<16xi32>,
        %get3A_497 = vector.shape_cast %get3A_496 : vector<16xi32> to vector<16xi32>
        %add3A_498 = vector.broadcast %mul3A_2 : i32 to vector<16xi32>
        %add3A_499 = arith.addi %get3A_497, %add3A_498 : vector<16xi32>
        %swap3A_500 = arith.constant 64 : index
        %swap3A_501 = tpu.vector_load %arg27[%swap3A_500] {strides = array<i32>} : memref<128xi32, #tpu.memory_space<vmem>>, vector<16xi32>,
        %swap3A_502 = vector.shape_cast %swap3A_501 : vector<16xi32> to vector<16xi32>
        %swap3A_503 = vector.shape_cast %add3A_499 : vector<16xi32> to vector<16xi32>
        tpu.vector_store %arg27[%swap3A_500], %swap3A_503 {strides = array<i32>} : memref<128xi32, #tpu.memory_space<vmem>>, vector<16xi32>,
        %get3A_504 = arith.constant 80 : index
        %get3A_505 = tpu.vector_load %arg24[%get3A_504] {strides = array<i32>} : memref<128xi32, #tpu.memory_space<vmem>>, vector<16xi32>,
        %get3A_506 = vector.shape_cast %get3A_505 : vector<16xi32> to vector<16xi32>
        %add3A_507 = vector.broadcast %mul3A_0 : i32 to vector<16xi32>
        %add3A_508 = arith.addi %get3A_506, %add3A_507 : vector<16xi32>
        %swap3A_509 = arith.constant 80 : index
        %swap3A_510 = tpu.vector_load %arg26[%swap3A_509] {strides = array<i32>} : memref<128xi32, #tpu.memory_space<vmem>>, vector<16xi32>,
        %swap3A_511 = vector.shape_cast %swap3A_510 : vector<16xi32> to vector<16xi32>
        %swap3A_512 = vector.shape_cast %add3A_508 : vector<16xi32> to vector<16xi32>
        tpu.vector_store %arg26[%swap3A_509], %swap3A_512 {strides = array<i32>} : memref<128xi32, #tpu.memory_space<vmem>>, vector<16xi32>,
        %get3A_513 = arith.constant 80 : index
        %get3A_514 = tpu.vector_load %arg25[%get3A_513] {strides = array<i32>} : memref<128xi32, #tpu.memory_space<vmem>>, vector<16xi32>,
        %get3A_515 = vector.shape_cast %get3A_514 : vector<16xi32> to vector<16xi32>
        %add3A_516 = vector.broadcast %mul3A_2 : i32 to vector<16xi32>
        %add3A_517 = arith.addi %get3A_515, %add3A_516 : vector<16xi32>
        %swap3A_518 = arith.constant 80 : index
        %swap3A_519 = tpu.vector_load %arg27[%swap3A_518] {strides = array<i32>} : memref<128xi32, #tpu.memory_space<vmem>>, vector<16xi32>,
        %swap3A_520 = vector.shape_cast %swap3A_519 : vector<16xi32> to vector<16xi32>
        %swap3A_521 = vector.shape_cast %add3A_517 : vector<16xi32> to vector<16xi32>
        tpu.vector_store %arg27[%swap3A_518], %swap3A_521 {strides = array<i32>} : memref<128xi32, #tpu.memory_space<vmem>>, vector<16xi32>,
        %get3A_522 = arith.constant 96 : index
        %get3A_523 = tpu.vector_load %arg24[%get3A_522] {strides = array<i32>} : memref<128xi32, #tpu.memory_space<vmem>>, vector<16xi32>,
        %get3A_524 = vector.shape_cast %get3A_523 : vector<16xi32> to vector<16xi32>
        %add3A_525 = vector.broadcast %mul3A_0 : i32 to vector<16xi32>
        %add3A_526 = arith.addi %get3A_524, %add3A_525 : vector<16xi32>
        %swap3A_527 = arith.constant 96 : index
        %swap3A_528 = tpu.vector_load %arg26[%swap3A_527] {strides = array<i32>} : memref<128xi32, #tpu.memory_space<vmem>>, vector<16xi32>,
        %swap3A_529 = vector.shape_cast %swap3A_528 : vector<16xi32> to vector<16xi32>
        %swap3A_530 = vector.shape_cast %add3A_526 : vector<16xi32> to vector<16xi32>
        tpu.vector_store %arg26[%swap3A_527], %swap3A_530 {strides = array<i32>} : memref<128xi32, #tpu.memory_space<vmem>>, vector<16xi32>,
        %get3A_531 = arith.constant 96 : index
        %get3A_532 = tpu.vector_load %arg25[%get3A_531] {strides = array<i32>} : memref<128xi32, #tpu.memory_space<vmem>>, vector<16xi32>,
        %get3A_533 = vector.shape_cast %get3A_532 : vector<16xi32> to vector<16xi32>
        %add3A_534 = vector.broadcast %mul3A_2 : i32 to vector<16xi32>
        %add3A_535 = arith.addi %get3A_533, %add3A_534 : vector<16xi32>
        %swap3A_536 = arith.constant 96 : index
        %swap3A_537 = tpu.vector_load %arg27[%swap3A_536] {strides = array<i32>} : memref<128xi32, #tpu.memory_space<vmem>>, vector<16xi32>,
        %swap3A_538 = vector.shape_cast %swap3A_537 : vector<16xi32> to vector<16xi32>
        %swap3A_539 = vector.shape_cast %add3A_535 : vector<16xi32> to vector<16xi32>
        tpu.vector_store %arg27[%swap3A_536], %swap3A_539 {strides = array<i32>} : memref<128xi32, #tpu.memory_space<vmem>>, vector<16xi32>,
        %get3A_540 = arith.constant 112 : index
        %get3A_541 = tpu.vector_load %arg24[%get3A_540] {strides = array<i32>} : memref<128xi32, #tpu.memory_space<vmem>>, vector<16xi32>,
        %get3A_542 = vector.shape_cast %get3A_541 : vector<16xi32> to vector<16xi32>
        %add3A_543 = vector.broadcast %mul3A_0 : i32 to vector<16xi32>
        %add3A_544 = arith.addi %get3A_542, %add3A_543 : vector<16xi32>
        %swap3A_545 = arith.constant 112 : index
        %swap3A_546 = tpu.vector_load %arg26[%swap3A_545] {strides = array<i32>} : memref<128xi32, #tpu.memory_space<vmem>>, vector<16xi32>,
        %swap3A_547 = vector.shape_cast %swap3A_546 : vector<16xi32> to vector<16xi32>
        %swap3A_548 = vector.shape_cast %add3A_544 : vector<16xi32> to vector<16xi32>
        tpu.vector_store %arg26[%swap3A_545], %swap3A_548 {strides = array<i32>} : memref<128xi32, #tpu.memory_space<vmem>>, vector<16xi32>,
        %get3A_549 = arith.constant 112 : index
        %get3A_550 = tpu.vector_load %arg25[%get3A_549] {strides = array<i32>} : memref<128xi32, #tpu.memory_space<vmem>>, vector<16xi32>,
        %get3A_551 = vector.shape_cast %get3A_550 : vector<16xi32> to vector<16xi32>
        %add3A_552 = vector.broadcast %mul3A_2 : i32 to vector<16xi32>
        %add3A_553 = arith.addi %get3A_551, %add3A_552 : vector<16xi32>
        %swap3A_554 = arith.constant 112 : index
        %swap3A_555 = tpu.vector_load %arg27[%swap3A_554] {strides = array<i32>} : memref<128xi32, #tpu.memory_space<vmem>>, vector<16xi32>,
        %swap3A_556 = vector.shape_cast %swap3A_555 : vector<16xi32> to vector<16xi32>
        %swap3A_557 = vector.shape_cast %add3A_553 : vector<16xi32> to vector<16xi32>
        tpu.vector_store %arg27[%swap3A_554], %swap3A_557 {strides = array<i32>} : memref<128xi32, #tpu.memory_space<vmem>>, vector<16xi32>,
        %dma_start3A_558 = arith.constant 0 : i32
        %dma_start3A_559 = arith.constant 0 : i32
        %dma_start3A_560 = tpu.memref_slice %arg4[%dma_start3A_558, %dma_start3A_559] : memref<81920x32xf32, #tpu.memory_space<hbm>> -> memref<81920x32xf32, #tpu.memory_space<hbm>>
        tpu.enqueue_indirect_dma source(%dma_start3A_560 : memref<81920x32xf32, #tpu.memory_space<hbm>>) target(%arg28 : memref<128x32xf32, #tpu.memory_space<vmem>>) offsets(%arg26 : memref<128xi32, #tpu.memory_space<vmem>>) semaphore(%arg38 : memref<!tpu.dma_semaphore, #tpu.memory_space<semaphore_mem>>)
        %dma_start3A_561 = arith.constant 0 : i32
        %dma_start3A_562 = arith.constant 0 : i32
        %dma_start3A_563 = tpu.memref_slice %arg5[%dma_start3A_561, %dma_start3A_562] : memref<20480x32xf32, #tpu.memory_space<hbm>> -> memref<20480x32xf32, #tpu.memory_space<hbm>>
        tpu.enqueue_indirect_dma source(%dma_start3A_563 : memref<20480x32xf32, #tpu.memory_space<hbm>>) target(%arg29 : memref<128x32xf32, #tpu.memory_space<vmem>>) offsets(%arg27 : memref<128xi32, #tpu.memory_space<vmem>>) semaphore(%arg39 : memref<!tpu.dma_semaphore, #tpu.memory_space<semaphore_mem>>)
      } else {
      }
      %mul3A_356 = arith.constant 3 : i32
      %mul3A_357 = arith.muli %mul3A_356, %scan3A_331 : i32
      %add3A_358 = arith.constant 1 : i32
      %add3A_359 = arith.addi %mul3A_357, %add3A_358 : i32
      %dma_wait3A_360 = arith.constant 0 : i32
      %dma_wait3A_361 = arith.constant 0 : i32
      %dma_wait3A_362 = tpu.memref_slice %arg4[%dma_wait3A_360, %dma_wait3A_361] : memref<81920x32xf32, #tpu.memory_space<hbm>> -> memref<81920x32xf32, #tpu.memory_space<hbm>>
      tpu.wait_indirect_dma semaphore(%arg34 : memref<!tpu.dma_semaphore, #tpu.memory_space<semaphore_mem>>) src(%dma_wait3A_362 : memref<81920x32xf32, #tpu.memory_space<hbm>>) dst(%arg22 : memref<128x32xf32, #tpu.memory_space<vmem>>)
      %dma_wait3A_363 = arith.constant 0 : i32
      %dma_wait3A_364 = arith.constant 0 : i32
      %dma_wait3A_365 = tpu.memref_slice %arg5[%dma_wait3A_363, %dma_wait3A_364] : memref<20480x32xf32, #tpu.memory_space<hbm>> -> memref<20480x32xf32, #tpu.memory_space<hbm>>
      tpu.wait_indirect_dma semaphore(%arg35 : memref<!tpu.dma_semaphore, #tpu.memory_space<semaphore_mem>>) src(%dma_wait3A_365 : memref<20480x32xf32, #tpu.memory_space<hbm>>) dst(%arg23 : memref<128x32xf32, #tpu.memory_space<vmem>>)
      %dma_start3A_366 = arith.constant 0 : i32
      %dma_start3A_367 = arith.constant 0 : i32
      %dma_start3A_368 = tpu.memref_slice %arg10[%dma_start3A_366, %dma_start3A_367] : memref<40960x32xf32, #tpu.memory_space<vmem_shared>> -> memref<40960x32xf32, #tpu.memory_space<vmem_shared>>
      tpu.enqueue_indirect_dma source(%arg23 : memref<128x32xf32, #tpu.memory_space<vmem>>) target(%dma_start3A_368 : memref<40960x32xf32, #tpu.memory_space<vmem_shared>>) offsets(%arg18 : memref<128xi32, #tpu.memory_space<vmem>>) semaphore(%arg36 : memref<!tpu.dma_semaphore, #tpu.memory_space<semaphore_mem>>) {add = true}
      %dma_start3A_369 = arith.constant 0 : i32
      %dma_start3A_370 = arith.constant 0 : i32
      %dma_start3A_371 = tpu.memref_slice %arg11[%dma_start3A_369, %dma_start3A_370] : memref<10240x32xf32, #tpu.memory_space<vmem_shared>> -> memref<10240x32xf32, #tpu.memory_space<vmem_shared>>
      tpu.enqueue_indirect_dma source(%arg22 : memref<128x32xf32, #tpu.memory_space<vmem>>) target(%dma_start3A_371 : memref<10240x32xf32, #tpu.memory_space<vmem_shared>>) offsets(%arg19 : memref<128xi32, #tpu.memory_space<vmem>>) semaphore(%arg37 : memref<!tpu.dma_semaphore, #tpu.memory_space<semaphore_mem>>) {add = true}
      %ge3A_372 = arith.constant 1 : i32
      %ge3A_373 = arith.cmpi sge, %add3A_359, %ge3A_372 : i32
      %convert_element_type3A_374 = arith.extui %ge3A_373 : i1 to i32
      %cond3A_375 = arith.constant 0 : i32
      %cond3A_376 = arith.cmpi ne, %convert_element_type3A_374, %cond3A_375 : i32
      scf.if %cond3A_376 {
        %dma_wait3A_412 = arith.constant 0 : i32
        %dma_wait3A_413 = arith.constant 0 : i32
        %dma_wait3A_414 = tpu.memref_slice %arg10[%dma_wait3A_412, %dma_wait3A_413] : memref<40960x32xf32, #tpu.memory_space<vmem_shared>> -> memref<40960x32xf32, #tpu.memory_space<vmem_shared>>
        tpu.wait_indirect_dma semaphore(%arg32 : memref<!tpu.dma_semaphore, #tpu.memory_space<semaphore_mem>>) src(%arg17 : memref<128x32xf32, #tpu.memory_space<vmem>>) dst(%dma_wait3A_414 : memref<40960x32xf32, #tpu.memory_space<vmem_shared>>)
        %dma_wait3A_415 = arith.constant 0 : i32
        %dma_wait3A_416 = arith.constant 0 : i32
        %dma_wait3A_417 = tpu.memref_slice %arg11[%dma_wait3A_415, %dma_wait3A_416] : memref<10240x32xf32, #tpu.memory_space<vmem_shared>> -> memref<10240x32xf32, #tpu.memory_space<vmem_shared>>
        tpu.wait_indirect_dma semaphore(%arg33 : memref<!tpu.dma_semaphore, #tpu.memory_space<semaphore_mem>>) src(%arg16 : memref<128x32xf32, #tpu.memory_space<vmem>>) dst(%dma_wait3A_417 : memref<10240x32xf32, #tpu.memory_space<vmem_shared>>)
      } else {
      }
      %add3A_377 = arith.constant 2 : i32
      %add3A_378 = arith.addi %add3A_359, %add3A_377 : i32
      %lt3A_379 = arith.constant 396 : i32
      %lt3A_380 = arith.cmpi slt, %add3A_378, %lt3A_379 : i32
      %convert_element_type3A_381 = arith.extui %lt3A_380 : i1 to i32
      %cond3A_382 = arith.constant 0 : i32
      %cond3A_383 = arith.cmpi ne, %convert_element_type3A_381, %cond3A_382 : i32
      scf.if %cond3A_383 {
        %add3A_412 = arith.constant 2 : i32
        %add3A_413 = arith.addi %add3A_359, %add3A_412 : i32
        "tpu.region"() ({
          %run_scoped3A_564 = tpu.sem_alloc : memref<!tpu.dma_semaphore, #tpu.memory_space<semaphore_mem>>
          %dma_start3A_565 = arith.constant 0 : i32
          %dma_start3A_566 = tpu.memref_slice %arg2[%arg1, %add3A_413, %dma_start3A_565] : memref<16x396x128xi32, #tpu.memory_space<hbm>> -> memref<1x1x128xi32, #tpu.memory_space<hbm>>
          %dma_start3A_567 = tpu.memref_squeeze %dma_start3A_566 : memref<1x1x128xi32, #tpu.memory_space<hbm>> -> memref<128xi32, #tpu.memory_space<hbm>>
          %dma_start3A_568 = arith.constant 0 : i32
          %dma_start3A_569 = tpu.memref_slice %arg2[%arg1, %add3A_413, %dma_start3A_568] : memref<16x396x128xi32, #tpu.memory_space<hbm>> -> memref<1x1x128xi32, #tpu.memory_space<hbm>>
          %dma_start3A_570 = tpu.memref_squeeze %dma_start3A_569 : memref<1x1x128xi32, #tpu.memory_space<hbm>> -> memref<128xi32, #tpu.memory_space<hbm>>
          tpu.enqueue_dma source(%dma_start3A_570 : memref<128xi32, #tpu.memory_space<hbm>>) target(%arg12 : memref<128xi32, #tpu.memory_space<vmem>>) target_semaphore(%run_scoped3A_564 : memref<!tpu.dma_semaphore, #tpu.memory_space<semaphore_mem>>)
          %dma_wait3A_571 = arith.constant 0 : i32
          %dma_wait3A_572 = tpu.memref_slice %arg2[%arg1, %add3A_413, %dma_wait3A_571] : memref<16x396x128xi32, #tpu.memory_space<hbm>> -> memref<1x1x128xi32, #tpu.memory_space<hbm>>
          %dma_wait3A_573 = tpu.memref_squeeze %dma_wait3A_572 : memref<1x1x128xi32, #tpu.memory_space<hbm>> -> memref<128xi32, #tpu.memory_space<hbm>>
          %dma_wait3A_574 = arith.constant 0 : i32
          %dma_wait3A_575 = tpu.memref_slice %arg2[%arg1, %add3A_413, %dma_wait3A_574] : memref<16x396x128xi32, #tpu.memory_space<hbm>> -> memref<1x1x128xi32, #tpu.memory_space<hbm>>
          %dma_wait3A_576 = tpu.memref_squeeze %dma_wait3A_575 : memref<1x1x128xi32, #tpu.memory_space<hbm>> -> memref<128xi32, #tpu.memory_space<hbm>>
          tpu.wait_dma2 semaphore(%run_scoped3A_564 : memref<!tpu.dma_semaphore, #tpu.memory_space<semaphore_mem>>) src(%dma_wait3A_576 : memref<128xi32, #tpu.memory_space<hbm>>) dst(%arg12 : memref<128xi32, #tpu.memory_space<vmem>>)
          tpu.yield
        }) : () -> ()
        "tpu.region"() ({
          %run_scoped3A_564 = tpu.sem_alloc : memref<!tpu.dma_semaphore, #tpu.memory_space<semaphore_mem>>
          %dma_start3A_565 = arith.constant 0 : i32
          %dma_start3A_566 = tpu.memref_slice %arg3[%arg1, %add3A_413, %dma_start3A_565] : memref<16x396x128xi32, #tpu.memory_space<hbm>> -> memref<1x1x128xi32, #tpu.memory_space<hbm>>
          %dma_start3A_567 = tpu.memref_squeeze %dma_start3A_566 : memref<1x1x128xi32, #tpu.memory_space<hbm>> -> memref<128xi32, #tpu.memory_space<hbm>>
          %dma_start3A_568 = arith.constant 0 : i32
          %dma_start3A_569 = tpu.memref_slice %arg3[%arg1, %add3A_413, %dma_start3A_568] : memref<16x396x128xi32, #tpu.memory_space<hbm>> -> memref<1x1x128xi32, #tpu.memory_space<hbm>>
          %dma_start3A_570 = tpu.memref_squeeze %dma_start3A_569 : memref<1x1x128xi32, #tpu.memory_space<hbm>> -> memref<128xi32, #tpu.memory_space<hbm>>
          tpu.enqueue_dma source(%dma_start3A_570 : memref<128xi32, #tpu.memory_space<hbm>>) target(%arg13 : memref<128xi32, #tpu.memory_space<vmem>>) target_semaphore(%run_scoped3A_564 : memref<!tpu.dma_semaphore, #tpu.memory_space<semaphore_mem>>)
          %dma_wait3A_571 = arith.constant 0 : i32
          %dma_wait3A_572 = tpu.memref_slice %arg3[%arg1, %add3A_413, %dma_wait3A_571] : memref<16x396x128xi32, #tpu.memory_space<hbm>> -> memref<1x1x128xi32, #tpu.memory_space<hbm>>
          %dma_wait3A_573 = tpu.memref_squeeze %dma_wait3A_572 : memref<1x1x128xi32, #tpu.memory_space<hbm>> -> memref<128xi32, #tpu.memory_space<hbm>>
          %dma_wait3A_574 = arith.constant 0 : i32
          %dma_wait3A_575 = tpu.memref_slice %arg3[%arg1, %add3A_413, %dma_wait3A_574] : memref<16x396x128xi32, #tpu.memory_space<hbm>> -> memref<1x1x128xi32, #tpu.memory_space<hbm>>
          %dma_wait3A_576 = tpu.memref_squeeze %dma_wait3A_575 : memref<1x1x128xi32, #tpu.memory_space<hbm>> -> memref<128xi32, #tpu.memory_space<hbm>>
          tpu.wait_dma2 semaphore(%run_scoped3A_564 : memref<!tpu.dma_semaphore, #tpu.memory_space<semaphore_mem>>) src(%dma_wait3A_576 : memref<128xi32, #tpu.memory_space<hbm>>) dst(%arg13 : memref<128xi32, #tpu.memory_space<vmem>>)
          tpu.yield
        }) : () -> ()
        %get3A_414 = arith.constant 0 : index
        %get3A_415 = tpu.vector_load %arg12[%get3A_414] {strides = array<i32>} : memref<128xi32, #tpu.memory_space<vmem>>, vector<16xi32>,
        %get3A_416 = vector.shape_cast %get3A_415 : vector<16xi32> to vector<16xi32>
        %add3A_417 = vector.broadcast %mul3A_0 : i32 to vector<16xi32>
        %add3A_418 = arith.addi %get3A_416, %add3A_417 : vector<16xi32>
        %swap3A_419 = arith.constant 0 : index
        %swap3A_420 = tpu.vector_load %arg14[%swap3A_419] {strides = array<i32>} : memref<128xi32, #tpu.memory_space<vmem>>, vector<16xi32>,
        %swap3A_421 = vector.shape_cast %swap3A_420 : vector<16xi32> to vector<16xi32>
        %swap3A_422 = vector.shape_cast %add3A_418 : vector<16xi32> to vector<16xi32>
        tpu.vector_store %arg14[%swap3A_419], %swap3A_422 {strides = array<i32>} : memref<128xi32, #tpu.memory_space<vmem>>, vector<16xi32>,
        %get3A_423 = arith.constant 0 : index
        %get3A_424 = tpu.vector_load %arg13[%get3A_423] {strides = array<i32>} : memref<128xi32, #tpu.memory_space<vmem>>, vector<16xi32>,
        %get3A_425 = vector.shape_cast %get3A_424 : vector<16xi32> to vector<16xi32>
        %add3A_426 = vector.broadcast %mul3A_2 : i32 to vector<16xi32>
        %add3A_427 = arith.addi %get3A_425, %add3A_426 : vector<16xi32>
        %swap3A_428 = arith.constant 0 : index
        %swap3A_429 = tpu.vector_load %arg15[%swap3A_428] {strides = array<i32>} : memref<128xi32, #tpu.memory_space<vmem>>, vector<16xi32>,
        %swap3A_430 = vector.shape_cast %swap3A_429 : vector<16xi32> to vector<16xi32>
        %swap3A_431 = vector.shape_cast %add3A_427 : vector<16xi32> to vector<16xi32>
        tpu.vector_store %arg15[%swap3A_428], %swap3A_431 {strides = array<i32>} : memref<128xi32, #tpu.memory_space<vmem>>, vector<16xi32>,
        %get3A_432 = arith.constant 16 : index
        %get3A_433 = tpu.vector_load %arg12[%get3A_432] {strides = array<i32>} : memref<128xi32, #tpu.memory_space<vmem>>, vector<16xi32>,
        %get3A_434 = vector.shape_cast %get3A_433 : vector<16xi32> to vector<16xi32>
        %add3A_435 = vector.broadcast %mul3A_0 : i32 to vector<16xi32>
        %add3A_436 = arith.addi %get3A_434, %add3A_435 : vector<16xi32>
        %swap3A_437 = arith.constant 16 : index
        %swap3A_438 = tpu.vector_load %arg14[%swap3A_437] {strides = array<i32>} : memref<128xi32, #tpu.memory_space<vmem>>, vector<16xi32>,
        %swap3A_439 = vector.shape_cast %swap3A_438 : vector<16xi32> to vector<16xi32>
        %swap3A_440 = vector.shape_cast %add3A_436 : vector<16xi32> to vector<16xi32>
        tpu.vector_store %arg14[%swap3A_437], %swap3A_440 {strides = array<i32>} : memref<128xi32, #tpu.memory_space<vmem>>, vector<16xi32>,
        %get3A_441 = arith.constant 16 : index
        %get3A_442 = tpu.vector_load %arg13[%get3A_441] {strides = array<i32>} : memref<128xi32, #tpu.memory_space<vmem>>, vector<16xi32>,
        %get3A_443 = vector.shape_cast %get3A_442 : vector<16xi32> to vector<16xi32>
        %add3A_444 = vector.broadcast %mul3A_2 : i32 to vector<16xi32>
        %add3A_445 = arith.addi %get3A_443, %add3A_444 : vector<16xi32>
        %swap3A_446 = arith.constant 16 : index
        %swap3A_447 = tpu.vector_load %arg15[%swap3A_446] {strides = array<i32>} : memref<128xi32, #tpu.memory_space<vmem>>, vector<16xi32>,
        %swap3A_448 = vector.shape_cast %swap3A_447 : vector<16xi32> to vector<16xi32>
        %swap3A_449 = vector.shape_cast %add3A_445 : vector<16xi32> to vector<16xi32>
        tpu.vector_store %arg15[%swap3A_446], %swap3A_449 {strides = array<i32>} : memref<128xi32, #tpu.memory_space<vmem>>, vector<16xi32>,
        %get3A_450 = arith.constant 32 : index
        %get3A_451 = tpu.vector_load %arg12[%get3A_450] {strides = array<i32>} : memref<128xi32, #tpu.memory_space<vmem>>, vector<16xi32>,
        %get3A_452 = vector.shape_cast %get3A_451 : vector<16xi32> to vector<16xi32>
        %add3A_453 = vector.broadcast %mul3A_0 : i32 to vector<16xi32>
        %add3A_454 = arith.addi %get3A_452, %add3A_453 : vector<16xi32>
        %swap3A_455 = arith.constant 32 : index
        %swap3A_456 = tpu.vector_load %arg14[%swap3A_455] {strides = array<i32>} : memref<128xi32, #tpu.memory_space<vmem>>, vector<16xi32>,
        %swap3A_457 = vector.shape_cast %swap3A_456 : vector<16xi32> to vector<16xi32>
        %swap3A_458 = vector.shape_cast %add3A_454 : vector<16xi32> to vector<16xi32>
        tpu.vector_store %arg14[%swap3A_455], %swap3A_458 {strides = array<i32>} : memref<128xi32, #tpu.memory_space<vmem>>, vector<16xi32>,
        %get3A_459 = arith.constant 32 : index
        %get3A_460 = tpu.vector_load %arg13[%get3A_459] {strides = array<i32>} : memref<128xi32, #tpu.memory_space<vmem>>, vector<16xi32>,
        %get3A_461 = vector.shape_cast %get3A_460 : vector<16xi32> to vector<16xi32>
        %add3A_462 = vector.broadcast %mul3A_2 : i32 to vector<16xi32>
        %add3A_463 = arith.addi %get3A_461, %add3A_462 : vector<16xi32>
        %swap3A_464 = arith.constant 32 : index
        %swap3A_465 = tpu.vector_load %arg15[%swap3A_464] {strides = array<i32>} : memref<128xi32, #tpu.memory_space<vmem>>, vector<16xi32>,
        %swap3A_466 = vector.shape_cast %swap3A_465 : vector<16xi32> to vector<16xi32>
        %swap3A_467 = vector.shape_cast %add3A_463 : vector<16xi32> to vector<16xi32>
        tpu.vector_store %arg15[%swap3A_464], %swap3A_467 {strides = array<i32>} : memref<128xi32, #tpu.memory_space<vmem>>, vector<16xi32>,
        %get3A_468 = arith.constant 48 : index
        %get3A_469 = tpu.vector_load %arg12[%get3A_468] {strides = array<i32>} : memref<128xi32, #tpu.memory_space<vmem>>, vector<16xi32>,
        %get3A_470 = vector.shape_cast %get3A_469 : vector<16xi32> to vector<16xi32>
        %add3A_471 = vector.broadcast %mul3A_0 : i32 to vector<16xi32>
        %add3A_472 = arith.addi %get3A_470, %add3A_471 : vector<16xi32>
        %swap3A_473 = arith.constant 48 : index
        %swap3A_474 = tpu.vector_load %arg14[%swap3A_473] {strides = array<i32>} : memref<128xi32, #tpu.memory_space<vmem>>, vector<16xi32>,
        %swap3A_475 = vector.shape_cast %swap3A_474 : vector<16xi32> to vector<16xi32>
        %swap3A_476 = vector.shape_cast %add3A_472 : vector<16xi32> to vector<16xi32>
        tpu.vector_store %arg14[%swap3A_473], %swap3A_476 {strides = array<i32>} : memref<128xi32, #tpu.memory_space<vmem>>, vector<16xi32>,
        %get3A_477 = arith.constant 48 : index
        %get3A_478 = tpu.vector_load %arg13[%get3A_477] {strides = array<i32>} : memref<128xi32, #tpu.memory_space<vmem>>, vector<16xi32>,
        %get3A_479 = vector.shape_cast %get3A_478 : vector<16xi32> to vector<16xi32>
        %add3A_480 = vector.broadcast %mul3A_2 : i32 to vector<16xi32>
        %add3A_481 = arith.addi %get3A_479, %add3A_480 : vector<16xi32>
        %swap3A_482 = arith.constant 48 : index
        %swap3A_483 = tpu.vector_load %arg15[%swap3A_482] {strides = array<i32>} : memref<128xi32, #tpu.memory_space<vmem>>, vector<16xi32>,
        %swap3A_484 = vector.shape_cast %swap3A_483 : vector<16xi32> to vector<16xi32>
        %swap3A_485 = vector.shape_cast %add3A_481 : vector<16xi32> to vector<16xi32>
        tpu.vector_store %arg15[%swap3A_482], %swap3A_485 {strides = array<i32>} : memref<128xi32, #tpu.memory_space<vmem>>, vector<16xi32>,
        %get3A_486 = arith.constant 64 : index
        %get3A_487 = tpu.vector_load %arg12[%get3A_486] {strides = array<i32>} : memref<128xi32, #tpu.memory_space<vmem>>, vector<16xi32>,
        %get3A_488 = vector.shape_cast %get3A_487 : vector<16xi32> to vector<16xi32>
        %add3A_489 = vector.broadcast %mul3A_0 : i32 to vector<16xi32>
        %add3A_490 = arith.addi %get3A_488, %add3A_489 : vector<16xi32>
        %swap3A_491 = arith.constant 64 : index
        %swap3A_492 = tpu.vector_load %arg14[%swap3A_491] {strides = array<i32>} : memref<128xi32, #tpu.memory_space<vmem>>, vector<16xi32>,
        %swap3A_493 = vector.shape_cast %swap3A_492 : vector<16xi32> to vector<16xi32>
        %swap3A_494 = vector.shape_cast %add3A_490 : vector<16xi32> to vector<16xi32>
        tpu.vector_store %arg14[%swap3A_491], %swap3A_494 {strides = array<i32>} : memref<128xi32, #tpu.memory_space<vmem>>, vector<16xi32>,
        %get3A_495 = arith.constant 64 : index
        %get3A_496 = tpu.vector_load %arg13[%get3A_495] {strides = array<i32>} : memref<128xi32, #tpu.memory_space<vmem>>, vector<16xi32>,
        %get3A_497 = vector.shape_cast %get3A_496 : vector<16xi32> to vector<16xi32>
        %add3A_498 = vector.broadcast %mul3A_2 : i32 to vector<16xi32>
        %add3A_499 = arith.addi %get3A_497, %add3A_498 : vector<16xi32>
        %swap3A_500 = arith.constant 64 : index
        %swap3A_501 = tpu.vector_load %arg15[%swap3A_500] {strides = array<i32>} : memref<128xi32, #tpu.memory_space<vmem>>, vector<16xi32>,
        %swap3A_502 = vector.shape_cast %swap3A_501 : vector<16xi32> to vector<16xi32>
        %swap3A_503 = vector.shape_cast %add3A_499 : vector<16xi32> to vector<16xi32>
        tpu.vector_store %arg15[%swap3A_500], %swap3A_503 {strides = array<i32>} : memref<128xi32, #tpu.memory_space<vmem>>, vector<16xi32>,
        %get3A_504 = arith.constant 80 : index
        %get3A_505 = tpu.vector_load %arg12[%get3A_504] {strides = array<i32>} : memref<128xi32, #tpu.memory_space<vmem>>, vector<16xi32>,
        %get3A_506 = vector.shape_cast %get3A_505 : vector<16xi32> to vector<16xi32>
        %add3A_507 = vector.broadcast %mul3A_0 : i32 to vector<16xi32>
        %add3A_508 = arith.addi %get3A_506, %add3A_507 : vector<16xi32>
        %swap3A_509 = arith.constant 80 : index
        %swap3A_510 = tpu.vector_load %arg14[%swap3A_509] {strides = array<i32>} : memref<128xi32, #tpu.memory_space<vmem>>, vector<16xi32>,
        %swap3A_511 = vector.shape_cast %swap3A_510 : vector<16xi32> to vector<16xi32>
        %swap3A_512 = vector.shape_cast %add3A_508 : vector<16xi32> to vector<16xi32>
        tpu.vector_store %arg14[%swap3A_509], %swap3A_512 {strides = array<i32>} : memref<128xi32, #tpu.memory_space<vmem>>, vector<16xi32>,
        %get3A_513 = arith.constant 80 : index
        %get3A_514 = tpu.vector_load %arg13[%get3A_513] {strides = array<i32>} : memref<128xi32, #tpu.memory_space<vmem>>, vector<16xi32>,
        %get3A_515 = vector.shape_cast %get3A_514 : vector<16xi32> to vector<16xi32>
        %add3A_516 = vector.broadcast %mul3A_2 : i32 to vector<16xi32>
        %add3A_517 = arith.addi %get3A_515, %add3A_516 : vector<16xi32>
        %swap3A_518 = arith.constant 80 : index
        %swap3A_519 = tpu.vector_load %arg15[%swap3A_518] {strides = array<i32>} : memref<128xi32, #tpu.memory_space<vmem>>, vector<16xi32>,
        %swap3A_520 = vector.shape_cast %swap3A_519 : vector<16xi32> to vector<16xi32>
        %swap3A_521 = vector.shape_cast %add3A_517 : vector<16xi32> to vector<16xi32>
        tpu.vector_store %arg15[%swap3A_518], %swap3A_521 {strides = array<i32>} : memref<128xi32, #tpu.memory_space<vmem>>, vector<16xi32>,
        %get3A_522 = arith.constant 96 : index
        %get3A_523 = tpu.vector_load %arg12[%get3A_522] {strides = array<i32>} : memref<128xi32, #tpu.memory_space<vmem>>, vector<16xi32>,
        %get3A_524 = vector.shape_cast %get3A_523 : vector<16xi32> to vector<16xi32>
        %add3A_525 = vector.broadcast %mul3A_0 : i32 to vector<16xi32>
        %add3A_526 = arith.addi %get3A_524, %add3A_525 : vector<16xi32>
        %swap3A_527 = arith.constant 96 : index
        %swap3A_528 = tpu.vector_load %arg14[%swap3A_527] {strides = array<i32>} : memref<128xi32, #tpu.memory_space<vmem>>, vector<16xi32>,
        %swap3A_529 = vector.shape_cast %swap3A_528 : vector<16xi32> to vector<16xi32>
        %swap3A_530 = vector.shape_cast %add3A_526 : vector<16xi32> to vector<16xi32>
        tpu.vector_store %arg14[%swap3A_527], %swap3A_530 {strides = array<i32>} : memref<128xi32, #tpu.memory_space<vmem>>, vector<16xi32>,
        %get3A_531 = arith.constant 96 : index
        %get3A_532 = tpu.vector_load %arg13[%get3A_531] {strides = array<i32>} : memref<128xi32, #tpu.memory_space<vmem>>, vector<16xi32>,
        %get3A_533 = vector.shape_cast %get3A_532 : vector<16xi32> to vector<16xi32>
        %add3A_534 = vector.broadcast %mul3A_2 : i32 to vector<16xi32>
        %add3A_535 = arith.addi %get3A_533, %add3A_534 : vector<16xi32>
        %swap3A_536 = arith.constant 96 : index
        %swap3A_537 = tpu.vector_load %arg15[%swap3A_536] {strides = array<i32>} : memref<128xi32, #tpu.memory_space<vmem>>, vector<16xi32>,
        %swap3A_538 = vector.shape_cast %swap3A_537 : vector<16xi32> to vector<16xi32>
        %swap3A_539 = vector.shape_cast %add3A_535 : vector<16xi32> to vector<16xi32>
        tpu.vector_store %arg15[%swap3A_536], %swap3A_539 {strides = array<i32>} : memref<128xi32, #tpu.memory_space<vmem>>, vector<16xi32>,
        %get3A_540 = arith.constant 112 : index
        %get3A_541 = tpu.vector_load %arg12[%get3A_540] {strides = array<i32>} : memref<128xi32, #tpu.memory_space<vmem>>, vector<16xi32>,
        %get3A_542 = vector.shape_cast %get3A_541 : vector<16xi32> to vector<16xi32>
        %add3A_543 = vector.broadcast %mul3A_0 : i32 to vector<16xi32>
        %add3A_544 = arith.addi %get3A_542, %add3A_543 : vector<16xi32>
        %swap3A_545 = arith.constant 112 : index
        %swap3A_546 = tpu.vector_load %arg14[%swap3A_545] {strides = array<i32>} : memref<128xi32, #tpu.memory_space<vmem>>, vector<16xi32>,
        %swap3A_547 = vector.shape_cast %swap3A_546 : vector<16xi32> to vector<16xi32>
        %swap3A_548 = vector.shape_cast %add3A_544 : vector<16xi32> to vector<16xi32>
        tpu.vector_store %arg14[%swap3A_545], %swap3A_548 {strides = array<i32>} : memref<128xi32, #tpu.memory_space<vmem>>, vector<16xi32>,
        %get3A_549 = arith.constant 112 : index
        %get3A_550 = tpu.vector_load %arg13[%get3A_549] {strides = array<i32>} : memref<128xi32, #tpu.memory_space<vmem>>, vector<16xi32>,
        %get3A_551 = vector.shape_cast %get3A_550 : vector<16xi32> to vector<16xi32>
        %add3A_552 = vector.broadcast %mul3A_2 : i32 to vector<16xi32>
        %add3A_553 = arith.addi %get3A_551, %add3A_552 : vector<16xi32>
        %swap3A_554 = arith.constant 112 : index
        %swap3A_555 = tpu.vector_load %arg15[%swap3A_554] {strides = array<i32>} : memref<128xi32, #tpu.memory_space<vmem>>, vector<16xi32>,
        %swap3A_556 = vector.shape_cast %swap3A_555 : vector<16xi32> to vector<16xi32>
        %swap3A_557 = vector.shape_cast %add3A_553 : vector<16xi32> to vector<16xi32>
        tpu.vector_store %arg15[%swap3A_554], %swap3A_557 {strides = array<i32>} : memref<128xi32, #tpu.memory_space<vmem>>, vector<16xi32>,
        %dma_start3A_558 = arith.constant 0 : i32
        %dma_start3A_559 = arith.constant 0 : i32
        %dma_start3A_560 = tpu.memref_slice %arg4[%dma_start3A_558, %dma_start3A_559] : memref<81920x32xf32, #tpu.memory_space<hbm>> -> memref<81920x32xf32, #tpu.memory_space<hbm>>
        tpu.enqueue_indirect_dma source(%dma_start3A_560 : memref<81920x32xf32, #tpu.memory_space<hbm>>) target(%arg16 : memref<128x32xf32, #tpu.memory_space<vmem>>) offsets(%arg14 : memref<128xi32, #tpu.memory_space<vmem>>) semaphore(%arg30 : memref<!tpu.dma_semaphore, #tpu.memory_space<semaphore_mem>>)
        %dma_start3A_561 = arith.constant 0 : i32
        %dma_start3A_562 = arith.constant 0 : i32
        %dma_start3A_563 = tpu.memref_slice %arg5[%dma_start3A_561, %dma_start3A_562] : memref<20480x32xf32, #tpu.memory_space<hbm>> -> memref<20480x32xf32, #tpu.memory_space<hbm>>
        tpu.enqueue_indirect_dma source(%dma_start3A_563 : memref<20480x32xf32, #tpu.memory_space<hbm>>) target(%arg17 : memref<128x32xf32, #tpu.memory_space<vmem>>) offsets(%arg15 : memref<128xi32, #tpu.memory_space<vmem>>) semaphore(%arg31 : memref<!tpu.dma_semaphore, #tpu.memory_space<semaphore_mem>>)
      } else {
      }
      %mul3A_384 = arith.constant 3 : i32
      %mul3A_385 = arith.muli %mul3A_384, %scan3A_331 : i32
      %add3A_386 = arith.constant 2 : i32
      %add3A_387 = arith.addi %mul3A_385, %add3A_386 : i32
      %dma_wait3A_388 = arith.constant 0 : i32
      %dma_wait3A_389 = arith.constant 0 : i32
      %dma_wait3A_390 = tpu.memref_slice %arg4[%dma_wait3A_388, %dma_wait3A_389] : memref<81920x32xf32, #tpu.memory_space<hbm>> -> memref<81920x32xf32, #tpu.memory_space<hbm>>
      tpu.wait_indirect_dma semaphore(%arg38 : memref<!tpu.dma_semaphore, #tpu.memory_space<semaphore_mem>>) src(%dma_wait3A_390 : memref<81920x32xf32, #tpu.memory_space<hbm>>) dst(%arg28 : memref<128x32xf32, #tpu.memory_space<vmem>>)
      %dma_wait3A_391 = arith.constant 0 : i32
      %dma_wait3A_392 = arith.constant 0 : i32
      %dma_wait3A_393 = tpu.memref_slice %arg5[%dma_wait3A_391, %dma_wait3A_392] : memref<20480x32xf32, #tpu.memory_space<hbm>> -> memref<20480x32xf32, #tpu.memory_space<hbm>>
      tpu.wait_indirect_dma semaphore(%arg39 : memref<!tpu.dma_semaphore, #tpu.memory_space<semaphore_mem>>) src(%dma_wait3A_393 : memref<20480x32xf32, #tpu.memory_space<hbm>>) dst(%arg29 : memref<128x32xf32, #tpu.memory_space<vmem>>)
      %dma_start3A_394 = arith.constant 0 : i32
      %dma_start3A_395 = arith.constant 0 : i32
      %dma_start3A_396 = tpu.memref_slice %arg10[%dma_start3A_394, %dma_start3A_395] : memref<40960x32xf32, #tpu.memory_space<vmem_shared>> -> memref<40960x32xf32, #tpu.memory_space<vmem_shared>>
      tpu.enqueue_indirect_dma source(%arg29 : memref<128x32xf32, #tpu.memory_space<vmem>>) target(%dma_start3A_396 : memref<40960x32xf32, #tpu.memory_space<vmem_shared>>) offsets(%arg24 : memref<128xi32, #tpu.memory_space<vmem>>) semaphore(%arg40 : memref<!tpu.dma_semaphore, #tpu.memory_space<semaphore_mem>>) {add = true}
      %dma_start3A_397 = arith.constant 0 : i32
      %dma_start3A_398 = arith.constant 0 : i32
      %dma_start3A_399 = tpu.memref_slice %arg11[%dma_start3A_397, %dma_start3A_398] : memref<10240x32xf32, #tpu.memory_space<vmem_shared>> -> memref<10240x32xf32, #tpu.memory_space<vmem_shared>>
      tpu.enqueue_indirect_dma source(%arg28 : memref<128x32xf32, #tpu.memory_space<vmem>>) target(%dma_start3A_399 : memref<10240x32xf32, #tpu.memory_space<vmem_shared>>) offsets(%arg25 : memref<128xi32, #tpu.memory_space<vmem>>) semaphore(%arg41 : memref<!tpu.dma_semaphore, #tpu.memory_space<semaphore_mem>>) {add = true}
      %ge3A_400 = arith.constant 1 : i32
      %ge3A_401 = arith.cmpi sge, %add3A_387, %ge3A_400 : i32
      %convert_element_type3A_402 = arith.extui %ge3A_401 : i1 to i32
      %cond3A_403 = arith.constant 0 : i32
      %cond3A_404 = arith.cmpi ne, %convert_element_type3A_402, %cond3A_403 : i32
      scf.if %cond3A_404 {
        %dma_wait3A_412 = arith.constant 0 : i32
        %dma_wait3A_413 = arith.constant 0 : i32
        %dma_wait3A_414 = tpu.memref_slice %arg10[%dma_wait3A_412, %dma_wait3A_413] : memref<40960x32xf32, #tpu.memory_space<vmem_shared>> -> memref<40960x32xf32, #tpu.memory_space<vmem_shared>>
        tpu.wait_indirect_dma semaphore(%arg36 : memref<!tpu.dma_semaphore, #tpu.memory_space<semaphore_mem>>) src(%arg23 : memref<128x32xf32, #tpu.memory_space<vmem>>) dst(%dma_wait3A_414 : memref<40960x32xf32, #tpu.memory_space<vmem_shared>>)
        %dma_wait3A_415 = arith.constant 0 : i32
        %dma_wait3A_416 = arith.constant 0 : i32
        %dma_wait3A_417 = tpu.memref_slice %arg11[%dma_wait3A_415, %dma_wait3A_416] : memref<10240x32xf32, #tpu.memory_space<vmem_shared>> -> memref<10240x32xf32, #tpu.memory_space<vmem_shared>>
        tpu.wait_indirect_dma semaphore(%arg37 : memref<!tpu.dma_semaphore, #tpu.memory_space<semaphore_mem>>) src(%arg22 : memref<128x32xf32, #tpu.memory_space<vmem>>) dst(%dma_wait3A_417 : memref<10240x32xf32, #tpu.memory_space<vmem_shared>>)
      } else {
      }
      %add3A_405 = arith.constant 2 : i32
      %add3A_406 = arith.addi %add3A_387, %add3A_405 : i32
      %lt3A_407 = arith.constant 396 : i32
      %lt3A_408 = arith.cmpi slt, %add3A_406, %lt3A_407 : i32
      %convert_element_type3A_409 = arith.extui %lt3A_408 : i1 to i32
      %cond3A_410 = arith.constant 0 : i32
      %cond3A_411 = arith.cmpi ne, %convert_element_type3A_409, %cond3A_410 : i32
      scf.if %cond3A_411 {
        %add3A_412 = arith.constant 2 : i32
        %add3A_413 = arith.addi %add3A_387, %add3A_412 : i32
        "tpu.region"() ({
          %run_scoped3A_564 = tpu.sem_alloc : memref<!tpu.dma_semaphore, #tpu.memory_space<semaphore_mem>>
          %dma_start3A_565 = arith.constant 0 : i32
          %dma_start3A_566 = tpu.memref_slice %arg2[%arg1, %add3A_413, %dma_start3A_565] : memref<16x396x128xi32, #tpu.memory_space<hbm>> -> memref<1x1x128xi32, #tpu.memory_space<hbm>>
          %dma_start3A_567 = tpu.memref_squeeze %dma_start3A_566 : memref<1x1x128xi32, #tpu.memory_space<hbm>> -> memref<128xi32, #tpu.memory_space<hbm>>
          %dma_start3A_568 = arith.constant 0 : i32
          %dma_start3A_569 = tpu.memref_slice %arg2[%arg1, %add3A_413, %dma_start3A_568] : memref<16x396x128xi32, #tpu.memory_space<hbm>> -> memref<1x1x128xi32, #tpu.memory_space<hbm>>
          %dma_start3A_570 = tpu.memref_squeeze %dma_start3A_569 : memref<1x1x128xi32, #tpu.memory_space<hbm>> -> memref<128xi32, #tpu.memory_space<hbm>>
          tpu.enqueue_dma source(%dma_start3A_570 : memref<128xi32, #tpu.memory_space<hbm>>) target(%arg18 : memref<128xi32, #tpu.memory_space<vmem>>) target_semaphore(%run_scoped3A_564 : memref<!tpu.dma_semaphore, #tpu.memory_space<semaphore_mem>>)
          %dma_wait3A_571 = arith.constant 0 : i32
          %dma_wait3A_572 = tpu.memref_slice %arg2[%arg1, %add3A_413, %dma_wait3A_571] : memref<16x396x128xi32, #tpu.memory_space<hbm>> -> memref<1x1x128xi32, #tpu.memory_space<hbm>>
          %dma_wait3A_573 = tpu.memref_squeeze %dma_wait3A_572 : memref<1x1x128xi32, #tpu.memory_space<hbm>> -> memref<128xi32, #tpu.memory_space<hbm>>
          %dma_wait3A_574 = arith.constant 0 : i32
          %dma_wait3A_575 = tpu.memref_slice %arg2[%arg1, %add3A_413, %dma_wait3A_574] : memref<16x396x128xi32, #tpu.memory_space<hbm>> -> memref<1x1x128xi32, #tpu.memory_space<hbm>>
          %dma_wait3A_576 = tpu.memref_squeeze %dma_wait3A_575 : memref<1x1x128xi32, #tpu.memory_space<hbm>> -> memref<128xi32, #tpu.memory_space<hbm>>
          tpu.wait_dma2 semaphore(%run_scoped3A_564 : memref<!tpu.dma_semaphore, #tpu.memory_space<semaphore_mem>>) src(%dma_wait3A_576 : memref<128xi32, #tpu.memory_space<hbm>>) dst(%arg18 : memref<128xi32, #tpu.memory_space<vmem>>)
          tpu.yield
        }) : () -> ()
        "tpu.region"() ({
          %run_scoped3A_564 = tpu.sem_alloc : memref<!tpu.dma_semaphore, #tpu.memory_space<semaphore_mem>>
          %dma_start3A_565 = arith.constant 0 : i32
          %dma_start3A_566 = tpu.memref_slice %arg3[%arg1, %add3A_413, %dma_start3A_565] : memref<16x396x128xi32, #tpu.memory_space<hbm>> -> memref<1x1x128xi32, #tpu.memory_space<hbm>>
          %dma_start3A_567 = tpu.memref_squeeze %dma_start3A_566 : memref<1x1x128xi32, #tpu.memory_space<hbm>> -> memref<128xi32, #tpu.memory_space<hbm>>
          %dma_start3A_568 = arith.constant 0 : i32
          %dma_start3A_569 = tpu.memref_slice %arg3[%arg1, %add3A_413, %dma_start3A_568] : memref<16x396x128xi32, #tpu.memory_space<hbm>> -> memref<1x1x128xi32, #tpu.memory_space<hbm>>
          %dma_start3A_570 = tpu.memref_squeeze %dma_start3A_569 : memref<1x1x128xi32, #tpu.memory_space<hbm>> -> memref<128xi32, #tpu.memory_space<hbm>>
          tpu.enqueue_dma source(%dma_start3A_570 : memref<128xi32, #tpu.memory_space<hbm>>) target(%arg19 : memref<128xi32, #tpu.memory_space<vmem>>) target_semaphore(%run_scoped3A_564 : memref<!tpu.dma_semaphore, #tpu.memory_space<semaphore_mem>>)
          %dma_wait3A_571 = arith.constant 0 : i32
          %dma_wait3A_572 = tpu.memref_slice %arg3[%arg1, %add3A_413, %dma_wait3A_571] : memref<16x396x128xi32, #tpu.memory_space<hbm>> -> memref<1x1x128xi32, #tpu.memory_space<hbm>>
          %dma_wait3A_573 = tpu.memref_squeeze %dma_wait3A_572 : memref<1x1x128xi32, #tpu.memory_space<hbm>> -> memref<128xi32, #tpu.memory_space<hbm>>
          %dma_wait3A_574 = arith.constant 0 : i32
          %dma_wait3A_575 = tpu.memref_slice %arg3[%arg1, %add3A_413, %dma_wait3A_574] : memref<16x396x128xi32, #tpu.memory_space<hbm>> -> memref<1x1x128xi32, #tpu.memory_space<hbm>>
          %dma_wait3A_576 = tpu.memref_squeeze %dma_wait3A_575 : memref<1x1x128xi32, #tpu.memory_space<hbm>> -> memref<128xi32, #tpu.memory_space<hbm>>
          tpu.wait_dma2 semaphore(%run_scoped3A_564 : memref<!tpu.dma_semaphore, #tpu.memory_space<semaphore_mem>>) src(%dma_wait3A_576 : memref<128xi32, #tpu.memory_space<hbm>>) dst(%arg19 : memref<128xi32, #tpu.memory_space<vmem>>)
          tpu.yield
        }) : () -> ()
        %get3A_414 = arith.constant 0 : index
        %get3A_415 = tpu.vector_load %arg18[%get3A_414] {strides = array<i32>} : memref<128xi32, #tpu.memory_space<vmem>>, vector<16xi32>,
        %get3A_416 = vector.shape_cast %get3A_415 : vector<16xi32> to vector<16xi32>
        %add3A_417 = vector.broadcast %mul3A_0 : i32 to vector<16xi32>
        %add3A_418 = arith.addi %get3A_416, %add3A_417 : vector<16xi32>
        %swap3A_419 = arith.constant 0 : index
        %swap3A_420 = tpu.vector_load %arg20[%swap3A_419] {strides = array<i32>} : memref<128xi32, #tpu.memory_space<vmem>>, vector<16xi32>,
        %swap3A_421 = vector.shape_cast %swap3A_420 : vector<16xi32> to vector<16xi32>
        %swap3A_422 = vector.shape_cast %add3A_418 : vector<16xi32> to vector<16xi32>
        tpu.vector_store %arg20[%swap3A_419], %swap3A_422 {strides = array<i32>} : memref<128xi32, #tpu.memory_space<vmem>>, vector<16xi32>,
        %get3A_423 = arith.constant 0 : index
        %get3A_424 = tpu.vector_load %arg19[%get3A_423] {strides = array<i32>} : memref<128xi32, #tpu.memory_space<vmem>>, vector<16xi32>,
        %get3A_425 = vector.shape_cast %get3A_424 : vector<16xi32> to vector<16xi32>
        %add3A_426 = vector.broadcast %mul3A_2 : i32 to vector<16xi32>
        %add3A_427 = arith.addi %get3A_425, %add3A_426 : vector<16xi32>
        %swap3A_428 = arith.constant 0 : index
        %swap3A_429 = tpu.vector_load %arg21[%swap3A_428] {strides = array<i32>} : memref<128xi32, #tpu.memory_space<vmem>>, vector<16xi32>,
        %swap3A_430 = vector.shape_cast %swap3A_429 : vector<16xi32> to vector<16xi32>
        %swap3A_431 = vector.shape_cast %add3A_427 : vector<16xi32> to vector<16xi32>
        tpu.vector_store %arg21[%swap3A_428], %swap3A_431 {strides = array<i32>} : memref<128xi32, #tpu.memory_space<vmem>>, vector<16xi32>,
        %get3A_432 = arith.constant 16 : index
        %get3A_433 = tpu.vector_load %arg18[%get3A_432] {strides = array<i32>} : memref<128xi32, #tpu.memory_space<vmem>>, vector<16xi32>,
        %get3A_434 = vector.shape_cast %get3A_433 : vector<16xi32> to vector<16xi32>
        %add3A_435 = vector.broadcast %mul3A_0 : i32 to vector<16xi32>
        %add3A_436 = arith.addi %get3A_434, %add3A_435 : vector<16xi32>
        %swap3A_437 = arith.constant 16 : index
        %swap3A_438 = tpu.vector_load %arg20[%swap3A_437] {strides = array<i32>} : memref<128xi32, #tpu.memory_space<vmem>>, vector<16xi32>,
        %swap3A_439 = vector.shape_cast %swap3A_438 : vector<16xi32> to vector<16xi32>
        %swap3A_440 = vector.shape_cast %add3A_436 : vector<16xi32> to vector<16xi32>
        tpu.vector_store %arg20[%swap3A_437], %swap3A_440 {strides = array<i32>} : memref<128xi32, #tpu.memory_space<vmem>>, vector<16xi32>,
        %get3A_441 = arith.constant 16 : index
        %get3A_442 = tpu.vector_load %arg19[%get3A_441] {strides = array<i32>} : memref<128xi32, #tpu.memory_space<vmem>>, vector<16xi32>,
        %get3A_443 = vector.shape_cast %get3A_442 : vector<16xi32> to vector<16xi32>
        %add3A_444 = vector.broadcast %mul3A_2 : i32 to vector<16xi32>
        %add3A_445 = arith.addi %get3A_443, %add3A_444 : vector<16xi32>
        %swap3A_446 = arith.constant 16 : index
        %swap3A_447 = tpu.vector_load %arg21[%swap3A_446] {strides = array<i32>} : memref<128xi32, #tpu.memory_space<vmem>>, vector<16xi32>,
        %swap3A_448 = vector.shape_cast %swap3A_447 : vector<16xi32> to vector<16xi32>
        %swap3A_449 = vector.shape_cast %add3A_445 : vector<16xi32> to vector<16xi32>
        tpu.vector_store %arg21[%swap3A_446], %swap3A_449 {strides = array<i32>} : memref<128xi32, #tpu.memory_space<vmem>>, vector<16xi32>,
        %get3A_450 = arith.constant 32 : index
        %get3A_451 = tpu.vector_load %arg18[%get3A_450] {strides = array<i32>} : memref<128xi32, #tpu.memory_space<vmem>>, vector<16xi32>,
        %get3A_452 = vector.shape_cast %get3A_451 : vector<16xi32> to vector<16xi32>
        %add3A_453 = vector.broadcast %mul3A_0 : i32 to vector<16xi32>
        %add3A_454 = arith.addi %get3A_452, %add3A_453 : vector<16xi32>
        %swap3A_455 = arith.constant 32 : index
        %swap3A_456 = tpu.vector_load %arg20[%swap3A_455] {strides = array<i32>} : memref<128xi32, #tpu.memory_space<vmem>>, vector<16xi32>,
        %swap3A_457 = vector.shape_cast %swap3A_456 : vector<16xi32> to vector<16xi32>
        %swap3A_458 = vector.shape_cast %add3A_454 : vector<16xi32> to vector<16xi32>
        tpu.vector_store %arg20[%swap3A_455], %swap3A_458 {strides = array<i32>} : memref<128xi32, #tpu.memory_space<vmem>>, vector<16xi32>,
        %get3A_459 = arith.constant 32 : index
        %get3A_460 = tpu.vector_load %arg19[%get3A_459] {strides = array<i32>} : memref<128xi32, #tpu.memory_space<vmem>>, vector<16xi32>,
        %get3A_461 = vector.shape_cast %get3A_460 : vector<16xi32> to vector<16xi32>
        %add3A_462 = vector.broadcast %mul3A_2 : i32 to vector<16xi32>
        %add3A_463 = arith.addi %get3A_461, %add3A_462 : vector<16xi32>
        %swap3A_464 = arith.constant 32 : index
        %swap3A_465 = tpu.vector_load %arg21[%swap3A_464] {strides = array<i32>} : memref<128xi32, #tpu.memory_space<vmem>>, vector<16xi32>,
        %swap3A_466 = vector.shape_cast %swap3A_465 : vector<16xi32> to vector<16xi32>
        %swap3A_467 = vector.shape_cast %add3A_463 : vector<16xi32> to vector<16xi32>
        tpu.vector_store %arg21[%swap3A_464], %swap3A_467 {strides = array<i32>} : memref<128xi32, #tpu.memory_space<vmem>>, vector<16xi32>,
        %get3A_468 = arith.constant 48 : index
        %get3A_469 = tpu.vector_load %arg18[%get3A_468] {strides = array<i32>} : memref<128xi32, #tpu.memory_space<vmem>>, vector<16xi32>,
        %get3A_470 = vector.shape_cast %get3A_469 : vector<16xi32> to vector<16xi32>
        %add3A_471 = vector.broadcast %mul3A_0 : i32 to vector<16xi32>
        %add3A_472 = arith.addi %get3A_470, %add3A_471 : vector<16xi32>
        %swap3A_473 = arith.constant 48 : index
        %swap3A_474 = tpu.vector_load %arg20[%swap3A_473] {strides = array<i32>} : memref<128xi32, #tpu.memory_space<vmem>>, vector<16xi32>,
        %swap3A_475 = vector.shape_cast %swap3A_474 : vector<16xi32> to vector<16xi32>
        %swap3A_476 = vector.shape_cast %add3A_472 : vector<16xi32> to vector<16xi32>
        tpu.vector_store %arg20[%swap3A_473], %swap3A_476 {strides = array<i32>} : memref<128xi32, #tpu.memory_space<vmem>>, vector<16xi32>,
        %get3A_477 = arith.constant 48 : index
        %get3A_478 = tpu.vector_load %arg19[%get3A_477] {strides = array<i32>} : memref<128xi32, #tpu.memory_space<vmem>>, vector<16xi32>,
        %get3A_479 = vector.shape_cast %get3A_478 : vector<16xi32> to vector<16xi32>
        %add3A_480 = vector.broadcast %mul3A_2 : i32 to vector<16xi32>
        %add3A_481 = arith.addi %get3A_479, %add3A_480 : vector<16xi32>
        %swap3A_482 = arith.constant 48 : index
        %swap3A_483 = tpu.vector_load %arg21[%swap3A_482] {strides = array<i32>} : memref<128xi32, #tpu.memory_space<vmem>>, vector<16xi32>,
        %swap3A_484 = vector.shape_cast %swap3A_483 : vector<16xi32> to vector<16xi32>
        %swap3A_485 = vector.shape_cast %add3A_481 : vector<16xi32> to vector<16xi32>
        tpu.vector_store %arg21[%swap3A_482], %swap3A_485 {strides = array<i32>} : memref<128xi32, #tpu.memory_space<vmem>>, vector<16xi32>,
        %get3A_486 = arith.constant 64 : index
        %get3A_487 = tpu.vector_load %arg18[%get3A_486] {strides = array<i32>} : memref<128xi32, #tpu.memory_space<vmem>>, vector<16xi32>,
        %get3A_488 = vector.shape_cast %get3A_487 : vector<16xi32> to vector<16xi32>
        %add3A_489 = vector.broadcast %mul3A_0 : i32 to vector<16xi32>
        %add3A_490 = arith.addi %get3A_488, %add3A_489 : vector<16xi32>
        %swap3A_491 = arith.constant 64 : index
        %swap3A_492 = tpu.vector_load %arg20[%swap3A_491] {strides = array<i32>} : memref<128xi32, #tpu.memory_space<vmem>>, vector<16xi32>,
        %swap3A_493 = vector.shape_cast %swap3A_492 : vector<16xi32> to vector<16xi32>
        %swap3A_494 = vector.shape_cast %add3A_490 : vector<16xi32> to vector<16xi32>
        tpu.vector_store %arg20[%swap3A_491], %swap3A_494 {strides = array<i32>} : memref<128xi32, #tpu.memory_space<vmem>>, vector<16xi32>,
        %get3A_495 = arith.constant 64 : index
        %get3A_496 = tpu.vector_load %arg19[%get3A_495] {strides = array<i32>} : memref<128xi32, #tpu.memory_space<vmem>>, vector<16xi32>,
        %get3A_497 = vector.shape_cast %get3A_496 : vector<16xi32> to vector<16xi32>
        %add3A_498 = vector.broadcast %mul3A_2 : i32 to vector<16xi32>
        %add3A_499 = arith.addi %get3A_497, %add3A_498 : vector<16xi32>
        %swap3A_500 = arith.constant 64 : index
        %swap3A_501 = tpu.vector_load %arg21[%swap3A_500] {strides = array<i32>} : memref<128xi32, #tpu.memory_space<vmem>>, vector<16xi32>,
        %swap3A_502 = vector.shape_cast %swap3A_501 : vector<16xi32> to vector<16xi32>
        %swap3A_503 = vector.shape_cast %add3A_499 : vector<16xi32> to vector<16xi32>
        tpu.vector_store %arg21[%swap3A_500], %swap3A_503 {strides = array<i32>} : memref<128xi32, #tpu.memory_space<vmem>>, vector<16xi32>,
        %get3A_504 = arith.constant 80 : index
        %get3A_505 = tpu.vector_load %arg18[%get3A_504] {strides = array<i32>} : memref<128xi32, #tpu.memory_space<vmem>>, vector<16xi32>,
        %get3A_506 = vector.shape_cast %get3A_505 : vector<16xi32> to vector<16xi32>
        %add3A_507 = vector.broadcast %mul3A_0 : i32 to vector<16xi32>
        %add3A_508 = arith.addi %get3A_506, %add3A_507 : vector<16xi32>
        %swap3A_509 = arith.constant 80 : index
        %swap3A_510 = tpu.vector_load %arg20[%swap3A_509] {strides = array<i32>} : memref<128xi32, #tpu.memory_space<vmem>>, vector<16xi32>,
        %swap3A_511 = vector.shape_cast %swap3A_510 : vector<16xi32> to vector<16xi32>
        %swap3A_512 = vector.shape_cast %add3A_508 : vector<16xi32> to vector<16xi32>
        tpu.vector_store %arg20[%swap3A_509], %swap3A_512 {strides = array<i32>} : memref<128xi32, #tpu.memory_space<vmem>>, vector<16xi32>,
        %get3A_513 = arith.constant 80 : index
        %get3A_514 = tpu.vector_load %arg19[%get3A_513] {strides = array<i32>} : memref<128xi32, #tpu.memory_space<vmem>>, vector<16xi32>,
        %get3A_515 = vector.shape_cast %get3A_514 : vector<16xi32> to vector<16xi32>
        %add3A_516 = vector.broadcast %mul3A_2 : i32 to vector<16xi32>
        %add3A_517 = arith.addi %get3A_515, %add3A_516 : vector<16xi32>
        %swap3A_518 = arith.constant 80 : index
        %swap3A_519 = tpu.vector_load %arg21[%swap3A_518] {strides = array<i32>} : memref<128xi32, #tpu.memory_space<vmem>>, vector<16xi32>,
        %swap3A_520 = vector.shape_cast %swap3A_519 : vector<16xi32> to vector<16xi32>
        %swap3A_521 = vector.shape_cast %add3A_517 : vector<16xi32> to vector<16xi32>
        tpu.vector_store %arg21[%swap3A_518], %swap3A_521 {strides = array<i32>} : memref<128xi32, #tpu.memory_space<vmem>>, vector<16xi32>,
        %get3A_522 = arith.constant 96 : index
        %get3A_523 = tpu.vector_load %arg18[%get3A_522] {strides = array<i32>} : memref<128xi32, #tpu.memory_space<vmem>>, vector<16xi32>,
        %get3A_524 = vector.shape_cast %get3A_523 : vector<16xi32> to vector<16xi32>
        %add3A_525 = vector.broadcast %mul3A_0 : i32 to vector<16xi32>
        %add3A_526 = arith.addi %get3A_524, %add3A_525 : vector<16xi32>
        %swap3A_527 = arith.constant 96 : index
        %swap3A_528 = tpu.vector_load %arg20[%swap3A_527] {strides = array<i32>} : memref<128xi32, #tpu.memory_space<vmem>>, vector<16xi32>,
        %swap3A_529 = vector.shape_cast %swap3A_528 : vector<16xi32> to vector<16xi32>
        %swap3A_530 = vector.shape_cast %add3A_526 : vector<16xi32> to vector<16xi32>
        tpu.vector_store %arg20[%swap3A_527], %swap3A_530 {strides = array<i32>} : memref<128xi32, #tpu.memory_space<vmem>>, vector<16xi32>,
        %get3A_531 = arith.constant 96 : index
        %get3A_532 = tpu.vector_load %arg19[%get3A_531] {strides = array<i32>} : memref<128xi32, #tpu.memory_space<vmem>>, vector<16xi32>,
        %get3A_533 = vector.shape_cast %get3A_532 : vector<16xi32> to vector<16xi32>
        %add3A_534 = vector.broadcast %mul3A_2 : i32 to vector<16xi32>
        %add3A_535 = arith.addi %get3A_533, %add3A_534 : vector<16xi32>
        %swap3A_536 = arith.constant 96 : index
        %swap3A_537 = tpu.vector_load %arg21[%swap3A_536] {strides = array<i32>} : memref<128xi32, #tpu.memory_space<vmem>>, vector<16xi32>,
        %swap3A_538 = vector.shape_cast %swap3A_537 : vector<16xi32> to vector<16xi32>
        %swap3A_539 = vector.shape_cast %add3A_535 : vector<16xi32> to vector<16xi32>
        tpu.vector_store %arg21[%swap3A_536], %swap3A_539 {strides = array<i32>} : memref<128xi32, #tpu.memory_space<vmem>>, vector<16xi32>,
        %get3A_540 = arith.constant 112 : index
        %get3A_541 = tpu.vector_load %arg18[%get3A_540] {strides = array<i32>} : memref<128xi32, #tpu.memory_space<vmem>>, vector<16xi32>,
        %get3A_542 = vector.shape_cast %get3A_541 : vector<16xi32> to vector<16xi32>
        %add3A_543 = vector.broadcast %mul3A_0 : i32 to vector<16xi32>
        %add3A_544 = arith.addi %get3A_542, %add3A_543 : vector<16xi32>
        %swap3A_545 = arith.constant 112 : index
        %swap3A_546 = tpu.vector_load %arg20[%swap3A_545] {strides = array<i32>} : memref<128xi32, #tpu.memory_space<vmem>>, vector<16xi32>,
        %swap3A_547 = vector.shape_cast %swap3A_546 : vector<16xi32> to vector<16xi32>
        %swap3A_548 = vector.shape_cast %add3A_544 : vector<16xi32> to vector<16xi32>
        tpu.vector_store %arg20[%swap3A_545], %swap3A_548 {strides = array<i32>} : memref<128xi32, #tpu.memory_space<vmem>>, vector<16xi32>,
        %get3A_549 = arith.constant 112 : index
        %get3A_550 = tpu.vector_load %arg19[%get3A_549] {strides = array<i32>} : memref<128xi32, #tpu.memory_space<vmem>>, vector<16xi32>,
        %get3A_551 = vector.shape_cast %get3A_550 : vector<16xi32> to vector<16xi32>
        %add3A_552 = vector.broadcast %mul3A_2 : i32 to vector<16xi32>
        %add3A_553 = arith.addi %get3A_551, %add3A_552 : vector<16xi32>
        %swap3A_554 = arith.constant 112 : index
        %swap3A_555 = tpu.vector_load %arg21[%swap3A_554] {strides = array<i32>} : memref<128xi32, #tpu.memory_space<vmem>>, vector<16xi32>,
        %swap3A_556 = vector.shape_cast %swap3A_555 : vector<16xi32> to vector<16xi32>
        %swap3A_557 = vector.shape_cast %add3A_553 : vector<16xi32> to vector<16xi32>
        tpu.vector_store %arg21[%swap3A_554], %swap3A_557 {strides = array<i32>} : memref<128xi32, #tpu.memory_space<vmem>>, vector<16xi32>,
        %dma_start3A_558 = arith.constant 0 : i32
        %dma_start3A_559 = arith.constant 0 : i32
        %dma_start3A_560 = tpu.memref_slice %arg4[%dma_start3A_558, %dma_start3A_559] : memref<81920x32xf32, #tpu.memory_space<hbm>> -> memref<81920x32xf32, #tpu.memory_space<hbm>>
        tpu.enqueue_indirect_dma source(%dma_start3A_560 : memref<81920x32xf32, #tpu.memory_space<hbm>>) target(%arg22 : memref<128x32xf32, #tpu.memory_space<vmem>>) offsets(%arg20 : memref<128xi32, #tpu.memory_space<vmem>>) semaphore(%arg34 : memref<!tpu.dma_semaphore, #tpu.memory_space<semaphore_mem>>)
        %dma_start3A_561 = arith.constant 0 : i32
        %dma_start3A_562 = arith.constant 0 : i32
        %dma_start3A_563 = tpu.memref_slice %arg5[%dma_start3A_561, %dma_start3A_562] : memref<20480x32xf32, #tpu.memory_space<hbm>> -> memref<20480x32xf32, #tpu.memory_space<hbm>>
        tpu.enqueue_indirect_dma source(%dma_start3A_563 : memref<20480x32xf32, #tpu.memory_space<hbm>>) target(%arg23 : memref<128x32xf32, #tpu.memory_space<vmem>>) offsets(%arg21 : memref<128xi32, #tpu.memory_space<vmem>>) semaphore(%arg35 : memref<!tpu.dma_semaphore, #tpu.memory_space<semaphore_mem>>)
      } else {
      }
    }
    %scan3A_314 = arith.constant 132 : i32
    %dma_wait3A = arith.constant 0 : i32
    %dma_wait3A_315 = arith.constant 0 : i32
    %dma_wait3A_316 = tpu.memref_slice %arg10[%dma_wait3A, %dma_wait3A_315] : memref<40960x32xf32, #tpu.memory_space<vmem_shared>> -> memref<40960x32xf32, #tpu.memory_space<vmem_shared>>
    tpu.wait_indirect_dma semaphore(%arg40 : memref<!tpu.dma_semaphore, #tpu.memory_space<semaphore_mem>>) src(%arg29 : memref<128x32xf32, #tpu.memory_space<vmem>>) dst(%dma_wait3A_316 : memref<40960x32xf32, #tpu.memory_space<vmem_shared>>)
    %dma_wait3A_317 = arith.constant 0 : i32
    %dma_wait3A_318 = arith.constant 0 : i32
    %dma_wait3A_319 = tpu.memref_slice %arg11[%dma_wait3A_317, %dma_wait3A_318] : memref<10240x32xf32, #tpu.memory_space<vmem_shared>> -> memref<10240x32xf32, #tpu.memory_space<vmem_shared>>
    tpu.wait_indirect_dma semaphore(%arg41 : memref<!tpu.dma_semaphore, #tpu.memory_space<semaphore_mem>>) src(%arg28 : memref<128x32xf32, #tpu.memory_space<vmem>>) dst(%dma_wait3A_319 : memref<10240x32xf32, #tpu.memory_space<vmem_shared>>)
    %barrier3A_320 = arith.constant 0 : index
    tpu.barrier barrier_id(%barrier3A_320)
    %mul3A_321 = arith.constant 2560 : i32
    %mul3A_322 = arith.muli %arg1, %mul3A_321 : i32
    %mul3A_323 = arith.constant 2560 : i32
    %mul3A_324 = arith.muli %arg1, %mul3A_323 : i32
    %add3A_325 = arith.addi %mul3A_0, %mul3A_324 : i32
    "tpu.region"() ({
      %run_scoped3A_331 = tpu.sem_alloc : memref<!tpu.dma_semaphore, #tpu.memory_space<semaphore_mem>>
      %dma_start3A_332 = arith.constant 0 : i32
      %dma_start3A_333 = tpu.memref_slice %arg8[%add3A_325, %dma_start3A_332] : memref<81920x32xf32, #tpu.memory_space<hbm>> -> memref<2560x32xf32, #tpu.memory_space<hbm>>
      %dma_start3A_334 = arith.constant 0 : i32
      %dma_start3A_335 = tpu.memref_slice %arg10[%mul3A_322, %dma_start3A_334] : memref<40960x32xf32, #tpu.memory_space<vmem_shared>> -> memref<2560x32xf32, #tpu.memory_space<vmem_shared>>
      tpu.enqueue_dma source(%dma_start3A_335 : memref<2560x32xf32, #tpu.memory_space<vmem_shared>>) target(%dma_start3A_333 : memref<2560x32xf32, #tpu.memory_space<hbm>>) target_semaphore(%run_scoped3A_331 : memref<!tpu.dma_semaphore, #tpu.memory_space<semaphore_mem>>)
      %dma_wait3A_336 = arith.constant 0 : i32
      %dma_wait3A_337 = tpu.memref_slice %arg8[%add3A_325, %dma_wait3A_336] : memref<81920x32xf32, #tpu.memory_space<hbm>> -> memref<2560x32xf32, #tpu.memory_space<hbm>>
      %dma_wait3A_338 = arith.constant 0 : i32
      %dma_wait3A_339 = tpu.memref_slice %arg10[%mul3A_322, %dma_wait3A_338] : memref<40960x32xf32, #tpu.memory_space<vmem_shared>> -> memref<2560x32xf32, #tpu.memory_space<vmem_shared>>
      tpu.wait_dma2 semaphore(%run_scoped3A_331 : memref<!tpu.dma_semaphore, #tpu.memory_space<semaphore_mem>>) src(%dma_wait3A_339 : memref<2560x32xf32, #tpu.memory_space<vmem_shared>>) dst(%dma_wait3A_337 : memref<2560x32xf32, #tpu.memory_space<hbm>>)
      tpu.yield
    }) : () -> ()
    %mul3A_326 = arith.constant 640 : i32
    %mul3A_327 = arith.muli %arg1, %mul3A_326 : i32
    %mul3A_328 = arith.constant 640 : i32
    %mul3A_329 = arith.muli %arg1, %mul3A_328 : i32
    %add3A_330 = arith.addi %mul3A_2, %mul3A_329 : i32
    "tpu.region"() ({
      %run_scoped3A_331 = tpu.sem_alloc : memref<!tpu.dma_semaphore, #tpu.memory_space<semaphore_mem>>
      %dma_start3A_332 = arith.constant 0 : i32
      %dma_start3A_333 = tpu.memref_slice %arg9[%add3A_330, %dma_start3A_332] : memref<20480x32xf32, #tpu.memory_space<hbm>> -> memref<640x32xf32, #tpu.memory_space<hbm>>
      %dma_start3A_334 = arith.constant 0 : i32
      %dma_start3A_335 = tpu.memref_slice %arg11[%mul3A_327, %dma_start3A_334] : memref<10240x32xf32, #tpu.memory_space<vmem_shared>> -> memref<640x32xf32, #tpu.memory_space<vmem_shared>>
      tpu.enqueue_dma source(%dma_start3A_335 : memref<640x32xf32, #tpu.memory_space<vmem_shared>>) target(%dma_start3A_333 : memref<640x32xf32, #tpu.memory_space<hbm>>) target_semaphore(%run_scoped3A_331 : memref<!tpu.dma_semaphore, #tpu.memory_space<semaphore_mem>>)
      %dma_wait3A_336 = arith.constant 0 : i32
      %dma_wait3A_337 = tpu.memref_slice %arg9[%add3A_330, %dma_wait3A_336] : memref<20480x32xf32, #tpu.memory_space<hbm>> -> memref<640x32xf32, #tpu.memory_space<hbm>>
      %dma_wait3A_338 = arith.constant 0 : i32
      %dma_wait3A_339 = tpu.memref_slice %arg11[%mul3A_327, %dma_wait3A_338] : memref<10240x32xf32, #tpu.memory_space<vmem_shared>> -> memref<640x32xf32, #tpu.memory_space<vmem_shared>>
      tpu.wait_dma2 semaphore(%run_scoped3A_331 : memref<!tpu.dma_semaphore, #tpu.memory_space<semaphore_mem>>) src(%dma_wait3A_339 : memref<640x32xf32, #tpu.memory_space<vmem_shared>>) dst(%dma_wait3A_337 : memref<640x32xf32, #tpu.memory_space<hbm>>)
      tpu.yield
    }) : () -> ()
    return
  }
}

#map = affine_map<(d0, d1) -> (0, 0, 0)>
#map1 = affine_map<(d0, d1) -> (0, 0)>
module attributes {stable_mosaic.version = 14 : i64} {
  func.func @_agg_body(%arg0: i32, %arg1: i32, %arg2: memref<16x396x128xi32, #tpu.memory_space<hbm>>, %arg3: memref<16x396x128xi32, #tpu.memory_space<hbm>>, %arg4: memref<81920x32xf32, #tpu.memory_space<hbm>>, %arg5: memref<20480x32xf32, #tpu.memory_space<hbm>>, %arg6: memref<40960x32xf32, #tpu.memory_space<hbm>>, %arg7: memref<10240x32xf32, #tpu.memory_space<hbm>>, %arg8: memref<81920x32xf32, #tpu.memory_space<hbm>>, %arg9: memref<20480x32xf32, #tpu.memory_space<hbm>>, %arg10: memref<40960x32xf32, #tpu.memory_space<vmem_shared>>, %arg11: memref<10240x32xf32, #tpu.memory_space<vmem_shared>>, %arg12: memref<128xi32, #tpu.memory_space<vmem>>, %arg13: memref<128xi32, #tpu.memory_space<vmem>>, %arg14: memref<128xi32, #tpu.memory_space<vmem>>, %arg15: memref<128xi32, #tpu.memory_space<vmem>>, %arg16: memref<128x32xf32, #tpu.memory_space<vmem>>, %arg17: memref<128x32xf32, #tpu.memory_space<vmem>>, %arg18: memref<128xi32, #tpu.memory_space<vmem>>, %arg19: memref<128xi32, #tpu.memory_space<vmem>>, %arg20: memref<128xi32, #tpu.memory_space<vmem>>, %arg21: memref<128xi32, #tpu.memory_space<vmem>>, %arg22: memref<128x32xf32, #tpu.memory_space<vmem>>, %arg23: memref<128x32xf32, #tpu.memory_space<vmem>>, %arg24: memref<128xi32, #tpu.memory_space<vmem>>, %arg25: memref<128xi32, #tpu.memory_space<vmem>>, %arg26: memref<128xi32, #tpu.memory_space<vmem>>, %arg27: memref<128xi32, #tpu.memory_space<vmem>>, %arg28: memref<128x32xf32, #tpu.memory_space<vmem>>, %arg29: memref<128x32xf32, #tpu.memory_space<vmem>>, %arg30: memref<!tpu.dma_semaphore, #tpu.memory_space<semaphore_mem>>, %arg31: memref<!tpu.dma_semaphore, #tpu.memory_space<semaphore_mem>>, %arg32: memref<!tpu.dma_semaphore, #tpu.memory_space<semaphore_mem>>, %arg33: memref<!tpu.dma_semaphore, #tpu.memory_space<semaphore_mem>>, %arg34: memref<!tpu.dma_semaphore, #tpu.memory_space<semaphore_mem>>, %arg35: memref<!tpu.dma_semaphore, #tpu.memory_space<semaphore_mem>>, %arg36: memref<!tpu.dma_semaphore, #tpu.memory_space<semaphore_mem>>, %arg37: memref<!tpu.dma_semaphore, #tpu.memory_space<semaphore_mem>>, %arg38: memref<!tpu.dma_semaphore, #tpu.memory_space<semaphore_mem>>, %arg39: memref<!tpu.dma_semaphore, #tpu.memory_space<semaphore_mem>>, %arg40: memref<!tpu.dma_semaphore, #tpu.memory_space<semaphore_mem>>, %arg41: memref<!tpu.dma_semaphore, #tpu.memory_space<semaphore_mem>>) attributes {dimension_semantics = [#tpu.dimension_semantics<core_parallel>, #tpu.dimension_semantics<subcore_parallel>], iteration_bounds = array<i64: 2, 16>, scalar_prefetch = 0 : i64, scratch_operands = 32 : i64, tpu.core_type = #tpu.core_type<sc_vector_subcore>, window_params = [{transform_indices = #map}, {transform_indices = #map}, {transform_indices = #map1}, {transform_indices = #map1}, {transform_indices = #map1}, {transform_indices = #map1}, {transform_indices = #map1}, {transform_indices = #map1}]} {
    %mul3A = arith.constant 40960 : i32
    %mul3A_0 = arith.muli %arg0, %mul3A : i32
    %mul3A_1 = arith.constant 10240 : i32
    %mul3A_2 = arith.muli %arg0, %mul3A_1 : i32
    %mul3A_3 = arith.constant 2560 : i32
    %mul3A_4 = arith.muli %arg1, %mul3A_3 : i32
    %mul3A_5 = arith.constant 2560 : i32
    %mul3A_6 = arith.muli %arg1, %mul3A_5 : i32
    "tpu.region"() ({
      %run_scoped3A_331 = tpu.sem_alloc : memref<!tpu.dma_semaphore, #tpu.memory_space<semaphore_mem>>
      %dma_start3A_332 = arith.constant 0 : i32
      %dma_start3A_333 = tpu.memref_slice %arg10[%mul3A_6, %dma_start3A_332] : memref<40960x32xf32, #tpu.memory_space<vmem_shared>> -> memref<2560x32xf32, #tpu.memory_space<vmem_shared>>
      %dma_start3A_334 = arith.constant 0 : i32
      %dma_start3A_335 = tpu.memref_slice %arg6[%mul3A_4, %dma_start3A_334] : memref<40960x32xf32, #tpu.memory_space<hbm>> -> memref<2560x32xf32, #tpu.memory_space<hbm>>
      tpu.enqueue_dma source(%dma_start3A_335 : memref<2560x32xf32, #tpu.memory_space<hbm>>) target(%dma_start3A_333 : memref<2560x32xf32, #tpu.memory_space<vmem_shared>>) target_semaphore(%run_scoped3A_331 : memref<!tpu.dma_semaphore, #tpu.memory_space<semaphore_mem>>)
      %dma_wait3A_336 = arith.constant 0 : i32
      %dma_wait3A_337 = tpu.memref_slice %arg10[%mul3A_6, %dma_wait3A_336] : memref<40960x32xf32, #tpu.memory_space<vmem_shared>> -> memref<2560x32xf32, #tpu.memory_space<vmem_shared>>
      %dma_wait3A_338 = arith.constant 0 : i32
      %dma_wait3A_339 = tpu.memref_slice %arg6[%mul3A_4, %dma_wait3A_338] : memref<40960x32xf32, #tpu.memory_space<hbm>> -> memref<2560x32xf32, #tpu.memory_space<hbm>>
      tpu.wait_dma2 semaphore(%run_scoped3A_331 : memref<!tpu.dma_semaphore, #tpu.memory_space<semaphore_mem>>) src(%dma_wait3A_339 : memref<2560x32xf32, #tpu.memory_space<hbm>>) dst(%dma_wait3A_337 : memref<2560x32xf32, #tpu.memory_space<vmem_shared>>)
      tpu.yield
    }) : () -> ()
    %mul3A_7 = arith.constant 640 : i32
    %mul3A_8 = arith.muli %arg1, %mul3A_7 : i32
    %mul3A_9 = arith.constant 640 : i32
    %mul3A_10 = arith.muli %arg1, %mul3A_9 : i32
    "tpu.region"() ({
      %run_scoped3A_331 = tpu.sem_alloc : memref<!tpu.dma_semaphore, #tpu.memory_space<semaphore_mem>>
      %dma_start3A_332 = arith.constant 0 : i32
      %dma_start3A_333 = tpu.memref_slice %arg11[%mul3A_10, %dma_start3A_332] : memref<10240x32xf32, #tpu.memory_space<vmem_shared>> -> memref<640x32xf32, #tpu.memory_space<vmem_shared>>
      %dma_start3A_334 = arith.constant 0 : i32
      %dma_start3A_335 = tpu.memref_slice %arg7[%mul3A_8, %dma_start3A_334] : memref<10240x32xf32, #tpu.memory_space<hbm>> -> memref<640x32xf32, #tpu.memory_space<hbm>>
      tpu.enqueue_dma source(%dma_start3A_335 : memref<640x32xf32, #tpu.memory_space<hbm>>) target(%dma_start3A_333 : memref<640x32xf32, #tpu.memory_space<vmem_shared>>) target_semaphore(%run_scoped3A_331 : memref<!tpu.dma_semaphore, #tpu.memory_space<semaphore_mem>>)
      %dma_wait3A_336 = arith.constant 0 : i32
      %dma_wait3A_337 = tpu.memref_slice %arg11[%mul3A_10, %dma_wait3A_336] : memref<10240x32xf32, #tpu.memory_space<vmem_shared>> -> memref<640x32xf32, #tpu.memory_space<vmem_shared>>
      %dma_wait3A_338 = arith.constant 0 : i32
      %dma_wait3A_339 = tpu.memref_slice %arg7[%mul3A_8, %dma_wait3A_338] : memref<10240x32xf32, #tpu.memory_space<hbm>> -> memref<640x32xf32, #tpu.memory_space<hbm>>
      tpu.wait_dma2 semaphore(%run_scoped3A_331 : memref<!tpu.dma_semaphore, #tpu.memory_space<semaphore_mem>>) src(%dma_wait3A_339 : memref<640x32xf32, #tpu.memory_space<hbm>>) dst(%dma_wait3A_337 : memref<640x32xf32, #tpu.memory_space<vmem_shared>>)
      tpu.yield
    }) : () -> ()
    %barrier3A = arith.constant 0 : index
    tpu.barrier barrier_id(%barrier3A)
    %run_scoped3A = arith.constant 0 : i32
    "tpu.region"() ({
      %run_scoped3A_331 = tpu.sem_alloc : memref<!tpu.dma_semaphore, #tpu.memory_space<semaphore_mem>>
      %dma_start3A_332 = arith.constant 0 : i32
      %dma_start3A_333 = tpu.memref_slice %arg2[%arg1, %run_scoped3A, %dma_start3A_332] : memref<16x396x128xi32, #tpu.memory_space<hbm>> -> memref<1x1x128xi32, #tpu.memory_space<hbm>>
      %dma_start3A_334 = tpu.memref_squeeze %dma_start3A_333 : memref<1x1x128xi32, #tpu.memory_space<hbm>> -> memref<128xi32, #tpu.memory_space<hbm>>
      %dma_start3A_335 = arith.constant 0 : i32
      %dma_start3A_336 = tpu.memref_slice %arg2[%arg1, %run_scoped3A, %dma_start3A_335] : memref<16x396x128xi32, #tpu.memory_space<hbm>> -> memref<1x1x128xi32, #tpu.memory_space<hbm>>
      %dma_start3A_337 = tpu.memref_squeeze %dma_start3A_336 : memref<1x1x128xi32, #tpu.memory_space<hbm>> -> memref<128xi32, #tpu.memory_space<hbm>>
      tpu.enqueue_dma source(%dma_start3A_337 : memref<128xi32, #tpu.memory_space<hbm>>) target(%arg12 : memref<128xi32, #tpu.memory_space<vmem>>) target_semaphore(%run_scoped3A_331 : memref<!tpu.dma_semaphore, #tpu.memory_space<semaphore_mem>>)
      %dma_wait3A_338 = arith.constant 0 : i32
      %dma_wait3A_339 = tpu.memref_slice %arg2[%arg1, %run_scoped3A, %dma_wait3A_338] : memref<16x396x128xi32, #tpu.memory_space<hbm>> -> memref<1x1x128xi32, #tpu.memory_space<hbm>>
      %dma_wait3A_340 = tpu.memref_squeeze %dma_wait3A_339 : memref<1x1x128xi32, #tpu.memory_space<hbm>> -> memref<128xi32, #tpu.memory_space<hbm>>
      %dma_wait3A_341 = arith.constant 0 : i32
      %dma_wait3A_342 = tpu.memref_slice %arg2[%arg1, %run_scoped3A, %dma_wait3A_341] : memref<16x396x128xi32, #tpu.memory_space<hbm>> -> memref<1x1x128xi32, #tpu.memory_space<hbm>>
      %dma_wait3A_343 = tpu.memref_squeeze %dma_wait3A_342 : memref<1x1x128xi32, #tpu.memory_space<hbm>> -> memref<128xi32, #tpu.memory_space<hbm>>
      tpu.wait_dma2 semaphore(%run_scoped3A_331 : memref<!tpu.dma_semaphore, #tpu.memory_space<semaphore_mem>>) src(%dma_wait3A_343 : memref<128xi32, #tpu.memory_space<hbm>>) dst(%arg12 : memref<128xi32, #tpu.memory_space<vmem>>)
      tpu.yield
    }) : () -> ()
    %run_scoped3A_11 = arith.constant 0 : i32
    "tpu.region"() ({
      %run_scoped3A_331 = tpu.sem_alloc : memref<!tpu.dma_semaphore, #tpu.memory_space<semaphore_mem>>
      %dma_start3A_332 = arith.constant 0 : i32
      %dma_start3A_333 = tpu.memref_slice %arg3[%arg1, %run_scoped3A_11, %dma_start3A_332] : memref<16x396x128xi32, #tpu.memory_space<hbm>> -> memref<1x1x128xi32, #tpu.memory_space<hbm>>
      %dma_start3A_334 = tpu.memref_squeeze %dma_start3A_333 : memref<1x1x128xi32, #tpu.memory_space<hbm>> -> memref<128xi32, #tpu.memory_space<hbm>>
      %dma_start3A_335 = arith.constant 0 : i32
      %dma_start3A_336 = tpu.memref_slice %arg3[%arg1, %run_scoped3A_11, %dma_start3A_335] : memref<16x396x128xi32, #tpu.memory_space<hbm>> -> memref<1x1x128xi32, #tpu.memory_space<hbm>>
      %dma_start3A_337 = tpu.memref_squeeze %dma_start3A_336 : memref<1x1x128xi32, #tpu.memory_space<hbm>> -> memref<128xi32, #tpu.memory_space<hbm>>
      tpu.enqueue_dma source(%dma_start3A_337 : memref<128xi32, #tpu.memory_space<hbm>>) target(%arg13 : memref<128xi32, #tpu.memory_space<vmem>>) target_semaphore(%run_scoped3A_331 : memref<!tpu.dma_semaphore, #tpu.memory_space<semaphore_mem>>)
      %dma_wait3A_338 = arith.constant 0 : i32
      %dma_wait3A_339 = tpu.memref_slice %arg3[%arg1, %run_scoped3A_11, %dma_wait3A_338] : memref<16x396x128xi32, #tpu.memory_space<hbm>> -> memref<1x1x128xi32, #tpu.memory_space<hbm>>
      %dma_wait3A_340 = tpu.memref_squeeze %dma_wait3A_339 : memref<1x1x128xi32, #tpu.memory_space<hbm>> -> memref<128xi32, #tpu.memory_space<hbm>>
      %dma_wait3A_341 = arith.constant 0 : i32
      %dma_wait3A_342 = tpu.memref_slice %arg3[%arg1, %run_scoped3A_11, %dma_wait3A_341] : memref<16x396x128xi32, #tpu.memory_space<hbm>> -> memref<1x1x128xi32, #tpu.memory_space<hbm>>
      %dma_wait3A_343 = tpu.memref_squeeze %dma_wait3A_342 : memref<1x1x128xi32, #tpu.memory_space<hbm>> -> memref<128xi32, #tpu.memory_space<hbm>>
      tpu.wait_dma2 semaphore(%run_scoped3A_331 : memref<!tpu.dma_semaphore, #tpu.memory_space<semaphore_mem>>) src(%dma_wait3A_343 : memref<128xi32, #tpu.memory_space<hbm>>) dst(%arg13 : memref<128xi32, #tpu.memory_space<vmem>>)
      tpu.yield
    }) : () -> ()
    %get3A = arith.constant 0 : index
    %get3A_12 = tpu.vector_load %arg12[%get3A] {strides = array<i32>} : memref<128xi32, #tpu.memory_space<vmem>>, vector<16xi32>,
    %get3A_13 = vector.shape_cast %get3A_12 : vector<16xi32> to vector<16xi32>
    %add3A = vector.broadcast %mul3A_0 : i32 to vector<16xi32>
    %add3A_14 = arith.addi %get3A_13, %add3A : vector<16xi32>
    %swap3A = arith.constant 0 : index
    %swap3A_15 = tpu.vector_load %arg14[%swap3A] {strides = array<i32>} : memref<128xi32, #tpu.memory_space<vmem>>, vector<16xi32>,
    %swap3A_16 = vector.shape_cast %swap3A_15 : vector<16xi32> to vector<16xi32>
    %swap3A_17 = vector.shape_cast %add3A_14 : vector<16xi32> to vector<16xi32>
    tpu.vector_store %arg14[%swap3A], %swap3A_17 {strides = array<i32>} : memref<128xi32, #tpu.memory_space<vmem>>, vector<16xi32>,
    %get3A_18 = arith.constant 0 : index
    %get3A_19 = tpu.vector_load %arg13[%get3A_18] {strides = array<i32>} : memref<128xi32, #tpu.memory_space<vmem>>, vector<16xi32>,
    %get3A_20 = vector.shape_cast %get3A_19 : vector<16xi32> to vector<16xi32>
    %add3A_21 = vector.broadcast %mul3A_2 : i32 to vector<16xi32>
    %add3A_22 = arith.addi %get3A_20, %add3A_21 : vector<16xi32>
    %swap3A_23 = arith.constant 0 : index
    %swap3A_24 = tpu.vector_load %arg15[%swap3A_23] {strides = array<i32>} : memref<128xi32, #tpu.memory_space<vmem>>, vector<16xi32>,
    %swap3A_25 = vector.shape_cast %swap3A_24 : vector<16xi32> to vector<16xi32>
    %swap3A_26 = vector.shape_cast %add3A_22 : vector<16xi32> to vector<16xi32>
    tpu.vector_store %arg15[%swap3A_23], %swap3A_26 {strides = array<i32>} : memref<128xi32, #tpu.memory_space<vmem>>, vector<16xi32>,
    %get3A_27 = arith.constant 16 : index
    %get3A_28 = tpu.vector_load %arg12[%get3A_27] {strides = array<i32>} : memref<128xi32, #tpu.memory_space<vmem>>, vector<16xi32>,
    %get3A_29 = vector.shape_cast %get3A_28 : vector<16xi32> to vector<16xi32>
    %add3A_30 = vector.broadcast %mul3A_0 : i32 to vector<16xi32>
    %add3A_31 = arith.addi %get3A_29, %add3A_30 : vector<16xi32>
    %swap3A_32 = arith.constant 16 : index
    %swap3A_33 = tpu.vector_load %arg14[%swap3A_32] {strides = array<i32>} : memref<128xi32, #tpu.memory_space<vmem>>, vector<16xi32>,
    %swap3A_34 = vector.shape_cast %swap3A_33 : vector<16xi32> to vector<16xi32>
    %swap3A_35 = vector.shape_cast %add3A_31 : vector<16xi32> to vector<16xi32>
    tpu.vector_store %arg14[%swap3A_32], %swap3A_35 {strides = array<i32>} : memref<128xi32, #tpu.memory_space<vmem>>, vector<16xi32>,
    %get3A_36 = arith.constant 16 : index
    %get3A_37 = tpu.vector_load %arg13[%get3A_36] {strides = array<i32>} : memref<128xi32, #tpu.memory_space<vmem>>, vector<16xi32>,
    %get3A_38 = vector.shape_cast %get3A_37 : vector<16xi32> to vector<16xi32>
    %add3A_39 = vector.broadcast %mul3A_2 : i32 to vector<16xi32>
    %add3A_40 = arith.addi %get3A_38, %add3A_39 : vector<16xi32>
    %swap3A_41 = arith.constant 16 : index
    %swap3A_42 = tpu.vector_load %arg15[%swap3A_41] {strides = array<i32>} : memref<128xi32, #tpu.memory_space<vmem>>, vector<16xi32>,
    %swap3A_43 = vector.shape_cast %swap3A_42 : vector<16xi32> to vector<16xi32>
    %swap3A_44 = vector.shape_cast %add3A_40 : vector<16xi32> to vector<16xi32>
    tpu.vector_store %arg15[%swap3A_41], %swap3A_44 {strides = array<i32>} : memref<128xi32, #tpu.memory_space<vmem>>, vector<16xi32>,
    %get3A_45 = arith.constant 32 : index
    %get3A_46 = tpu.vector_load %arg12[%get3A_45] {strides = array<i32>} : memref<128xi32, #tpu.memory_space<vmem>>, vector<16xi32>,
    %get3A_47 = vector.shape_cast %get3A_46 : vector<16xi32> to vector<16xi32>
    %add3A_48 = vector.broadcast %mul3A_0 : i32 to vector<16xi32>
    %add3A_49 = arith.addi %get3A_47, %add3A_48 : vector<16xi32>
    %swap3A_50 = arith.constant 32 : index
    %swap3A_51 = tpu.vector_load %arg14[%swap3A_50] {strides = array<i32>} : memref<128xi32, #tpu.memory_space<vmem>>, vector<16xi32>,
    %swap3A_52 = vector.shape_cast %swap3A_51 : vector<16xi32> to vector<16xi32>
    %swap3A_53 = vector.shape_cast %add3A_49 : vector<16xi32> to vector<16xi32>
    tpu.vector_store %arg14[%swap3A_50], %swap3A_53 {strides = array<i32>} : memref<128xi32, #tpu.memory_space<vmem>>, vector<16xi32>,
    %get3A_54 = arith.constant 32 : index
    %get3A_55 = tpu.vector_load %arg13[%get3A_54] {strides = array<i32>} : memref<128xi32, #tpu.memory_space<vmem>>, vector<16xi32>,
    %get3A_56 = vector.shape_cast %get3A_55 : vector<16xi32> to vector<16xi32>
    %add3A_57 = vector.broadcast %mul3A_2 : i32 to vector<16xi32>
    %add3A_58 = arith.addi %get3A_56, %add3A_57 : vector<16xi32>
    %swap3A_59 = arith.constant 32 : index
    %swap3A_60 = tpu.vector_load %arg15[%swap3A_59] {strides = array<i32>} : memref<128xi32, #tpu.memory_space<vmem>>, vector<16xi32>,
    %swap3A_61 = vector.shape_cast %swap3A_60 : vector<16xi32> to vector<16xi32>
    %swap3A_62 = vector.shape_cast %add3A_58 : vector<16xi32> to vector<16xi32>
    tpu.vector_store %arg15[%swap3A_59], %swap3A_62 {strides = array<i32>} : memref<128xi32, #tpu.memory_space<vmem>>, vector<16xi32>,
    %get3A_63 = arith.constant 48 : index
    %get3A_64 = tpu.vector_load %arg12[%get3A_63] {strides = array<i32>} : memref<128xi32, #tpu.memory_space<vmem>>, vector<16xi32>,
    %get3A_65 = vector.shape_cast %get3A_64 : vector<16xi32> to vector<16xi32>
    %add3A_66 = vector.broadcast %mul3A_0 : i32 to vector<16xi32>
    %add3A_67 = arith.addi %get3A_65, %add3A_66 : vector<16xi32>
    %swap3A_68 = arith.constant 48 : index
    %swap3A_69 = tpu.vector_load %arg14[%swap3A_68] {strides = array<i32>} : memref<128xi32, #tpu.memory_space<vmem>>, vector<16xi32>,
    %swap3A_70 = vector.shape_cast %swap3A_69 : vector<16xi32> to vector<16xi32>
    %swap3A_71 = vector.shape_cast %add3A_67 : vector<16xi32> to vector<16xi32>
    tpu.vector_store %arg14[%swap3A_68], %swap3A_71 {strides = array<i32>} : memref<128xi32, #tpu.memory_space<vmem>>, vector<16xi32>,
    %get3A_72 = arith.constant 48 : index
    %get3A_73 = tpu.vector_load %arg13[%get3A_72] {strides = array<i32>} : memref<128xi32, #tpu.memory_space<vmem>>, vector<16xi32>,
    %get3A_74 = vector.shape_cast %get3A_73 : vector<16xi32> to vector<16xi32>
    %add3A_75 = vector.broadcast %mul3A_2 : i32 to vector<16xi32>
    %add3A_76 = arith.addi %get3A_74, %add3A_75 : vector<16xi32>
    %swap3A_77 = arith.constant 48 : index
    %swap3A_78 = tpu.vector_load %arg15[%swap3A_77] {strides = array<i32>} : memref<128xi32, #tpu.memory_space<vmem>>, vector<16xi32>,
    %swap3A_79 = vector.shape_cast %swap3A_78 : vector<16xi32> to vector<16xi32>
    %swap3A_80 = vector.shape_cast %add3A_76 : vector<16xi32> to vector<16xi32>
    tpu.vector_store %arg15[%swap3A_77], %swap3A_80 {strides = array<i32>} : memref<128xi32, #tpu.memory_space<vmem>>, vector<16xi32>,
    %get3A_81 = arith.constant 64 : index
    %get3A_82 = tpu.vector_load %arg12[%get3A_81] {strides = array<i32>} : memref<128xi32, #tpu.memory_space<vmem>>, vector<16xi32>,
    %get3A_83 = vector.shape_cast %get3A_82 : vector<16xi32> to vector<16xi32>
    %add3A_84 = vector.broadcast %mul3A_0 : i32 to vector<16xi32>
    %add3A_85 = arith.addi %get3A_83, %add3A_84 : vector<16xi32>
    %swap3A_86 = arith.constant 64 : index
    %swap3A_87 = tpu.vector_load %arg14[%swap3A_86] {strides = array<i32>} : memref<128xi32, #tpu.memory_space<vmem>>, vector<16xi32>,
    %swap3A_88 = vector.shape_cast %swap3A_87 : vector<16xi32> to vector<16xi32>
    %swap3A_89 = vector.shape_cast %add3A_85 : vector<16xi32> to vector<16xi32>
    tpu.vector_store %arg14[%swap3A_86], %swap3A_89 {strides = array<i32>} : memref<128xi32, #tpu.memory_space<vmem>>, vector<16xi32>,
    %get3A_90 = arith.constant 64 : index
    %get3A_91 = tpu.vector_load %arg13[%get3A_90] {strides = array<i32>} : memref<128xi32, #tpu.memory_space<vmem>>, vector<16xi32>,
    %get3A_92 = vector.shape_cast %get3A_91 : vector<16xi32> to vector<16xi32>
    %add3A_93 = vector.broadcast %mul3A_2 : i32 to vector<16xi32>
    %add3A_94 = arith.addi %get3A_92, %add3A_93 : vector<16xi32>
    %swap3A_95 = arith.constant 64 : index
    %swap3A_96 = tpu.vector_load %arg15[%swap3A_95] {strides = array<i32>} : memref<128xi32, #tpu.memory_space<vmem>>, vector<16xi32>,
    %swap3A_97 = vector.shape_cast %swap3A_96 : vector<16xi32> to vector<16xi32>
    %swap3A_98 = vector.shape_cast %add3A_94 : vector<16xi32> to vector<16xi32>
    tpu.vector_store %arg15[%swap3A_95], %swap3A_98 {strides = array<i32>} : memref<128xi32, #tpu.memory_space<vmem>>, vector<16xi32>,
    %get3A_99 = arith.constant 80 : index
    %get3A_100 = tpu.vector_load %arg12[%get3A_99] {strides = array<i32>} : memref<128xi32, #tpu.memory_space<vmem>>, vector<16xi32>,
    %get3A_101 = vector.shape_cast %get3A_100 : vector<16xi32> to vector<16xi32>
    %add3A_102 = vector.broadcast %mul3A_0 : i32 to vector<16xi32>
    %add3A_103 = arith.addi %get3A_101, %add3A_102 : vector<16xi32>
    %swap3A_104 = arith.constant 80 : index
    %swap3A_105 = tpu.vector_load %arg14[%swap3A_104] {strides = array<i32>} : memref<128xi32, #tpu.memory_space<vmem>>, vector<16xi32>,
    %swap3A_106 = vector.shape_cast %swap3A_105 : vector<16xi32> to vector<16xi32>
    %swap3A_107 = vector.shape_cast %add3A_103 : vector<16xi32> to vector<16xi32>
    tpu.vector_store %arg14[%swap3A_104], %swap3A_107 {strides = array<i32>} : memref<128xi32, #tpu.memory_space<vmem>>, vector<16xi32>,
    %get3A_108 = arith.constant 80 : index
    %get3A_109 = tpu.vector_load %arg13[%get3A_108] {strides = array<i32>} : memref<128xi32, #tpu.memory_space<vmem>>, vector<16xi32>,
    %get3A_110 = vector.shape_cast %get3A_109 : vector<16xi32> to vector<16xi32>
    %add3A_111 = vector.broadcast %mul3A_2 : i32 to vector<16xi32>
    %add3A_112 = arith.addi %get3A_110, %add3A_111 : vector<16xi32>
    %swap3A_113 = arith.constant 80 : index
    %swap3A_114 = tpu.vector_load %arg15[%swap3A_113] {strides = array<i32>} : memref<128xi32, #tpu.memory_space<vmem>>, vector<16xi32>,
    %swap3A_115 = vector.shape_cast %swap3A_114 : vector<16xi32> to vector<16xi32>
    %swap3A_116 = vector.shape_cast %add3A_112 : vector<16xi32> to vector<16xi32>
    tpu.vector_store %arg15[%swap3A_113], %swap3A_116 {strides = array<i32>} : memref<128xi32, #tpu.memory_space<vmem>>, vector<16xi32>,
    %get3A_117 = arith.constant 96 : index
    %get3A_118 = tpu.vector_load %arg12[%get3A_117] {strides = array<i32>} : memref<128xi32, #tpu.memory_space<vmem>>, vector<16xi32>,
    %get3A_119 = vector.shape_cast %get3A_118 : vector<16xi32> to vector<16xi32>
    %add3A_120 = vector.broadcast %mul3A_0 : i32 to vector<16xi32>
    %add3A_121 = arith.addi %get3A_119, %add3A_120 : vector<16xi32>
    %swap3A_122 = arith.constant 96 : index
    %swap3A_123 = tpu.vector_load %arg14[%swap3A_122] {strides = array<i32>} : memref<128xi32, #tpu.memory_space<vmem>>, vector<16xi32>,
    %swap3A_124 = vector.shape_cast %swap3A_123 : vector<16xi32> to vector<16xi32>
    %swap3A_125 = vector.shape_cast %add3A_121 : vector<16xi32> to vector<16xi32>
    tpu.vector_store %arg14[%swap3A_122], %swap3A_125 {strides = array<i32>} : memref<128xi32, #tpu.memory_space<vmem>>, vector<16xi32>,
    %get3A_126 = arith.constant 96 : index
    %get3A_127 = tpu.vector_load %arg13[%get3A_126] {strides = array<i32>} : memref<128xi32, #tpu.memory_space<vmem>>, vector<16xi32>,
    %get3A_128 = vector.shape_cast %get3A_127 : vector<16xi32> to vector<16xi32>
    %add3A_129 = vector.broadcast %mul3A_2 : i32 to vector<16xi32>
    %add3A_130 = arith.addi %get3A_128, %add3A_129 : vector<16xi32>
    %swap3A_131 = arith.constant 96 : index
    %swap3A_132 = tpu.vector_load %arg15[%swap3A_131] {strides = array<i32>} : memref<128xi32, #tpu.memory_space<vmem>>, vector<16xi32>,
    %swap3A_133 = vector.shape_cast %swap3A_132 : vector<16xi32> to vector<16xi32>
    %swap3A_134 = vector.shape_cast %add3A_130 : vector<16xi32> to vector<16xi32>
    tpu.vector_store %arg15[%swap3A_131], %swap3A_134 {strides = array<i32>} : memref<128xi32, #tpu.memory_space<vmem>>, vector<16xi32>,
    %get3A_135 = arith.constant 112 : index
    %get3A_136 = tpu.vector_load %arg12[%get3A_135] {strides = array<i32>} : memref<128xi32, #tpu.memory_space<vmem>>, vector<16xi32>,
    %get3A_137 = vector.shape_cast %get3A_136 : vector<16xi32> to vector<16xi32>
    %add3A_138 = vector.broadcast %mul3A_0 : i32 to vector<16xi32>
    %add3A_139 = arith.addi %get3A_137, %add3A_138 : vector<16xi32>
    %swap3A_140 = arith.constant 112 : index
    %swap3A_141 = tpu.vector_load %arg14[%swap3A_140] {strides = array<i32>} : memref<128xi32, #tpu.memory_space<vmem>>, vector<16xi32>,
    %swap3A_142 = vector.shape_cast %swap3A_141 : vector<16xi32> to vector<16xi32>
    %swap3A_143 = vector.shape_cast %add3A_139 : vector<16xi32> to vector<16xi32>
    tpu.vector_store %arg14[%swap3A_140], %swap3A_143 {strides = array<i32>} : memref<128xi32, #tpu.memory_space<vmem>>, vector<16xi32>,
    %get3A_144 = arith.constant 112 : index
    %get3A_145 = tpu.vector_load %arg13[%get3A_144] {strides = array<i32>} : memref<128xi32, #tpu.memory_space<vmem>>, vector<16xi32>,
    %get3A_146 = vector.shape_cast %get3A_145 : vector<16xi32> to vector<16xi32>
    %add3A_147 = vector.broadcast %mul3A_2 : i32 to vector<16xi32>
    %add3A_148 = arith.addi %get3A_146, %add3A_147 : vector<16xi32>
    %swap3A_149 = arith.constant 112 : index
    %swap3A_150 = tpu.vector_load %arg15[%swap3A_149] {strides = array<i32>} : memref<128xi32, #tpu.memory_space<vmem>>, vector<16xi32>,
    %swap3A_151 = vector.shape_cast %swap3A_150 : vector<16xi32> to vector<16xi32>
    %swap3A_152 = vector.shape_cast %add3A_148 : vector<16xi32> to vector<16xi32>
    tpu.vector_store %arg15[%swap3A_149], %swap3A_152 {strides = array<i32>} : memref<128xi32, #tpu.memory_space<vmem>>, vector<16xi32>,
    %dma_start3A = arith.constant 0 : i32
    %dma_start3A_153 = arith.constant 0 : i32
    %dma_start3A_154 = tpu.memref_slice %arg4[%dma_start3A, %dma_start3A_153] : memref<81920x32xf32, #tpu.memory_space<hbm>> -> memref<81920x32xf32, #tpu.memory_space<hbm>>
    tpu.enqueue_indirect_dma source(%dma_start3A_154 : memref<81920x32xf32, #tpu.memory_space<hbm>>) target(%arg16 : memref<128x32xf32, #tpu.memory_space<vmem>>) offsets(%arg14 : memref<128xi32, #tpu.memory_space<vmem>>) semaphore(%arg30 : memref<!tpu.dma_semaphore, #tpu.memory_space<semaphore_mem>>)
    %dma_start3A_155 = arith.constant 0 : i32
    %dma_start3A_156 = arith.constant 0 : i32
    %dma_start3A_157 = tpu.memref_slice %arg5[%dma_start3A_155, %dma_start3A_156] : memref<20480x32xf32, #tpu.memory_space<hbm>> -> memref<20480x32xf32, #tpu.memory_space<hbm>>
    tpu.enqueue_indirect_dma source(%dma_start3A_157 : memref<20480x32xf32, #tpu.memory_space<hbm>>) target(%arg17 : memref<128x32xf32, #tpu.memory_space<vmem>>) offsets(%arg15 : memref<128xi32, #tpu.memory_space<vmem>>) semaphore(%arg31 : memref<!tpu.dma_semaphore, #tpu.memory_space<semaphore_mem>>)
    %run_scoped3A_158 = arith.constant 1 : i32
    "tpu.region"() ({
      %run_scoped3A_331 = tpu.sem_alloc : memref<!tpu.dma_semaphore, #tpu.memory_space<semaphore_mem>>
      %dma_start3A_332 = arith.constant 0 : i32
      %dma_start3A_333 = tpu.memref_slice %arg2[%arg1, %run_scoped3A_158, %dma_start3A_332] : memref<16x396x128xi32, #tpu.memory_space<hbm>> -> memref<1x1x128xi32, #tpu.memory_space<hbm>>
      %dma_start3A_334 = tpu.memref_squeeze %dma_start3A_333 : memref<1x1x128xi32, #tpu.memory_space<hbm>> -> memref<128xi32, #tpu.memory_space<hbm>>
      %dma_start3A_335 = arith.constant 0 : i32
      %dma_start3A_336 = tpu.memref_slice %arg2[%arg1, %run_scoped3A_158, %dma_start3A_335] : memref<16x396x128xi32, #tpu.memory_space<hbm>> -> memref<1x1x128xi32, #tpu.memory_space<hbm>>
      %dma_start3A_337 = tpu.memref_squeeze %dma_start3A_336 : memref<1x1x128xi32, #tpu.memory_space<hbm>> -> memref<128xi32, #tpu.memory_space<hbm>>
      tpu.enqueue_dma source(%dma_start3A_337 : memref<128xi32, #tpu.memory_space<hbm>>) target(%arg18 : memref<128xi32, #tpu.memory_space<vmem>>) target_semaphore(%run_scoped3A_331 : memref<!tpu.dma_semaphore, #tpu.memory_space<semaphore_mem>>)
      %dma_wait3A_338 = arith.constant 0 : i32
      %dma_wait3A_339 = tpu.memref_slice %arg2[%arg1, %run_scoped3A_158, %dma_wait3A_338] : memref<16x396x128xi32, #tpu.memory_space<hbm>> -> memref<1x1x128xi32, #tpu.memory_space<hbm>>
      %dma_wait3A_340 = tpu.memref_squeeze %dma_wait3A_339 : memref<1x1x128xi32, #tpu.memory_space<hbm>> -> memref<128xi32, #tpu.memory_space<hbm>>
      %dma_wait3A_341 = arith.constant 0 : i32
      %dma_wait3A_342 = tpu.memref_slice %arg2[%arg1, %run_scoped3A_158, %dma_wait3A_341] : memref<16x396x128xi32, #tpu.memory_space<hbm>> -> memref<1x1x128xi32, #tpu.memory_space<hbm>>
      %dma_wait3A_343 = tpu.memref_squeeze %dma_wait3A_342 : memref<1x1x128xi32, #tpu.memory_space<hbm>> -> memref<128xi32, #tpu.memory_space<hbm>>
      tpu.wait_dma2 semaphore(%run_scoped3A_331 : memref<!tpu.dma_semaphore, #tpu.memory_space<semaphore_mem>>) src(%dma_wait3A_343 : memref<128xi32, #tpu.memory_space<hbm>>) dst(%arg18 : memref<128xi32, #tpu.memory_space<vmem>>)
      tpu.yield
    }) : () -> ()
    %run_scoped3A_159 = arith.constant 1 : i32
    "tpu.region"() ({
      %run_scoped3A_331 = tpu.sem_alloc : memref<!tpu.dma_semaphore, #tpu.memory_space<semaphore_mem>>
      %dma_start3A_332 = arith.constant 0 : i32
      %dma_start3A_333 = tpu.memref_slice %arg3[%arg1, %run_scoped3A_159, %dma_start3A_332] : memref<16x396x128xi32, #tpu.memory_space<hbm>> -> memref<1x1x128xi32, #tpu.memory_space<hbm>>
      %dma_start3A_334 = tpu.memref_squeeze %dma_start3A_333 : memref<1x1x128xi32, #tpu.memory_space<hbm>> -> memref<128xi32, #tpu.memory_space<hbm>>
      %dma_start3A_335 = arith.constant 0 : i32
      %dma_start3A_336 = tpu.memref_slice %arg3[%arg1, %run_scoped3A_159, %dma_start3A_335] : memref<16x396x128xi32, #tpu.memory_space<hbm>> -> memref<1x1x128xi32, #tpu.memory_space<hbm>>
      %dma_start3A_337 = tpu.memref_squeeze %dma_start3A_336 : memref<1x1x128xi32, #tpu.memory_space<hbm>> -> memref<128xi32, #tpu.memory_space<hbm>>
      tpu.enqueue_dma source(%dma_start3A_337 : memref<128xi32, #tpu.memory_space<hbm>>) target(%arg19 : memref<128xi32, #tpu.memory_space<vmem>>) target_semaphore(%run_scoped3A_331 : memref<!tpu.dma_semaphore, #tpu.memory_space<semaphore_mem>>)
      %dma_wait3A_338 = arith.constant 0 : i32
      %dma_wait3A_339 = tpu.memref_slice %arg3[%arg1, %run_scoped3A_159, %dma_wait3A_338] : memref<16x396x128xi32, #tpu.memory_space<hbm>> -> memref<1x1x128xi32, #tpu.memory_space<hbm>>
      %dma_wait3A_340 = tpu.memref_squeeze %dma_wait3A_339 : memref<1x1x128xi32, #tpu.memory_space<hbm>> -> memref<128xi32, #tpu.memory_space<hbm>>
      %dma_wait3A_341 = arith.constant 0 : i32
      %dma_wait3A_342 = tpu.memref_slice %arg3[%arg1, %run_scoped3A_159, %dma_wait3A_341] : memref<16x396x128xi32, #tpu.memory_space<hbm>> -> memref<1x1x128xi32, #tpu.memory_space<hbm>>
      %dma_wait3A_343 = tpu.memref_squeeze %dma_wait3A_342 : memref<1x1x128xi32, #tpu.memory_space<hbm>> -> memref<128xi32, #tpu.memory_space<hbm>>
      tpu.wait_dma2 semaphore(%run_scoped3A_331 : memref<!tpu.dma_semaphore, #tpu.memory_space<semaphore_mem>>) src(%dma_wait3A_343 : memref<128xi32, #tpu.memory_space<hbm>>) dst(%arg19 : memref<128xi32, #tpu.memory_space<vmem>>)
      tpu.yield
    }) : () -> ()
    %get3A_160 = arith.constant 0 : index
    %get3A_161 = tpu.vector_load %arg18[%get3A_160] {strides = array<i32>} : memref<128xi32, #tpu.memory_space<vmem>>, vector<16xi32>,
    %get3A_162 = vector.shape_cast %get3A_161 : vector<16xi32> to vector<16xi32>
    %add3A_163 = vector.broadcast %mul3A_0 : i32 to vector<16xi32>
    %add3A_164 = arith.addi %get3A_162, %add3A_163 : vector<16xi32>
    %swap3A_165 = arith.constant 0 : index
    %swap3A_166 = tpu.vector_load %arg20[%swap3A_165] {strides = array<i32>} : memref<128xi32, #tpu.memory_space<vmem>>, vector<16xi32>,
    %swap3A_167 = vector.shape_cast %swap3A_166 : vector<16xi32> to vector<16xi32>
    %swap3A_168 = vector.shape_cast %add3A_164 : vector<16xi32> to vector<16xi32>
    tpu.vector_store %arg20[%swap3A_165], %swap3A_168 {strides = array<i32>} : memref<128xi32, #tpu.memory_space<vmem>>, vector<16xi32>,
    %get3A_169 = arith.constant 0 : index
    %get3A_170 = tpu.vector_load %arg19[%get3A_169] {strides = array<i32>} : memref<128xi32, #tpu.memory_space<vmem>>, vector<16xi32>,
    %get3A_171 = vector.shape_cast %get3A_170 : vector<16xi32> to vector<16xi32>
    %add3A_172 = vector.broadcast %mul3A_2 : i32 to vector<16xi32>
    %add3A_173 = arith.addi %get3A_171, %add3A_172 : vector<16xi32>
    %swap3A_174 = arith.constant 0 : index
    %swap3A_175 = tpu.vector_load %arg21[%swap3A_174] {strides = array<i32>} : memref<128xi32, #tpu.memory_space<vmem>>, vector<16xi32>,
    %swap3A_176 = vector.shape_cast %swap3A_175 : vector<16xi32> to vector<16xi32>
    %swap3A_177 = vector.shape_cast %add3A_173 : vector<16xi32> to vector<16xi32>
    tpu.vector_store %arg21[%swap3A_174], %swap3A_177 {strides = array<i32>} : memref<128xi32, #tpu.memory_space<vmem>>, vector<16xi32>,
    %get3A_178 = arith.constant 16 : index
    %get3A_179 = tpu.vector_load %arg18[%get3A_178] {strides = array<i32>} : memref<128xi32, #tpu.memory_space<vmem>>, vector<16xi32>,
    %get3A_180 = vector.shape_cast %get3A_179 : vector<16xi32> to vector<16xi32>
    %add3A_181 = vector.broadcast %mul3A_0 : i32 to vector<16xi32>
    %add3A_182 = arith.addi %get3A_180, %add3A_181 : vector<16xi32>
    %swap3A_183 = arith.constant 16 : index
    %swap3A_184 = tpu.vector_load %arg20[%swap3A_183] {strides = array<i32>} : memref<128xi32, #tpu.memory_space<vmem>>, vector<16xi32>,
    %swap3A_185 = vector.shape_cast %swap3A_184 : vector<16xi32> to vector<16xi32>
    %swap3A_186 = vector.shape_cast %add3A_182 : vector<16xi32> to vector<16xi32>
    tpu.vector_store %arg20[%swap3A_183], %swap3A_186 {strides = array<i32>} : memref<128xi32, #tpu.memory_space<vmem>>, vector<16xi32>,
    %get3A_187 = arith.constant 16 : index
    %get3A_188 = tpu.vector_load %arg19[%get3A_187] {strides = array<i32>} : memref<128xi32, #tpu.memory_space<vmem>>, vector<16xi32>,
    %get3A_189 = vector.shape_cast %get3A_188 : vector<16xi32> to vector<16xi32>
    %add3A_190 = vector.broadcast %mul3A_2 : i32 to vector<16xi32>
    %add3A_191 = arith.addi %get3A_189, %add3A_190 : vector<16xi32>
    %swap3A_192 = arith.constant 16 : index
    %swap3A_193 = tpu.vector_load %arg21[%swap3A_192] {strides = array<i32>} : memref<128xi32, #tpu.memory_space<vmem>>, vector<16xi32>,
    %swap3A_194 = vector.shape_cast %swap3A_193 : vector<16xi32> to vector<16xi32>
    %swap3A_195 = vector.shape_cast %add3A_191 : vector<16xi32> to vector<16xi32>
    tpu.vector_store %arg21[%swap3A_192], %swap3A_195 {strides = array<i32>} : memref<128xi32, #tpu.memory_space<vmem>>, vector<16xi32>,
    %get3A_196 = arith.constant 32 : index
    %get3A_197 = tpu.vector_load %arg18[%get3A_196] {strides = array<i32>} : memref<128xi32, #tpu.memory_space<vmem>>, vector<16xi32>,
    %get3A_198 = vector.shape_cast %get3A_197 : vector<16xi32> to vector<16xi32>
    %add3A_199 = vector.broadcast %mul3A_0 : i32 to vector<16xi32>
    %add3A_200 = arith.addi %get3A_198, %add3A_199 : vector<16xi32>
    %swap3A_201 = arith.constant 32 : index
    %swap3A_202 = tpu.vector_load %arg20[%swap3A_201] {strides = array<i32>} : memref<128xi32, #tpu.memory_space<vmem>>, vector<16xi32>,
    %swap3A_203 = vector.shape_cast %swap3A_202 : vector<16xi32> to vector<16xi32>
    %swap3A_204 = vector.shape_cast %add3A_200 : vector<16xi32> to vector<16xi32>
    tpu.vector_store %arg20[%swap3A_201], %swap3A_204 {strides = array<i32>} : memref<128xi32, #tpu.memory_space<vmem>>, vector<16xi32>,
    %get3A_205 = arith.constant 32 : index
    %get3A_206 = tpu.vector_load %arg19[%get3A_205] {strides = array<i32>} : memref<128xi32, #tpu.memory_space<vmem>>, vector<16xi32>,
    %get3A_207 = vector.shape_cast %get3A_206 : vector<16xi32> to vector<16xi32>
    %add3A_208 = vector.broadcast %mul3A_2 : i32 to vector<16xi32>
    %add3A_209 = arith.addi %get3A_207, %add3A_208 : vector<16xi32>
    %swap3A_210 = arith.constant 32 : index
    %swap3A_211 = tpu.vector_load %arg21[%swap3A_210] {strides = array<i32>} : memref<128xi32, #tpu.memory_space<vmem>>, vector<16xi32>,
    %swap3A_212 = vector.shape_cast %swap3A_211 : vector<16xi32> to vector<16xi32>
    %swap3A_213 = vector.shape_cast %add3A_209 : vector<16xi32> to vector<16xi32>
    tpu.vector_store %arg21[%swap3A_210], %swap3A_213 {strides = array<i32>} : memref<128xi32, #tpu.memory_space<vmem>>, vector<16xi32>,
    %get3A_214 = arith.constant 48 : index
    %get3A_215 = tpu.vector_load %arg18[%get3A_214] {strides = array<i32>} : memref<128xi32, #tpu.memory_space<vmem>>, vector<16xi32>,
    %get3A_216 = vector.shape_cast %get3A_215 : vector<16xi32> to vector<16xi32>
    %add3A_217 = vector.broadcast %mul3A_0 : i32 to vector<16xi32>
    %add3A_218 = arith.addi %get3A_216, %add3A_217 : vector<16xi32>
    %swap3A_219 = arith.constant 48 : index
    %swap3A_220 = tpu.vector_load %arg20[%swap3A_219] {strides = array<i32>} : memref<128xi32, #tpu.memory_space<vmem>>, vector<16xi32>,
    %swap3A_221 = vector.shape_cast %swap3A_220 : vector<16xi32> to vector<16xi32>
    %swap3A_222 = vector.shape_cast %add3A_218 : vector<16xi32> to vector<16xi32>
    tpu.vector_store %arg20[%swap3A_219], %swap3A_222 {strides = array<i32>} : memref<128xi32, #tpu.memory_space<vmem>>, vector<16xi32>,
    %get3A_223 = arith.constant 48 : index
    %get3A_224 = tpu.vector_load %arg19[%get3A_223] {strides = array<i32>} : memref<128xi32, #tpu.memory_space<vmem>>, vector<16xi32>,
    %get3A_225 = vector.shape_cast %get3A_224 : vector<16xi32> to vector<16xi32>
    %add3A_226 = vector.broadcast %mul3A_2 : i32 to vector<16xi32>
    %add3A_227 = arith.addi %get3A_225, %add3A_226 : vector<16xi32>
    %swap3A_228 = arith.constant 48 : index
    %swap3A_229 = tpu.vector_load %arg21[%swap3A_228] {strides = array<i32>} : memref<128xi32, #tpu.memory_space<vmem>>, vector<16xi32>,
    %swap3A_230 = vector.shape_cast %swap3A_229 : vector<16xi32> to vector<16xi32>
    %swap3A_231 = vector.shape_cast %add3A_227 : vector<16xi32> to vector<16xi32>
    tpu.vector_store %arg21[%swap3A_228], %swap3A_231 {strides = array<i32>} : memref<128xi32, #tpu.memory_space<vmem>>, vector<16xi32>,
    %get3A_232 = arith.constant 64 : index
    %get3A_233 = tpu.vector_load %arg18[%get3A_232] {strides = array<i32>} : memref<128xi32, #tpu.memory_space<vmem>>, vector<16xi32>,
    %get3A_234 = vector.shape_cast %get3A_233 : vector<16xi32> to vector<16xi32>
    %add3A_235 = vector.broadcast %mul3A_0 : i32 to vector<16xi32>
    %add3A_236 = arith.addi %get3A_234, %add3A_235 : vector<16xi32>
    %swap3A_237 = arith.constant 64 : index
    %swap3A_238 = tpu.vector_load %arg20[%swap3A_237] {strides = array<i32>} : memref<128xi32, #tpu.memory_space<vmem>>, vector<16xi32>,
    %swap3A_239 = vector.shape_cast %swap3A_238 : vector<16xi32> to vector<16xi32>
    %swap3A_240 = vector.shape_cast %add3A_236 : vector<16xi32> to vector<16xi32>
    tpu.vector_store %arg20[%swap3A_237], %swap3A_240 {strides = array<i32>} : memref<128xi32, #tpu.memory_space<vmem>>, vector<16xi32>,
    %get3A_241 = arith.constant 64 : index
    %get3A_242 = tpu.vector_load %arg19[%get3A_241] {strides = array<i32>} : memref<128xi32, #tpu.memory_space<vmem>>, vector<16xi32>,
    %get3A_243 = vector.shape_cast %get3A_242 : vector<16xi32> to vector<16xi32>
    %add3A_244 = vector.broadcast %mul3A_2 : i32 to vector<16xi32>
    %add3A_245 = arith.addi %get3A_243, %add3A_244 : vector<16xi32>
    %swap3A_246 = arith.constant 64 : index
    %swap3A_247 = tpu.vector_load %arg21[%swap3A_246] {strides = array<i32>} : memref<128xi32, #tpu.memory_space<vmem>>, vector<16xi32>,
    %swap3A_248 = vector.shape_cast %swap3A_247 : vector<16xi32> to vector<16xi32>
    %swap3A_249 = vector.shape_cast %add3A_245 : vector<16xi32> to vector<16xi32>
    tpu.vector_store %arg21[%swap3A_246], %swap3A_249 {strides = array<i32>} : memref<128xi32, #tpu.memory_space<vmem>>, vector<16xi32>,
    %get3A_250 = arith.constant 80 : index
    %get3A_251 = tpu.vector_load %arg18[%get3A_250] {strides = array<i32>} : memref<128xi32, #tpu.memory_space<vmem>>, vector<16xi32>,
    %get3A_252 = vector.shape_cast %get3A_251 : vector<16xi32> to vector<16xi32>
    %add3A_253 = vector.broadcast %mul3A_0 : i32 to vector<16xi32>
    %add3A_254 = arith.addi %get3A_252, %add3A_253 : vector<16xi32>
    %swap3A_255 = arith.constant 80 : index
    %swap3A_256 = tpu.vector_load %arg20[%swap3A_255] {strides = array<i32>} : memref<128xi32, #tpu.memory_space<vmem>>, vector<16xi32>,
    %swap3A_257 = vector.shape_cast %swap3A_256 : vector<16xi32> to vector<16xi32>
    %swap3A_258 = vector.shape_cast %add3A_254 : vector<16xi32> to vector<16xi32>
    tpu.vector_store %arg20[%swap3A_255], %swap3A_258 {strides = array<i32>} : memref<128xi32, #tpu.memory_space<vmem>>, vector<16xi32>,
    %get3A_259 = arith.constant 80 : index
    %get3A_260 = tpu.vector_load %arg19[%get3A_259] {strides = array<i32>} : memref<128xi32, #tpu.memory_space<vmem>>, vector<16xi32>,
    %get3A_261 = vector.shape_cast %get3A_260 : vector<16xi32> to vector<16xi32>
    %add3A_262 = vector.broadcast %mul3A_2 : i32 to vector<16xi32>
    %add3A_263 = arith.addi %get3A_261, %add3A_262 : vector<16xi32>
    %swap3A_264 = arith.constant 80 : index
    %swap3A_265 = tpu.vector_load %arg21[%swap3A_264] {strides = array<i32>} : memref<128xi32, #tpu.memory_space<vmem>>, vector<16xi32>,
    %swap3A_266 = vector.shape_cast %swap3A_265 : vector<16xi32> to vector<16xi32>
    %swap3A_267 = vector.shape_cast %add3A_263 : vector<16xi32> to vector<16xi32>
    tpu.vector_store %arg21[%swap3A_264], %swap3A_267 {strides = array<i32>} : memref<128xi32, #tpu.memory_space<vmem>>, vector<16xi32>,
    %get3A_268 = arith.constant 96 : index
    %get3A_269 = tpu.vector_load %arg18[%get3A_268] {strides = array<i32>} : memref<128xi32, #tpu.memory_space<vmem>>, vector<16xi32>,
    %get3A_270 = vector.shape_cast %get3A_269 : vector<16xi32> to vector<16xi32>
    %add3A_271 = vector.broadcast %mul3A_0 : i32 to vector<16xi32>
    %add3A_272 = arith.addi %get3A_270, %add3A_271 : vector<16xi32>
    %swap3A_273 = arith.constant 96 : index
    %swap3A_274 = tpu.vector_load %arg20[%swap3A_273] {strides = array<i32>} : memref<128xi32, #tpu.memory_space<vmem>>, vector<16xi32>,
    %swap3A_275 = vector.shape_cast %swap3A_274 : vector<16xi32> to vector<16xi32>
    %swap3A_276 = vector.shape_cast %add3A_272 : vector<16xi32> to vector<16xi32>
    tpu.vector_store %arg20[%swap3A_273], %swap3A_276 {strides = array<i32>} : memref<128xi32, #tpu.memory_space<vmem>>, vector<16xi32>,
    %get3A_277 = arith.constant 96 : index
    %get3A_278 = tpu.vector_load %arg19[%get3A_277] {strides = array<i32>} : memref<128xi32, #tpu.memory_space<vmem>>, vector<16xi32>,
    %get3A_279 = vector.shape_cast %get3A_278 : vector<16xi32> to vector<16xi32>
    %add3A_280 = vector.broadcast %mul3A_2 : i32 to vector<16xi32>
    %add3A_281 = arith.addi %get3A_279, %add3A_280 : vector<16xi32>
    %swap3A_282 = arith.constant 96 : index
    %swap3A_283 = tpu.vector_load %arg21[%swap3A_282] {strides = array<i32>} : memref<128xi32, #tpu.memory_space<vmem>>, vector<16xi32>,
    %swap3A_284 = vector.shape_cast %swap3A_283 : vector<16xi32> to vector<16xi32>
    %swap3A_285 = vector.shape_cast %add3A_281 : vector<16xi32> to vector<16xi32>
    tpu.vector_store %arg21[%swap3A_282], %swap3A_285 {strides = array<i32>} : memref<128xi32, #tpu.memory_space<vmem>>, vector<16xi32>,
    %get3A_286 = arith.constant 112 : index
    %get3A_287 = tpu.vector_load %arg18[%get3A_286] {strides = array<i32>} : memref<128xi32, #tpu.memory_space<vmem>>, vector<16xi32>,
    %get3A_288 = vector.shape_cast %get3A_287 : vector<16xi32> to vector<16xi32>
    %add3A_289 = vector.broadcast %mul3A_0 : i32 to vector<16xi32>
    %add3A_290 = arith.addi %get3A_288, %add3A_289 : vector<16xi32>
    %swap3A_291 = arith.constant 112 : index
    %swap3A_292 = tpu.vector_load %arg20[%swap3A_291] {strides = array<i32>} : memref<128xi32, #tpu.memory_space<vmem>>, vector<16xi32>,
    %swap3A_293 = vector.shape_cast %swap3A_292 : vector<16xi32> to vector<16xi32>
    %swap3A_294 = vector.shape_cast %add3A_290 : vector<16xi32> to vector<16xi32>
    tpu.vector_store %arg20[%swap3A_291], %swap3A_294 {strides = array<i32>} : memref<128xi32, #tpu.memory_space<vmem>>, vector<16xi32>,
    %get3A_295 = arith.constant 112 : index
    %get3A_296 = tpu.vector_load %arg19[%get3A_295] {strides = array<i32>} : memref<128xi32, #tpu.memory_space<vmem>>, vector<16xi32>,
    %get3A_297 = vector.shape_cast %get3A_296 : vector<16xi32> to vector<16xi32>
    %add3A_298 = vector.broadcast %mul3A_2 : i32 to vector<16xi32>
    %add3A_299 = arith.addi %get3A_297, %add3A_298 : vector<16xi32>
    %swap3A_300 = arith.constant 112 : index
    %swap3A_301 = tpu.vector_load %arg21[%swap3A_300] {strides = array<i32>} : memref<128xi32, #tpu.memory_space<vmem>>, vector<16xi32>,
    %swap3A_302 = vector.shape_cast %swap3A_301 : vector<16xi32> to vector<16xi32>
    %swap3A_303 = vector.shape_cast %add3A_299 : vector<16xi32> to vector<16xi32>
    tpu.vector_store %arg21[%swap3A_300], %swap3A_303 {strides = array<i32>} : memref<128xi32, #tpu.memory_space<vmem>>, vector<16xi32>,
    %dma_start3A_304 = arith.constant 0 : i32
    %dma_start3A_305 = arith.constant 0 : i32
    %dma_start3A_306 = tpu.memref_slice %arg4[%dma_start3A_304, %dma_start3A_305] : memref<81920x32xf32, #tpu.memory_space<hbm>> -> memref<81920x32xf32, #tpu.memory_space<hbm>>
    tpu.enqueue_indirect_dma source(%dma_start3A_306 : memref<81920x32xf32, #tpu.memory_space<hbm>>) target(%arg22 : memref<128x32xf32, #tpu.memory_space<vmem>>) offsets(%arg20 : memref<128xi32, #tpu.memory_space<vmem>>) semaphore(%arg34 : memref<!tpu.dma_semaphore, #tpu.memory_space<semaphore_mem>>)
    %dma_start3A_307 = arith.constant 0 : i32
    %dma_start3A_308 = arith.constant 0 : i32
    %dma_start3A_309 = tpu.memref_slice %arg5[%dma_start3A_307, %dma_start3A_308] : memref<20480x32xf32, #tpu.memory_space<hbm>> -> memref<20480x32xf32, #tpu.memory_space<hbm>>
    tpu.enqueue_indirect_dma source(%dma_start3A_309 : memref<20480x32xf32, #tpu.memory_space<hbm>>) target(%arg23 : memref<128x32xf32, #tpu.memory_space<vmem>>) offsets(%arg21 : memref<128xi32, #tpu.memory_space<vmem>>) semaphore(%arg35 : memref<!tpu.dma_semaphore, #tpu.memory_space<semaphore_mem>>)
    %scan3A = arith.constant 0 : i32
    %scan3A_310 = arith.constant 0 : i32
    %scan3A_311 = arith.constant 132 : i32
    %scan3A_312 = arith.addi %scan3A_310, %scan3A_311 : i32
    %scan3A_313 = arith.constant 1 : i32
    scf.for %scan3A_331 = %scan3A_310 to %scan3A_312 step %scan3A_313  : i32 {
      %mul3A_332 = arith.constant 3 : i32
      %mul3A_333 = arith.muli %mul3A_332, %scan3A_331 : i32
      %add3A_334 = arith.constant 0 : i32
      %add3A_335 = arith.addi %mul3A_333, %add3A_334 : i32
      %dma_wait3A_336 = arith.constant 0 : i32
      %dma_wait3A_337 = arith.constant 0 : i32
      %dma_wait3A_338 = tpu.memref_slice %arg4[%dma_wait3A_336, %dma_wait3A_337] : memref<81920x32xf32, #tpu.memory_space<hbm>> -> memref<81920x32xf32, #tpu.memory_space<hbm>>
      tpu.wait_indirect_dma semaphore(%arg30 : memref<!tpu.dma_semaphore, #tpu.memory_space<semaphore_mem>>) src(%dma_wait3A_338 : memref<81920x32xf32, #tpu.memory_space<hbm>>) dst(%arg16 : memref<128x32xf32, #tpu.memory_space<vmem>>)
      %dma_wait3A_339 = arith.constant 0 : i32
      %dma_wait3A_340 = arith.constant 0 : i32
      %dma_wait3A_341 = tpu.memref_slice %arg5[%dma_wait3A_339, %dma_wait3A_340] : memref<20480x32xf32, #tpu.memory_space<hbm>> -> memref<20480x32xf32, #tpu.memory_space<hbm>>
      tpu.wait_indirect_dma semaphore(%arg31 : memref<!tpu.dma_semaphore, #tpu.memory_space<semaphore_mem>>) src(%dma_wait3A_341 : memref<20480x32xf32, #tpu.memory_space<hbm>>) dst(%arg17 : memref<128x32xf32, #tpu.memory_space<vmem>>)
      %dma_start3A_342 = arith.constant 0 : i32
      %dma_start3A_343 = arith.constant 0 : i32
      %dma_start3A_344 = tpu.memref_slice %arg10[%dma_start3A_342, %dma_start3A_343] : memref<40960x32xf32, #tpu.memory_space<vmem_shared>> -> memref<40960x32xf32, #tpu.memory_space<vmem_shared>>
      tpu.enqueue_indirect_dma source(%arg17 : memref<128x32xf32, #tpu.memory_space<vmem>>) target(%dma_start3A_344 : memref<40960x32xf32, #tpu.memory_space<vmem_shared>>) offsets(%arg12 : memref<128xi32, #tpu.memory_space<vmem>>) semaphore(%arg32 : memref<!tpu.dma_semaphore, #tpu.memory_space<semaphore_mem>>) {add = true}
      %dma_start3A_345 = arith.constant 0 : i32
      %dma_start3A_346 = arith.constant 0 : i32
      %dma_start3A_347 = tpu.memref_slice %arg11[%dma_start3A_345, %dma_start3A_346] : memref<10240x32xf32, #tpu.memory_space<vmem_shared>> -> memref<10240x32xf32, #tpu.memory_space<vmem_shared>>
      tpu.enqueue_indirect_dma source(%arg16 : memref<128x32xf32, #tpu.memory_space<vmem>>) target(%dma_start3A_347 : memref<10240x32xf32, #tpu.memory_space<vmem_shared>>) offsets(%arg13 : memref<128xi32, #tpu.memory_space<vmem>>) semaphore(%arg33 : memref<!tpu.dma_semaphore, #tpu.memory_space<semaphore_mem>>) {add = true}
      %ge3A = arith.constant 1 : i32
      %ge3A_348 = arith.cmpi sge, %add3A_335, %ge3A : i32
      %convert_element_type3A = arith.extui %ge3A_348 : i1 to i32
      %cond3A = arith.constant 0 : i32
      %cond3A_349 = arith.cmpi ne, %convert_element_type3A, %cond3A : i32
      scf.if %cond3A_349 {
        %dma_wait3A_412 = arith.constant 0 : i32
        %dma_wait3A_413 = arith.constant 0 : i32
        %dma_wait3A_414 = tpu.memref_slice %arg10[%dma_wait3A_412, %dma_wait3A_413] : memref<40960x32xf32, #tpu.memory_space<vmem_shared>> -> memref<40960x32xf32, #tpu.memory_space<vmem_shared>>
        tpu.wait_indirect_dma semaphore(%arg40 : memref<!tpu.dma_semaphore, #tpu.memory_space<semaphore_mem>>) src(%arg29 : memref<128x32xf32, #tpu.memory_space<vmem>>) dst(%dma_wait3A_414 : memref<40960x32xf32, #tpu.memory_space<vmem_shared>>)
        %dma_wait3A_415 = arith.constant 0 : i32
        %dma_wait3A_416 = arith.constant 0 : i32
        %dma_wait3A_417 = tpu.memref_slice %arg11[%dma_wait3A_415, %dma_wait3A_416] : memref<10240x32xf32, #tpu.memory_space<vmem_shared>> -> memref<10240x32xf32, #tpu.memory_space<vmem_shared>>
        tpu.wait_indirect_dma semaphore(%arg41 : memref<!tpu.dma_semaphore, #tpu.memory_space<semaphore_mem>>) src(%arg28 : memref<128x32xf32, #tpu.memory_space<vmem>>) dst(%dma_wait3A_417 : memref<10240x32xf32, #tpu.memory_space<vmem_shared>>)
      } else {
      }
      %add3A_350 = arith.constant 2 : i32
      %add3A_351 = arith.addi %add3A_335, %add3A_350 : i32
      %lt3A = arith.constant 396 : i32
      %lt3A_352 = arith.cmpi slt, %add3A_351, %lt3A : i32
      %convert_element_type3A_353 = arith.extui %lt3A_352 : i1 to i32
      %cond3A_354 = arith.constant 0 : i32
      %cond3A_355 = arith.cmpi ne, %convert_element_type3A_353, %cond3A_354 : i32
      scf.if %cond3A_355 {
        %add3A_412 = arith.constant 2 : i32
        %add3A_413 = arith.addi %add3A_335, %add3A_412 : i32
        "tpu.region"() ({
          %run_scoped3A_564 = tpu.sem_alloc : memref<!tpu.dma_semaphore, #tpu.memory_space<semaphore_mem>>
          %dma_start3A_565 = arith.constant 0 : i32
          %dma_start3A_566 = tpu.memref_slice %arg2[%arg1, %add3A_413, %dma_start3A_565] : memref<16x396x128xi32, #tpu.memory_space<hbm>> -> memref<1x1x128xi32, #tpu.memory_space<hbm>>
          %dma_start3A_567 = tpu.memref_squeeze %dma_start3A_566 : memref<1x1x128xi32, #tpu.memory_space<hbm>> -> memref<128xi32, #tpu.memory_space<hbm>>
          %dma_start3A_568 = arith.constant 0 : i32
          %dma_start3A_569 = tpu.memref_slice %arg2[%arg1, %add3A_413, %dma_start3A_568] : memref<16x396x128xi32, #tpu.memory_space<hbm>> -> memref<1x1x128xi32, #tpu.memory_space<hbm>>
          %dma_start3A_570 = tpu.memref_squeeze %dma_start3A_569 : memref<1x1x128xi32, #tpu.memory_space<hbm>> -> memref<128xi32, #tpu.memory_space<hbm>>
          tpu.enqueue_dma source(%dma_start3A_570 : memref<128xi32, #tpu.memory_space<hbm>>) target(%arg24 : memref<128xi32, #tpu.memory_space<vmem>>) target_semaphore(%run_scoped3A_564 : memref<!tpu.dma_semaphore, #tpu.memory_space<semaphore_mem>>)
          %dma_wait3A_571 = arith.constant 0 : i32
          %dma_wait3A_572 = tpu.memref_slice %arg2[%arg1, %add3A_413, %dma_wait3A_571] : memref<16x396x128xi32, #tpu.memory_space<hbm>> -> memref<1x1x128xi32, #tpu.memory_space<hbm>>
          %dma_wait3A_573 = tpu.memref_squeeze %dma_wait3A_572 : memref<1x1x128xi32, #tpu.memory_space<hbm>> -> memref<128xi32, #tpu.memory_space<hbm>>
          %dma_wait3A_574 = arith.constant 0 : i32
          %dma_wait3A_575 = tpu.memref_slice %arg2[%arg1, %add3A_413, %dma_wait3A_574] : memref<16x396x128xi32, #tpu.memory_space<hbm>> -> memref<1x1x128xi32, #tpu.memory_space<hbm>>
          %dma_wait3A_576 = tpu.memref_squeeze %dma_wait3A_575 : memref<1x1x128xi32, #tpu.memory_space<hbm>> -> memref<128xi32, #tpu.memory_space<hbm>>
          tpu.wait_dma2 semaphore(%run_scoped3A_564 : memref<!tpu.dma_semaphore, #tpu.memory_space<semaphore_mem>>) src(%dma_wait3A_576 : memref<128xi32, #tpu.memory_space<hbm>>) dst(%arg24 : memref<128xi32, #tpu.memory_space<vmem>>)
          tpu.yield
        }) : () -> ()
        "tpu.region"() ({
          %run_scoped3A_564 = tpu.sem_alloc : memref<!tpu.dma_semaphore, #tpu.memory_space<semaphore_mem>>
          %dma_start3A_565 = arith.constant 0 : i32
          %dma_start3A_566 = tpu.memref_slice %arg3[%arg1, %add3A_413, %dma_start3A_565] : memref<16x396x128xi32, #tpu.memory_space<hbm>> -> memref<1x1x128xi32, #tpu.memory_space<hbm>>
          %dma_start3A_567 = tpu.memref_squeeze %dma_start3A_566 : memref<1x1x128xi32, #tpu.memory_space<hbm>> -> memref<128xi32, #tpu.memory_space<hbm>>
          %dma_start3A_568 = arith.constant 0 : i32
          %dma_start3A_569 = tpu.memref_slice %arg3[%arg1, %add3A_413, %dma_start3A_568] : memref<16x396x128xi32, #tpu.memory_space<hbm>> -> memref<1x1x128xi32, #tpu.memory_space<hbm>>
          %dma_start3A_570 = tpu.memref_squeeze %dma_start3A_569 : memref<1x1x128xi32, #tpu.memory_space<hbm>> -> memref<128xi32, #tpu.memory_space<hbm>>
          tpu.enqueue_dma source(%dma_start3A_570 : memref<128xi32, #tpu.memory_space<hbm>>) target(%arg25 : memref<128xi32, #tpu.memory_space<vmem>>) target_semaphore(%run_scoped3A_564 : memref<!tpu.dma_semaphore, #tpu.memory_space<semaphore_mem>>)
          %dma_wait3A_571 = arith.constant 0 : i32
          %dma_wait3A_572 = tpu.memref_slice %arg3[%arg1, %add3A_413, %dma_wait3A_571] : memref<16x396x128xi32, #tpu.memory_space<hbm>> -> memref<1x1x128xi32, #tpu.memory_space<hbm>>
          %dma_wait3A_573 = tpu.memref_squeeze %dma_wait3A_572 : memref<1x1x128xi32, #tpu.memory_space<hbm>> -> memref<128xi32, #tpu.memory_space<hbm>>
          %dma_wait3A_574 = arith.constant 0 : i32
          %dma_wait3A_575 = tpu.memref_slice %arg3[%arg1, %add3A_413, %dma_wait3A_574] : memref<16x396x128xi32, #tpu.memory_space<hbm>> -> memref<1x1x128xi32, #tpu.memory_space<hbm>>
          %dma_wait3A_576 = tpu.memref_squeeze %dma_wait3A_575 : memref<1x1x128xi32, #tpu.memory_space<hbm>> -> memref<128xi32, #tpu.memory_space<hbm>>
          tpu.wait_dma2 semaphore(%run_scoped3A_564 : memref<!tpu.dma_semaphore, #tpu.memory_space<semaphore_mem>>) src(%dma_wait3A_576 : memref<128xi32, #tpu.memory_space<hbm>>) dst(%arg25 : memref<128xi32, #tpu.memory_space<vmem>>)
          tpu.yield
        }) : () -> ()
        %get3A_414 = arith.constant 0 : index
        %get3A_415 = tpu.vector_load %arg24[%get3A_414] {strides = array<i32>} : memref<128xi32, #tpu.memory_space<vmem>>, vector<16xi32>,
        %get3A_416 = vector.shape_cast %get3A_415 : vector<16xi32> to vector<16xi32>
        %add3A_417 = vector.broadcast %mul3A_0 : i32 to vector<16xi32>
        %add3A_418 = arith.addi %get3A_416, %add3A_417 : vector<16xi32>
        %swap3A_419 = arith.constant 0 : index
        %swap3A_420 = tpu.vector_load %arg26[%swap3A_419] {strides = array<i32>} : memref<128xi32, #tpu.memory_space<vmem>>, vector<16xi32>,
        %swap3A_421 = vector.shape_cast %swap3A_420 : vector<16xi32> to vector<16xi32>
        %swap3A_422 = vector.shape_cast %add3A_418 : vector<16xi32> to vector<16xi32>
        tpu.vector_store %arg26[%swap3A_419], %swap3A_422 {strides = array<i32>} : memref<128xi32, #tpu.memory_space<vmem>>, vector<16xi32>,
        %get3A_423 = arith.constant 0 : index
        %get3A_424 = tpu.vector_load %arg25[%get3A_423] {strides = array<i32>} : memref<128xi32, #tpu.memory_space<vmem>>, vector<16xi32>,
        %get3A_425 = vector.shape_cast %get3A_424 : vector<16xi32> to vector<16xi32>
        %add3A_426 = vector.broadcast %mul3A_2 : i32 to vector<16xi32>
        %add3A_427 = arith.addi %get3A_425, %add3A_426 : vector<16xi32>
        %swap3A_428 = arith.constant 0 : index
        %swap3A_429 = tpu.vector_load %arg27[%swap3A_428] {strides = array<i32>} : memref<128xi32, #tpu.memory_space<vmem>>, vector<16xi32>,
        %swap3A_430 = vector.shape_cast %swap3A_429 : vector<16xi32> to vector<16xi32>
        %swap3A_431 = vector.shape_cast %add3A_427 : vector<16xi32> to vector<16xi32>
        tpu.vector_store %arg27[%swap3A_428], %swap3A_431 {strides = array<i32>} : memref<128xi32, #tpu.memory_space<vmem>>, vector<16xi32>,
        %get3A_432 = arith.constant 16 : index
        %get3A_433 = tpu.vector_load %arg24[%get3A_432] {strides = array<i32>} : memref<128xi32, #tpu.memory_space<vmem>>, vector<16xi32>,
        %get3A_434 = vector.shape_cast %get3A_433 : vector<16xi32> to vector<16xi32>
        %add3A_435 = vector.broadcast %mul3A_0 : i32 to vector<16xi32>
        %add3A_436 = arith.addi %get3A_434, %add3A_435 : vector<16xi32>
        %swap3A_437 = arith.constant 16 : index
        %swap3A_438 = tpu.vector_load %arg26[%swap3A_437] {strides = array<i32>} : memref<128xi32, #tpu.memory_space<vmem>>, vector<16xi32>,
        %swap3A_439 = vector.shape_cast %swap3A_438 : vector<16xi32> to vector<16xi32>
        %swap3A_440 = vector.shape_cast %add3A_436 : vector<16xi32> to vector<16xi32>
        tpu.vector_store %arg26[%swap3A_437], %swap3A_440 {strides = array<i32>} : memref<128xi32, #tpu.memory_space<vmem>>, vector<16xi32>,
        %get3A_441 = arith.constant 16 : index
        %get3A_442 = tpu.vector_load %arg25[%get3A_441] {strides = array<i32>} : memref<128xi32, #tpu.memory_space<vmem>>, vector<16xi32>,
        %get3A_443 = vector.shape_cast %get3A_442 : vector<16xi32> to vector<16xi32>
        %add3A_444 = vector.broadcast %mul3A_2 : i32 to vector<16xi32>
        %add3A_445 = arith.addi %get3A_443, %add3A_444 : vector<16xi32>
        %swap3A_446 = arith.constant 16 : index
        %swap3A_447 = tpu.vector_load %arg27[%swap3A_446] {strides = array<i32>} : memref<128xi32, #tpu.memory_space<vmem>>, vector<16xi32>,
        %swap3A_448 = vector.shape_cast %swap3A_447 : vector<16xi32> to vector<16xi32>
        %swap3A_449 = vector.shape_cast %add3A_445 : vector<16xi32> to vector<16xi32>
        tpu.vector_store %arg27[%swap3A_446], %swap3A_449 {strides = array<i32>} : memref<128xi32, #tpu.memory_space<vmem>>, vector<16xi32>,
        %get3A_450 = arith.constant 32 : index
        %get3A_451 = tpu.vector_load %arg24[%get3A_450] {strides = array<i32>} : memref<128xi32, #tpu.memory_space<vmem>>, vector<16xi32>,
        %get3A_452 = vector.shape_cast %get3A_451 : vector<16xi32> to vector<16xi32>
        %add3A_453 = vector.broadcast %mul3A_0 : i32 to vector<16xi32>
        %add3A_454 = arith.addi %get3A_452, %add3A_453 : vector<16xi32>
        %swap3A_455 = arith.constant 32 : index
        %swap3A_456 = tpu.vector_load %arg26[%swap3A_455] {strides = array<i32>} : memref<128xi32, #tpu.memory_space<vmem>>, vector<16xi32>,
        %swap3A_457 = vector.shape_cast %swap3A_456 : vector<16xi32> to vector<16xi32>
        %swap3A_458 = vector.shape_cast %add3A_454 : vector<16xi32> to vector<16xi32>
        tpu.vector_store %arg26[%swap3A_455], %swap3A_458 {strides = array<i32>} : memref<128xi32, #tpu.memory_space<vmem>>, vector<16xi32>,
        %get3A_459 = arith.constant 32 : index
        %get3A_460 = tpu.vector_load %arg25[%get3A_459] {strides = array<i32>} : memref<128xi32, #tpu.memory_space<vmem>>, vector<16xi32>,
        %get3A_461 = vector.shape_cast %get3A_460 : vector<16xi32> to vector<16xi32>
        %add3A_462 = vector.broadcast %mul3A_2 : i32 to vector<16xi32>
        %add3A_463 = arith.addi %get3A_461, %add3A_462 : vector<16xi32>
        %swap3A_464 = arith.constant 32 : index
        %swap3A_465 = tpu.vector_load %arg27[%swap3A_464] {strides = array<i32>} : memref<128xi32, #tpu.memory_space<vmem>>, vector<16xi32>,
        %swap3A_466 = vector.shape_cast %swap3A_465 : vector<16xi32> to vector<16xi32>
        %swap3A_467 = vector.shape_cast %add3A_463 : vector<16xi32> to vector<16xi32>
        tpu.vector_store %arg27[%swap3A_464], %swap3A_467 {strides = array<i32>} : memref<128xi32, #tpu.memory_space<vmem>>, vector<16xi32>,
        %get3A_468 = arith.constant 48 : index
        %get3A_469 = tpu.vector_load %arg24[%get3A_468] {strides = array<i32>} : memref<128xi32, #tpu.memory_space<vmem>>, vector<16xi32>,
        %get3A_470 = vector.shape_cast %get3A_469 : vector<16xi32> to vector<16xi32>
        %add3A_471 = vector.broadcast %mul3A_0 : i32 to vector<16xi32>
        %add3A_472 = arith.addi %get3A_470, %add3A_471 : vector<16xi32>
        %swap3A_473 = arith.constant 48 : index
        %swap3A_474 = tpu.vector_load %arg26[%swap3A_473] {strides = array<i32>} : memref<128xi32, #tpu.memory_space<vmem>>, vector<16xi32>,
        %swap3A_475 = vector.shape_cast %swap3A_474 : vector<16xi32> to vector<16xi32>
        %swap3A_476 = vector.shape_cast %add3A_472 : vector<16xi32> to vector<16xi32>
        tpu.vector_store %arg26[%swap3A_473], %swap3A_476 {strides = array<i32>} : memref<128xi32, #tpu.memory_space<vmem>>, vector<16xi32>,
        %get3A_477 = arith.constant 48 : index
        %get3A_478 = tpu.vector_load %arg25[%get3A_477] {strides = array<i32>} : memref<128xi32, #tpu.memory_space<vmem>>, vector<16xi32>,
        %get3A_479 = vector.shape_cast %get3A_478 : vector<16xi32> to vector<16xi32>
        %add3A_480 = vector.broadcast %mul3A_2 : i32 to vector<16xi32>
        %add3A_481 = arith.addi %get3A_479, %add3A_480 : vector<16xi32>
        %swap3A_482 = arith.constant 48 : index
        %swap3A_483 = tpu.vector_load %arg27[%swap3A_482] {strides = array<i32>} : memref<128xi32, #tpu.memory_space<vmem>>, vector<16xi32>,
        %swap3A_484 = vector.shape_cast %swap3A_483 : vector<16xi32> to vector<16xi32>
        %swap3A_485 = vector.shape_cast %add3A_481 : vector<16xi32> to vector<16xi32>
        tpu.vector_store %arg27[%swap3A_482], %swap3A_485 {strides = array<i32>} : memref<128xi32, #tpu.memory_space<vmem>>, vector<16xi32>,
        %get3A_486 = arith.constant 64 : index
        %get3A_487 = tpu.vector_load %arg24[%get3A_486] {strides = array<i32>} : memref<128xi32, #tpu.memory_space<vmem>>, vector<16xi32>,
        %get3A_488 = vector.shape_cast %get3A_487 : vector<16xi32> to vector<16xi32>
        %add3A_489 = vector.broadcast %mul3A_0 : i32 to vector<16xi32>
        %add3A_490 = arith.addi %get3A_488, %add3A_489 : vector<16xi32>
        %swap3A_491 = arith.constant 64 : index
        %swap3A_492 = tpu.vector_load %arg26[%swap3A_491] {strides = array<i32>} : memref<128xi32, #tpu.memory_space<vmem>>, vector<16xi32>,
        %swap3A_493 = vector.shape_cast %swap3A_492 : vector<16xi32> to vector<16xi32>
        %swap3A_494 = vector.shape_cast %add3A_490 : vector<16xi32> to vector<16xi32>
        tpu.vector_store %arg26[%swap3A_491], %swap3A_494 {strides = array<i32>} : memref<128xi32, #tpu.memory_space<vmem>>, vector<16xi32>,
        %get3A_495 = arith.constant 64 : index
        %get3A_496 = tpu.vector_load %arg25[%get3A_495] {strides = array<i32>} : memref<128xi32, #tpu.memory_space<vmem>>, vector<16xi32>,
        %get3A_497 = vector.shape_cast %get3A_496 : vector<16xi32> to vector<16xi32>
        %add3A_498 = vector.broadcast %mul3A_2 : i32 to vector<16xi32>
        %add3A_499 = arith.addi %get3A_497, %add3A_498 : vector<16xi32>
        %swap3A_500 = arith.constant 64 : index
        %swap3A_501 = tpu.vector_load %arg27[%swap3A_500] {strides = array<i32>} : memref<128xi32, #tpu.memory_space<vmem>>, vector<16xi32>,
        %swap3A_502 = vector.shape_cast %swap3A_501 : vector<16xi32> to vector<16xi32>
        %swap3A_503 = vector.shape_cast %add3A_499 : vector<16xi32> to vector<16xi32>
        tpu.vector_store %arg27[%swap3A_500], %swap3A_503 {strides = array<i32>} : memref<128xi32, #tpu.memory_space<vmem>>, vector<16xi32>,
        %get3A_504 = arith.constant 80 : index
        %get3A_505 = tpu.vector_load %arg24[%get3A_504] {strides = array<i32>} : memref<128xi32, #tpu.memory_space<vmem>>, vector<16xi32>,
        %get3A_506 = vector.shape_cast %get3A_505 : vector<16xi32> to vector<16xi32>
        %add3A_507 = vector.broadcast %mul3A_0 : i32 to vector<16xi32>
        %add3A_508 = arith.addi %get3A_506, %add3A_507 : vector<16xi32>
        %swap3A_509 = arith.constant 80 : index
        %swap3A_510 = tpu.vector_load %arg26[%swap3A_509] {strides = array<i32>} : memref<128xi32, #tpu.memory_space<vmem>>, vector<16xi32>,
        %swap3A_511 = vector.shape_cast %swap3A_510 : vector<16xi32> to vector<16xi32>
        %swap3A_512 = vector.shape_cast %add3A_508 : vector<16xi32> to vector<16xi32>
        tpu.vector_store %arg26[%swap3A_509], %swap3A_512 {strides = array<i32>} : memref<128xi32, #tpu.memory_space<vmem>>, vector<16xi32>,
        %get3A_513 = arith.constant 80 : index
        %get3A_514 = tpu.vector_load %arg25[%get3A_513] {strides = array<i32>} : memref<128xi32, #tpu.memory_space<vmem>>, vector<16xi32>,
        %get3A_515 = vector.shape_cast %get3A_514 : vector<16xi32> to vector<16xi32>
        %add3A_516 = vector.broadcast %mul3A_2 : i32 to vector<16xi32>
        %add3A_517 = arith.addi %get3A_515, %add3A_516 : vector<16xi32>
        %swap3A_518 = arith.constant 80 : index
        %swap3A_519 = tpu.vector_load %arg27[%swap3A_518] {strides = array<i32>} : memref<128xi32, #tpu.memory_space<vmem>>, vector<16xi32>,
        %swap3A_520 = vector.shape_cast %swap3A_519 : vector<16xi32> to vector<16xi32>
        %swap3A_521 = vector.shape_cast %add3A_517 : vector<16xi32> to vector<16xi32>
        tpu.vector_store %arg27[%swap3A_518], %swap3A_521 {strides = array<i32>} : memref<128xi32, #tpu.memory_space<vmem>>, vector<16xi32>,
        %get3A_522 = arith.constant 96 : index
        %get3A_523 = tpu.vector_load %arg24[%get3A_522] {strides = array<i32>} : memref<128xi32, #tpu.memory_space<vmem>>, vector<16xi32>,
        %get3A_524 = vector.shape_cast %get3A_523 : vector<16xi32> to vector<16xi32>
        %add3A_525 = vector.broadcast %mul3A_0 : i32 to vector<16xi32>
        %add3A_526 = arith.addi %get3A_524, %add3A_525 : vector<16xi32>
        %swap3A_527 = arith.constant 96 : index
        %swap3A_528 = tpu.vector_load %arg26[%swap3A_527] {strides = array<i32>} : memref<128xi32, #tpu.memory_space<vmem>>, vector<16xi32>,
        %swap3A_529 = vector.shape_cast %swap3A_528 : vector<16xi32> to vector<16xi32>
        %swap3A_530 = vector.shape_cast %add3A_526 : vector<16xi32> to vector<16xi32>
        tpu.vector_store %arg26[%swap3A_527], %swap3A_530 {strides = array<i32>} : memref<128xi32, #tpu.memory_space<vmem>>, vector<16xi32>,
        %get3A_531 = arith.constant 96 : index
        %get3A_532 = tpu.vector_load %arg25[%get3A_531] {strides = array<i32>} : memref<128xi32, #tpu.memory_space<vmem>>, vector<16xi32>,
        %get3A_533 = vector.shape_cast %get3A_532 : vector<16xi32> to vector<16xi32>
        %add3A_534 = vector.broadcast %mul3A_2 : i32 to vector<16xi32>
        %add3A_535 = arith.addi %get3A_533, %add3A_534 : vector<16xi32>
        %swap3A_536 = arith.constant 96 : index
        %swap3A_537 = tpu.vector_load %arg27[%swap3A_536] {strides = array<i32>} : memref<128xi32, #tpu.memory_space<vmem>>, vector<16xi32>,
        %swap3A_538 = vector.shape_cast %swap3A_537 : vector<16xi32> to vector<16xi32>
        %swap3A_539 = vector.shape_cast %add3A_535 : vector<16xi32> to vector<16xi32>
        tpu.vector_store %arg27[%swap3A_536], %swap3A_539 {strides = array<i32>} : memref<128xi32, #tpu.memory_space<vmem>>, vector<16xi32>,
        %get3A_540 = arith.constant 112 : index
        %get3A_541 = tpu.vector_load %arg24[%get3A_540] {strides = array<i32>} : memref<128xi32, #tpu.memory_space<vmem>>, vector<16xi32>,
        %get3A_542 = vector.shape_cast %get3A_541 : vector<16xi32> to vector<16xi32>
        %add3A_543 = vector.broadcast %mul3A_0 : i32 to vector<16xi32>
        %add3A_544 = arith.addi %get3A_542, %add3A_543 : vector<16xi32>
        %swap3A_545 = arith.constant 112 : index
        %swap3A_546 = tpu.vector_load %arg26[%swap3A_545] {strides = array<i32>} : memref<128xi32, #tpu.memory_space<vmem>>, vector<16xi32>,
        %swap3A_547 = vector.shape_cast %swap3A_546 : vector<16xi32> to vector<16xi32>
        %swap3A_548 = vector.shape_cast %add3A_544 : vector<16xi32> to vector<16xi32>
        tpu.vector_store %arg26[%swap3A_545], %swap3A_548 {strides = array<i32>} : memref<128xi32, #tpu.memory_space<vmem>>, vector<16xi32>,
        %get3A_549 = arith.constant 112 : index
        %get3A_550 = tpu.vector_load %arg25[%get3A_549] {strides = array<i32>} : memref<128xi32, #tpu.memory_space<vmem>>, vector<16xi32>,
        %get3A_551 = vector.shape_cast %get3A_550 : vector<16xi32> to vector<16xi32>
        %add3A_552 = vector.broadcast %mul3A_2 : i32 to vector<16xi32>
        %add3A_553 = arith.addi %get3A_551, %add3A_552 : vector<16xi32>
        %swap3A_554 = arith.constant 112 : index
        %swap3A_555 = tpu.vector_load %arg27[%swap3A_554] {strides = array<i32>} : memref<128xi32, #tpu.memory_space<vmem>>, vector<16xi32>,
        %swap3A_556 = vector.shape_cast %swap3A_555 : vector<16xi32> to vector<16xi32>
        %swap3A_557 = vector.shape_cast %add3A_553 : vector<16xi32> to vector<16xi32>
        tpu.vector_store %arg27[%swap3A_554], %swap3A_557 {strides = array<i32>} : memref<128xi32, #tpu.memory_space<vmem>>, vector<16xi32>,
        %dma_start3A_558 = arith.constant 0 : i32
        %dma_start3A_559 = arith.constant 0 : i32
        %dma_start3A_560 = tpu.memref_slice %arg4[%dma_start3A_558, %dma_start3A_559] : memref<81920x32xf32, #tpu.memory_space<hbm>> -> memref<81920x32xf32, #tpu.memory_space<hbm>>
        tpu.enqueue_indirect_dma source(%dma_start3A_560 : memref<81920x32xf32, #tpu.memory_space<hbm>>) target(%arg28 : memref<128x32xf32, #tpu.memory_space<vmem>>) offsets(%arg26 : memref<128xi32, #tpu.memory_space<vmem>>) semaphore(%arg38 : memref<!tpu.dma_semaphore, #tpu.memory_space<semaphore_mem>>)
        %dma_start3A_561 = arith.constant 0 : i32
        %dma_start3A_562 = arith.constant 0 : i32
        %dma_start3A_563 = tpu.memref_slice %arg5[%dma_start3A_561, %dma_start3A_562] : memref<20480x32xf32, #tpu.memory_space<hbm>> -> memref<20480x32xf32, #tpu.memory_space<hbm>>
        tpu.enqueue_indirect_dma source(%dma_start3A_563 : memref<20480x32xf32, #tpu.memory_space<hbm>>) target(%arg29 : memref<128x32xf32, #tpu.memory_space<vmem>>) offsets(%arg27 : memref<128xi32, #tpu.memory_space<vmem>>) semaphore(%arg39 : memref<!tpu.dma_semaphore, #tpu.memory_space<semaphore_mem>>)
      } else {
      }
      %mul3A_356 = arith.constant 3 : i32
      %mul3A_357 = arith.muli %mul3A_356, %scan3A_331 : i32
      %add3A_358 = arith.constant 1 : i32
      %add3A_359 = arith.addi %mul3A_357, %add3A_358 : i32
      %dma_wait3A_360 = arith.constant 0 : i32
      %dma_wait3A_361 = arith.constant 0 : i32
      %dma_wait3A_362 = tpu.memref_slice %arg4[%dma_wait3A_360, %dma_wait3A_361] : memref<81920x32xf32, #tpu.memory_space<hbm>> -> memref<81920x32xf32, #tpu.memory_space<hbm>>
      tpu.wait_indirect_dma semaphore(%arg34 : memref<!tpu.dma_semaphore, #tpu.memory_space<semaphore_mem>>) src(%dma_wait3A_362 : memref<81920x32xf32, #tpu.memory_space<hbm>>) dst(%arg22 : memref<128x32xf32, #tpu.memory_space<vmem>>)
      %dma_wait3A_363 = arith.constant 0 : i32
      %dma_wait3A_364 = arith.constant 0 : i32
      %dma_wait3A_365 = tpu.memref_slice %arg5[%dma_wait3A_363, %dma_wait3A_364] : memref<20480x32xf32, #tpu.memory_space<hbm>> -> memref<20480x32xf32, #tpu.memory_space<hbm>>
      tpu.wait_indirect_dma semaphore(%arg35 : memref<!tpu.dma_semaphore, #tpu.memory_space<semaphore_mem>>) src(%dma_wait3A_365 : memref<20480x32xf32, #tpu.memory_space<hbm>>) dst(%arg23 : memref<128x32xf32, #tpu.memory_space<vmem>>)
      %dma_start3A_366 = arith.constant 0 : i32
      %dma_start3A_367 = arith.constant 0 : i32
      %dma_start3A_368 = tpu.memref_slice %arg10[%dma_start3A_366, %dma_start3A_367] : memref<40960x32xf32, #tpu.memory_space<vmem_shared>> -> memref<40960x32xf32, #tpu.memory_space<vmem_shared>>
      tpu.enqueue_indirect_dma source(%arg23 : memref<128x32xf32, #tpu.memory_space<vmem>>) target(%dma_start3A_368 : memref<40960x32xf32, #tpu.memory_space<vmem_shared>>) offsets(%arg18 : memref<128xi32, #tpu.memory_space<vmem>>) semaphore(%arg36 : memref<!tpu.dma_semaphore, #tpu.memory_space<semaphore_mem>>) {add = true}
      %dma_start3A_369 = arith.constant 0 : i32
      %dma_start3A_370 = arith.constant 0 : i32
      %dma_start3A_371 = tpu.memref_slice %arg11[%dma_start3A_369, %dma_start3A_370] : memref<10240x32xf32, #tpu.memory_space<vmem_shared>> -> memref<10240x32xf32, #tpu.memory_space<vmem_shared>>
      tpu.enqueue_indirect_dma source(%arg22 : memref<128x32xf32, #tpu.memory_space<vmem>>) target(%dma_start3A_371 : memref<10240x32xf32, #tpu.memory_space<vmem_shared>>) offsets(%arg19 : memref<128xi32, #tpu.memory_space<vmem>>) semaphore(%arg37 : memref<!tpu.dma_semaphore, #tpu.memory_space<semaphore_mem>>) {add = true}
      %ge3A_372 = arith.constant 1 : i32
      %ge3A_373 = arith.cmpi sge, %add3A_359, %ge3A_372 : i32
      %convert_element_type3A_374 = arith.extui %ge3A_373 : i1 to i32
      %cond3A_375 = arith.constant 0 : i32
      %cond3A_376 = arith.cmpi ne, %convert_element_type3A_374, %cond3A_375 : i32
      scf.if %cond3A_376 {
        %dma_wait3A_412 = arith.constant 0 : i32
        %dma_wait3A_413 = arith.constant 0 : i32
        %dma_wait3A_414 = tpu.memref_slice %arg10[%dma_wait3A_412, %dma_wait3A_413] : memref<40960x32xf32, #tpu.memory_space<vmem_shared>> -> memref<40960x32xf32, #tpu.memory_space<vmem_shared>>
        tpu.wait_indirect_dma semaphore(%arg32 : memref<!tpu.dma_semaphore, #tpu.memory_space<semaphore_mem>>) src(%arg17 : memref<128x32xf32, #tpu.memory_space<vmem>>) dst(%dma_wait3A_414 : memref<40960x32xf32, #tpu.memory_space<vmem_shared>>)
        %dma_wait3A_415 = arith.constant 0 : i32
        %dma_wait3A_416 = arith.constant 0 : i32
        %dma_wait3A_417 = tpu.memref_slice %arg11[%dma_wait3A_415, %dma_wait3A_416] : memref<10240x32xf32, #tpu.memory_space<vmem_shared>> -> memref<10240x32xf32, #tpu.memory_space<vmem_shared>>
        tpu.wait_indirect_dma semaphore(%arg33 : memref<!tpu.dma_semaphore, #tpu.memory_space<semaphore_mem>>) src(%arg16 : memref<128x32xf32, #tpu.memory_space<vmem>>) dst(%dma_wait3A_417 : memref<10240x32xf32, #tpu.memory_space<vmem_shared>>)
      } else {
      }
      %add3A_377 = arith.constant 2 : i32
      %add3A_378 = arith.addi %add3A_359, %add3A_377 : i32
      %lt3A_379 = arith.constant 396 : i32
      %lt3A_380 = arith.cmpi slt, %add3A_378, %lt3A_379 : i32
      %convert_element_type3A_381 = arith.extui %lt3A_380 : i1 to i32
      %cond3A_382 = arith.constant 0 : i32
      %cond3A_383 = arith.cmpi ne, %convert_element_type3A_381, %cond3A_382 : i32
      scf.if %cond3A_383 {
        %add3A_412 = arith.constant 2 : i32
        %add3A_413 = arith.addi %add3A_359, %add3A_412 : i32
        "tpu.region"() ({
          %run_scoped3A_564 = tpu.sem_alloc : memref<!tpu.dma_semaphore, #tpu.memory_space<semaphore_mem>>
          %dma_start3A_565 = arith.constant 0 : i32
          %dma_start3A_566 = tpu.memref_slice %arg2[%arg1, %add3A_413, %dma_start3A_565] : memref<16x396x128xi32, #tpu.memory_space<hbm>> -> memref<1x1x128xi32, #tpu.memory_space<hbm>>
          %dma_start3A_567 = tpu.memref_squeeze %dma_start3A_566 : memref<1x1x128xi32, #tpu.memory_space<hbm>> -> memref<128xi32, #tpu.memory_space<hbm>>
          %dma_start3A_568 = arith.constant 0 : i32
          %dma_start3A_569 = tpu.memref_slice %arg2[%arg1, %add3A_413, %dma_start3A_568] : memref<16x396x128xi32, #tpu.memory_space<hbm>> -> memref<1x1x128xi32, #tpu.memory_space<hbm>>
          %dma_start3A_570 = tpu.memref_squeeze %dma_start3A_569 : memref<1x1x128xi32, #tpu.memory_space<hbm>> -> memref<128xi32, #tpu.memory_space<hbm>>
          tpu.enqueue_dma source(%dma_start3A_570 : memref<128xi32, #tpu.memory_space<hbm>>) target(%arg12 : memref<128xi32, #tpu.memory_space<vmem>>) target_semaphore(%run_scoped3A_564 : memref<!tpu.dma_semaphore, #tpu.memory_space<semaphore_mem>>)
          %dma_wait3A_571 = arith.constant 0 : i32
          %dma_wait3A_572 = tpu.memref_slice %arg2[%arg1, %add3A_413, %dma_wait3A_571] : memref<16x396x128xi32, #tpu.memory_space<hbm>> -> memref<1x1x128xi32, #tpu.memory_space<hbm>>
          %dma_wait3A_573 = tpu.memref_squeeze %dma_wait3A_572 : memref<1x1x128xi32, #tpu.memory_space<hbm>> -> memref<128xi32, #tpu.memory_space<hbm>>
          %dma_wait3A_574 = arith.constant 0 : i32
          %dma_wait3A_575 = tpu.memref_slice %arg2[%arg1, %add3A_413, %dma_wait3A_574] : memref<16x396x128xi32, #tpu.memory_space<hbm>> -> memref<1x1x128xi32, #tpu.memory_space<hbm>>
          %dma_wait3A_576 = tpu.memref_squeeze %dma_wait3A_575 : memref<1x1x128xi32, #tpu.memory_space<hbm>> -> memref<128xi32, #tpu.memory_space<hbm>>
          tpu.wait_dma2 semaphore(%run_scoped3A_564 : memref<!tpu.dma_semaphore, #tpu.memory_space<semaphore_mem>>) src(%dma_wait3A_576 : memref<128xi32, #tpu.memory_space<hbm>>) dst(%arg12 : memref<128xi32, #tpu.memory_space<vmem>>)
          tpu.yield
        }) : () -> ()
        "tpu.region"() ({
          %run_scoped3A_564 = tpu.sem_alloc : memref<!tpu.dma_semaphore, #tpu.memory_space<semaphore_mem>>
          %dma_start3A_565 = arith.constant 0 : i32
          %dma_start3A_566 = tpu.memref_slice %arg3[%arg1, %add3A_413, %dma_start3A_565] : memref<16x396x128xi32, #tpu.memory_space<hbm>> -> memref<1x1x128xi32, #tpu.memory_space<hbm>>
          %dma_start3A_567 = tpu.memref_squeeze %dma_start3A_566 : memref<1x1x128xi32, #tpu.memory_space<hbm>> -> memref<128xi32, #tpu.memory_space<hbm>>
          %dma_start3A_568 = arith.constant 0 : i32
          %dma_start3A_569 = tpu.memref_slice %arg3[%arg1, %add3A_413, %dma_start3A_568] : memref<16x396x128xi32, #tpu.memory_space<hbm>> -> memref<1x1x128xi32, #tpu.memory_space<hbm>>
          %dma_start3A_570 = tpu.memref_squeeze %dma_start3A_569 : memref<1x1x128xi32, #tpu.memory_space<hbm>> -> memref<128xi32, #tpu.memory_space<hbm>>
          tpu.enqueue_dma source(%dma_start3A_570 : memref<128xi32, #tpu.memory_space<hbm>>) target(%arg13 : memref<128xi32, #tpu.memory_space<vmem>>) target_semaphore(%run_scoped3A_564 : memref<!tpu.dma_semaphore, #tpu.memory_space<semaphore_mem>>)
          %dma_wait3A_571 = arith.constant 0 : i32
          %dma_wait3A_572 = tpu.memref_slice %arg3[%arg1, %add3A_413, %dma_wait3A_571] : memref<16x396x128xi32, #tpu.memory_space<hbm>> -> memref<1x1x128xi32, #tpu.memory_space<hbm>>
          %dma_wait3A_573 = tpu.memref_squeeze %dma_wait3A_572 : memref<1x1x128xi32, #tpu.memory_space<hbm>> -> memref<128xi32, #tpu.memory_space<hbm>>
          %dma_wait3A_574 = arith.constant 0 : i32
          %dma_wait3A_575 = tpu.memref_slice %arg3[%arg1, %add3A_413, %dma_wait3A_574] : memref<16x396x128xi32, #tpu.memory_space<hbm>> -> memref<1x1x128xi32, #tpu.memory_space<hbm>>
          %dma_wait3A_576 = tpu.memref_squeeze %dma_wait3A_575 : memref<1x1x128xi32, #tpu.memory_space<hbm>> -> memref<128xi32, #tpu.memory_space<hbm>>
          tpu.wait_dma2 semaphore(%run_scoped3A_564 : memref<!tpu.dma_semaphore, #tpu.memory_space<semaphore_mem>>) src(%dma_wait3A_576 : memref<128xi32, #tpu.memory_space<hbm>>) dst(%arg13 : memref<128xi32, #tpu.memory_space<vmem>>)
          tpu.yield
        }) : () -> ()
        %get3A_414 = arith.constant 0 : index
        %get3A_415 = tpu.vector_load %arg12[%get3A_414] {strides = array<i32>} : memref<128xi32, #tpu.memory_space<vmem>>, vector<16xi32>,
        %get3A_416 = vector.shape_cast %get3A_415 : vector<16xi32> to vector<16xi32>
        %add3A_417 = vector.broadcast %mul3A_0 : i32 to vector<16xi32>
        %add3A_418 = arith.addi %get3A_416, %add3A_417 : vector<16xi32>
        %swap3A_419 = arith.constant 0 : index
        %swap3A_420 = tpu.vector_load %arg14[%swap3A_419] {strides = array<i32>} : memref<128xi32, #tpu.memory_space<vmem>>, vector<16xi32>,
        %swap3A_421 = vector.shape_cast %swap3A_420 : vector<16xi32> to vector<16xi32>
        %swap3A_422 = vector.shape_cast %add3A_418 : vector<16xi32> to vector<16xi32>
        tpu.vector_store %arg14[%swap3A_419], %swap3A_422 {strides = array<i32>} : memref<128xi32, #tpu.memory_space<vmem>>, vector<16xi32>,
        %get3A_423 = arith.constant 0 : index
        %get3A_424 = tpu.vector_load %arg13[%get3A_423] {strides = array<i32>} : memref<128xi32, #tpu.memory_space<vmem>>, vector<16xi32>,
        %get3A_425 = vector.shape_cast %get3A_424 : vector<16xi32> to vector<16xi32>
        %add3A_426 = vector.broadcast %mul3A_2 : i32 to vector<16xi32>
        %add3A_427 = arith.addi %get3A_425, %add3A_426 : vector<16xi32>
        %swap3A_428 = arith.constant 0 : index
        %swap3A_429 = tpu.vector_load %arg15[%swap3A_428] {strides = array<i32>} : memref<128xi32, #tpu.memory_space<vmem>>, vector<16xi32>,
        %swap3A_430 = vector.shape_cast %swap3A_429 : vector<16xi32> to vector<16xi32>
        %swap3A_431 = vector.shape_cast %add3A_427 : vector<16xi32> to vector<16xi32>
        tpu.vector_store %arg15[%swap3A_428], %swap3A_431 {strides = array<i32>} : memref<128xi32, #tpu.memory_space<vmem>>, vector<16xi32>,
        %get3A_432 = arith.constant 16 : index
        %get3A_433 = tpu.vector_load %arg12[%get3A_432] {strides = array<i32>} : memref<128xi32, #tpu.memory_space<vmem>>, vector<16xi32>,
        %get3A_434 = vector.shape_cast %get3A_433 : vector<16xi32> to vector<16xi32>
        %add3A_435 = vector.broadcast %mul3A_0 : i32 to vector<16xi32>
        %add3A_436 = arith.addi %get3A_434, %add3A_435 : vector<16xi32>
        %swap3A_437 = arith.constant 16 : index
        %swap3A_438 = tpu.vector_load %arg14[%swap3A_437] {strides = array<i32>} : memref<128xi32, #tpu.memory_space<vmem>>, vector<16xi32>,
        %swap3A_439 = vector.shape_cast %swap3A_438 : vector<16xi32> to vector<16xi32>
        %swap3A_440 = vector.shape_cast %add3A_436 : vector<16xi32> to vector<16xi32>
        tpu.vector_store %arg14[%swap3A_437], %swap3A_440 {strides = array<i32>} : memref<128xi32, #tpu.memory_space<vmem>>, vector<16xi32>,
        %get3A_441 = arith.constant 16 : index
        %get3A_442 = tpu.vector_load %arg13[%get3A_441] {strides = array<i32>} : memref<128xi32, #tpu.memory_space<vmem>>, vector<16xi32>,
        %get3A_443 = vector.shape_cast %get3A_442 : vector<16xi32> to vector<16xi32>
        %add3A_444 = vector.broadcast %mul3A_2 : i32 to vector<16xi32>
        %add3A_445 = arith.addi %get3A_443, %add3A_444 : vector<16xi32>
        %swap3A_446 = arith.constant 16 : index
        %swap3A_447 = tpu.vector_load %arg15[%swap3A_446] {strides = array<i32>} : memref<128xi32, #tpu.memory_space<vmem>>, vector<16xi32>,
        %swap3A_448 = vector.shape_cast %swap3A_447 : vector<16xi32> to vector<16xi32>
        %swap3A_449 = vector.shape_cast %add3A_445 : vector<16xi32> to vector<16xi32>
        tpu.vector_store %arg15[%swap3A_446], %swap3A_449 {strides = array<i32>} : memref<128xi32, #tpu.memory_space<vmem>>, vector<16xi32>,
        %get3A_450 = arith.constant 32 : index
        %get3A_451 = tpu.vector_load %arg12[%get3A_450] {strides = array<i32>} : memref<128xi32, #tpu.memory_space<vmem>>, vector<16xi32>,
        %get3A_452 = vector.shape_cast %get3A_451 : vector<16xi32> to vector<16xi32>
        %add3A_453 = vector.broadcast %mul3A_0 : i32 to vector<16xi32>
        %add3A_454 = arith.addi %get3A_452, %add3A_453 : vector<16xi32>
        %swap3A_455 = arith.constant 32 : index
        %swap3A_456 = tpu.vector_load %arg14[%swap3A_455] {strides = array<i32>} : memref<128xi32, #tpu.memory_space<vmem>>, vector<16xi32>,
        %swap3A_457 = vector.shape_cast %swap3A_456 : vector<16xi32> to vector<16xi32>
        %swap3A_458 = vector.shape_cast %add3A_454 : vector<16xi32> to vector<16xi32>
        tpu.vector_store %arg14[%swap3A_455], %swap3A_458 {strides = array<i32>} : memref<128xi32, #tpu.memory_space<vmem>>, vector<16xi32>,
        %get3A_459 = arith.constant 32 : index
        %get3A_460 = tpu.vector_load %arg13[%get3A_459] {strides = array<i32>} : memref<128xi32, #tpu.memory_space<vmem>>, vector<16xi32>,
        %get3A_461 = vector.shape_cast %get3A_460 : vector<16xi32> to vector<16xi32>
        %add3A_462 = vector.broadcast %mul3A_2 : i32 to vector<16xi32>
        %add3A_463 = arith.addi %get3A_461, %add3A_462 : vector<16xi32>
        %swap3A_464 = arith.constant 32 : index
        %swap3A_465 = tpu.vector_load %arg15[%swap3A_464] {strides = array<i32>} : memref<128xi32, #tpu.memory_space<vmem>>, vector<16xi32>,
        %swap3A_466 = vector.shape_cast %swap3A_465 : vector<16xi32> to vector<16xi32>
        %swap3A_467 = vector.shape_cast %add3A_463 : vector<16xi32> to vector<16xi32>
        tpu.vector_store %arg15[%swap3A_464], %swap3A_467 {strides = array<i32>} : memref<128xi32, #tpu.memory_space<vmem>>, vector<16xi32>,
        %get3A_468 = arith.constant 48 : index
        %get3A_469 = tpu.vector_load %arg12[%get3A_468] {strides = array<i32>} : memref<128xi32, #tpu.memory_space<vmem>>, vector<16xi32>,
        %get3A_470 = vector.shape_cast %get3A_469 : vector<16xi32> to vector<16xi32>
        %add3A_471 = vector.broadcast %mul3A_0 : i32 to vector<16xi32>
        %add3A_472 = arith.addi %get3A_470, %add3A_471 : vector<16xi32>
        %swap3A_473 = arith.constant 48 : index
        %swap3A_474 = tpu.vector_load %arg14[%swap3A_473] {strides = array<i32>} : memref<128xi32, #tpu.memory_space<vmem>>, vector<16xi32>,
        %swap3A_475 = vector.shape_cast %swap3A_474 : vector<16xi32> to vector<16xi32>
        %swap3A_476 = vector.shape_cast %add3A_472 : vector<16xi32> to vector<16xi32>
        tpu.vector_store %arg14[%swap3A_473], %swap3A_476 {strides = array<i32>} : memref<128xi32, #tpu.memory_space<vmem>>, vector<16xi32>,
        %get3A_477 = arith.constant 48 : index
        %get3A_478 = tpu.vector_load %arg13[%get3A_477] {strides = array<i32>} : memref<128xi32, #tpu.memory_space<vmem>>, vector<16xi32>,
        %get3A_479 = vector.shape_cast %get3A_478 : vector<16xi32> to vector<16xi32>
        %add3A_480 = vector.broadcast %mul3A_2 : i32 to vector<16xi32>
        %add3A_481 = arith.addi %get3A_479, %add3A_480 : vector<16xi32>
        %swap3A_482 = arith.constant 48 : index
        %swap3A_483 = tpu.vector_load %arg15[%swap3A_482] {strides = array<i32>} : memref<128xi32, #tpu.memory_space<vmem>>, vector<16xi32>,
        %swap3A_484 = vector.shape_cast %swap3A_483 : vector<16xi32> to vector<16xi32>
        %swap3A_485 = vector.shape_cast %add3A_481 : vector<16xi32> to vector<16xi32>
        tpu.vector_store %arg15[%swap3A_482], %swap3A_485 {strides = array<i32>} : memref<128xi32, #tpu.memory_space<vmem>>, vector<16xi32>,
        %get3A_486 = arith.constant 64 : index
        %get3A_487 = tpu.vector_load %arg12[%get3A_486] {strides = array<i32>} : memref<128xi32, #tpu.memory_space<vmem>>, vector<16xi32>,
        %get3A_488 = vector.shape_cast %get3A_487 : vector<16xi32> to vector<16xi32>
        %add3A_489 = vector.broadcast %mul3A_0 : i32 to vector<16xi32>
        %add3A_490 = arith.addi %get3A_488, %add3A_489 : vector<16xi32>
        %swap3A_491 = arith.constant 64 : index
        %swap3A_492 = tpu.vector_load %arg14[%swap3A_491] {strides = array<i32>} : memref<128xi32, #tpu.memory_space<vmem>>, vector<16xi32>,
        %swap3A_493 = vector.shape_cast %swap3A_492 : vector<16xi32> to vector<16xi32>
        %swap3A_494 = vector.shape_cast %add3A_490 : vector<16xi32> to vector<16xi32>
        tpu.vector_store %arg14[%swap3A_491], %swap3A_494 {strides = array<i32>} : memref<128xi32, #tpu.memory_space<vmem>>, vector<16xi32>,
        %get3A_495 = arith.constant 64 : index
        %get3A_496 = tpu.vector_load %arg13[%get3A_495] {strides = array<i32>} : memref<128xi32, #tpu.memory_space<vmem>>, vector<16xi32>,
        %get3A_497 = vector.shape_cast %get3A_496 : vector<16xi32> to vector<16xi32>
        %add3A_498 = vector.broadcast %mul3A_2 : i32 to vector<16xi32>
        %add3A_499 = arith.addi %get3A_497, %add3A_498 : vector<16xi32>
        %swap3A_500 = arith.constant 64 : index
        %swap3A_501 = tpu.vector_load %arg15[%swap3A_500] {strides = array<i32>} : memref<128xi32, #tpu.memory_space<vmem>>, vector<16xi32>,
        %swap3A_502 = vector.shape_cast %swap3A_501 : vector<16xi32> to vector<16xi32>
        %swap3A_503 = vector.shape_cast %add3A_499 : vector<16xi32> to vector<16xi32>
        tpu.vector_store %arg15[%swap3A_500], %swap3A_503 {strides = array<i32>} : memref<128xi32, #tpu.memory_space<vmem>>, vector<16xi32>,
        %get3A_504 = arith.constant 80 : index
        %get3A_505 = tpu.vector_load %arg12[%get3A_504] {strides = array<i32>} : memref<128xi32, #tpu.memory_space<vmem>>, vector<16xi32>,
        %get3A_506 = vector.shape_cast %get3A_505 : vector<16xi32> to vector<16xi32>
        %add3A_507 = vector.broadcast %mul3A_0 : i32 to vector<16xi32>
        %add3A_508 = arith.addi %get3A_506, %add3A_507 : vector<16xi32>
        %swap3A_509 = arith.constant 80 : index
        %swap3A_510 = tpu.vector_load %arg14[%swap3A_509] {strides = array<i32>} : memref<128xi32, #tpu.memory_space<vmem>>, vector<16xi32>,
        %swap3A_511 = vector.shape_cast %swap3A_510 : vector<16xi32> to vector<16xi32>
        %swap3A_512 = vector.shape_cast %add3A_508 : vector<16xi32> to vector<16xi32>
        tpu.vector_store %arg14[%swap3A_509], %swap3A_512 {strides = array<i32>} : memref<128xi32, #tpu.memory_space<vmem>>, vector<16xi32>,
        %get3A_513 = arith.constant 80 : index
        %get3A_514 = tpu.vector_load %arg13[%get3A_513] {strides = array<i32>} : memref<128xi32, #tpu.memory_space<vmem>>, vector<16xi32>,
        %get3A_515 = vector.shape_cast %get3A_514 : vector<16xi32> to vector<16xi32>
        %add3A_516 = vector.broadcast %mul3A_2 : i32 to vector<16xi32>
        %add3A_517 = arith.addi %get3A_515, %add3A_516 : vector<16xi32>
        %swap3A_518 = arith.constant 80 : index
        %swap3A_519 = tpu.vector_load %arg15[%swap3A_518] {strides = array<i32>} : memref<128xi32, #tpu.memory_space<vmem>>, vector<16xi32>,
        %swap3A_520 = vector.shape_cast %swap3A_519 : vector<16xi32> to vector<16xi32>
        %swap3A_521 = vector.shape_cast %add3A_517 : vector<16xi32> to vector<16xi32>
        tpu.vector_store %arg15[%swap3A_518], %swap3A_521 {strides = array<i32>} : memref<128xi32, #tpu.memory_space<vmem>>, vector<16xi32>,
        %get3A_522 = arith.constant 96 : index
        %get3A_523 = tpu.vector_load %arg12[%get3A_522] {strides = array<i32>} : memref<128xi32, #tpu.memory_space<vmem>>, vector<16xi32>,
        %get3A_524 = vector.shape_cast %get3A_523 : vector<16xi32> to vector<16xi32>
        %add3A_525 = vector.broadcast %mul3A_0 : i32 to vector<16xi32>
        %add3A_526 = arith.addi %get3A_524, %add3A_525 : vector<16xi32>
        %swap3A_527 = arith.constant 96 : index
        %swap3A_528 = tpu.vector_load %arg14[%swap3A_527] {strides = array<i32>} : memref<128xi32, #tpu.memory_space<vmem>>, vector<16xi32>,
        %swap3A_529 = vector.shape_cast %swap3A_528 : vector<16xi32> to vector<16xi32>
        %swap3A_530 = vector.shape_cast %add3A_526 : vector<16xi32> to vector<16xi32>
        tpu.vector_store %arg14[%swap3A_527], %swap3A_530 {strides = array<i32>} : memref<128xi32, #tpu.memory_space<vmem>>, vector<16xi32>,
        %get3A_531 = arith.constant 96 : index
        %get3A_532 = tpu.vector_load %arg13[%get3A_531] {strides = array<i32>} : memref<128xi32, #tpu.memory_space<vmem>>, vector<16xi32>,
        %get3A_533 = vector.shape_cast %get3A_532 : vector<16xi32> to vector<16xi32>
        %add3A_534 = vector.broadcast %mul3A_2 : i32 to vector<16xi32>
        %add3A_535 = arith.addi %get3A_533, %add3A_534 : vector<16xi32>
        %swap3A_536 = arith.constant 96 : index
        %swap3A_537 = tpu.vector_load %arg15[%swap3A_536] {strides = array<i32>} : memref<128xi32, #tpu.memory_space<vmem>>, vector<16xi32>,
        %swap3A_538 = vector.shape_cast %swap3A_537 : vector<16xi32> to vector<16xi32>
        %swap3A_539 = vector.shape_cast %add3A_535 : vector<16xi32> to vector<16xi32>
        tpu.vector_store %arg15[%swap3A_536], %swap3A_539 {strides = array<i32>} : memref<128xi32, #tpu.memory_space<vmem>>, vector<16xi32>,
        %get3A_540 = arith.constant 112 : index
        %get3A_541 = tpu.vector_load %arg12[%get3A_540] {strides = array<i32>} : memref<128xi32, #tpu.memory_space<vmem>>, vector<16xi32>,
        %get3A_542 = vector.shape_cast %get3A_541 : vector<16xi32> to vector<16xi32>
        %add3A_543 = vector.broadcast %mul3A_0 : i32 to vector<16xi32>
        %add3A_544 = arith.addi %get3A_542, %add3A_543 : vector<16xi32>
        %swap3A_545 = arith.constant 112 : index
        %swap3A_546 = tpu.vector_load %arg14[%swap3A_545] {strides = array<i32>} : memref<128xi32, #tpu.memory_space<vmem>>, vector<16xi32>,
        %swap3A_547 = vector.shape_cast %swap3A_546 : vector<16xi32> to vector<16xi32>
        %swap3A_548 = vector.shape_cast %add3A_544 : vector<16xi32> to vector<16xi32>
        tpu.vector_store %arg14[%swap3A_545], %swap3A_548 {strides = array<i32>} : memref<128xi32, #tpu.memory_space<vmem>>, vector<16xi32>,
        %get3A_549 = arith.constant 112 : index
        %get3A_550 = tpu.vector_load %arg13[%get3A_549] {strides = array<i32>} : memref<128xi32, #tpu.memory_space<vmem>>, vector<16xi32>,
        %get3A_551 = vector.shape_cast %get3A_550 : vector<16xi32> to vector<16xi32>
        %add3A_552 = vector.broadcast %mul3A_2 : i32 to vector<16xi32>
        %add3A_553 = arith.addi %get3A_551, %add3A_552 : vector<16xi32>
        %swap3A_554 = arith.constant 112 : index
        %swap3A_555 = tpu.vector_load %arg15[%swap3A_554] {strides = array<i32>} : memref<128xi32, #tpu.memory_space<vmem>>, vector<16xi32>,
        %swap3A_556 = vector.shape_cast %swap3A_555 : vector<16xi32> to vector<16xi32>
        %swap3A_557 = vector.shape_cast %add3A_553 : vector<16xi32> to vector<16xi32>
        tpu.vector_store %arg15[%swap3A_554], %swap3A_557 {strides = array<i32>} : memref<128xi32, #tpu.memory_space<vmem>>, vector<16xi32>,
        %dma_start3A_558 = arith.constant 0 : i32
        %dma_start3A_559 = arith.constant 0 : i32
        %dma_start3A_560 = tpu.memref_slice %arg4[%dma_start3A_558, %dma_start3A_559] : memref<81920x32xf32, #tpu.memory_space<hbm>> -> memref<81920x32xf32, #tpu.memory_space<hbm>>
        tpu.enqueue_indirect_dma source(%dma_start3A_560 : memref<81920x32xf32, #tpu.memory_space<hbm>>) target(%arg16 : memref<128x32xf32, #tpu.memory_space<vmem>>) offsets(%arg14 : memref<128xi32, #tpu.memory_space<vmem>>) semaphore(%arg30 : memref<!tpu.dma_semaphore, #tpu.memory_space<semaphore_mem>>)
        %dma_start3A_561 = arith.constant 0 : i32
        %dma_start3A_562 = arith.constant 0 : i32
        %dma_start3A_563 = tpu.memref_slice %arg5[%dma_start3A_561, %dma_start3A_562] : memref<20480x32xf32, #tpu.memory_space<hbm>> -> memref<20480x32xf32, #tpu.memory_space<hbm>>
        tpu.enqueue_indirect_dma source(%dma_start3A_563 : memref<20480x32xf32, #tpu.memory_space<hbm>>) target(%arg17 : memref<128x32xf32, #tpu.memory_space<vmem>>) offsets(%arg15 : memref<128xi32, #tpu.memory_space<vmem>>) semaphore(%arg31 : memref<!tpu.dma_semaphore, #tpu.memory_space<semaphore_mem>>)
      } else {
      }
      %mul3A_384 = arith.constant 3 : i32
      %mul3A_385 = arith.muli %mul3A_384, %scan3A_331 : i32
      %add3A_386 = arith.constant 2 : i32
      %add3A_387 = arith.addi %mul3A_385, %add3A_386 : i32
      %dma_wait3A_388 = arith.constant 0 : i32
      %dma_wait3A_389 = arith.constant 0 : i32
      %dma_wait3A_390 = tpu.memref_slice %arg4[%dma_wait3A_388, %dma_wait3A_389] : memref<81920x32xf32, #tpu.memory_space<hbm>> -> memref<81920x32xf32, #tpu.memory_space<hbm>>
      tpu.wait_indirect_dma semaphore(%arg38 : memref<!tpu.dma_semaphore, #tpu.memory_space<semaphore_mem>>) src(%dma_wait3A_390 : memref<81920x32xf32, #tpu.memory_space<hbm>>) dst(%arg28 : memref<128x32xf32, #tpu.memory_space<vmem>>)
      %dma_wait3A_391 = arith.constant 0 : i32
      %dma_wait3A_392 = arith.constant 0 : i32
      %dma_wait3A_393 = tpu.memref_slice %arg5[%dma_wait3A_391, %dma_wait3A_392] : memref<20480x32xf32, #tpu.memory_space<hbm>> -> memref<20480x32xf32, #tpu.memory_space<hbm>>
      tpu.wait_indirect_dma semaphore(%arg39 : memref<!tpu.dma_semaphore, #tpu.memory_space<semaphore_mem>>) src(%dma_wait3A_393 : memref<20480x32xf32, #tpu.memory_space<hbm>>) dst(%arg29 : memref<128x32xf32, #tpu.memory_space<vmem>>)
      %dma_start3A_394 = arith.constant 0 : i32
      %dma_start3A_395 = arith.constant 0 : i32
      %dma_start3A_396 = tpu.memref_slice %arg10[%dma_start3A_394, %dma_start3A_395] : memref<40960x32xf32, #tpu.memory_space<vmem_shared>> -> memref<40960x32xf32, #tpu.memory_space<vmem_shared>>
      tpu.enqueue_indirect_dma source(%arg29 : memref<128x32xf32, #tpu.memory_space<vmem>>) target(%dma_start3A_396 : memref<40960x32xf32, #tpu.memory_space<vmem_shared>>) offsets(%arg24 : memref<128xi32, #tpu.memory_space<vmem>>) semaphore(%arg40 : memref<!tpu.dma_semaphore, #tpu.memory_space<semaphore_mem>>) {add = true}
      %dma_start3A_397 = arith.constant 0 : i32
      %dma_start3A_398 = arith.constant 0 : i32
      %dma_start3A_399 = tpu.memref_slice %arg11[%dma_start3A_397, %dma_start3A_398] : memref<10240x32xf32, #tpu.memory_space<vmem_shared>> -> memref<10240x32xf32, #tpu.memory_space<vmem_shared>>
      tpu.enqueue_indirect_dma source(%arg28 : memref<128x32xf32, #tpu.memory_space<vmem>>) target(%dma_start3A_399 : memref<10240x32xf32, #tpu.memory_space<vmem_shared>>) offsets(%arg25 : memref<128xi32, #tpu.memory_space<vmem>>) semaphore(%arg41 : memref<!tpu.dma_semaphore, #tpu.memory_space<semaphore_mem>>) {add = true}
      %ge3A_400 = arith.constant 1 : i32
      %ge3A_401 = arith.cmpi sge, %add3A_387, %ge3A_400 : i32
      %convert_element_type3A_402 = arith.extui %ge3A_401 : i1 to i32
      %cond3A_403 = arith.constant 0 : i32
      %cond3A_404 = arith.cmpi ne, %convert_element_type3A_402, %cond3A_403 : i32
      scf.if %cond3A_404 {
        %dma_wait3A_412 = arith.constant 0 : i32
        %dma_wait3A_413 = arith.constant 0 : i32
        %dma_wait3A_414 = tpu.memref_slice %arg10[%dma_wait3A_412, %dma_wait3A_413] : memref<40960x32xf32, #tpu.memory_space<vmem_shared>> -> memref<40960x32xf32, #tpu.memory_space<vmem_shared>>
        tpu.wait_indirect_dma semaphore(%arg36 : memref<!tpu.dma_semaphore, #tpu.memory_space<semaphore_mem>>) src(%arg23 : memref<128x32xf32, #tpu.memory_space<vmem>>) dst(%dma_wait3A_414 : memref<40960x32xf32, #tpu.memory_space<vmem_shared>>)
        %dma_wait3A_415 = arith.constant 0 : i32
        %dma_wait3A_416 = arith.constant 0 : i32
        %dma_wait3A_417 = tpu.memref_slice %arg11[%dma_wait3A_415, %dma_wait3A_416] : memref<10240x32xf32, #tpu.memory_space<vmem_shared>> -> memref<10240x32xf32, #tpu.memory_space<vmem_shared>>
        tpu.wait_indirect_dma semaphore(%arg37 : memref<!tpu.dma_semaphore, #tpu.memory_space<semaphore_mem>>) src(%arg22 : memref<128x32xf32, #tpu.memory_space<vmem>>) dst(%dma_wait3A_417 : memref<10240x32xf32, #tpu.memory_space<vmem_shared>>)
      } else {
      }
      %add3A_405 = arith.constant 2 : i32
      %add3A_406 = arith.addi %add3A_387, %add3A_405 : i32
      %lt3A_407 = arith.constant 396 : i32
      %lt3A_408 = arith.cmpi slt, %add3A_406, %lt3A_407 : i32
      %convert_element_type3A_409 = arith.extui %lt3A_408 : i1 to i32
      %cond3A_410 = arith.constant 0 : i32
      %cond3A_411 = arith.cmpi ne, %convert_element_type3A_409, %cond3A_410 : i32
      scf.if %cond3A_411 {
        %add3A_412 = arith.constant 2 : i32
        %add3A_413 = arith.addi %add3A_387, %add3A_412 : i32
        "tpu.region"() ({
          %run_scoped3A_564 = tpu.sem_alloc : memref<!tpu.dma_semaphore, #tpu.memory_space<semaphore_mem>>
          %dma_start3A_565 = arith.constant 0 : i32
          %dma_start3A_566 = tpu.memref_slice %arg2[%arg1, %add3A_413, %dma_start3A_565] : memref<16x396x128xi32, #tpu.memory_space<hbm>> -> memref<1x1x128xi32, #tpu.memory_space<hbm>>
          %dma_start3A_567 = tpu.memref_squeeze %dma_start3A_566 : memref<1x1x128xi32, #tpu.memory_space<hbm>> -> memref<128xi32, #tpu.memory_space<hbm>>
          %dma_start3A_568 = arith.constant 0 : i32
          %dma_start3A_569 = tpu.memref_slice %arg2[%arg1, %add3A_413, %dma_start3A_568] : memref<16x396x128xi32, #tpu.memory_space<hbm>> -> memref<1x1x128xi32, #tpu.memory_space<hbm>>
          %dma_start3A_570 = tpu.memref_squeeze %dma_start3A_569 : memref<1x1x128xi32, #tpu.memory_space<hbm>> -> memref<128xi32, #tpu.memory_space<hbm>>
          tpu.enqueue_dma source(%dma_start3A_570 : memref<128xi32, #tpu.memory_space<hbm>>) target(%arg18 : memref<128xi32, #tpu.memory_space<vmem>>) target_semaphore(%run_scoped3A_564 : memref<!tpu.dma_semaphore, #tpu.memory_space<semaphore_mem>>)
          %dma_wait3A_571 = arith.constant 0 : i32
          %dma_wait3A_572 = tpu.memref_slice %arg2[%arg1, %add3A_413, %dma_wait3A_571] : memref<16x396x128xi32, #tpu.memory_space<hbm>> -> memref<1x1x128xi32, #tpu.memory_space<hbm>>
          %dma_wait3A_573 = tpu.memref_squeeze %dma_wait3A_572 : memref<1x1x128xi32, #tpu.memory_space<hbm>> -> memref<128xi32, #tpu.memory_space<hbm>>
          %dma_wait3A_574 = arith.constant 0 : i32
          %dma_wait3A_575 = tpu.memref_slice %arg2[%arg1, %add3A_413, %dma_wait3A_574] : memref<16x396x128xi32, #tpu.memory_space<hbm>> -> memref<1x1x128xi32, #tpu.memory_space<hbm>>
          %dma_wait3A_576 = tpu.memref_squeeze %dma_wait3A_575 : memref<1x1x128xi32, #tpu.memory_space<hbm>> -> memref<128xi32, #tpu.memory_space<hbm>>
          tpu.wait_dma2 semaphore(%run_scoped3A_564 : memref<!tpu.dma_semaphore, #tpu.memory_space<semaphore_mem>>) src(%dma_wait3A_576 : memref<128xi32, #tpu.memory_space<hbm>>) dst(%arg18 : memref<128xi32, #tpu.memory_space<vmem>>)
          tpu.yield
        }) : () -> ()
        "tpu.region"() ({
          %run_scoped3A_564 = tpu.sem_alloc : memref<!tpu.dma_semaphore, #tpu.memory_space<semaphore_mem>>
          %dma_start3A_565 = arith.constant 0 : i32
          %dma_start3A_566 = tpu.memref_slice %arg3[%arg1, %add3A_413, %dma_start3A_565] : memref<16x396x128xi32, #tpu.memory_space<hbm>> -> memref<1x1x128xi32, #tpu.memory_space<hbm>>
          %dma_start3A_567 = tpu.memref_squeeze %dma_start3A_566 : memref<1x1x128xi32, #tpu.memory_space<hbm>> -> memref<128xi32, #tpu.memory_space<hbm>>
          %dma_start3A_568 = arith.constant 0 : i32
          %dma_start3A_569 = tpu.memref_slice %arg3[%arg1, %add3A_413, %dma_start3A_568] : memref<16x396x128xi32, #tpu.memory_space<hbm>> -> memref<1x1x128xi32, #tpu.memory_space<hbm>>
          %dma_start3A_570 = tpu.memref_squeeze %dma_start3A_569 : memref<1x1x128xi32, #tpu.memory_space<hbm>> -> memref<128xi32, #tpu.memory_space<hbm>>
          tpu.enqueue_dma source(%dma_start3A_570 : memref<128xi32, #tpu.memory_space<hbm>>) target(%arg19 : memref<128xi32, #tpu.memory_space<vmem>>) target_semaphore(%run_scoped3A_564 : memref<!tpu.dma_semaphore, #tpu.memory_space<semaphore_mem>>)
          %dma_wait3A_571 = arith.constant 0 : i32
          %dma_wait3A_572 = tpu.memref_slice %arg3[%arg1, %add3A_413, %dma_wait3A_571] : memref<16x396x128xi32, #tpu.memory_space<hbm>> -> memref<1x1x128xi32, #tpu.memory_space<hbm>>
          %dma_wait3A_573 = tpu.memref_squeeze %dma_wait3A_572 : memref<1x1x128xi32, #tpu.memory_space<hbm>> -> memref<128xi32, #tpu.memory_space<hbm>>
          %dma_wait3A_574 = arith.constant 0 : i32
          %dma_wait3A_575 = tpu.memref_slice %arg3[%arg1, %add3A_413, %dma_wait3A_574] : memref<16x396x128xi32, #tpu.memory_space<hbm>> -> memref<1x1x128xi32, #tpu.memory_space<hbm>>
          %dma_wait3A_576 = tpu.memref_squeeze %dma_wait3A_575 : memref<1x1x128xi32, #tpu.memory_space<hbm>> -> memref<128xi32, #tpu.memory_space<hbm>>
          tpu.wait_dma2 semaphore(%run_scoped3A_564 : memref<!tpu.dma_semaphore, #tpu.memory_space<semaphore_mem>>) src(%dma_wait3A_576 : memref<128xi32, #tpu.memory_space<hbm>>) dst(%arg19 : memref<128xi32, #tpu.memory_space<vmem>>)
          tpu.yield
        }) : () -> ()
        %get3A_414 = arith.constant 0 : index
        %get3A_415 = tpu.vector_load %arg18[%get3A_414] {strides = array<i32>} : memref<128xi32, #tpu.memory_space<vmem>>, vector<16xi32>,
        %get3A_416 = vector.shape_cast %get3A_415 : vector<16xi32> to vector<16xi32>
        %add3A_417 = vector.broadcast %mul3A_0 : i32 to vector<16xi32>
        %add3A_418 = arith.addi %get3A_416, %add3A_417 : vector<16xi32>
        %swap3A_419 = arith.constant 0 : index
        %swap3A_420 = tpu.vector_load %arg20[%swap3A_419] {strides = array<i32>} : memref<128xi32, #tpu.memory_space<vmem>>, vector<16xi32>,
        %swap3A_421 = vector.shape_cast %swap3A_420 : vector<16xi32> to vector<16xi32>
        %swap3A_422 = vector.shape_cast %add3A_418 : vector<16xi32> to vector<16xi32>
        tpu.vector_store %arg20[%swap3A_419], %swap3A_422 {strides = array<i32>} : memref<128xi32, #tpu.memory_space<vmem>>, vector<16xi32>,
        %get3A_423 = arith.constant 0 : index
        %get3A_424 = tpu.vector_load %arg19[%get3A_423] {strides = array<i32>} : memref<128xi32, #tpu.memory_space<vmem>>, vector<16xi32>,
        %get3A_425 = vector.shape_cast %get3A_424 : vector<16xi32> to vector<16xi32>
        %add3A_426 = vector.broadcast %mul3A_2 : i32 to vector<16xi32>
        %add3A_427 = arith.addi %get3A_425, %add3A_426 : vector<16xi32>
        %swap3A_428 = arith.constant 0 : index
        %swap3A_429 = tpu.vector_load %arg21[%swap3A_428] {strides = array<i32>} : memref<128xi32, #tpu.memory_space<vmem>>, vector<16xi32>,
        %swap3A_430 = vector.shape_cast %swap3A_429 : vector<16xi32> to vector<16xi32>
        %swap3A_431 = vector.shape_cast %add3A_427 : vector<16xi32> to vector<16xi32>
        tpu.vector_store %arg21[%swap3A_428], %swap3A_431 {strides = array<i32>} : memref<128xi32, #tpu.memory_space<vmem>>, vector<16xi32>,
        %get3A_432 = arith.constant 16 : index
        %get3A_433 = tpu.vector_load %arg18[%get3A_432] {strides = array<i32>} : memref<128xi32, #tpu.memory_space<vmem>>, vector<16xi32>,
        %get3A_434 = vector.shape_cast %get3A_433 : vector<16xi32> to vector<16xi32>
        %add3A_435 = vector.broadcast %mul3A_0 : i32 to vector<16xi32>
        %add3A_436 = arith.addi %get3A_434, %add3A_435 : vector<16xi32>
        %swap3A_437 = arith.constant 16 : index
        %swap3A_438 = tpu.vector_load %arg20[%swap3A_437] {strides = array<i32>} : memref<128xi32, #tpu.memory_space<vmem>>, vector<16xi32>,
        %swap3A_439 = vector.shape_cast %swap3A_438 : vector<16xi32> to vector<16xi32>
        %swap3A_440 = vector.shape_cast %add3A_436 : vector<16xi32> to vector<16xi32>
        tpu.vector_store %arg20[%swap3A_437], %swap3A_440 {strides = array<i32>} : memref<128xi32, #tpu.memory_space<vmem>>, vector<16xi32>,
        %get3A_441 = arith.constant 16 : index
        %get3A_442 = tpu.vector_load %arg19[%get3A_441] {strides = array<i32>} : memref<128xi32, #tpu.memory_space<vmem>>, vector<16xi32>,
        %get3A_443 = vector.shape_cast %get3A_442 : vector<16xi32> to vector<16xi32>
        %add3A_444 = vector.broadcast %mul3A_2 : i32 to vector<16xi32>
        %add3A_445 = arith.addi %get3A_443, %add3A_444 : vector<16xi32>
        %swap3A_446 = arith.constant 16 : index
        %swap3A_447 = tpu.vector_load %arg21[%swap3A_446] {strides = array<i32>} : memref<128xi32, #tpu.memory_space<vmem>>, vector<16xi32>,
        %swap3A_448 = vector.shape_cast %swap3A_447 : vector<16xi32> to vector<16xi32>
        %swap3A_449 = vector.shape_cast %add3A_445 : vector<16xi32> to vector<16xi32>
        tpu.vector_store %arg21[%swap3A_446], %swap3A_449 {strides = array<i32>} : memref<128xi32, #tpu.memory_space<vmem>>, vector<16xi32>,
        %get3A_450 = arith.constant 32 : index
        %get3A_451 = tpu.vector_load %arg18[%get3A_450] {strides = array<i32>} : memref<128xi32, #tpu.memory_space<vmem>>, vector<16xi32>,
        %get3A_452 = vector.shape_cast %get3A_451 : vector<16xi32> to vector<16xi32>
        %add3A_453 = vector.broadcast %mul3A_0 : i32 to vector<16xi32>
        %add3A_454 = arith.addi %get3A_452, %add3A_453 : vector<16xi32>
        %swap3A_455 = arith.constant 32 : index
        %swap3A_456 = tpu.vector_load %arg20[%swap3A_455] {strides = array<i32>} : memref<128xi32, #tpu.memory_space<vmem>>, vector<16xi32>,
        %swap3A_457 = vector.shape_cast %swap3A_456 : vector<16xi32> to vector<16xi32>
        %swap3A_458 = vector.shape_cast %add3A_454 : vector<16xi32> to vector<16xi32>
        tpu.vector_store %arg20[%swap3A_455], %swap3A_458 {strides = array<i32>} : memref<128xi32, #tpu.memory_space<vmem>>, vector<16xi32>,
        %get3A_459 = arith.constant 32 : index
        %get3A_460 = tpu.vector_load %arg19[%get3A_459] {strides = array<i32>} : memref<128xi32, #tpu.memory_space<vmem>>, vector<16xi32>,
        %get3A_461 = vector.shape_cast %get3A_460 : vector<16xi32> to vector<16xi32>
        %add3A_462 = vector.broadcast %mul3A_2 : i32 to vector<16xi32>
        %add3A_463 = arith.addi %get3A_461, %add3A_462 : vector<16xi32>
        %swap3A_464 = arith.constant 32 : index
        %swap3A_465 = tpu.vector_load %arg21[%swap3A_464] {strides = array<i32>} : memref<128xi32, #tpu.memory_space<vmem>>, vector<16xi32>,
        %swap3A_466 = vector.shape_cast %swap3A_465 : vector<16xi32> to vector<16xi32>
        %swap3A_467 = vector.shape_cast %add3A_463 : vector<16xi32> to vector<16xi32>
        tpu.vector_store %arg21[%swap3A_464], %swap3A_467 {strides = array<i32>} : memref<128xi32, #tpu.memory_space<vmem>>, vector<16xi32>,
        %get3A_468 = arith.constant 48 : index
        %get3A_469 = tpu.vector_load %arg18[%get3A_468] {strides = array<i32>} : memref<128xi32, #tpu.memory_space<vmem>>, vector<16xi32>,
        %get3A_470 = vector.shape_cast %get3A_469 : vector<16xi32> to vector<16xi32>
        %add3A_471 = vector.broadcast %mul3A_0 : i32 to vector<16xi32>
        %add3A_472 = arith.addi %get3A_470, %add3A_471 : vector<16xi32>
        %swap3A_473 = arith.constant 48 : index
        %swap3A_474 = tpu.vector_load %arg20[%swap3A_473] {strides = array<i32>} : memref<128xi32, #tpu.memory_space<vmem>>, vector<16xi32>,
        %swap3A_475 = vector.shape_cast %swap3A_474 : vector<16xi32> to vector<16xi32>
        %swap3A_476 = vector.shape_cast %add3A_472 : vector<16xi32> to vector<16xi32>
        tpu.vector_store %arg20[%swap3A_473], %swap3A_476 {strides = array<i32>} : memref<128xi32, #tpu.memory_space<vmem>>, vector<16xi32>,
        %get3A_477 = arith.constant 48 : index
        %get3A_478 = tpu.vector_load %arg19[%get3A_477] {strides = array<i32>} : memref<128xi32, #tpu.memory_space<vmem>>, vector<16xi32>,
        %get3A_479 = vector.shape_cast %get3A_478 : vector<16xi32> to vector<16xi32>
        %add3A_480 = vector.broadcast %mul3A_2 : i32 to vector<16xi32>
        %add3A_481 = arith.addi %get3A_479, %add3A_480 : vector<16xi32>
        %swap3A_482 = arith.constant 48 : index
        %swap3A_483 = tpu.vector_load %arg21[%swap3A_482] {strides = array<i32>} : memref<128xi32, #tpu.memory_space<vmem>>, vector<16xi32>,
        %swap3A_484 = vector.shape_cast %swap3A_483 : vector<16xi32> to vector<16xi32>
        %swap3A_485 = vector.shape_cast %add3A_481 : vector<16xi32> to vector<16xi32>
        tpu.vector_store %arg21[%swap3A_482], %swap3A_485 {strides = array<i32>} : memref<128xi32, #tpu.memory_space<vmem>>, vector<16xi32>,
        %get3A_486 = arith.constant 64 : index
        %get3A_487 = tpu.vector_load %arg18[%get3A_486] {strides = array<i32>} : memref<128xi32, #tpu.memory_space<vmem>>, vector<16xi32>,
        %get3A_488 = vector.shape_cast %get3A_487 : vector<16xi32> to vector<16xi32>
        %add3A_489 = vector.broadcast %mul3A_0 : i32 to vector<16xi32>
        %add3A_490 = arith.addi %get3A_488, %add3A_489 : vector<16xi32>
        %swap3A_491 = arith.constant 64 : index
        %swap3A_492 = tpu.vector_load %arg20[%swap3A_491] {strides = array<i32>} : memref<128xi32, #tpu.memory_space<vmem>>, vector<16xi32>,
        %swap3A_493 = vector.shape_cast %swap3A_492 : vector<16xi32> to vector<16xi32>
        %swap3A_494 = vector.shape_cast %add3A_490 : vector<16xi32> to vector<16xi32>
        tpu.vector_store %arg20[%swap3A_491], %swap3A_494 {strides = array<i32>} : memref<128xi32, #tpu.memory_space<vmem>>, vector<16xi32>,
        %get3A_495 = arith.constant 64 : index
        %get3A_496 = tpu.vector_load %arg19[%get3A_495] {strides = array<i32>} : memref<128xi32, #tpu.memory_space<vmem>>, vector<16xi32>,
        %get3A_497 = vector.shape_cast %get3A_496 : vector<16xi32> to vector<16xi32>
        %add3A_498 = vector.broadcast %mul3A_2 : i32 to vector<16xi32>
        %add3A_499 = arith.addi %get3A_497, %add3A_498 : vector<16xi32>
        %swap3A_500 = arith.constant 64 : index
        %swap3A_501 = tpu.vector_load %arg21[%swap3A_500] {strides = array<i32>} : memref<128xi32, #tpu.memory_space<vmem>>, vector<16xi32>,
        %swap3A_502 = vector.shape_cast %swap3A_501 : vector<16xi32> to vector<16xi32>
        %swap3A_503 = vector.shape_cast %add3A_499 : vector<16xi32> to vector<16xi32>
        tpu.vector_store %arg21[%swap3A_500], %swap3A_503 {strides = array<i32>} : memref<128xi32, #tpu.memory_space<vmem>>, vector<16xi32>,
        %get3A_504 = arith.constant 80 : index
        %get3A_505 = tpu.vector_load %arg18[%get3A_504] {strides = array<i32>} : memref<128xi32, #tpu.memory_space<vmem>>, vector<16xi32>,
        %get3A_506 = vector.shape_cast %get3A_505 : vector<16xi32> to vector<16xi32>
        %add3A_507 = vector.broadcast %mul3A_0 : i32 to vector<16xi32>
        %add3A_508 = arith.addi %get3A_506, %add3A_507 : vector<16xi32>
        %swap3A_509 = arith.constant 80 : index
        %swap3A_510 = tpu.vector_load %arg20[%swap3A_509] {strides = array<i32>} : memref<128xi32, #tpu.memory_space<vmem>>, vector<16xi32>,
        %swap3A_511 = vector.shape_cast %swap3A_510 : vector<16xi32> to vector<16xi32>
        %swap3A_512 = vector.shape_cast %add3A_508 : vector<16xi32> to vector<16xi32>
        tpu.vector_store %arg20[%swap3A_509], %swap3A_512 {strides = array<i32>} : memref<128xi32, #tpu.memory_space<vmem>>, vector<16xi32>,
        %get3A_513 = arith.constant 80 : index
        %get3A_514 = tpu.vector_load %arg19[%get3A_513] {strides = array<i32>} : memref<128xi32, #tpu.memory_space<vmem>>, vector<16xi32>,
        %get3A_515 = vector.shape_cast %get3A_514 : vector<16xi32> to vector<16xi32>
        %add3A_516 = vector.broadcast %mul3A_2 : i32 to vector<16xi32>
        %add3A_517 = arith.addi %get3A_515, %add3A_516 : vector<16xi32>
        %swap3A_518 = arith.constant 80 : index
        %swap3A_519 = tpu.vector_load %arg21[%swap3A_518] {strides = array<i32>} : memref<128xi32, #tpu.memory_space<vmem>>, vector<16xi32>,
        %swap3A_520 = vector.shape_cast %swap3A_519 : vector<16xi32> to vector<16xi32>
        %swap3A_521 = vector.shape_cast %add3A_517 : vector<16xi32> to vector<16xi32>
        tpu.vector_store %arg21[%swap3A_518], %swap3A_521 {strides = array<i32>} : memref<128xi32, #tpu.memory_space<vmem>>, vector<16xi32>,
        %get3A_522 = arith.constant 96 : index
        %get3A_523 = tpu.vector_load %arg18[%get3A_522] {strides = array<i32>} : memref<128xi32, #tpu.memory_space<vmem>>, vector<16xi32>,
        %get3A_524 = vector.shape_cast %get3A_523 : vector<16xi32> to vector<16xi32>
        %add3A_525 = vector.broadcast %mul3A_0 : i32 to vector<16xi32>
        %add3A_526 = arith.addi %get3A_524, %add3A_525 : vector<16xi32>
        %swap3A_527 = arith.constant 96 : index
        %swap3A_528 = tpu.vector_load %arg20[%swap3A_527] {strides = array<i32>} : memref<128xi32, #tpu.memory_space<vmem>>, vector<16xi32>,
        %swap3A_529 = vector.shape_cast %swap3A_528 : vector<16xi32> to vector<16xi32>
        %swap3A_530 = vector.shape_cast %add3A_526 : vector<16xi32> to vector<16xi32>
        tpu.vector_store %arg20[%swap3A_527], %swap3A_530 {strides = array<i32>} : memref<128xi32, #tpu.memory_space<vmem>>, vector<16xi32>,
        %get3A_531 = arith.constant 96 : index
        %get3A_532 = tpu.vector_load %arg19[%get3A_531] {strides = array<i32>} : memref<128xi32, #tpu.memory_space<vmem>>, vector<16xi32>,
        %get3A_533 = vector.shape_cast %get3A_532 : vector<16xi32> to vector<16xi32>
        %add3A_534 = vector.broadcast %mul3A_2 : i32 to vector<16xi32>
        %add3A_535 = arith.addi %get3A_533, %add3A_534 : vector<16xi32>
        %swap3A_536 = arith.constant 96 : index
        %swap3A_537 = tpu.vector_load %arg21[%swap3A_536] {strides = array<i32>} : memref<128xi32, #tpu.memory_space<vmem>>, vector<16xi32>,
        %swap3A_538 = vector.shape_cast %swap3A_537 : vector<16xi32> to vector<16xi32>
        %swap3A_539 = vector.shape_cast %add3A_535 : vector<16xi32> to vector<16xi32>
        tpu.vector_store %arg21[%swap3A_536], %swap3A_539 {strides = array<i32>} : memref<128xi32, #tpu.memory_space<vmem>>, vector<16xi32>,
        %get3A_540 = arith.constant 112 : index
        %get3A_541 = tpu.vector_load %arg18[%get3A_540] {strides = array<i32>} : memref<128xi32, #tpu.memory_space<vmem>>, vector<16xi32>,
        %get3A_542 = vector.shape_cast %get3A_541 : vector<16xi32> to vector<16xi32>
        %add3A_543 = vector.broadcast %mul3A_0 : i32 to vector<16xi32>
        %add3A_544 = arith.addi %get3A_542, %add3A_543 : vector<16xi32>
        %swap3A_545 = arith.constant 112 : index
        %swap3A_546 = tpu.vector_load %arg20[%swap3A_545] {strides = array<i32>} : memref<128xi32, #tpu.memory_space<vmem>>, vector<16xi32>,
        %swap3A_547 = vector.shape_cast %swap3A_546 : vector<16xi32> to vector<16xi32>
        %swap3A_548 = vector.shape_cast %add3A_544 : vector<16xi32> to vector<16xi32>
        tpu.vector_store %arg20[%swap3A_545], %swap3A_548 {strides = array<i32>} : memref<128xi32, #tpu.memory_space<vmem>>, vector<16xi32>,
        %get3A_549 = arith.constant 112 : index
        %get3A_550 = tpu.vector_load %arg19[%get3A_549] {strides = array<i32>} : memref<128xi32, #tpu.memory_space<vmem>>, vector<16xi32>,
        %get3A_551 = vector.shape_cast %get3A_550 : vector<16xi32> to vector<16xi32>
        %add3A_552 = vector.broadcast %mul3A_2 : i32 to vector<16xi32>
        %add3A_553 = arith.addi %get3A_551, %add3A_552 : vector<16xi32>
        %swap3A_554 = arith.constant 112 : index
        %swap3A_555 = tpu.vector_load %arg21[%swap3A_554] {strides = array<i32>} : memref<128xi32, #tpu.memory_space<vmem>>, vector<16xi32>,
        %swap3A_556 = vector.shape_cast %swap3A_555 : vector<16xi32> to vector<16xi32>
        %swap3A_557 = vector.shape_cast %add3A_553 : vector<16xi32> to vector<16xi32>
        tpu.vector_store %arg21[%swap3A_554], %swap3A_557 {strides = array<i32>} : memref<128xi32, #tpu.memory_space<vmem>>, vector<16xi32>,
        %dma_start3A_558 = arith.constant 0 : i32
        %dma_start3A_559 = arith.constant 0 : i32
        %dma_start3A_560 = tpu.memref_slice %arg4[%dma_start3A_558, %dma_start3A_559] : memref<81920x32xf32, #tpu.memory_space<hbm>> -> memref<81920x32xf32, #tpu.memory_space<hbm>>
        tpu.enqueue_indirect_dma source(%dma_start3A_560 : memref<81920x32xf32, #tpu.memory_space<hbm>>) target(%arg22 : memref<128x32xf32, #tpu.memory_space<vmem>>) offsets(%arg20 : memref<128xi32, #tpu.memory_space<vmem>>) semaphore(%arg34 : memref<!tpu.dma_semaphore, #tpu.memory_space<semaphore_mem>>)
        %dma_start3A_561 = arith.constant 0 : i32
        %dma_start3A_562 = arith.constant 0 : i32
        %dma_start3A_563 = tpu.memref_slice %arg5[%dma_start3A_561, %dma_start3A_562] : memref<20480x32xf32, #tpu.memory_space<hbm>> -> memref<20480x32xf32, #tpu.memory_space<hbm>>
        tpu.enqueue_indirect_dma source(%dma_start3A_563 : memref<20480x32xf32, #tpu.memory_space<hbm>>) target(%arg23 : memref<128x32xf32, #tpu.memory_space<vmem>>) offsets(%arg21 : memref<128xi32, #tpu.memory_space<vmem>>) semaphore(%arg35 : memref<!tpu.dma_semaphore, #tpu.memory_space<semaphore_mem>>)
      } else {
      }
    }
    %scan3A_314 = arith.constant 132 : i32
    %dma_wait3A = arith.constant 0 : i32
    %dma_wait3A_315 = arith.constant 0 : i32
    %dma_wait3A_316 = tpu.memref_slice %arg10[%dma_wait3A, %dma_wait3A_315] : memref<40960x32xf32, #tpu.memory_space<vmem_shared>> -> memref<40960x32xf32, #tpu.memory_space<vmem_shared>>
    tpu.wait_indirect_dma semaphore(%arg40 : memref<!tpu.dma_semaphore, #tpu.memory_space<semaphore_mem>>) src(%arg29 : memref<128x32xf32, #tpu.memory_space<vmem>>) dst(%dma_wait3A_316 : memref<40960x32xf32, #tpu.memory_space<vmem_shared>>)
    %dma_wait3A_317 = arith.constant 0 : i32
    %dma_wait3A_318 = arith.constant 0 : i32
    %dma_wait3A_319 = tpu.memref_slice %arg11[%dma_wait3A_317, %dma_wait3A_318] : memref<10240x32xf32, #tpu.memory_space<vmem_shared>> -> memref<10240x32xf32, #tpu.memory_space<vmem_shared>>
    tpu.wait_indirect_dma semaphore(%arg41 : memref<!tpu.dma_semaphore, #tpu.memory_space<semaphore_mem>>) src(%arg28 : memref<128x32xf32, #tpu.memory_space<vmem>>) dst(%dma_wait3A_319 : memref<10240x32xf32, #tpu.memory_space<vmem_shared>>)
    %barrier3A_320 = arith.constant 0 : index
    tpu.barrier barrier_id(%barrier3A_320)
    %mul3A_321 = arith.constant 2560 : i32
    %mul3A_322 = arith.muli %arg1, %mul3A_321 : i32
    %mul3A_323 = arith.constant 2560 : i32
    %mul3A_324 = arith.muli %arg1, %mul3A_323 : i32
    %add3A_325 = arith.addi %mul3A_0, %mul3A_324 : i32
    "tpu.region"() ({
      %run_scoped3A_331 = tpu.sem_alloc : memref<!tpu.dma_semaphore, #tpu.memory_space<semaphore_mem>>
      %dma_start3A_332 = arith.constant 0 : i32
      %dma_start3A_333 = tpu.memref_slice %arg8[%add3A_325, %dma_start3A_332] : memref<81920x32xf32, #tpu.memory_space<hbm>> -> memref<2560x32xf32, #tpu.memory_space<hbm>>
      %dma_start3A_334 = arith.constant 0 : i32
      %dma_start3A_335 = tpu.memref_slice %arg10[%mul3A_322, %dma_start3A_334] : memref<40960x32xf32, #tpu.memory_space<vmem_shared>> -> memref<2560x32xf32, #tpu.memory_space<vmem_shared>>
      tpu.enqueue_dma source(%dma_start3A_335 : memref<2560x32xf32, #tpu.memory_space<vmem_shared>>) target(%dma_start3A_333 : memref<2560x32xf32, #tpu.memory_space<hbm>>) target_semaphore(%run_scoped3A_331 : memref<!tpu.dma_semaphore, #tpu.memory_space<semaphore_mem>>)
      %dma_wait3A_336 = arith.constant 0 : i32
      %dma_wait3A_337 = tpu.memref_slice %arg8[%add3A_325, %dma_wait3A_336] : memref<81920x32xf32, #tpu.memory_space<hbm>> -> memref<2560x32xf32, #tpu.memory_space<hbm>>
      %dma_wait3A_338 = arith.constant 0 : i32
      %dma_wait3A_339 = tpu.memref_slice %arg10[%mul3A_322, %dma_wait3A_338] : memref<40960x32xf32, #tpu.memory_space<vmem_shared>> -> memref<2560x32xf32, #tpu.memory_space<vmem_shared>>
      tpu.wait_dma2 semaphore(%run_scoped3A_331 : memref<!tpu.dma_semaphore, #tpu.memory_space<semaphore_mem>>) src(%dma_wait3A_339 : memref<2560x32xf32, #tpu.memory_space<vmem_shared>>) dst(%dma_wait3A_337 : memref<2560x32xf32, #tpu.memory_space<hbm>>)
      tpu.yield
    }) : () -> ()
    %mul3A_326 = arith.constant 640 : i32
    %mul3A_327 = arith.muli %arg1, %mul3A_326 : i32
    %mul3A_328 = arith.constant 640 : i32
    %mul3A_329 = arith.muli %arg1, %mul3A_328 : i32
    %add3A_330 = arith.addi %mul3A_2, %mul3A_329 : i32
    "tpu.region"() ({
      %run_scoped3A_331 = tpu.sem_alloc : memref<!tpu.dma_semaphore, #tpu.memory_space<semaphore_mem>>
      %dma_start3A_332 = arith.constant 0 : i32
      %dma_start3A_333 = tpu.memref_slice %arg9[%add3A_330, %dma_start3A_332] : memref<20480x32xf32, #tpu.memory_space<hbm>> -> memref<640x32xf32, #tpu.memory_space<hbm>>
      %dma_start3A_334 = arith.constant 0 : i32
      %dma_start3A_335 = tpu.memref_slice %arg11[%mul3A_327, %dma_start3A_334] : memref<10240x32xf32, #tpu.memory_space<vmem_shared>> -> memref<640x32xf32, #tpu.memory_space<vmem_shared>>
      tpu.enqueue_dma source(%dma_start3A_335 : memref<640x32xf32, #tpu.memory_space<vmem_shared>>) target(%dma_start3A_333 : memref<640x32xf32, #tpu.memory_space<hbm>>) target_semaphore(%run_scoped3A_331 : memref<!tpu.dma_semaphore, #tpu.memory_space<semaphore_mem>>)
      %dma_wait3A_336 = arith.constant 0 : i32
      %dma_wait3A_337 = tpu.memref_slice %arg9[%add3A_330, %dma_wait3A_336] : memref<20480x32xf32, #tpu.memory_space<hbm>> -> memref<640x32xf32, #tpu.memory_space<hbm>>
      %dma_wait3A_338 = arith.constant 0 : i32
      %dma_wait3A_339 = tpu.memref_slice %arg11[%mul3A_327, %dma_wait3A_338] : memref<10240x32xf32, #tpu.memory_space<vmem_shared>> -> memref<640x32xf32, #tpu.memory_space<vmem_shared>>
      tpu.wait_dma2 semaphore(%run_scoped3A_331 : memref<!tpu.dma_semaphore, #tpu.memory_space<semaphore_mem>>) src(%dma_wait3A_339 : memref<640x32xf32, #tpu.memory_space<vmem_shared>>) dst(%dma_wait3A_337 : memref<640x32xf32, #tpu.memory_space<hbm>>)
      tpu.yield
    }) : () -> ()
    return
  }
}

module attributes {stable_mosaic.version = 14 : i64} {
  func.func @_scale0_body(%arg0: i32, %arg1: memref<2048x16xf32, #tpu.memory_space<vmem>>, %arg2: memref<2048x64xf32, #tpu.memory_space<vmem>>, %arg3: memref<2048x16xf32, #tpu.memory_space<vmem>>, %arg4: memref<2x2048x32xf32, #tpu.memory_space<vmem>>) attributes {dimension_semantics = [#tpu.dimension_semantics<arbitrary>], iteration_bounds = array<i64: 20>, scalar_prefetch = 0 : i64, scratch_operands = 0 : i64, tpu.core_type = #tpu.core_type<tc>, window_params = [{transform_indices = @transform_0, window_bounds = array<i64: 2048, 16>}, {transform_indices = @transform_1, window_bounds = array<i64: 2048, 64>}, {transform_indices = @transform_2, window_bounds = array<i64: 2048, 16>}, {transform_indices = @transform_3, window_bounds = array<i64: 2, 2048, 32>}]} {
    %iota3A = tpu.iota {dimensions = array<i32: 0>} : vector<2048x1xi32>
    %mul3A = arith.constant 2048 : i32
    %mul3A_0 = arith.muli %arg0, %mul3A : i32
    %add3A = vector.broadcast %mul3A_0 : i32 to vector<2048x1xi32>
    %add3A_1 = arith.addi %iota3A, %add3A : vector<2048x1xi32>
    %lt3A = arith.constant 40000 : i32
    %lt3A_2 = vector.broadcast %lt3A : i32 to vector<2048x1xi32>
    %lt3A_3 = arith.cmpi slt, %add3A_1, %lt3A_2 : vector<2048x1xi32>
    %get3A = arith.constant 0 : index
    %get3A_4 = arith.constant 0 : index
    %get3A_5 = vector.load %arg1[%get3A, %get3A_4] : memref<2048x16xf32, #tpu.memory_space<vmem>>, vector<2048x1xf32>
    %sqrt3A = math.sqrt %get3A_5 : vector<2048x1xf32>
    %add3A_6 = arith.constant 9.99999993E-9 : f32
    %add3A_7 = vector.broadcast %add3A_6 : f32 to vector<2048x1xf32>
    %add3A_8 = arith.addf %sqrt3A, %add3A_7 : vector<2048x1xf32>
    %div3A = arith.constant 1.000000e+00 : f32
    %div3A_9 = vector.broadcast %div3A : f32 to vector<2048x1xf32>
    %div3A_10 = arith.divf %div3A_9, %add3A_8 : vector<2048x1xf32>
    %jit3A = arith.constant 0.000000e+00 : f32
    %broadcast_in_dim3A = vector.broadcast %jit3A : f32 to vector<2048x1xf32>
    %select_n3A = arith.select %lt3A_3, %div3A_10, %broadcast_in_dim3A : vector<2048x1xi1>, vector<2048x1xf32>
    %broadcast_in_dim3A_11 = vector.shape_cast %select_n3A : vector<2048x1xf32> to vector<2048x1xf32>
    %broadcast_in_dim3A_12 = vector.broadcast %broadcast_in_dim3A_11 : vector<2048x1xf32> to vector<2048x16xf32>
    %swap3A = arith.constant 0 : index
    %swap3A_13 = arith.constant 0 : index
    %swap3A_14 = vector.load %arg3[%swap3A, %swap3A_13] : memref<2048x16xf32, #tpu.memory_space<vmem>>, vector<2048x16xf32>
    tpu.vector_store %arg3[%swap3A, %swap3A_13], %broadcast_in_dim3A_12 {strides = array<i32>} : memref<2048x16xf32, #tpu.memory_space<vmem>>, vector<2048x16xf32>,
    %get3A_15 = arith.constant 0 : index
    %get3A_16 = arith.constant 0 : index
    %get3A_17 = vector.load %arg2[%get3A_15, %get3A_16] : memref<2048x64xf32, #tpu.memory_space<vmem>>, vector<2048x64xf32>
    %slice3A = vector.extract_strided_slice %get3A_17 {offsets = [0, 0], sizes = [2048, 32], strides = [1, 1]} : vector<2048x64xf32> to vector<2048x32xf32>
    %mul3A_18 = vector.broadcast %select_n3A : vector<2048x1xf32> to vector<2048x32xf32>
    %mul3A_19 = arith.mulf %slice3A, %mul3A_18 : vector<2048x32xf32>
    %jit3A_20 = arith.constant 0.000000e+00 : f32
    %broadcast_in_dim3A_21 = vector.shape_cast %lt3A_3 : vector<2048x1xi1> to vector<2048x1xi1>
    %broadcast_in_dim3A_22 = vector.broadcast %broadcast_in_dim3A_21 : vector<2048x1xi1> to vector<2048x32xi1>
    %broadcast_in_dim3A_23 = vector.broadcast %jit3A_20 : f32 to vector<2048x32xf32>
    %select_n3A_24 = arith.select %broadcast_in_dim3A_22, %mul3A_19, %broadcast_in_dim3A_23 : vector<2048x32xi1>, vector<2048x32xf32>
    %swap3A_25 = arith.constant 0 : index
    %swap3A_26 = arith.constant 0 : index
    %swap3A_27 = arith.constant 0 : index
    %swap3A_28 = vector.load %arg4[%swap3A_25, %swap3A_26, %swap3A_27] : memref<2x2048x32xf32, #tpu.memory_space<vmem>>, vector<1x2048x32xf32>
    %swap3A_29 = vector.shape_cast %swap3A_28 : vector<1x2048x32xf32> to vector<2048x32xf32>
    %swap3A_30 = vector.shape_cast %select_n3A_24 : vector<2048x32xf32> to vector<1x2048x32xf32>
    tpu.vector_store %arg4[%swap3A_25, %swap3A_26, %swap3A_27], %swap3A_30 {strides = array<i32>} : memref<2x2048x32xf32, #tpu.memory_space<vmem>>, vector<1x2048x32xf32>,
    %slice3A_31 = vector.extract_strided_slice %get3A_17 {offsets = [0, 32], sizes = [2048, 32], strides = [1, 1]} : vector<2048x64xf32> to vector<2048x32xf32>
    %mul3A_32 = vector.broadcast %select_n3A : vector<2048x1xf32> to vector<2048x32xf32>
    %mul3A_33 = arith.mulf %slice3A_31, %mul3A_32 : vector<2048x32xf32>
    %jit3A_34 = arith.constant 0.000000e+00 : f32
    %broadcast_in_dim3A_35 = vector.shape_cast %lt3A_3 : vector<2048x1xi1> to vector<2048x1xi1>
    %broadcast_in_dim3A_36 = vector.broadcast %broadcast_in_dim3A_35 : vector<2048x1xi1> to vector<2048x32xi1>
    %broadcast_in_dim3A_37 = vector.broadcast %jit3A_34 : f32 to vector<2048x32xf32>
    %select_n3A_38 = arith.select %broadcast_in_dim3A_36, %mul3A_33, %broadcast_in_dim3A_37 : vector<2048x32xi1>, vector<2048x32xf32>
    %swap3A_39 = arith.constant 1 : index
    %swap3A_40 = arith.constant 0 : index
    %swap3A_41 = arith.constant 0 : index
    %swap3A_42 = vector.load %arg4[%swap3A_39, %swap3A_40, %swap3A_41] : memref<2x2048x32xf32, #tpu.memory_space<vmem>>, vector<1x2048x32xf32>
    %swap3A_43 = vector.shape_cast %swap3A_42 : vector<1x2048x32xf32> to vector<2048x32xf32>
    %swap3A_44 = vector.shape_cast %select_n3A_38 : vector<2048x32xf32> to vector<1x2048x32xf32>
    tpu.vector_store %arg4[%swap3A_39, %swap3A_40, %swap3A_41], %swap3A_44 {strides = array<i32>} : memref<2x2048x32xf32, #tpu.memory_space<vmem>>, vector<1x2048x32xf32>,
    return
  }
  func.func @transform_0(%arg0: i32) -> (i32, i32) {
    %c0_i32 = arith.constant 0 : i32
    %c0_i32_0 = arith.constant 0 : i32
    return %arg0, %c0_i32 : i32, i32
  }
  func.func @transform_1(%arg0: i32) -> (i32, i32) {
    %c0_i32 = arith.constant 0 : i32
    %c0_i32_0 = arith.constant 0 : i32
    return %arg0, %c0_i32 : i32, i32
  }
  func.func @transform_2(%arg0: i32) -> (i32, i32) {
    %c0_i32 = arith.constant 0 : i32
    %c0_i32_0 = arith.constant 0 : i32
    return %arg0, %c0_i32 : i32, i32
  }
  func.func @transform_3(%arg0: i32) -> (i32, i32, i32) {
    %c0_i32 = arith.constant 0 : i32
    %c0_i32_0 = arith.constant 0 : i32
    %c0_i32_1 = arith.constant 0 : i32
    return %c0_i32, %arg0, %c0_i32_0 : i32, i32, i32
  }
}

module attributes {stable_mosaic.version = 14 : i64} {
  func.func @_scale0_body(%arg0: i32, %arg1: memref<2048x16xf32, #tpu.memory_space<vmem>>, %arg2: memref<2048x64xf32, #tpu.memory_space<vmem>>, %arg3: memref<2048x16xf32, #tpu.memory_space<vmem>>, %arg4: memref<2x2048x32xf32, #tpu.memory_space<vmem>>) attributes {dimension_semantics = [#tpu.dimension_semantics<arbitrary>], iteration_bounds = array<i64: 5>, scalar_prefetch = 0 : i64, scratch_operands = 0 : i64, tpu.core_type = #tpu.core_type<tc>, window_params = [{transform_indices = @transform_0, window_bounds = array<i64: 2048, 16>}, {transform_indices = @transform_1, window_bounds = array<i64: 2048, 64>}, {transform_indices = @transform_2, window_bounds = array<i64: 2048, 16>}, {transform_indices = @transform_3, window_bounds = array<i64: 2, 2048, 32>}]} {
    %iota3A = tpu.iota {dimensions = array<i32: 0>} : vector<2048x1xi32>
    %mul3A = arith.constant 2048 : i32
    %mul3A_0 = arith.muli %arg0, %mul3A : i32
    %add3A = vector.broadcast %mul3A_0 : i32 to vector<2048x1xi32>
    %add3A_1 = arith.addi %iota3A, %add3A : vector<2048x1xi32>
    %lt3A = arith.constant 10000 : i32
    %lt3A_2 = vector.broadcast %lt3A : i32 to vector<2048x1xi32>
    %lt3A_3 = arith.cmpi slt, %add3A_1, %lt3A_2 : vector<2048x1xi32>
    %get3A = arith.constant 0 : index
    %get3A_4 = arith.constant 0 : index
    %get3A_5 = vector.load %arg1[%get3A, %get3A_4] : memref<2048x16xf32, #tpu.memory_space<vmem>>, vector<2048x1xf32>
    %sqrt3A = math.sqrt %get3A_5 : vector<2048x1xf32>
    %add3A_6 = arith.constant 9.99999993E-9 : f32
    %add3A_7 = vector.broadcast %add3A_6 : f32 to vector<2048x1xf32>
    %add3A_8 = arith.addf %sqrt3A, %add3A_7 : vector<2048x1xf32>
    %div3A = arith.constant 1.000000e+00 : f32
    %div3A_9 = vector.broadcast %div3A : f32 to vector<2048x1xf32>
    %div3A_10 = arith.divf %div3A_9, %add3A_8 : vector<2048x1xf32>
    %jit3A = arith.constant 0.000000e+00 : f32
    %broadcast_in_dim3A = vector.broadcast %jit3A : f32 to vector<2048x1xf32>
    %select_n3A = arith.select %lt3A_3, %div3A_10, %broadcast_in_dim3A : vector<2048x1xi1>, vector<2048x1xf32>
    %broadcast_in_dim3A_11 = vector.shape_cast %select_n3A : vector<2048x1xf32> to vector<2048x1xf32>
    %broadcast_in_dim3A_12 = vector.broadcast %broadcast_in_dim3A_11 : vector<2048x1xf32> to vector<2048x16xf32>
    %swap3A = arith.constant 0 : index
    %swap3A_13 = arith.constant 0 : index
    %swap3A_14 = vector.load %arg3[%swap3A, %swap3A_13] : memref<2048x16xf32, #tpu.memory_space<vmem>>, vector<2048x16xf32>
    tpu.vector_store %arg3[%swap3A, %swap3A_13], %broadcast_in_dim3A_12 {strides = array<i32>} : memref<2048x16xf32, #tpu.memory_space<vmem>>, vector<2048x16xf32>,
    %get3A_15 = arith.constant 0 : index
    %get3A_16 = arith.constant 0 : index
    %get3A_17 = vector.load %arg2[%get3A_15, %get3A_16] : memref<2048x64xf32, #tpu.memory_space<vmem>>, vector<2048x64xf32>
    %slice3A = vector.extract_strided_slice %get3A_17 {offsets = [0, 0], sizes = [2048, 32], strides = [1, 1]} : vector<2048x64xf32> to vector<2048x32xf32>
    %mul3A_18 = vector.broadcast %select_n3A : vector<2048x1xf32> to vector<2048x32xf32>
    %mul3A_19 = arith.mulf %slice3A, %mul3A_18 : vector<2048x32xf32>
    %jit3A_20 = arith.constant 0.000000e+00 : f32
    %broadcast_in_dim3A_21 = vector.shape_cast %lt3A_3 : vector<2048x1xi1> to vector<2048x1xi1>
    %broadcast_in_dim3A_22 = vector.broadcast %broadcast_in_dim3A_21 : vector<2048x1xi1> to vector<2048x32xi1>
    %broadcast_in_dim3A_23 = vector.broadcast %jit3A_20 : f32 to vector<2048x32xf32>
    %select_n3A_24 = arith.select %broadcast_in_dim3A_22, %mul3A_19, %broadcast_in_dim3A_23 : vector<2048x32xi1>, vector<2048x32xf32>
    %swap3A_25 = arith.constant 0 : index
    %swap3A_26 = arith.constant 0 : index
    %swap3A_27 = arith.constant 0 : index
    %swap3A_28 = vector.load %arg4[%swap3A_25, %swap3A_26, %swap3A_27] : memref<2x2048x32xf32, #tpu.memory_space<vmem>>, vector<1x2048x32xf32>
    %swap3A_29 = vector.shape_cast %swap3A_28 : vector<1x2048x32xf32> to vector<2048x32xf32>
    %swap3A_30 = vector.shape_cast %select_n3A_24 : vector<2048x32xf32> to vector<1x2048x32xf32>
    tpu.vector_store %arg4[%swap3A_25, %swap3A_26, %swap3A_27], %swap3A_30 {strides = array<i32>} : memref<2x2048x32xf32, #tpu.memory_space<vmem>>, vector<1x2048x32xf32>,
    %slice3A_31 = vector.extract_strided_slice %get3A_17 {offsets = [0, 32], sizes = [2048, 32], strides = [1, 1]} : vector<2048x64xf32> to vector<2048x32xf32>
    %mul3A_32 = vector.broadcast %select_n3A : vector<2048x1xf32> to vector<2048x32xf32>
    %mul3A_33 = arith.mulf %slice3A_31, %mul3A_32 : vector<2048x32xf32>
    %jit3A_34 = arith.constant 0.000000e+00 : f32
    %broadcast_in_dim3A_35 = vector.shape_cast %lt3A_3 : vector<2048x1xi1> to vector<2048x1xi1>
    %broadcast_in_dim3A_36 = vector.broadcast %broadcast_in_dim3A_35 : vector<2048x1xi1> to vector<2048x32xi1>
    %broadcast_in_dim3A_37 = vector.broadcast %jit3A_34 : f32 to vector<2048x32xf32>
    %select_n3A_38 = arith.select %broadcast_in_dim3A_36, %mul3A_33, %broadcast_in_dim3A_37 : vector<2048x32xi1>, vector<2048x32xf32>
    %swap3A_39 = arith.constant 1 : index
    %swap3A_40 = arith.constant 0 : index
    %swap3A_41 = arith.constant 0 : index
    %swap3A_42 = vector.load %arg4[%swap3A_39, %swap3A_40, %swap3A_41] : memref<2x2048x32xf32, #tpu.memory_space<vmem>>, vector<1x2048x32xf32>
    %swap3A_43 = vector.shape_cast %swap3A_42 : vector<1x2048x32xf32> to vector<2048x32xf32>
    %swap3A_44 = vector.shape_cast %select_n3A_38 : vector<2048x32xf32> to vector<1x2048x32xf32>
    tpu.vector_store %arg4[%swap3A_39, %swap3A_40, %swap3A_41], %swap3A_44 {strides = array<i32>} : memref<2x2048x32xf32, #tpu.memory_space<vmem>>, vector<1x2048x32xf32>,
    return
  }
  func.func @transform_0(%arg0: i32) -> (i32, i32) {
    %c0_i32 = arith.constant 0 : i32
    %c0_i32_0 = arith.constant 0 : i32
    return %arg0, %c0_i32 : i32, i32
  }
  func.func @transform_1(%arg0: i32) -> (i32, i32) {
    %c0_i32 = arith.constant 0 : i32
    %c0_i32_0 = arith.constant 0 : i32
    return %arg0, %c0_i32 : i32, i32
  }
  func.func @transform_2(%arg0: i32) -> (i32, i32) {
    %c0_i32 = arith.constant 0 : i32
    %c0_i32_0 = arith.constant 0 : i32
    return %arg0, %c0_i32 : i32, i32
  }
  func.func @transform_3(%arg0: i32) -> (i32, i32, i32) {
    %c0_i32 = arith.constant 0 : i32
    %c0_i32_0 = arith.constant 0 : i32
    %c0_i32_1 = arith.constant 0 : i32
    return %c0_i32, %arg0, %c0_i32_0 : i32, i32, i32
  }
}

module attributes {stable_mosaic.version = 14 : i64} {
  func.func @_mid_body(%arg0: i32, %arg1: memref<2x2048x32xf32, #tpu.memory_space<vmem>>, %arg2: memref<2048x16xf32, #tpu.memory_space<vmem>>, %arg3: memref<2048x64xf32, #tpu.memory_space<vmem>>, %arg4: memref<2x2048x32xf32, #tpu.memory_space<vmem>>) attributes {dimension_semantics = [#tpu.dimension_semantics<arbitrary>], iteration_bounds = array<i64: 20>, scalar_prefetch = 0 : i64, scratch_operands = 0 : i64, tpu.core_type = #tpu.core_type<tc>, window_params = [{transform_indices = @transform_0, window_bounds = array<i64: 2, 2048, 32>}, {transform_indices = @transform_1, window_bounds = array<i64: 2048, 16>}, {transform_indices = @transform_2, window_bounds = array<i64: 2048, 64>}, {transform_indices = @transform_3, window_bounds = array<i64: 2, 2048, 32>}]} {
    %get3A = arith.constant 0 : index
    %get3A_0 = arith.constant 0 : index
    %get3A_1 = vector.load %arg2[%get3A, %get3A_0] : memref<2048x16xf32, #tpu.memory_space<vmem>>, vector<2048x1xf32>
    %get3A_2 = arith.constant 0 : index
    %get3A_3 = arith.constant 0 : index
    %get3A_4 = arith.constant 0 : index
    %get3A_5 = vector.load %arg1[%get3A_2, %get3A_3, %get3A_4] : memref<2x2048x32xf32, #tpu.memory_space<vmem>>, vector<1x2048x32xf32>
    %get3A_6 = vector.shape_cast %get3A_5 : vector<1x2048x32xf32> to vector<2048x32xf32>
    %mul3A = vector.broadcast %get3A_1 : vector<2048x1xf32> to vector<2048x32xf32>
    %mul3A_7 = arith.mulf %get3A_6, %mul3A : vector<2048x32xf32>
    %get3A_8 = arith.constant 1 : index
    %get3A_9 = arith.constant 0 : index
    %get3A_10 = arith.constant 0 : index
    %get3A_11 = vector.load %arg1[%get3A_8, %get3A_9, %get3A_10] : memref<2x2048x32xf32, #tpu.memory_space<vmem>>, vector<1x2048x32xf32>
    %get3A_12 = vector.shape_cast %get3A_11 : vector<1x2048x32xf32> to vector<2048x32xf32>
    %mul3A_13 = vector.broadcast %get3A_1 : vector<2048x1xf32> to vector<2048x32xf32>
    %mul3A_14 = arith.mulf %get3A_12, %mul3A_13 : vector<2048x32xf32>
    %concatenate3A = tpu.concatenate %mul3A_7, %mul3A_14 in 1 : vector<2048x32xf32>, vector<2048x32xf32> -> vector<2048x64xf32>
    %swap3A = arith.constant 0 : index
    %swap3A_15 = arith.constant 0 : index
    %swap3A_16 = vector.load %arg3[%swap3A, %swap3A_15] : memref<2048x64xf32, #tpu.memory_space<vmem>>, vector<2048x64xf32>
    tpu.vector_store %arg3[%swap3A, %swap3A_15], %concatenate3A {strides = array<i32>} : memref<2048x64xf32, #tpu.memory_space<vmem>>, vector<2048x64xf32>,
    %mul3A_17 = vector.broadcast %get3A_1 : vector<2048x1xf32> to vector<2048x32xf32>
    %mul3A_18 = arith.mulf %mul3A_7, %mul3A_17 : vector<2048x32xf32>
    %swap3A_19 = arith.constant 0 : index
    %swap3A_20 = arith.constant 0 : index
    %swap3A_21 = arith.constant 0 : index
    %swap3A_22 = vector.load %arg4[%swap3A_19, %swap3A_20, %swap3A_21] : memref<2x2048x32xf32, #tpu.memory_space<vmem>>, vector<1x2048x32xf32>
    %swap3A_23 = vector.shape_cast %swap3A_22 : vector<1x2048x32xf32> to vector<2048x32xf32>
    %swap3A_24 = vector.shape_cast %mul3A_18 : vector<2048x32xf32> to vector<1x2048x32xf32>
    tpu.vector_store %arg4[%swap3A_19, %swap3A_20, %swap3A_21], %swap3A_24 {strides = array<i32>} : memref<2x2048x32xf32, #tpu.memory_space<vmem>>, vector<1x2048x32xf32>,
    %mul3A_25 = vector.broadcast %get3A_1 : vector<2048x1xf32> to vector<2048x32xf32>
    %mul3A_26 = arith.mulf %mul3A_14, %mul3A_25 : vector<2048x32xf32>
    %swap3A_27 = arith.constant 1 : index
    %swap3A_28 = arith.constant 0 : index
    %swap3A_29 = arith.constant 0 : index
    %swap3A_30 = vector.load %arg4[%swap3A_27, %swap3A_28, %swap3A_29] : memref<2x2048x32xf32, #tpu.memory_space<vmem>>, vector<1x2048x32xf32>
    %swap3A_31 = vector.shape_cast %swap3A_30 : vector<1x2048x32xf32> to vector<2048x32xf32>
    %swap3A_32 = vector.shape_cast %mul3A_26 : vector<2048x32xf32> to vector<1x2048x32xf32>
    tpu.vector_store %arg4[%swap3A_27, %swap3A_28, %swap3A_29], %swap3A_32 {strides = array<i32>} : memref<2x2048x32xf32, #tpu.memory_space<vmem>>, vector<1x2048x32xf32>,
    return
  }
  func.func @transform_0(%arg0: i32) -> (i32, i32, i32) {
    %c0_i32 = arith.constant 0 : i32
    %c0_i32_0 = arith.constant 0 : i32
    %c0_i32_1 = arith.constant 0 : i32
    return %c0_i32, %arg0, %c0_i32_0 : i32, i32, i32
  }
  func.func @transform_1(%arg0: i32) -> (i32, i32) {
    %c0_i32 = arith.constant 0 : i32
    %c0_i32_0 = arith.constant 0 : i32
    return %arg0, %c0_i32 : i32, i32
  }
  func.func @transform_2(%arg0: i32) -> (i32, i32) {
    %c0_i32 = arith.constant 0 : i32
    %c0_i32_0 = arith.constant 0 : i32
    return %arg0, %c0_i32 : i32, i32
  }
  func.func @transform_3(%arg0: i32) -> (i32, i32, i32) {
    %c0_i32 = arith.constant 0 : i32
    %c0_i32_0 = arith.constant 0 : i32
    %c0_i32_1 = arith.constant 0 : i32
    return %c0_i32, %arg0, %c0_i32_0 : i32, i32, i32
  }
}

module attributes {stable_mosaic.version = 14 : i64} {
  func.func @_mid_body(%arg0: i32, %arg1: memref<2x2048x32xf32, #tpu.memory_space<vmem>>, %arg2: memref<2048x16xf32, #tpu.memory_space<vmem>>, %arg3: memref<2048x64xf32, #tpu.memory_space<vmem>>, %arg4: memref<2x2048x32xf32, #tpu.memory_space<vmem>>) attributes {dimension_semantics = [#tpu.dimension_semantics<arbitrary>], iteration_bounds = array<i64: 5>, scalar_prefetch = 0 : i64, scratch_operands = 0 : i64, tpu.core_type = #tpu.core_type<tc>, window_params = [{transform_indices = @transform_0, window_bounds = array<i64: 2, 2048, 32>}, {transform_indices = @transform_1, window_bounds = array<i64: 2048, 16>}, {transform_indices = @transform_2, window_bounds = array<i64: 2048, 64>}, {transform_indices = @transform_3, window_bounds = array<i64: 2, 2048, 32>}]} {
    %get3A = arith.constant 0 : index
    %get3A_0 = arith.constant 0 : index
    %get3A_1 = vector.load %arg2[%get3A, %get3A_0] : memref<2048x16xf32, #tpu.memory_space<vmem>>, vector<2048x1xf32>
    %get3A_2 = arith.constant 0 : index
    %get3A_3 = arith.constant 0 : index
    %get3A_4 = arith.constant 0 : index
    %get3A_5 = vector.load %arg1[%get3A_2, %get3A_3, %get3A_4] : memref<2x2048x32xf32, #tpu.memory_space<vmem>>, vector<1x2048x32xf32>
    %get3A_6 = vector.shape_cast %get3A_5 : vector<1x2048x32xf32> to vector<2048x32xf32>
    %mul3A = vector.broadcast %get3A_1 : vector<2048x1xf32> to vector<2048x32xf32>
    %mul3A_7 = arith.mulf %get3A_6, %mul3A : vector<2048x32xf32>
    %get3A_8 = arith.constant 1 : index
    %get3A_9 = arith.constant 0 : index
    %get3A_10 = arith.constant 0 : index
    %get3A_11 = vector.load %arg1[%get3A_8, %get3A_9, %get3A_10] : memref<2x2048x32xf32, #tpu.memory_space<vmem>>, vector<1x2048x32xf32>
    %get3A_12 = vector.shape_cast %get3A_11 : vector<1x2048x32xf32> to vector<2048x32xf32>
    %mul3A_13 = vector.broadcast %get3A_1 : vector<2048x1xf32> to vector<2048x32xf32>
    %mul3A_14 = arith.mulf %get3A_12, %mul3A_13 : vector<2048x32xf32>
    %concatenate3A = tpu.concatenate %mul3A_7, %mul3A_14 in 1 : vector<2048x32xf32>, vector<2048x32xf32> -> vector<2048x64xf32>
    %swap3A = arith.constant 0 : index
    %swap3A_15 = arith.constant 0 : index
    %swap3A_16 = vector.load %arg3[%swap3A, %swap3A_15] : memref<2048x64xf32, #tpu.memory_space<vmem>>, vector<2048x64xf32>
    tpu.vector_store %arg3[%swap3A, %swap3A_15], %concatenate3A {strides = array<i32>} : memref<2048x64xf32, #tpu.memory_space<vmem>>, vector<2048x64xf32>,
    %mul3A_17 = vector.broadcast %get3A_1 : vector<2048x1xf32> to vector<2048x32xf32>
    %mul3A_18 = arith.mulf %mul3A_7, %mul3A_17 : vector<2048x32xf32>
    %swap3A_19 = arith.constant 0 : index
    %swap3A_20 = arith.constant 0 : index
    %swap3A_21 = arith.constant 0 : index
    %swap3A_22 = vector.load %arg4[%swap3A_19, %swap3A_20, %swap3A_21] : memref<2x2048x32xf32, #tpu.memory_space<vmem>>, vector<1x2048x32xf32>
    %swap3A_23 = vector.shape_cast %swap3A_22 : vector<1x2048x32xf32> to vector<2048x32xf32>
    %swap3A_24 = vector.shape_cast %mul3A_18 : vector<2048x32xf32> to vector<1x2048x32xf32>
    tpu.vector_store %arg4[%swap3A_19, %swap3A_20, %swap3A_21], %swap3A_24 {strides = array<i32>} : memref<2x2048x32xf32, #tpu.memory_space<vmem>>, vector<1x2048x32xf32>,
    %mul3A_25 = vector.broadcast %get3A_1 : vector<2048x1xf32> to vector<2048x32xf32>
    %mul3A_26 = arith.mulf %mul3A_14, %mul3A_25 : vector<2048x32xf32>
    %swap3A_27 = arith.constant 1 : index
    %swap3A_28 = arith.constant 0 : index
    %swap3A_29 = arith.constant 0 : index
    %swap3A_30 = vector.load %arg4[%swap3A_27, %swap3A_28, %swap3A_29] : memref<2x2048x32xf32, #tpu.memory_space<vmem>>, vector<1x2048x32xf32>
    %swap3A_31 = vector.shape_cast %swap3A_30 : vector<1x2048x32xf32> to vector<2048x32xf32>
    %swap3A_32 = vector.shape_cast %mul3A_26 : vector<2048x32xf32> to vector<1x2048x32xf32>
    tpu.vector_store %arg4[%swap3A_27, %swap3A_28, %swap3A_29], %swap3A_32 {strides = array<i32>} : memref<2x2048x32xf32, #tpu.memory_space<vmem>>, vector<1x2048x32xf32>,
    return
  }
  func.func @transform_0(%arg0: i32) -> (i32, i32, i32) {
    %c0_i32 = arith.constant 0 : i32
    %c0_i32_0 = arith.constant 0 : i32
    %c0_i32_1 = arith.constant 0 : i32
    return %c0_i32, %arg0, %c0_i32_0 : i32, i32, i32
  }
  func.func @transform_1(%arg0: i32) -> (i32, i32) {
    %c0_i32 = arith.constant 0 : i32
    %c0_i32_0 = arith.constant 0 : i32
    return %arg0, %c0_i32 : i32, i32
  }
  func.func @transform_2(%arg0: i32) -> (i32, i32) {
    %c0_i32 = arith.constant 0 : i32
    %c0_i32_0 = arith.constant 0 : i32
    return %arg0, %c0_i32 : i32, i32
  }
  func.func @transform_3(%arg0: i32) -> (i32, i32, i32) {
    %c0_i32 = arith.constant 0 : i32
    %c0_i32_0 = arith.constant 0 : i32
    %c0_i32_1 = arith.constant 0 : i32
    return %c0_i32, %arg0, %c0_i32_0 : i32, i32, i32
  }
}

module attributes {stable_mosaic.version = 14 : i64} {
  func.func @_final_body(%arg0: i32, %arg1: memref<2000x64xf32, #tpu.memory_space<vmem>>, %arg2: memref<2000x64xf32, #tpu.memory_space<vmem>>, %arg3: memref<2x2000x32xf32, #tpu.memory_space<vmem>>, %arg4: memref<2000x16xf32, #tpu.memory_space<vmem>>, %arg5: memref<2000x64xf32, #tpu.memory_space<vmem>>) attributes {dimension_semantics = [#tpu.dimension_semantics<arbitrary>], iteration_bounds = array<i64: 5>, scalar_prefetch = 0 : i64, scratch_operands = 0 : i64, tpu.core_type = #tpu.core_type<tc>, window_params = [{transform_indices = @transform_0, window_bounds = array<i64: 2000, 64>}, {transform_indices = @transform_1, window_bounds = array<i64: 2000, 64>}, {transform_indices = @transform_2, window_bounds = array<i64: 2, 2000, 32>}, {transform_indices = @transform_3, window_bounds = array<i64: 2000, 16>}, {transform_indices = @transform_4, window_bounds = array<i64: 2000, 64>}]} {
    %get3A = arith.constant 0 : index
    %get3A_0 = arith.constant 0 : index
    %get3A_1 = vector.load %arg4[%get3A, %get3A_0] : memref<2000x16xf32, #tpu.memory_space<vmem>>, vector<2000x1xf32>
    %get3A_2 = arith.constant 0 : index
    %get3A_3 = arith.constant 0 : index
    %get3A_4 = arith.constant 0 : index
    %get3A_5 = vector.load %arg3[%get3A_2, %get3A_3, %get3A_4] : memref<2x2000x32xf32, #tpu.memory_space<vmem>>, vector<1x2000x32xf32>
    %get3A_6 = vector.shape_cast %get3A_5 : vector<1x2000x32xf32> to vector<2000x32xf32>
    %mul3A = vector.broadcast %get3A_1 : vector<2000x1xf32> to vector<2000x32xf32>
    %mul3A_7 = arith.mulf %get3A_6, %mul3A : vector<2000x32xf32>
    %get3A_8 = arith.constant 1 : index
    %get3A_9 = arith.constant 0 : index
    %get3A_10 = arith.constant 0 : index
    %get3A_11 = vector.load %arg3[%get3A_8, %get3A_9, %get3A_10] : memref<2x2000x32xf32, #tpu.memory_space<vmem>>, vector<1x2000x32xf32>
    %get3A_12 = vector.shape_cast %get3A_11 : vector<1x2000x32xf32> to vector<2000x32xf32>
    %mul3A_13 = vector.broadcast %get3A_1 : vector<2000x1xf32> to vector<2000x32xf32>
    %mul3A_14 = arith.mulf %get3A_12, %mul3A_13 : vector<2000x32xf32>
    %concatenate3A = tpu.concatenate %mul3A_7, %mul3A_14 in 1 : vector<2000x32xf32>, vector<2000x32xf32> -> vector<2000x64xf32>
    %get3A_15 = arith.constant 0 : index
    %get3A_16 = arith.constant 0 : index
    %get3A_17 = vector.load %arg1[%get3A_15, %get3A_16] : memref<2000x64xf32, #tpu.memory_space<vmem>>, vector<2000x64xf32>
    %get3A_18 = arith.constant 0 : index
    %get3A_19 = arith.constant 0 : index
    %get3A_20 = vector.load %arg2[%get3A_18, %get3A_19] : memref<2000x64xf32, #tpu.memory_space<vmem>>, vector<2000x64xf32>
    %add3A = arith.addf %get3A_17, %get3A_20 : vector<2000x64xf32>
    %add3A_21 = arith.addf %add3A, %concatenate3A : vector<2000x64xf32>
    %mul3A_22 = arith.constant 0.333333343 : f32
    %mul3A_23 = vector.broadcast %mul3A_22 : f32 to vector<2000x64xf32>
    %mul3A_24 = arith.mulf %add3A_21, %mul3A_23 : vector<2000x64xf32>
    %swap3A = arith.constant 0 : index
    %swap3A_25 = arith.constant 0 : index
    %swap3A_26 = vector.load %arg5[%swap3A, %swap3A_25] : memref<2000x64xf32, #tpu.memory_space<vmem>>, vector<2000x64xf32>
    tpu.vector_store %arg5[%swap3A, %swap3A_25], %mul3A_24 {strides = array<i32>} : memref<2000x64xf32, #tpu.memory_space<vmem>>, vector<2000x64xf32>,
    return
  }
  func.func @transform_0(%arg0: i32) -> (i32, i32) {
    %c0_i32 = arith.constant 0 : i32
    %c0_i32_0 = arith.constant 0 : i32
    return %arg0, %c0_i32 : i32, i32
  }
  func.func @transform_1(%arg0: i32) -> (i32, i32) {
    %c0_i32 = arith.constant 0 : i32
    %c0_i32_0 = arith.constant 0 : i32
    return %arg0, %c0_i32 : i32, i32
  }
  func.func @transform_2(%arg0: i32) -> (i32, i32, i32) {
    %c0_i32 = arith.constant 0 : i32
    %c0_i32_0 = arith.constant 0 : i32
    %c0_i32_1 = arith.constant 0 : i32
    return %c0_i32, %arg0, %c0_i32_0 : i32, i32, i32
  }
  func.func @transform_3(%arg0: i32) -> (i32, i32) {
    %c0_i32 = arith.constant 0 : i32
    %c0_i32_0 = arith.constant 0 : i32
    return %arg0, %c0_i32 : i32, i32
  }
  func.func @transform_4(%arg0: i32) -> (i32, i32) {
    %c0_i32 = arith.constant 0 : i32
    %c0_i32_0 = arith.constant 0 : i32
    return %arg0, %c0_i32 : i32, i32
  }
}

module attributes {stable_mosaic.version = 14 : i64} {
  func.func @_final_body(%arg0: i32, %arg1: memref<2000x64xf32, #tpu.memory_space<vmem>>, %arg2: memref<2000x64xf32, #tpu.memory_space<vmem>>, %arg3: memref<2x2000x32xf32, #tpu.memory_space<vmem>>, %arg4: memref<2000x16xf32, #tpu.memory_space<vmem>>, %arg5: memref<2000x64xf32, #tpu.memory_space<vmem>>) attributes {dimension_semantics = [#tpu.dimension_semantics<arbitrary>], iteration_bounds = array<i64: 20>, scalar_prefetch = 0 : i64, scratch_operands = 0 : i64, tpu.core_type = #tpu.core_type<tc>, window_params = [{transform_indices = @transform_0, window_bounds = array<i64: 2000, 64>}, {transform_indices = @transform_1, window_bounds = array<i64: 2000, 64>}, {transform_indices = @transform_2, window_bounds = array<i64: 2, 2000, 32>}, {transform_indices = @transform_3, window_bounds = array<i64: 2000, 16>}, {transform_indices = @transform_4, window_bounds = array<i64: 2000, 64>}]} {
    %get3A = arith.constant 0 : index
    %get3A_0 = arith.constant 0 : index
    %get3A_1 = vector.load %arg4[%get3A, %get3A_0] : memref<2000x16xf32, #tpu.memory_space<vmem>>, vector<2000x1xf32>
    %get3A_2 = arith.constant 0 : index
    %get3A_3 = arith.constant 0 : index
    %get3A_4 = arith.constant 0 : index
    %get3A_5 = vector.load %arg3[%get3A_2, %get3A_3, %get3A_4] : memref<2x2000x32xf32, #tpu.memory_space<vmem>>, vector<1x2000x32xf32>
    %get3A_6 = vector.shape_cast %get3A_5 : vector<1x2000x32xf32> to vector<2000x32xf32>
    %mul3A = vector.broadcast %get3A_1 : vector<2000x1xf32> to vector<2000x32xf32>
    %mul3A_7 = arith.mulf %get3A_6, %mul3A : vector<2000x32xf32>
    %get3A_8 = arith.constant 1 : index
    %get3A_9 = arith.constant 0 : index
    %get3A_10 = arith.constant 0 : index
    %get3A_11 = vector.load %arg3[%get3A_8, %get3A_9, %get3A_10] : memref<2x2000x32xf32, #tpu.memory_space<vmem>>, vector<1x2000x32xf32>
    %get3A_12 = vector.shape_cast %get3A_11 : vector<1x2000x32xf32> to vector<2000x32xf32>
    %mul3A_13 = vector.broadcast %get3A_1 : vector<2000x1xf32> to vector<2000x32xf32>
    %mul3A_14 = arith.mulf %get3A_12, %mul3A_13 : vector<2000x32xf32>
    %concatenate3A = tpu.concatenate %mul3A_7, %mul3A_14 in 1 : vector<2000x32xf32>, vector<2000x32xf32> -> vector<2000x64xf32>
    %get3A_15 = arith.constant 0 : index
    %get3A_16 = arith.constant 0 : index
    %get3A_17 = vector.load %arg1[%get3A_15, %get3A_16] : memref<2000x64xf32, #tpu.memory_space<vmem>>, vector<2000x64xf32>
    %get3A_18 = arith.constant 0 : index
    %get3A_19 = arith.constant 0 : index
    %get3A_20 = vector.load %arg2[%get3A_18, %get3A_19] : memref<2000x64xf32, #tpu.memory_space<vmem>>, vector<2000x64xf32>
    %add3A = arith.addf %get3A_17, %get3A_20 : vector<2000x64xf32>
    %add3A_21 = arith.addf %add3A, %concatenate3A : vector<2000x64xf32>
    %mul3A_22 = arith.constant 0.333333343 : f32
    %mul3A_23 = vector.broadcast %mul3A_22 : f32 to vector<2000x64xf32>
    %mul3A_24 = arith.mulf %add3A_21, %mul3A_23 : vector<2000x64xf32>
    %swap3A = arith.constant 0 : index
    %swap3A_25 = arith.constant 0 : index
    %swap3A_26 = vector.load %arg5[%swap3A, %swap3A_25] : memref<2000x64xf32, #tpu.memory_space<vmem>>, vector<2000x64xf32>
    tpu.vector_store %arg5[%swap3A, %swap3A_25], %mul3A_24 {strides = array<i32>} : memref<2000x64xf32, #tpu.memory_space<vmem>>, vector<2000x64xf32>,
    return
  }
  func.func @transform_0(%arg0: i32) -> (i32, i32) {
    %c0_i32 = arith.constant 0 : i32
    %c0_i32_0 = arith.constant 0 : i32
    return %arg0, %c0_i32 : i32, i32
  }
  func.func @transform_1(%arg0: i32) -> (i32, i32) {
    %c0_i32 = arith.constant 0 : i32
    %c0_i32_0 = arith.constant 0 : i32
    return %arg0, %c0_i32 : i32, i32
  }
  func.func @transform_2(%arg0: i32) -> (i32, i32, i32) {
    %c0_i32 = arith.constant 0 : i32
    %c0_i32_0 = arith.constant 0 : i32
    %c0_i32_1 = arith.constant 0 : i32
    return %c0_i32, %arg0, %c0_i32_0 : i32, i32, i32
  }
  func.func @transform_3(%arg0: i32) -> (i32, i32) {
    %c0_i32 = arith.constant 0 : i32
    %c0_i32_0 = arith.constant 0 : i32
    return %arg0, %c0_i32 : i32, i32
  }
  func.func @transform_4(%arg0: i32) -> (i32, i32) {
    %c0_i32 = arith.constant 0 : i32
    %c0_i32_0 = arith.constant 0 : i32
    return %arg0, %c0_i32 : i32, i32
  }
}

</mosaic_0001>

<sc_bundles>
// kernel: kernel.11.cloned.1.call-start
scs
__scs_entry_jumppad:
0x0: {  	(pc) =	sbr.rel $0x88, $3  }
0x1: {  	(tag) =	ssettag $0x0;
	lr =	simm.s32 $0x1  }
0x2: {  	[smem:$0x3F9D] =	sst lr;
	_ =	strace $0xD0000000  }
0x3: {  	_ = 	snop  }
0x4: {  	_ = 	snop  }
0x5: {  	_ = 	snop  }
0x6: {  	_ = 	snop  }
0x7: {  	_ = 	snop  }
__scs_overlays_trampoline_lowered:
0x8: {  	[smem:$0x3FAC] =	sst s0  }
0x9: {  	[smem:$0x3FAD] =	sst s1  }
0xa: {  	[smem:$0x3FAE] =	sst s2  }
0xb: {  	[smem:$0x3FAF] =	sst s3  }
0xc: {  	[smem:$0x3FB0] =	sst s4  }
0xd: {  	[smem:$0x3FB1] =	sst s5  }
0xe: {  	[smem:$0x3FB2] =	sst s6  }
0xf: {  	[smem:$0x3FB3] =	sst s7  }
0x10: {  	[smem:$0x3FB4] =	sst s8  }
0x11: {  	[smem:$0x3FB5] =	sst s9;
	s0 =	simm.s32 @!p0 $0x0  }
0x12: {  	s1 =	sld [smem:$0x3F9B];
	s0 =	simm.s32 @p0 $0x1  }
0x13: {  	[smem:$0x3FB6] =	sst s0;
	s0 =	simm.s32 @!p1 $0x0  }
0x14: {  	s2 =	sld [smem:$0x3F9A];
	s0 =	simm.s32 @p1 $0x1  }
0x15: {  	[smem:$0x3FB7] =	sst s0;
	s0 =	simm.s32 @!p2 $0x0  }
0x16: {  	s3 =	sld [smem:$0x3FDB];
	s0 =	simm.s32 @p2 $0x1  }
0x17: {  	s4 =	simm.s32 $0x1BF5;
	[smem:$0x3FB9] =	sst s0  }
0x18: {  	s0 =	sld [smem:$0x3F9C];
	_ =	swait.ge [sflag:s4], $0x0  }
0x19: {  	s7 =	sld [smem:$0x3F9D]  }
0x1a: {  	s8 =	sadd.s32 $0xFFFFE003, lr  }
0x1b: {  	s9 =	sadd.s32 $0xFFFFFEF7, lr;
	s5 =	simm.s32 $0xFFFFFFFF;
	p2 =	slt.u32 s8, $0xFFFFF086  }
0x1c: {  	p1 =	slt.u32 s9, $0xF7A;
	s5 =	simm.s32 @!p2 $0x0  }
0x1d: {  	s5 =	simm.s32 @p1 $0x1;
	p0 =	seq.s32 s7, s2  }
0x1e: {  	s7 =	smul.u32 @!p0 $0xF7A, s2;
	p2 =	seq.s32 @!p0 s5, $0x0  }
0x1f: {  	s9 =	smul.u32 $0xF7A, s1;
	s8 =	simm.s32 @!p0 $0x1BF5;
	p2 =	por !p2, p0  }
0x20: {  	[sflag:s8] =	ssyncset.s32 @!p0 $0xFFFFF086;
	s6 =	sadd.s32 @!p0 s3, s7;
	s7 =	simm.s32 @!p0 $0x108  }
0x21: {  	s3 =	sadd.s32 s3, s9;
	s6 =	sadd.s32 @!p0 $0x88, s6;
	s7 =	simm.s32 @p2 $0x1082  }
0x22: {  	[simem:s7], [sflag:s8] =	dma.local @!p0 [hbm:s6], $0xF7A  }
0x23: {  	s9 =	sor.u32 $0xD0000000, s2;
	s6 =	simm.s32 $0x108;
	_ =	swait.ge @!p0 [sflag:s8], $0x0  }
0x24: {  	s3 =	sadd.s32 $0x88, s3;
	s6 =	simm.s32 @!p1 $0x1082;
	[sflag:s4] =	ssyncset.s32 $0xFFFFF086  }
0x25: {  	[simem:s6], [sflag:s4] =	dma.local [hbm:s3], $0xF7A  }
0x26: {  	[smem:$0x3F9D] =	sst s1;
	(tag) =	ssettag s2;
	_ =	strace s9  }
0x27: {  	s1 =	sld [smem:$0x3FAD]  }
0x28: {  	s2 =	sld [smem:$0x3FAE]  }
0x29: {  	s4 =	sld [smem:$0x3FB0]  }
0x2a: {  	p0 =	seq.s32 s5, $0x0;
	s5 =	sld [smem:$0x3FB1]  }
0x2b: {  	s6 =	sld [smem:$0x3FB2]  }
0x2c: {  	s7 =	sld [smem:$0x3FB3]  }
0x2d: {  	s3 =	simm.s32 $0x108;
	s8 =	sld [smem:$0x3FB4]  }
0x2e: {  	s3 =	simm.s32 @!p0 $0x1082;
	s9 =	sld [smem:$0x3FB5]  }
0x2f: {  	lr =	sadd.s32 s0, s3;
	s0 =	sld [smem:$0x3FAC]  }
0x30: {  	s3 =	sld [smem:$0x3FAF]  }
0x31: {  	[smem:$0x3FB8] =	sst s10  }
0x32: {  	s10 =	sld [smem:$0x3FB6];
	_ =	sdelay $0x3  }
0x33: {  	p0 =	seq.s32 s10, $0x1;
	s10 =	sld [smem:$0x3FB8];
	_ =	sdelay $0x3  }
0x34: {  	[smem:$0x3FB8] =	sst s10  }
0x35: {  	s10 =	sld [smem:$0x3FB7];
	_ =	sdelay $0x3  }
0x36: {  	p1 =	seq.s32 s10, $0x1;
	s10 =	sld [smem:$0x3FB8];
	_ =	sdelay $0x3  }
0x37: {  	[smem:$0x3FB8] =	sst s10  }
0x38: {  	s10 =	sld [smem:$0x3FB9]  }
0x39: {  	_ = 	snop;
	(pc) =	sbr.ind lr, $3  }
0x3a: {  	_ = 	snop  }
0x3b: {  	_ = 	snop  }
0x3c: {  	p2 =	seq.s32 s10, $0x1;
	s10 =	sld [smem:$0x3FB8]  }
0x3d: {  	_ =	shalt  }
0x3e: {  	_ =	shalt  }
0x3f: {  	_ =	shalt  }
0x40: {  	_ =	shalt  }
0x41: {  	_ =	shalt  }
0x42: {  	_ =	shalt  }
0x43: {  	_ =	shalt  }
0x44: {  	_ =	shalt  }
0x45: {  	_ =	shalt  }
0x46: {  	_ =	shalt  }
0x47: {  	_ =	shalt  }
0x48: {  	_ =	shalt  }
0x49: {  	_ =	shalt  }
0x4a: {  	_ =	shalt  }
0x4b: {  	_ =	shalt  }
0x4c: {  	_ =	shalt  }
0x4d: {  	_ =	shalt  }
0x4e: {  	_ =	shalt  }
0x4f: {  	_ =	shalt  }
0x50: {  	_ =	shalt  }
0x51: {  	_ =	shalt  }
0x52: {  	_ =	shalt  }
0x53: {  	_ =	shalt  }
0x54: {  	_ =	shalt  }
0x55: {  	_ =	shalt  }
0x56: {  	_ =	shalt  }
0x57: {  	_ =	shalt  }
0x58: {  	_ =	shalt  }
0x59: {  	_ =	shalt  }
0x5a: {  	_ =	shalt  }
0x5b: {  	_ =	shalt  }
0x5c: {  	_ =	shalt  }
0x5d: {  	_ =	shalt  }
0x5e: {  	_ =	shalt  }
0x5f: {  	_ =	shalt  }
0x60: {  	_ =	shalt  }
0x61: {  	_ =	shalt  }
0x62: {  	_ =	shalt  }
0x63: {  	_ =	shalt  }
0x64: {  	_ =	shalt  }
0x65: {  	_ =	shalt  }
0x66: {  	_ =	shalt  }
0x67: {  	_ =	shalt  }
0x68: {  	_ =	shalt  }
0x69: {  	_ =	shalt  }
0x6a: {  	_ =	shalt  }
0x6b: {  	_ =	shalt  }
0x6c: {  	_ =	shalt  }
0x6d: {  	_ =	shalt  }
0x6e: {  	_ =	shalt  }
0x6f: {  	_ =	shalt  }
0x70: {  	_ =	shalt  }
0x71: {  	_ =	shalt  }
0x72: {  	_ =	shalt  }
0x73: {  	_ =	shalt  }
0x74: {  	_ =	shalt  }
0x75: {  	_ =	shalt  }
0x76: {  	_ =	shalt  }
0x77: {  	_ =	shalt  }
0x78: {  	_ =	shalt  }
0x79: {  	_ =	shalt  }
0x7a: {  	_ =	shalt  }
0x7b: {  	_ =	shalt  }
0x7c: {  	_ =	shalt  }
0x7d: {  	_ =	shalt  }
0x7e: {  	_ =	shalt  }
0x7f: {  	_ =	shalt  }
0x80: {  	_ =	shalt  }
0x81: {  	_ =	shalt  }
0x82: {  	_ =	shalt  }
0x83: {  	_ =	shalt  }
0x84: {  	_ =	shalt  }
0x85: {  	_ =	shalt  }
0x86: {  	_ =	shalt  }
0x87: {  	_ =	shalt  }
.Lfunc_end0:
.L_simem_size_0:
called_computation_lowered:
.L_overlay_start_0:
0x88: {  	s2 =	sld [smem:$0x3FD9]  }
0x89: {  	s3 =	sld [smem:$0x3FFE];
	_ =	sdelay $0x1  }
0x8a: {  	s1 =	srdreg.scid  }
0x8b: {  	s0 =	sand.u32 $0x1, s1  }
0x8c: {  	s14 =	sshll.u32 s0, $0xA;
	s2 =	sadd.s32 s3, s2  }
0x8d: {  	s2 =	sadd.s32 s2, s14  }
0x8e: {  	[smem:$0x3FC4] =	sst s2  }
0x8f: {  	_ = 	snop  }
0x90: {  	s2 =	sld [smem:$0x3FD0];
	_ =	sdelay $0x2  }
0x91: {  	s15 =	simm.s32 $0xA;
	s4 =	simm.s32 $0x10  }
0x92: {  	[smem:s4], [sflag:s15] =	dma.local [hbm:s2], $0x1  }
0x93: {  	_ =	swait.eq [sflag:s15], $0x1  }
0x94: {  	[sflag:s15] =	ssyncset.done $0x0  }
0x95: {  	s16 =	sld [smem:$0x10];
	[sflag:s15] =	ssyncadd.s32 $0xFFFFFFFF  }
0x96: {  	s17 =	sld [smem:$0x11];
	(tm) =	ssettm $0x1  }
0x97: {  	s18 =	sld [smem:$0x3FFB];
	_ =	sdelay $0x3  }
0x98: {  	_ =	strace s18  }
0x99: {  	s4 =	sld [smem:$0x3FFC];
	_ =	sdelay $0x3  }
0x9a: {  	_ =	strace s4  }
0x9b: {  	s4 =	sld [smem:$0x3FFD];
	_ =	sdelay $0x3  }
0x9c: {  	_ =	strace s4  }
0x9d: {  	_ =	strace $0x8FFFFFFF  }
0x9e: {  	s19 =	sld [smem:$0x3FDB];
	_ =	sdelay $0x1  }
0x9f: {  	s5 =	simm.s32 $_scs_section_size  }
0xa0: {  	s6 =	simm.s32 $_size__tile_overlayer_lowered;
	s7 =	simm.s32 $_tile_overlayer_lowered  }
0xa1: {  	s22 =	simm.s32 $0x1BFF;
	s21 =	sshll.u32 s7, $0x1;
	s4 =	sadd.s32 s5, s19  }
0xa2: {  	s8 =	simm.s32 $0x0;
	s20 =	sshll.u32 s6, $0x1;
	s6 =	sadd.s32 s21, s4  }
0xa3: {  	[timem:s8], [sflag:s22] =	dma.local [hbm:s6], s20  }
0xa4: {  	_ =	swait.ge [sflag:s22], s20  }
0xa5: {  	s5 =	ssub.s32 $0x0, s20;
	[sflag:s22] =	ssyncset.done $0x0  }
0xa6: {  	[sflag:s22] =	ssyncadd.s32 s5;
	_ =	sdelay $0x1  }
0xa7: {  	s23 =	simm.s32 $0x1B8B  }
0xa8: {  	_ =	swait.ge [sflag:s23], $0x1  }
0xa9: {  	[sflag:s23] =	ssyncset.done $0x0  }
0xaa: {  	s25 =	simm.s32 $0x1B8E;
	s24 =	sld [smem:$0x3FFE];
	[sflag:s23] =	ssyncadd.s32 $0xFFFFFFFF  }
0xab: {  	s26 =	simm.s32 $execute0_lowered;
	[smem:$0x3FD2] =	sst s25  }
0xac: {  	s6 =	sshll.u32 s26, $0x1;
	_ =	strace $0x80000046;
	[dreg:$0x1] =	wrdreg $0xFFFFFFFF  }
0xad: {  	s28 =	simm.s32 $_size_execute0_lowered;
	s4 =	sadd.s32 s4, s6;
	[dreg:$0x0] =	wrdreg $0x0  }
0xae: {  	s6 =	sshll.u32 s28, $0x1;
	[dreg:$0x2] =	wrdreg s4  }
0xaf: {  	[dreg:$0x3] =	wrdreg s6  }
0xb0: {  	[dreg:$0x4] =	wrdreg $0xC0  }
0xb1: {  	_ =	task [dreg:s8], $0x5FFFF  }
0xb2: {  	[dreg:$0x1] =	wrdreg $0xFFFFFFFF  }
0xb3: {  	[dreg:$0x0] =	wrdreg $0x60  }
0xb4: {  	[dreg:$0x2] =	wrdreg s24  }
0xb5: {  	[dreg:$0x3] =	wrdreg s16  }
0xb6: {  	[dreg:$0x4] =	wrdreg s17  }
0xb7: {  	[dreg:$0x5] =	wrdreg $0x0  }
0xb8: {  	[dreg:$0x6] =	wrdreg $0xA0000  }
0xb9: {  	[dreg:$0x7] =	wrdreg $0x9  }
0xba: {  	_ =	task.clear_ibuf [dreg:s8], $0x8FFFF;
	_ =	strace $0x90000046  }
0xbb: {  	s29 =	simm.s32 $0x9;
	_ =	strace $0x80000048  }
0xbc: {  	_ =	swait.ge [sflag:s29], $0x1  }
0xbd: {  	[sflag:s29] =	ssyncadd.s32 $0xFFFFFFFF  }
0xbe: {  	_ =	strace $0x90000048  }
0xbf: {  	_ =	sfence  }
0xc0: {  	s30 =	sld [smem:$0x0];
	_ =	sdelay $0x2  }
0xc1: {  	s31 =	sshll.u32 s1, $0xD;
	s1 =	sshrl.u32 s1, $0x2  }
0xc2: {  	s3 =	sand.u32 $0x4000, s31;
	s1 =	sadd.s32 s1, s30  }
0xc3: {  	s0 =	sor.u32 s3, s0;
	s1 =	sshll.u32 s1, $0x11  }
0xc4: {  	s0 =	sor.u32 s1, s0  }
0xc5: {  	s0 =	sadd.s32 $0x8F2B, s0  }
0xc6: {  	[sflag:s0] =	ssyncadd.remote.s32 $0x1  }
0xc7: {  	_ =	sfence.sel $0xFFFF  }
0xc8: {  	[dreg:$0x0] =	wrdreg $0xFFFFFFFF;
	(pc) =	sbr.abs _section_cstart, $3  }
0xc9: {  	[dreg:$0x1] =	wrdreg $0xFFFFFFFF  }
0xca: {  	_ =	task.clear_ibuf [dreg:s8], $0x2FFFF;
	_ =	strace $0x9FFFFFFF  }
0xcb: {  	(tm) =	ssettm $0x7FFFFFFF  }
tec
execute0_lowered:
.L_overlay_start_1:
0x0: {  	(tag) =	ssettag $0x1  }
0x1: {  	s0 =	rddreg [dreg:$0x0]  }
0x2: {  	s6 =	rddreg [dreg:$0x1]  }
0x3: {  	s8 =	rddreg [dreg:$0x2]  }
0x4: {  	s1 =	rddreg [dreg:$0x3]  }
0x5: {  	s2 =	rddreg [dreg:$0x4]  }
0x6: {  	s4 =	simm.s32 $0x0;
	s3 =	stileid.u32;
	s12 =	srdreg.scid  }
0x7: {  	s28 =	simm.s32 $0x2;
	s29 =	simm.s32 $0x5;
	s30 =	simm.s32 $0x4  }
0x8: {  	s31 =	simm.s32 $0x7;
	[smem:$0x7FF] =	sst s4;
	s11 =	smul.u32 $0xA000, s3  }
0x9: {  	s9 =	sadd.s32 $0x1C200, s0;
	s10 =	sadd.s32 $0x3600, s0;
	s7 =	smul.u32 $0x2800, s3  }
0xa: {  	s5 =	sadd.s32 $0x34E00, s0;
	s19 =	sand.u32 $0x1, s12;
	s18 =	smul.u32 $0xC600, s3  }
0xb: {  	s23 =	smul.u32 $0x18C0, s3;
	_ =	strace $0x80000047;
	s16 =	ssub.s32 $0x2, s19  }
0xc: {  	p0 =	seq.s32 s19, $0x0;
	s19 =	simm.s32 $0xCA00;
	s13 =	sshrl.u32 s11, $0x3  }
0xd: {  	s14 =	sshrl.u32 s7, $0x3;
	s17 =	sshrl.u32 s16, $0x1;
	s12 =	sshrl.u32 s18, $0x3  }
0xe: {  	s7 =	sadd.s32 s7, s2;
	s21 =	sadd.s32 s11, s1;
	s18 =	sadd.s32 s23, s9  }
0xf: {  	s15 =	sadd.s32 s13, s0;
	s0 =	sadd.s32 s14, s0;
	[dreg:$0x6] =	wrdreg s7  }
0x10: {  	s16 =	ssub.s32 s16, s17;
	s8 =	sadd.s32 s8, s14;
	[dreg:$0xb] =	wrdreg s21  }
0x11: {  	s20 =	sadd.s32 s10, s12;
	s22 =	sadd.s32 s9, s12;
	[dreg:$0x8] =	wrdreg s8  }
0x12: {  	s24 =	sadd.s32 s6, s13;
	s17 =	sadd.s32 s23, s10;
	[dreg:$0x7] =	wrdreg s20  }
0x13: {  	s21 =	simm.s32 $0xC800;
	s23 =	simm.s32 $0xC900;
	[dreg:$0xd] =	wrdreg s24  }
0x14: {  	s6 =	simm.s32 $0x0;
	s7 =	sadd.s32 $0x10, s20;
	[dreg:$0xc] =	wrdreg s22  }
.Ltmp0:
0x15: {  	s0 =	sadd.s32 $0x49000, s0;
	[dreg:$0x9] =	wrdreg s7;
	(pc) =	sbr.rel .LBB2_1-.Ltmp0, $4  }
0x16: {  	s25 =	sadd.s32 $0x10, s22;
	s26 =	sadd.s32 $0x35000, s15;
	[dreg:$0xa] =	wrdreg s0  }
0x17: {  	s16 =	smax.u32 s16, $0x1;
	s20 =	simm.s32 $0x9;
	[dreg:$0xe] =	wrdreg s25  }
0x18: {  	s22 =	simm.s32 $0xC880;
	s24 =	simm.s32 $0x1;
	[dreg:$0xf] =	wrdreg s26  }
0x19: {  	s25 =	simm.s32 $0x80;
	s26 =	simm.s32 $0xC980;
	s0 =	simm.s32 $0x8  }
.LBB2_7:
0x1a: {  	s3 =	simm.s32 @!p2 $0x7;
	[sflag:s30] =	ssyncadd.s32 $0xFFFFFF80  }
0x1b: {  	[spmem:s1] =	stream.indirect.scatter.add.f32 [tilespmem:s19], [sflag:$0x8], $0x10, s26, s25, $0xb8;
	[tilespmem:$0xD200] =	vst v63  }
0x1c: {  	_ =	swait.ge @!p2 [sflag:s3], $0x800  }
0x1d: {  	s7 =	sadd.s32 s10, s18;
	[sflag:s3] =	ssyncset.done @!p2 $0x0  }
0x1e: {  	s13 =	sadd.s32 $0x20, s7;
	[sflag:s3] =	ssyncadd.s32 @!p2 $0xFFFFF800  }
0x1f: {  	[tilespmem:s23], [sflag:$0x3] =	stream.linear.gather [hbm4b:s13+s4], $0x80, $0x38;
	[tilespmem:$0xD200] =	vst v63  }
0x20: {  	_ =	swait.ge [sflag:s24], $0x80  }
0x21: {  	[sflag:s24] =	ssyncset.done $0x0  }
0x22: {  	s3 =	simm.s32 @!p2 $0x8;
	[sflag:s24] =	ssyncadd.s32 $0xFFFFFF80  }
0x23: {  	[spmem:s1] =	stream.indirect.scatter.add.f32 [tilespmem:s19], [sflag:$0x5], $0x10, s21, s25, $0xb8;
	[tilespmem:$0xD200] =	vst v63  }
0x24: {  	_ =	swait.ge @!p2 [sflag:s3], $0x800  }
0x25: {  	[sflag:s3] =	ssyncset.done @!p2 $0x0  }
0x26: {  	s14 =	sadd.s32 $0x30, s7;
	[sflag:s3] =	ssyncadd.s32 @!p2 $0xFFFFF800  }
0x27: {  	[tilespmem:s26], [sflag:$0x4] =	stream.linear.gather [hbm4b:s14+s4], $0x80, $0x38;
	[tilespmem:$0xD200] =	vst v63  }
0x28: {  	_ =	swait.ge [sflag:s28], $0x80  }
0x29: {  	[sflag:s28] =	ssyncset.done $0x0  }
0x2a: {  	[sflag:s28] =	ssyncadd.s32 $0xFFFFFF80  }
0x2b: {  	[spmem:s1] =	stream.indirect.scatter.add.f32 [tilespmem:s19], [sflag:$0x6], $0x10, s22, s25, $0xb8;
	[tilespmem:$0xD200] =	vst v63  }
0x2c: {  	_ =	swait.ge [sflag:s29], $0x800  }
0x2d: {  	p1 =	seq.s32 s10, $0x1880;
	[sflag:s29] =	ssyncset.done $0x0  }
0x2e: {  	s3 =	simm.s32 @p1 $0x3;
	[sflag:s29] =	ssyncadd.s32 $0xFFFFF800  }
0x2f: {  	_ =	swait.ge @p1 [sflag:s3], $0x80  }
0x30: {  	s7 =	simm.s32 @p1 $0xCA00;
	s11 =	simm.s32 @p1 $0x6;
	[sflag:s3] =	ssyncset.done @p1 $0x0  }
0x31: {  	s12 =	simm.s32 @p1 $0xC900;
	[sflag:s3] =	ssyncadd.s32 @p1 $0xFFFFFF80;
	s3 =	simm.s32 @p1 $0x80  }
0x32: {  	[spmem:s1] =	stream.indirect.scatter.add.f32 @p1 [tilespmem:s7], [sflag:$0x7], $0x10, s12, s3, $0xb8;
	[tilespmem:$0xD200] =	vst v63  }
0x33: {  	s3 =	sadd.s32 @!p1 s10, s18;
	_ =	swait.ge @p1 [sflag:s11], $0x800  }
0x34: {  	s10 =	simm.s32 @!p1 $0x3;
	s12 =	simm.s32 @!p1 $0xC800;
	[sflag:s11] =	ssyncset.done @p1 $0x0  }
0x35: {  	s7 =	sadd.s32 @!p1 $0x40, s3;
	[sflag:s11] =	ssyncadd.s32 @p1 $0xFFFFF800;
	s11 =	simm.s32 @!p1 $0x0  }
0x36: {  	[tilespmem:s12], [sflag:$0x1] =	stream.linear.gather @!p1 [hbm4b:s7+s11], $0x80, $0x38;
	[tilespmem:$0xD200] =	vst v63  }
0x37: {  	_ =	swait.ge @!p1 [sflag:s10], $0x80  }
0x38: {  	s13 =	simm.s32 @!p1 $0xC900;
	s7 =	simm.s32 @!p1 $0xCA00;
	[sflag:s10] =	ssyncset.done @!p1 $0x0  }
0x39: {  	s12 =	simm.s32 @!p1 $0x6;
	[sflag:s10] =	ssyncadd.s32 @!p1 $0xFFFFFF80;
	s10 =	simm.s32 @!p1 $0x80  }
0x3a: {  	[spmem:s1] =	stream.indirect.scatter.add.f32 @!p1 [tilespmem:s7], [sflag:$0x7], $0x10, s13, s10, $0xb8;
	[tilespmem:$0xD200] =	vst v63  }
0x3b: {  	_ =	swait.ge @!p1 [sflag:s12], $0x800  }
0x3c: {  	[sflag:s12] =	ssyncset.done @!p1 $0x0  }
0x3d: {  	s3 =	sadd.s32 @!p1 $0x50, s3;
	s7 =	simm.s32 @!p1 $0xC880;
	[sflag:s12] =	ssyncadd.s32 @!p1 $0xFFFFF800  }
0x3e: {  	[tilespmem:s7], [sflag:$0x2] =	stream.linear.gather @!p1 [hbm4b:s3+s11], $0x80, $0x38;
	[tilespmem:$0xD200] =	vst v63  }
0x3f: {  	_ =	swait.ge [sflag:s30], $0x80  }
0x40: {  	[sflag:s30] =	ssyncset.done $0x0  }
0x41: {  	[sflag:s30] =	ssyncadd.s32 $0xFFFFFF80  }
0x42: {  	[spmem:s1] =	stream.indirect.scatter.add.f32 [tilespmem:s19], [sflag:$0x8], $0x10, s26, s25, $0xb8;
	[tilespmem:$0xD200] =	vst v63  }
0x43: {  	_ =	swait.ge [sflag:s31], $0x800  }
0x44: {  	[sflag:s31] =	ssyncset.done $0x0  }
0x45: {  	[sflag:s31] =	ssyncadd.s32 $0xFFFFF800  }
0x46: {  	_ =	swait.ge [sflag:s0], $0x800  }
0x47: {  	[sflag:s0] =	ssyncset.done $0x0  }
0x48: {  	[sflag:s0] =	ssyncadd.s32 $0xFFFFF800  }
0x49: {  	[bflag:$0x0] =	sbarrier.arrive $0xFFFF  }
0x4a: {  	s15 =	rddreg [dreg:$0xf]  }
0x4b: {  	[hbm:s15], [sflag:s8] =	dma.local [spmem:s9], $0x1400  }
0x4c: {  	_ =	swait.ge [sflag:s20], $0x1400  }
0x4d: {  	[sflag:s20] =	ssyncset.done $0x0  }
0x4e: {  	[sflag:s20] =	ssyncadd.s32 $0xFFFFEC00  }
.LBB2_8:
0x4f: {  	s6 =	sadd.s32 $0x1, s6  }
0x50: {  	p1 =	sne.s32 s6, s16  }
.Ltmp1:
0x51: {  	_ = 	snop;
	(pc) =	sbr.rel @!p1 .LBB2_9-.Ltmp1, $1  }
0x52: {  	_ =	sdelay $0x3  }
.LBB2_1:
.Ltmp2:
0x53: {  	(pc) =	sbr.rel @!p0 .LBB2_2-.Ltmp2, $4  }
0x54: {  	[tilespmem:s19], [sflag:$0x9] =	stream.linear.gather [hbm4b:s5+s4], $0x800, $0x38;
	[tilespmem:$0xD200] =	vst v63  }
0x55: {  	s3 =	stileid.u32;
	_ =	swait.ge [sflag:s20], $0x800  }
0x56: {  	s8 =	sshll.u32 s3, $0x6;
	[sflag:s20] =	ssyncset.done $0x0  }
0x57: {  	s8 =	sor.u32 $0x1C09, s8;
	[sflag:s20] =	ssyncadd.s32 $0xFFFFF800  }
0x58: {  	s3 =	rddreg [dreg:$0xb]  }
0x59: {  	s11 =	rddreg [dreg:$0xd];
	s9 =	sshrl.u32 s3, $0x3  }
0x5a: {  	[spmem:s9], [sflag:s8] =	dma.local [hbm:s11], $0x1400  }
0x5b: {  	_ =	swait.ge [sflag:s20], $0x1400  }
0x5c: {  	[sflag:s20] =	ssyncset.done $0x0  }
0x5d: {  	[sflag:s20] =	ssyncadd.s32 $0xFFFFEC00  }
0x5e: {  	[bflag:$0x0] =	sbarrier.arrive $0xFFFF  }
0x5f: {  	s10 =	simm.s32 $0x0;
	s12 =	rddreg [dreg:$0xc]  }
0x60: {  	[tilespmem:s21], [sflag:$0x1] =	stream.linear.gather [hbm4b:s12+s10], $0x80, $0x38;
	[tilespmem:$0xD200] =	vst v63  }
0x61: {  	p1 =	por $0x1, $0x1;
	s13 =	rddreg [dreg:$0xe]  }
0x62: {  	[tilespmem:s22], [sflag:$0x2] =	stream.linear.gather [hbm4b:s13+s10], $0x80, $0x38;
	[tilespmem:$0xD200] =	vst v63  }
0x63: {  	s10 =	simm.s32 @!p1 $0x7  }
0x64: {  	_ =	swait.ge @!p1 [sflag:s10], $0x800  }
0x65: {  	s11 =	sadd.s32 $0x0, s18;
	[sflag:s10] =	ssyncset.done @!p1 $0x0  }
0x66: {  	s14 =	sadd.s32 $0x20, s11;
	[sflag:s10] =	ssyncadd.s32 @!p1 $0xFFFFF800  }
0x67: {  	[tilespmem:s23], [sflag:$0x3] =	stream.linear.gather [hbm4b:s14+s4], $0x80, $0x38;
	[tilespmem:$0xD200] =	vst v63  }
0x68: {  	_ =	swait.ge [sflag:s24], $0x80  }
0x69: {  	[sflag:s24] =	ssyncset.done $0x0  }
0x6a: {  	s10 =	simm.s32 @!p1 $0x8;
	[sflag:s24] =	ssyncadd.s32 $0xFFFFFF80  }
0x6b: {  	[spmem:s1] =	stream.indirect.scatter.add.f32 [tilespmem:s19], [sflag:$0x5], $0x10, s21, s25, $0xb8;
	[tilespmem:$0xD200] =	vst v63  }
0x6c: {  	_ =	swait.ge @!p1 [sflag:s10], $0x800  }
0x6d: {  	[sflag:s10] =	ssyncset.done @!p1 $0x0  }
0x6e: {  	s15 =	sadd.s32 $0x30, s11;
	[sflag:s10] =	ssyncadd.s32 @!p1 $0xFFFFF800  }
0x6f: {  	[tilespmem:s26], [sflag:$0x4] =	stream.linear.gather [hbm4b:s15+s4], $0x80, $0x38;
	[tilespmem:$0xD200] =	vst v63  }
0x70: {  	_ =	swait.ge [sflag:s28], $0x80  }
0x71: {  	[sflag:s28] =	ssyncset.done $0x0  }
0x72: {  	[sflag:s28] =	ssyncadd.s32 $0xFFFFFF80  }
0x73: {  	[spmem:s1] =	stream.indirect.scatter.add.f32 [tilespmem:s19], [sflag:$0x6], $0x10, s22, s25, $0xb8;
	[tilespmem:$0xD200] =	vst v63  }
0x74: {  	_ =	swait.ge [sflag:s29], $0x800  }
0x75: {  	p1 =	por $0x0, $0x0;
	[sflag:s29] =	ssyncset.done $0x0  }
0x76: {  	s10 =	simm.s32 @p1 $0x3;
	[sflag:s29] =	ssyncadd.s32 $0xFFFFF800  }
0x77: {  	_ =	swait.ge @p1 [sflag:s10], $0x80  }
0x78: {  	s11 =	simm.s32 @p1 $0xCA00;
	s13 =	simm.s32 @p1 $0x6;
	[sflag:s10] =	ssyncset.done @p1 $0x0  }
0x79: {  	s14 =	simm.s32 @p1 $0xC900;
	[sflag:s10] =	ssyncadd.s32 @p1 $0xFFFFFF80;
	s10 =	simm.s32 @p1 $0x80  }
0x7a: {  	[spmem:s1] =	stream.indirect.scatter.add.f32 @p1 [tilespmem:s11], [sflag:$0x7], $0x10, s14, s10, $0xb8;
	[tilespmem:$0xD200] =	vst v63  }
0x7b: {  	s15 =	simm.s32 @!p1 $0xC800;
	_ =	swait.ge @p1 [sflag:s13], $0x800  }
0x7c: {  	s10 =	sadd.s32 @!p1 $0x0, s18;
	s14 =	simm.s32 @!p1 $0x3;
	[sflag:s13] =	ssyncset.done @p1 $0x0  }
0x7d: {  	s11 =	sadd.s32 @!p1 $0x40, s10;
	[sflag:s13] =	ssyncadd.s32 @p1 $0xFFFFF800;
	s13 =	simm.s32 @!p1 $0x0  }
0x7e: {  	[tilespmem:s15], [sflag:$0x1] =	stream.linear.gather @!p1 [hbm4b:s11+s13], $0x80, $0x38;
	[tilespmem:$0xD200] =	vst v63  }
0x7f: {  	_ =	swait.ge @!p1 [sflag:s14], $0x80  }
0x80: {  	s11 =	simm.s32 @!p1 $0xCA00;
	[sflag:s14] =	ssyncset.done @!p1 $0x0  }
0x81: {  	s15 =	simm.s32 @!p1 $0xC900;
	[sflag:s14] =	ssyncadd.s32 @!p1 $0xFFFFFF80;
	s14 =	simm.s32 @!p1 $0x80  }
0x82: {  	[spmem:s1] =	stream.indirect.scatter.add.f32 @!p1 [tilespmem:s11], [sflag:$0x7], $0x10, s15, s14, $0xb8;
	[tilespmem:$0xD200] =	vst v63  }
0x83: {  	s11 =	simm.s32 @!p1 $0x6  }
0x84: {  	_ =	swait.ge @!p1 [sflag:s11], $0x800  }
0x85: {  	[sflag:s11] =	ssyncset.done @!p1 $0x0  }
0x86: {  	s10 =	sadd.s32 @!p1 $0x50, s10;
	[sflag:s11] =	ssyncadd.s32 @!p1 $0xFFFFF800;
	s11 =	simm.s32 @!p1 $0xC880  }
0x87: {  	[tilespmem:s11], [sflag:$0x2] =	stream.linear.gather @!p1 [hbm4b:s10+s13], $0x80, $0x38;
	[tilespmem:$0xD200] =	vst v63  }
0x88: {  	p2 =	por $0x0, $0x0;
	_ =	swait.ge [sflag:s30], $0x80  }
0x89: {  	s10 =	simm.s32 $0x40;
	s11 =	simm.s32 $0x80;
	[sflag:s30] =	ssyncset.done $0x0  }
.LBB2_6:
0x8a: {  	s14 =	simm.s32 @!p2 $0x7  }
0x8b: {  	[sflag:s30] =	ssyncadd.s32 $0xFFFFFF80;
	s13 =	smov.u32 s11;
	s11 =	sadd.s32 $0x40, s11  }
0x8c: {  	[spmem:s1] =	stream.indirect.scatter.add.f32 [tilespmem:s19], [sflag:$0x8], $0x10, s26, s25, $0xb8;
	[tilespmem:$0xD200] =	vst v63  }
0x8d: {  	p1 =	sne.s32 s11, $0x18C0;
	_ =	swait.ge @!p2 [sflag:s14], $0x800  }
0x8e: {  	s15 =	sadd.s32 s10, s18;
	[sflag:s14] =	ssyncset.done @!p2 $0x0  }
0x8f: {  	[sflag:s14] =	ssyncadd.s32 @!p2 $0xFFFFF800;
	s14 =	sadd.s32 $0x20, s15  }
0x90: {  	[tilespmem:s23], [sflag:$0x3] =	stream.linear.gather [hbm4b:s14+s4], $0x80, $0x38;
	[tilespmem:$0xD200] =	vst v63  }
0x91: {  	_ =	swait.ge [sflag:s24], $0x80  }
0x92: {  	[sflag:s24] =	ssyncset.done $0x0  }
0x93: {  	s14 =	simm.s32 @!p2 $0x8;
	[sflag:s24] =	ssyncadd.s32 $0xFFFFFF80  }
0x94: {  	[spmem:s1] =	stream.indirect.scatter.add.f32 [tilespmem:s19], [sflag:$0x5], $0x10, s21, s25, $0xb8;
	[tilespmem:$0xD200] =	vst v63  }
0x95: {  	_ =	swait.ge @!p2 [sflag:s14], $0x800  }
0x96: {  	[sflag:s14] =	ssyncset.done @!p2 $0x0  }
0x97: {  	[sflag:s14] =	ssyncadd.s32 @!p2 $0xFFFFF800;
	s14 =	sadd.s32 $0x30, s15  }
0x98: {  	[tilespmem:s26], [sflag:$0x4] =	stream.linear.gather [hbm4b:s14+s4], $0x80, $0x38;
	[tilespmem:$0xD200] =	vst v63  }
0x99: {  	_ =	swait.ge [sflag:s28], $0x80  }
0x9a: {  	[sflag:s28] =	ssyncset.done $0x0  }
0x9b: {  	[sflag:s28] =	ssyncadd.s32 $0xFFFFFF80  }
0x9c: {  	[spmem:s1] =	stream.indirect.scatter.add.f32 [tilespmem:s19], [sflag:$0x6], $0x10, s22, s25, $0xb8;
	[tilespmem:$0xD200] =	vst v63  }
0x9d: {  	_ =	swait.ge [sflag:s29], $0x800  }
0x9e: {  	p2 =	seq.s32 s10, $0x1880;
	[sflag:s29] =	ssyncset.done $0x0  }
0x9f: {  	s14 =	simm.s32 @p2 $0x3;
	s10 =	sadd.s32 @!p2 s10, s18;
	[sflag:s29] =	ssyncadd.s32 $0xFFFFF800  }
0xa0: {  	s15 =	sadd.s32 @!p2 $0x40, s10;
	s7 =	sadd.s32 @!p2 $0x50, s10;
	_ =	swait.ge @p2 [sflag:s14], $0x80  }
0xa1: {  	s12 =	simm.s32 @p2 $0x6;
	s10 =	simm.s32 @p2 $0xCA00;
	[sflag:s14] =	ssyncset.done @p2 $0x0  }
0xa2: {  	s3 =	simm.s32 @p2 $0xC900;
	[sflag:s14] =	ssyncadd.s32 @p2 $0xFFFFFF80;
	s14 =	simm.s32 @p2 $0x80  }
0xa3: {  	[spmem:s1] =	stream.indirect.scatter.add.f32 @p2 [tilespmem:s10], [sflag:$0x7], $0x10, s3, s14, $0xb8;
	[tilespmem:$0xD200] =	vst v63  }
0xa4: {  	s10 =	smov.u32 s13;
	_ =	swait.ge @p2 [sflag:s12], $0x800  }
0xa5: {  	s3 =	simm.s32 @!p2 $0x3;
	[sflag:s12] =	ssyncset.done @p2 $0x0  }
0xa6: {  	s13 =	simm.s32 @!p2 $0xC800;
	[sflag:s12] =	ssyncadd.s32 @p2 $0xFFFFF800;
	s12 =	simm.s32 @!p2 $0x0  }
0xa7: {  	[tilespmem:s13], [sflag:$0x1] =	stream.linear.gather @!p2 [hbm4b:s15+s12], $0x80, $0x38;
	[tilespmem:$0xD200] =	vst v63  }
0xa8: {  	_ =	swait.ge @!p2 [sflag:s3], $0x80  }
0xa9: {  	s14 =	simm.s32 @!p2 $0x6;
	s13 =	simm.s32 @!p2 $0xCA00;
	[sflag:s3] =	ssyncset.done @!p2 $0x0  }
0xaa: {  	s15 =	simm.s32 @!p2 $0xC900;
	[sflag:s3] =	ssyncadd.s32 @!p2 $0xFFFFFF80;
	s3 =	simm.s32 @!p2 $0x80  }
0xab: {  	[spmem:s1] =	stream.indirect.scatter.add.f32 @!p2 [tilespmem:s13], [sflag:$0x7], $0x10, s15, s3, $0xb8;
	[tilespmem:$0xD200] =	vst v63  }
0xac: {  	_ =	swait.ge @!p2 [sflag:s14], $0x800  }
.Ltmp3:
0xad: {  	[sflag:s14] =	ssyncset.done @!p2 $0x0;
	(pc) =	sbr.rel @p1 .LBB2_6-.Ltmp3, $4  }
0xae: {  	s3 =	simm.s32 @!p2 $0xC880;
	[sflag:s14] =	ssyncadd.s32 @!p2 $0xFFFFF800  }
0xaf: {  	[tilespmem:s3], [sflag:$0x2] =	stream.linear.gather @!p2 [hbm4b:s7+s12], $0x80, $0x38;
	[tilespmem:$0xD200] =	vst v63  }
0xb0: {  	_ =	swait.ge [sflag:s30], $0x80  }
0xb1: {  	p2 =	seq.s32 s10, $0x0;
	[sflag:s30] =	ssyncset.done $0x0  }
.Ltmp4:
0xb2: {  	_ = 	snop;
	(pc) =	sbr.rel .LBB2_7-.Ltmp4, $1  }
0xb3: {  	_ =	sdelay $0x3  }
.LBB2_2:
0xb4: {  	s3 =	rddreg [dreg:$0x6]  }
0xb5: {  	s11 =	rddreg [dreg:$0x8];
	s9 =	sshrl.u32 s3, $0x3  }
0xb6: {  	[spmem:s9], [sflag:s8] =	dma.local [hbm:s11], $0x500  }
0xb7: {  	_ =	swait.ge [sflag:s20], $0x500  }
0xb8: {  	[sflag:s20] =	ssyncset.done $0x0  }
0xb9: {  	[sflag:s20] =	ssyncadd.s32 $0xFFFFFB00  }
0xba: {  	[bflag:$0x0] =	sbarrier.arrive $0xFFFF  }
0xbb: {  	s10 =	simm.s32 $0x0;
	p1 =	por $0x1, $0x1;
	s12 =	rddreg [dreg:$0x7]  }
0xbc: {  	[tilespmem:s21], [sflag:$0x1] =	stream.linear.gather [hbm4b:s12+s10], $0x80, $0x38;
	[tilespmem:$0xD200] =	vst v63  }
0xbd: {  	s3 =	simm.s32 @!p1 $0x7;
	s13 =	rddreg [dreg:$0x9]  }
0xbe: {  	[tilespmem:s22], [sflag:$0x2] =	stream.linear.gather [hbm4b:s13+s10], $0x80, $0x38;
	[tilespmem:$0xD200] =	vst v63  }
0xbf: {  	_ =	swait.ge @!p1 [sflag:s3], $0x800  }
0xc0: {  	s7 =	sadd.s32 $0x0, s17;
	[sflag:s3] =	ssyncset.done @!p1 $0x0  }
0xc1: {  	s14 =	sadd.s32 $0x20, s7;
	[sflag:s3] =	ssyncadd.s32 @!p1 $0xFFFFF800  }
0xc2: {  	[tilespmem:s23], [sflag:$0x3] =	stream.linear.gather [hbm4b:s14+s4], $0x80, $0x38;
	[tilespmem:$0xD200] =	vst v63  }
0xc3: {  	_ =	swait.ge [sflag:s24], $0x80  }
0xc4: {  	[sflag:s24] =	ssyncset.done $0x0  }
0xc5: {  	s3 =	simm.s32 @!p1 $0x8;
	[sflag:s24] =	ssyncadd.s32 $0xFFFFFF80  }
0xc6: {  	[spmem:s2] =	stream.indirect.scatter.add.f32 [tilespmem:s19], [sflag:$0x5], $0x10, s21, s25, $0xb8;
	[tilespmem:$0xD200] =	vst v63  }
0xc7: {  	_ =	swait.ge @!p1 [sflag:s3], $0x800  }
0xc8: {  	[sflag:s3] =	ssyncset.done @!p1 $0x0  }
0xc9: {  	s15 =	sadd.s32 $0x30, s7;
	[sflag:s3] =	ssyncadd.s32 @!p1 $0xFFFFF800  }
0xca: {  	[tilespmem:s26], [sflag:$0x4] =	stream.linear.gather [hbm4b:s15+s4], $0x80, $0x38;
	[tilespmem:$0xD200] =	vst v63  }
0xcb: {  	_ =	swait.ge [sflag:s28], $0x80  }
0xcc: {  	[sflag:s28] =	ssyncset.done $0x0  }
0xcd: {  	[sflag:s28] =	ssyncadd.s32 $0xFFFFFF80  }
0xce: {  	[spmem:s2] =	stream.indirect.scatter.add.f32 [tilespmem:s19], [sflag:$0x6], $0x10, s22, s25, $0xb8;
	[tilespmem:$0xD200] =	vst v63  }
0xcf: {  	_ =	swait.ge [sflag:s29], $0x800  }
0xd0: {  	p1 =	por $0x0, $0x0;
	[sflag:s29] =	ssyncset.done $0x0  }
0xd1: {  	s3 =	simm.s32 @p1 $0x3;
	[sflag:s29] =	ssyncadd.s32 $0xFFFFF800  }
0xd2: {  	_ =	swait.ge @p1 [sflag:s3], $0x80  }
0xd3: {  	s7 =	simm.s32 @p1 $0xCA00;
	s10 =	simm.s32 @p1 $0x6;
	[sflag:s3] =	ssyncset.done @p1 $0x0  }
0xd4: {  	s11 =	simm.s32 @p1 $0xC900;
	[sflag:s3] =	ssyncadd.s32 @p1 $0xFFFFFF80;
	s3 =	simm.s32 @p1 $0x80  }
0xd5: {  	[spmem:s2] =	stream.indirect.scatter.add.f32 @p1 [tilespmem:s7], [sflag:$0x7], $0x10, s11, s3, $0xb8;
	[tilespmem:$0xD200] =	vst v63  }
0xd6: {  	s12 =	simm.s32 @!p1 $0xC800;
	_ =	swait.ge @p1 [sflag:s10], $0x800  }
0xd7: {  	s3 =	sadd.s32 @!p1 $0x0, s17;
	s11 =	simm.s32 @!p1 $0x3;
	[sflag:s10] =	ssyncset.done @p1 $0x0  }
0xd8: {  	s7 =	sadd.s32 @!p1 $0x40, s3;
	[sflag:s10] =	ssyncadd.s32 @p1 $0xFFFFF800;
	s10 =	simm.s32 @!p1 $0x0  }
0xd9: {  	[tilespmem:s12], [sflag:$0x1] =	stream.linear.gather @!p1 [hbm4b:s7+s10], $0x80, $0x38;
	[tilespmem:$0xD200] =	vst v63  }
0xda: {  	_ =	swait.ge @!p1 [sflag:s11], $0x80  }
0xdb: {  	s13 =	simm.s32 @!p1 $0xC900;
	s7 =	simm.s32 @!p1 $0xCA00;
	[sflag:s11] =	ssyncset.done @!p1 $0x0  }
0xdc: {  	s12 =	simm.s32 @!p1 $0x6;
	[sflag:s11] =	ssyncadd.s32 @!p1 $0xFFFFFF80;
	s11 =	simm.s32 @!p1 $0x80  }
0xdd: {  	[spmem:s2] =	stream.indirect.scatter.add.f32 @!p1 [tilespmem:s7], [sflag:$0x7], $0x10, s13, s11, $0xb8;
	[tilespmem:$0xD200] =	vst v63  }
0xde: {  	_ =	swait.ge @!p1 [sflag:s12], $0x800  }
0xdf: {  	[sflag:s12] =	ssyncset.done @!p1 $0x0  }
0xe0: {  	s3 =	sadd.s32 @!p1 $0x50, s3;
	s7 =	simm.s32 @!p1 $0xC880;
	[sflag:s12] =	ssyncadd.s32 @!p1 $0xFFFFF800  }
0xe1: {  	[tilespmem:s7], [sflag:$0x2] =	stream.linear.gather @!p1 [hbm4b:s3+s10], $0x80, $0x38;
	[tilespmem:$0xD200] =	vst v63  }
0xe2: {  	p2 =	por $0x0, $0x0;
	_ =	swait.ge [sflag:s30], $0x80  }
0xe3: {  	s11 =	simm.s32 $0x80;
	s10 =	simm.s32 $0x40;
	[sflag:s30] =	ssyncset.done $0x0  }
.LBB2_3:
0xe4: {  	s3 =	simm.s32 @!p2 $0x7  }
0xe5: {  	[sflag:s30] =	ssyncadd.s32 $0xFFFFFF80;
	s13 =	smov.u32 s11;
	s11 =	sadd.s32 $0x40, s11  }
0xe6: {  	[spmem:s2] =	stream.indirect.scatter.add.f32 [tilespmem:s19], [sflag:$0x8], $0x10, s26, s25, $0xb8;
	[tilespmem:$0xD200] =	vst v63  }
0xe7: {  	p1 =	sne.s32 s11, $0x18C0;
	_ =	swait.ge @!p2 [sflag:s3], $0x800  }
0xe8: {  	s7 =	sadd.s32 s10, s17;
	[sflag:s3] =	ssyncset.done @!p2 $0x0  }
0xe9: {  	[sflag:s3] =	ssyncadd.s32 @!p2 $0xFFFFF800;
	s3 =	sadd.s32 $0x20, s7  }
0xea: {  	[tilespmem:s23], [sflag:$0x3] =	stream.linear.gather [hbm4b:s3+s4], $0x80, $0x38;
	[tilespmem:$0xD200] =	vst v63  }
0xeb: {  	_ =	swait.ge [sflag:s24], $0x80  }
0xec: {  	[sflag:s24] =	ssyncset.done $0x0  }
0xed: {  	s3 =	simm.s32 @!p2 $0x8;
	[sflag:s24] =	ssyncadd.s32 $0xFFFFFF80  }
0xee: {  	[spmem:s2] =	stream.indirect.scatter.add.f32 [tilespmem:s19], [sflag:$0x5], $0x10, s21, s25, $0xb8;
	[tilespmem:$0xD200] =	vst v63  }
0xef: {  	_ =	swait.ge @!p2 [sflag:s3], $0x800  }
0xf0: {  	[sflag:s3] =	ssyncset.done @!p2 $0x0  }
0xf1: {  	[sflag:s3] =	ssyncadd.s32 @!p2 $0xFFFFF800;
	s3 =	sadd.s32 $0x30, s7  }
0xf2: {  	[tilespmem:s26], [sflag:$0x4] =	stream.linear.gather [hbm4b:s3+s4], $0x80, $0x38;
	[tilespmem:$0xD200] =	vst v63  }
0xf3: {  	_ =	swait.ge [sflag:s28], $0x80  }
0xf4: {  	[sflag:s28] =	ssyncset.done $0x0  }
0xf5: {  	[sflag:s28] =	ssyncadd.s32 $0xFFFFFF80  }
0xf6: {  	[spmem:s2] =	stream.indirect.scatter.add.f32 [tilespmem:s19], [sflag:$0x6], $0x10, s22, s25, $0xb8;
	[tilespmem:$0xD200] =	vst v63  }
0xf7: {  	_ =	swait.ge [sflag:s29], $0x800  }
0xf8: {  	p2 =	seq.s32 s10, $0x1880;
	[sflag:s29] =	ssyncset.done $0x0  }
0xf9: {  	s3 =	simm.s32 @p2 $0x3;
	s7 =	sadd.s32 @!p2 s10, s17;
	[sflag:s29] =	ssyncadd.s32 $0xFFFFF800  }
0xfa: {  	s12 =	sadd.s32 @!p2 $0x40, s7;
	s7 =	sadd.s32 @!p2 $0x50, s7;
	_ =	swait.ge @p2 [sflag:s3], $0x80  }
0xfb: {  	s10 =	simm.s32 @p2 $0xCA00;
	s14 =	simm.s32 @p2 $0x6;
	[sflag:s3] =	ssyncset.done @p2 $0x0  }
0xfc: {  	s15 =	simm.s32 @p2 $0xC900;
	[sflag:s3] =	ssyncadd.s32 @p2 $0xFFFFFF80;
	s3 =	simm.s32 @p2 $0x80  }
0xfd: {  	[spmem:s2] =	stream.indirect.scatter.add.f32 @p2 [tilespmem:s10], [sflag:$0x7], $0x10, s15, s3, $0xb8;
	[tilespmem:$0xD200] =	vst v63  }
0xfe: {  	s10 =	smov.u32 s13;
	_ =	swait.ge @p2 [sflag:s14], $0x800  }
0xff: {  	s3 =	simm.s32 @!p2 $0x3;
	[sflag:s14] =	ssyncset.done @p2 $0x0  }
0x100: {  	s13 =	simm.s32 @!p2 $0x0;
	[sflag:s14] =	ssyncadd.s32 @p2 $0xFFFFF800;
	s14 =	simm.s32 @!p2 $0xC800  }
0x101: {  	[tilespmem:s14], [sflag:$0x1] =	stream.linear.gather @!p2 [hbm4b:s12+s13], $0x80, $0x38;
	[tilespmem:$0xD200] =	vst v63  }
0x102: {  	_ =	swait.ge @!p2 [sflag:s3], $0x80  }
0x103: {  	s12 =	simm.s32 @!p2 $0xCA00;
	s14 =	simm.s32 @!p2 $0x6;
	[sflag:s3] =	ssyncset.done @!p2 $0x0  }
0x104: {  	s15 =	simm.s32 @!p2 $0xC900;
	[sflag:s3] =	ssyncadd.s32 @!p2 $0xFFFFFF80;
	s3 =	simm.s32 @!p2 $0x80  }
0x105: {  	[spmem:s2] =	stream.indirect.scatter.add.f32 @!p2 [tilespmem:s12], [sflag:$0x7], $0x10, s15, s3, $0xb8;
	[tilespmem:$0xD200] =	vst v63  }
0x106: {  	_ =	swait.ge @!p2 [sflag:s14], $0x800  }
.Ltmp5:
0x107: {  	[sflag:s14] =	ssyncset.done @!p2 $0x0;
	(pc) =	sbr.rel @p1 .LBB2_3-.Ltmp5, $4  }
0x108: {  	s3 =	simm.s32 @!p2 $0xC880;
	[sflag:s14] =	ssyncadd.s32 @!p2 $0xFFFFF800  }
0x109: {  	[tilespmem:s3], [sflag:$0x2] =	stream.linear.gather @!p2 [hbm4b:s7+s13], $0x80, $0x38;
	[tilespmem:$0xD200] =	vst v63  }
0x10a: {  	_ =	swait.ge [sflag:s30], $0x80  }
0x10b: {  	p2 =	seq.s32 s10, $0x0;
	[sflag:s30] =	ssyncset.done $0x0  }
0x10c: {  	s3 =	simm.s32 @!p2 $0x7;
	[sflag:s30] =	ssyncadd.s32 $0xFFFFFF80  }
0x10d: {  	[spmem:s2] =	stream.indirect.scatter.add.f32 [tilespmem:s19], [sflag:$0x8], $0x10, s26, s25, $0xb8;
	[tilespmem:$0xD200] =	vst v63  }
0x10e: {  	_ =	swait.ge @!p2 [sflag:s3], $0x800  }
0x10f: {  	s7 =	sadd.s32 s10, s17;
	[sflag:s3] =	ssyncset.done @!p2 $0x0  }
0x110: {  	s13 =	sadd.s32 $0x20, s7;
	[sflag:s3] =	ssyncadd.s32 @!p2 $0xFFFFF800  }
0x111: {  	[tilespmem:s23], [sflag:$0x3] =	stream.linear.gather [hbm4b:s13+s4], $0x80, $0x38;
	[tilespmem:$0xD200] =	vst v63  }
0x112: {  	_ =	swait.ge [sflag:s24], $0x80  }
0x113: {  	[sflag:s24] =	ssyncset.done $0x0  }
0x114: {  	s3 =	simm.s32 @!p2 $0x8;
	[sflag:s24] =	ssyncadd.s32 $0xFFFFFF80  }
0x115: {  	[spmem:s2] =	stream.indirect.scatter.add.f32 [tilespmem:s19], [sflag:$0x5], $0x10, s21, s25, $0xb8;
	[tilespmem:$0xD200] =	vst v63  }
0x116: {  	_ =	swait.ge @!p2 [sflag:s3], $0x800  }
0x117: {  	[sflag:s3] =	ssyncset.done @!p2 $0x0  }
0x118: {  	s14 =	sadd.s32 $0x30, s7;
	[sflag:s3] =	ssyncadd.s32 @!p2 $0xFFFFF800  }
0x119: {  	[tilespmem:s26], [sflag:$0x4] =	stream.linear.gather [hbm4b:s14+s4], $0x80, $0x38;
	[tilespmem:$0xD200] =	vst v63  }
0x11a: {  	_ =	swait.ge [sflag:s28], $0x80  }
0x11b: {  	[sflag:s28] =	ssyncset.done $0x0  }
0x11c: {  	[sflag:s28] =	ssyncadd.s32 $0xFFFFFF80  }
0x11d: {  	[spmem:s2] =	stream.indirect.scatter.add.f32 [tilespmem:s19], [sflag:$0x6], $0x10, s22, s25, $0xb8;
	[tilespmem:$0xD200] =	vst v63  }
0x11e: {  	_ =	swait.ge [sflag:s29], $0x800  }
0x11f: {  	p1 =	seq.s32 s10, $0x1880;
	[sflag:s29] =	ssyncset.done $0x0  }
0x120: {  	s3 =	simm.s32 @p1 $0x3;
	[sflag:s29] =	ssyncadd.s32 $0xFFFFF800  }
0x121: {  	_ =	swait.ge @p1 [sflag:s3], $0x80  }
0x122: {  	s7 =	simm.s32 @p1 $0xCA00;
	s11 =	simm.s32 @p1 $0x6;
	[sflag:s3] =	ssyncset.done @p1 $0x0  }
0x123: {  	s12 =	simm.s32 @p1 $0xC900;
	[sflag:s3] =	ssyncadd.s32 @p1 $0xFFFFFF80;
	s3 =	simm.s32 @p1 $0x80  }
0x124: {  	[spmem:s2] =	stream.indirect.scatter.add.f32 @p1 [tilespmem:s7], [sflag:$0x7], $0x10, s12, s3, $0xb8;
	[tilespmem:$0xD200] =	vst v63  }
0x125: {  	s3 =	sadd.s32 @!p1 s10, s17;
	_ =	swait.ge @p1 [sflag:s11], $0x800  }
0x126: {  	s10 =	simm.s32 @!p1 $0x3;
	s12 =	simm.s32 @!p1 $0xC800;
	[sflag:s11] =	ssyncset.done @p1 $0x0  }
0x127: {  	s7 =	sadd.s32 @!p1 $0x40, s3;
	[sflag:s11] =	ssyncadd.s32 @p1 $0xFFFFF800;
	s11 =	simm.s32 @!p1 $0x0  }
0x128: {  	[tilespmem:s12], [sflag:$0x1] =	stream.linear.gather @!p1 [hbm4b:s7+s11], $0x80, $0x38;
	[tilespmem:$0xD200] =	vst v63  }
0x129: {  	_ =	swait.ge @!p1 [sflag:s10], $0x80  }
0x12a: {  	s13 =	simm.s32 @!p1 $0xC900;
	s7 =	simm.s32 @!p1 $0xCA00;
	[sflag:s10] =	ssyncset.done @!p1 $0x0  }
0x12b: {  	s12 =	simm.s32 @!p1 $0x6;
	[sflag:s10] =	ssyncadd.s32 @!p1 $0xFFFFFF80;
	s10 =	simm.s32 @!p1 $0x80  }
0x12c: {  	[spmem:s2] =	stream.indirect.scatter.add.f32 @!p1 [tilespmem:s7], [sflag:$0x7], $0x10, s13, s10, $0xb8;
	[tilespmem:$0xD200] =	vst v63  }
0x12d: {  	_ =	swait.ge @!p1 [sflag:s12], $0x800  }
0x12e: {  	[sflag:s12] =	ssyncset.done @!p1 $0x0  }
0x12f: {  	s3 =	sadd.s32 @!p1 $0x50, s3;
	s7 =	simm.s32 @!p1 $0xC880;
	[sflag:s12] =	ssyncadd.s32 @!p1 $0xFFFFF800  }
0x130: {  	[tilespmem:s7], [sflag:$0x2] =	stream.linear.gather @!p1 [hbm4b:s3+s11], $0x80, $0x38;
	[tilespmem:$0xD200] =	vst v63  }
0x131: {  	_ =	swait.ge [sflag:s30], $0x80  }
0x132: {  	[sflag:s30] =	ssyncset.done $0x0  }
0x133: {  	[sflag:s30] =	ssyncadd.s32 $0xFFFFFF80  }
0x134: {  	[spmem:s2] =	stream.indirect.scatter.add.f32 [tilespmem:s19], [sflag:$0x8], $0x10, s26, s25, $0xb8;
	[tilespmem:$0xD200] =	vst v63  }
0x135: {  	_ =	swait.ge [sflag:s31], $0x800  }
0x136: {  	[sflag:s31] =	ssyncset.done $0x0  }
0x137: {  	[sflag:s31] =	ssyncadd.s32 $0xFFFFF800  }
0x138: {  	_ =	swait.ge [sflag:s0], $0x800  }
0x139: {  	[sflag:s0] =	ssyncset.done $0x0  }
0x13a: {  	[sflag:s0] =	ssyncadd.s32 $0xFFFFF800  }
0x13b: {  	[bflag:$0x0] =	sbarrier.arrive $0xFFFF  }
.Ltmp6:
0x13c: {  	s15 =	rddreg [dreg:$0xa];
	(pc) =	sbr.rel .LBB2_8-.Ltmp6, $4  }
0x13d: {  	[hbm:s15], [sflag:s8] =	dma.local [spmem:s9], $0x500  }
0x13e: {  	_ =	swait.ge [sflag:s20], $0x500  }
0x13f: {  	[sflag:s20] =	ssyncset.done $0x0  }
0x140: {  	[sflag:s20] =	ssyncadd.s32 $0xFFFFFB00  }
.LBB2_9:
0x141: {  	_ =	sfence.sel $0x180000  }
0x142: {  	[bflag:$0x0] =	sbarrier.arrive $0xFFFF  }
0x143: {  	_ =	strace $0x90000047  }
0x144: {  	s0 =	stileid.u32;
	[bflag:$0x2] =	sbarrier.arrive $0xFFFF  }
0x145: {  	p0 =	sne.s32 s0, $0x0;
	s0 =	rddreg [dreg:$0x5]  }
0x146: {  	s0 =	sadd.s32 @!p0 $0x100000, s0  }
0x147: {  	[sflag:s0] =	ssyncadd.tile.s32 @!p0 $0x1;
	_ =	shalt  }
.Lfunc_end2:
_tile_overlayer_lowered:
.L_overlay_start_2:
0x148: {  	(tag) =	ssettag $0x2  }
0x149: {  	s0 =	rddreg [dreg:$0x0];
	s2 =	stileid.u32  }
0x14a: {  	s1 =	rddreg [dreg:$0x1];
	p0 =	sne.s32 s2, $0x0  }
0x14b: {  	s3 =	rddreg [dreg:$0x2];
	[bflag:$0x3] =	sbarrier.arrive $0xFFFF;
	s2 =	simm.s32 @!p0 $0x1C09  }
0x14c: {  	[timem:s3], [sflag:s2] =	dma.local @!p0 [hbm:s0], s1  }
0x14d: {  	s0 =	simm.s32 @!p0 $0x9  }
0x14e: {  	_ =	swait.ge @!p0 [sflag:s0], s1  }
0x14f: {  	s1 =	ssub.s32 @!p0 $0x0, s1;
	[sflag:s0] =	ssyncset.done @!p0 $0x0  }
0x150: {  	[sflag:s0] =	ssyncadd.s32 @!p0 s1  }
0x151: {  	[bflag:$0x3] =	sbarrier.arrive $0xFFFF  }
0x152: {  	_ =	shalt  }

// kernel: kernel.14.cloned.1.call-start
scs
__scs_entry_jumppad:
0x0: {  	(pc) =	sbr.rel $0x88, $3  }
0x1: {  	(tag) =	ssettag $0x0;
	lr =	simm.s32 $0x1  }
0x2: {  	[smem:$0x3F9D] =	sst lr;
	_ =	strace $0xD0000000  }
0x3: {  	_ = 	snop  }
0x4: {  	_ = 	snop  }
0x5: {  	_ = 	snop  }
0x6: {  	_ = 	snop  }
0x7: {  	_ = 	snop  }
__scs_overlays_trampoline_lowered:
0x8: {  	[smem:$0x3FAC] =	sst s0  }
0x9: {  	[smem:$0x3FAD] =	sst s1  }
0xa: {  	[smem:$0x3FAE] =	sst s2  }
0xb: {  	[smem:$0x3FAF] =	sst s3  }
0xc: {  	[smem:$0x3FB0] =	sst s4  }
0xd: {  	[smem:$0x3FB1] =	sst s5  }
0xe: {  	[smem:$0x3FB2] =	sst s6  }
0xf: {  	[smem:$0x3FB3] =	sst s7  }
0x10: {  	[smem:$0x3FB4] =	sst s8  }
0x11: {  	[smem:$0x3FB5] =	sst s9;
	s0 =	simm.s32 @!p0 $0x0  }
0x12: {  	s1 =	sld [smem:$0x3F9B];
	s0 =	simm.s32 @p0 $0x1  }
0x13: {  	[smem:$0x3FB6] =	sst s0;
	s0 =	simm.s32 @!p1 $0x0  }
0x14: {  	s2 =	sld [smem:$0x3F9A];
	s0 =	simm.s32 @p1 $0x1  }
0x15: {  	[smem:$0x3FB7] =	sst s0;
	s0 =	simm.s32 @!p2 $0x0  }
0x16: {  	s3 =	sld [smem:$0x3FDB];
	s0 =	simm.s32 @p2 $0x1  }
0x17: {  	s4 =	simm.s32 $0x1BF5;
	[smem:$0x3FB9] =	sst s0  }
0x18: {  	s0 =	sld [smem:$0x3F9C];
	_ =	swait.ge [sflag:s4], $0x0  }
0x19: {  	s7 =	sld [smem:$0x3F9D]  }
0x1a: {  	s8 =	sadd.s32 $0xFFFFE003, lr  }
0x1b: {  	s9 =	sadd.s32 $0xFFFFFEF7, lr;
	s5 =	simm.s32 $0xFFFFFFFF;
	p2 =	slt.u32 s8, $0xFFFFF086  }
0x1c: {  	p1 =	slt.u32 s9, $0xF7A;
	s5 =	simm.s32 @!p2 $0x0  }
0x1d: {  	s5 =	simm.s32 @p1 $0x1;
	p0 =	seq.s32 s7, s2  }
0x1e: {  	s7 =	smul.u32 @!p0 $0xF7A, s2;
	p2 =	seq.s32 @!p0 s5, $0x0  }
0x1f: {  	s9 =	smul.u32 $0xF7A, s1;
	s8 =	simm.s32 @!p0 $0x1BF5;
	p2 =	por !p2, p0  }
0x20: {  	[sflag:s8] =	ssyncset.s32 @!p0 $0xFFFFF086;
	s6 =	sadd.s32 @!p0 s3, s7;
	s7 =	simm.s32 @!p0 $0x108  }
0x21: {  	s3 =	sadd.s32 s3, s9;
	s6 =	sadd.s32 @!p0 $0x88, s6;
	s7 =	simm.s32 @p2 $0x1082  }
0x22: {  	[simem:s7], [sflag:s8] =	dma.local @!p0 [hbm:s6], $0xF7A  }
0x23: {  	s9 =	sor.u32 $0xD0000000, s2;
	s6 =	simm.s32 $0x108;
	_ =	swait.ge @!p0 [sflag:s8], $0x0  }
0x24: {  	s3 =	sadd.s32 $0x88, s3;
	s6 =	simm.s32 @!p1 $0x1082;
	[sflag:s4] =	ssyncset.s32 $0xFFFFF086  }
0x25: {  	[simem:s6], [sflag:s4] =	dma.local [hbm:s3], $0xF7A  }
0x26: {  	[smem:$0x3F9D] =	sst s1;
	(tag) =	ssettag s2;
	_ =	strace s9  }
0x27: {  	s1 =	sld [smem:$0x3FAD]  }
0x28: {  	s2 =	sld [smem:$0x3FAE]  }
0x29: {  	s4 =	sld [smem:$0x3FB0]  }
0x2a: {  	p0 =	seq.s32 s5, $0x0;
	s5 =	sld [smem:$0x3FB1]  }
0x2b: {  	s6 =	sld [smem:$0x3FB2]  }
0x2c: {  	s7 =	sld [smem:$0x3FB3]  }
0x2d: {  	s3 =	simm.s32 $0x108;
	s8 =	sld [smem:$0x3FB4]  }
0x2e: {  	s3 =	simm.s32 @!p0 $0x1082;
	s9 =	sld [smem:$0x3FB5]  }
0x2f: {  	lr =	sadd.s32 s0, s3;
	s0 =	sld [smem:$0x3FAC]  }
0x30: {  	s3 =	sld [smem:$0x3FAF]  }
0x31: {  	[smem:$0x3FB8] =	sst s10  }
0x32: {  	s10 =	sld [smem:$0x3FB6];
	_ =	sdelay $0x3  }
0x33: {  	p0 =	seq.s32 s10, $0x1;
	s10 =	sld [smem:$0x3FB8];
	_ =	sdelay $0x3  }
0x34: {  	[smem:$0x3FB8] =	sst s10  }
0x35: {  	s10 =	sld [smem:$0x3FB7];
	_ =	sdelay $0x3  }
0x36: {  	p1 =	seq.s32 s10, $0x1;
	s10 =	sld [smem:$0x3FB8];
	_ =	sdelay $0x3  }
0x37: {  	[smem:$0x3FB8] =	sst s10  }
0x38: {  	s10 =	sld [smem:$0x3FB9]  }
0x39: {  	_ = 	snop;
	(pc) =	sbr.ind lr, $3  }
0x3a: {  	_ = 	snop  }
0x3b: {  	_ = 	snop  }
0x3c: {  	p2 =	seq.s32 s10, $0x1;
	s10 =	sld [smem:$0x3FB8]  }
0x3d: {  	_ =	shalt  }
0x3e: {  	_ =	shalt  }
0x3f: {  	_ =	shalt  }
0x40: {  	_ =	shalt  }
0x41: {  	_ =	shalt  }
0x42: {  	_ =	shalt  }
0x43: {  	_ =	shalt  }
0x44: {  	_ =	shalt  }
0x45: {  	_ =	shalt  }
0x46: {  	_ =	shalt  }
0x47: {  	_ =	shalt  }
0x48: {  	_ =	shalt  }
0x49: {  	_ =	shalt  }
0x4a: {  	_ =	shalt  }
0x4b: {  	_ =	shalt  }
0x4c: {  	_ =	shalt  }
0x4d: {  	_ =	shalt  }
0x4e: {  	_ =	shalt  }
0x4f: {  	_ =	shalt  }
0x50: {  	_ =	shalt  }
0x51: {  	_ =	shalt  }
0x52: {  	_ =	shalt  }
0x53: {  	_ =	shalt  }
0x54: {  	_ =	shalt  }
0x55: {  	_ =	shalt  }
0x56: {  	_ =	shalt  }
0x57: {  	_ =	shalt  }
0x58: {  	_ =	shalt  }
0x59: {  	_ =	shalt  }
0x5a: {  	_ =	shalt  }
0x5b: {  	_ =	shalt  }
0x5c: {  	_ =	shalt  }
0x5d: {  	_ =	shalt  }
0x5e: {  	_ =	shalt  }
0x5f: {  	_ =	shalt  }
0x60: {  	_ =	shalt  }
0x61: {  	_ =	shalt  }
0x62: {  	_ =	shalt  }
0x63: {  	_ =	shalt  }
0x64: {  	_ =	shalt  }
0x65: {  	_ =	shalt  }
0x66: {  	_ =	shalt  }
0x67: {  	_ =	shalt  }
0x68: {  	_ =	shalt  }
0x69: {  	_ =	shalt  }
0x6a: {  	_ =	shalt  }
0x6b: {  	_ =	shalt  }
0x6c: {  	_ =	shalt  }
0x6d: {  	_ =	shalt  }
0x6e: {  	_ =	shalt  }
0x6f: {  	_ =	shalt  }
0x70: {  	_ =	shalt  }
0x71: {  	_ =	shalt  }
0x72: {  	_ =	shalt  }
0x73: {  	_ =	shalt  }
0x74: {  	_ =	shalt  }
0x75: {  	_ =	shalt  }
0x76: {  	_ =	shalt  }
0x77: {  	_ =	shalt  }
0x78: {  	_ =	shalt  }
0x79: {  	_ =	shalt  }
0x7a: {  	_ =	shalt  }
0x7b: {  	_ =	shalt  }
0x7c: {  	_ =	shalt  }
0x7d: {  	_ =	shalt  }
0x7e: {  	_ =	shalt  }
0x7f: {  	_ =	shalt  }
0x80: {  	_ =	shalt  }
0x81: {  	_ =	shalt  }
0x82: {  	_ =	shalt  }
0x83: {  	_ =	shalt  }
0x84: {  	_ =	shalt  }
0x85: {  	_ =	shalt  }
0x86: {  	_ =	shalt  }
0x87: {  	_ =	shalt  }
.Lfunc_end0:
.L_simem_size_0:
called_computation.1_lowered:
.L_overlay_start_0:
0x88: {  	s2 =	sld [smem:$0x3FD9]  }
0x89: {  	s3 =	sld [smem:$0x3FFE];
	_ =	sdelay $0x1  }
0x8a: {  	s1 =	srdreg.scid  }
0x8b: {  	s0 =	sand.u32 $0x1, s1  }
0x8c: {  	s14 =	sshll.u32 s0, $0xA;
	s2 =	sadd.s32 s3, s2  }
0x8d: {  	s2 =	sadd.s32 s2, s14  }
0x8e: {  	[smem:$0x3FC4] =	sst s2  }
0x8f: {  	_ = 	snop  }
0x90: {  	s2 =	sld [smem:$0x3FD0];
	_ =	sdelay $0x2  }
0x91: {  	s15 =	simm.s32 $0xA;
	s4 =	simm.s32 $0x10  }
0x92: {  	[smem:s4], [sflag:s15] =	dma.local [hbm:s2], $0x1  }
0x93: {  	_ =	swait.eq [sflag:s15], $0x1  }
0x94: {  	[sflag:s15] =	ssyncset.done $0x0  }
0x95: {  	s16 =	sld [smem:$0x10];
	[sflag:s15] =	ssyncadd.s32 $0xFFFFFFFF  }
0x96: {  	s17 =	sld [smem:$0x11];
	(tm) =	ssettm $0x1  }
0x97: {  	s18 =	sld [smem:$0x3FFB];
	_ =	sdelay $0x3  }
0x98: {  	_ =	strace s18  }
0x99: {  	s4 =	sld [smem:$0x3FFC];
	_ =	sdelay $0x3  }
0x9a: {  	_ =	strace s4  }
0x9b: {  	s4 =	sld [smem:$0x3FFD];
	_ =	sdelay $0x3  }
0x9c: {  	_ =	strace s4  }
0x9d: {  	_ =	strace $0x8FFFFFFF  }
0x9e: {  	s19 =	sld [smem:$0x3FDB];
	_ =	sdelay $0x1  }
0x9f: {  	s5 =	simm.s32 $_scs_section_size  }
0xa0: {  	s6 =	simm.s32 $_size__tile_overlayer_lowered;
	s7 =	simm.s32 $_tile_overlayer_lowered  }
0xa1: {  	s22 =	simm.s32 $0x1BFF;
	s21 =	sshll.u32 s7, $0x1;
	s4 =	sadd.s32 s5, s19  }
0xa2: {  	s8 =	simm.s32 $0x0;
	s20 =	sshll.u32 s6, $0x1;
	s6 =	sadd.s32 s21, s4  }
0xa3: {  	[timem:s8], [sflag:s22] =	dma.local [hbm:s6], s20  }
0xa4: {  	_ =	swait.ge [sflag:s22], s20  }
0xa5: {  	s5 =	ssub.s32 $0x0, s20;
	[sflag:s22] =	ssyncset.done $0x0  }
0xa6: {  	[sflag:s22] =	ssyncadd.s32 s5;
	_ =	sdelay $0x1  }
0xa7: {  	s23 =	simm.s32 $0x1B8B  }
0xa8: {  	_ =	swait.ge [sflag:s23], $0x1  }
0xa9: {  	[sflag:s23] =	ssyncset.done $0x0  }
0xaa: {  	s25 =	simm.s32 $0x1B8E;
	s24 =	sld [smem:$0x3FFE];
	[sflag:s23] =	ssyncadd.s32 $0xFFFFFFFF  }
0xab: {  	s26 =	simm.s32 $execute0_lowered;
	[smem:$0x3FD2] =	sst s25  }
0xac: {  	s6 =	sshll.u32 s26, $0x1;
	_ =	strace $0x80000049;
	[dreg:$0x1] =	wrdreg $0xFFFFFFFF  }
0xad: {  	s28 =	simm.s32 $_size_execute0_lowered;
	s4 =	sadd.s32 s4, s6;
	[dreg:$0x0] =	wrdreg $0x0  }
0xae: {  	s6 =	sshll.u32 s28, $0x1;
	[dreg:$0x2] =	wrdreg s4  }
0xaf: {  	[dreg:$0x3] =	wrdreg s6  }
0xb0: {  	[dreg:$0x4] =	wrdreg $0xC0  }
0xb1: {  	_ =	task [dreg:s8], $0x5FFFF  }
0xb2: {  	[dreg:$0x1] =	wrdreg $0xFFFFFFFF  }
0xb3: {  	[dreg:$0x0] =	wrdreg $0x60  }
0xb4: {  	[dreg:$0x2] =	wrdreg s24  }
0xb5: {  	[dreg:$0x3] =	wrdreg s16  }
0xb6: {  	[dreg:$0x4] =	wrdreg s17  }
0xb7: {  	[dreg:$0x5] =	wrdreg $0x0  }
0xb8: {  	[dreg:$0x6] =	wrdreg $0x140000  }
0xb9: {  	[dreg:$0x7] =	wrdreg $0x9  }
0xba: {  	_ =	task.clear_ibuf [dreg:s8], $0x8FFFF;
	_ =	strace $0x90000049  }
0xbb: {  	s29 =	simm.s32 $0x9;
	_ =	strace $0x8000004B  }
0xbc: {  	_ =	swait.ge [sflag:s29], $0x1  }
0xbd: {  	[sflag:s29] =	ssyncadd.s32 $0xFFFFFFFF  }
0xbe: {  	_ =	strace $0x9000004B  }
0xbf: {  	_ =	sfence  }
0xc0: {  	s30 =	sld [smem:$0x0];
	_ =	sdelay $0x2  }
0xc1: {  	s31 =	sshll.u32 s1, $0xD;
	s1 =	sshrl.u32 s1, $0x2  }
0xc2: {  	s3 =	sand.u32 $0x4000, s31;
	s1 =	sadd.s32 s1, s30  }
0xc3: {  	s0 =	sor.u32 s3, s0;
	s1 =	sshll.u32 s1, $0x11  }
0xc4: {  	s0 =	sor.u32 s1, s0  }
0xc5: {  	s0 =	sadd.s32 $0x8F2B, s0  }
0xc6: {  	[sflag:s0] =	ssyncadd.remote.s32 $0x1  }
0xc7: {  	_ =	sfence.sel $0xFFFF  }
0xc8: {  	[dreg:$0x0] =	wrdreg $0xFFFFFFFF;
	(pc) =	sbr.abs _section_cstart, $3  }
0xc9: {  	[dreg:$0x1] =	wrdreg $0xFFFFFFFF  }
0xca: {  	_ =	task.clear_ibuf [dreg:s8], $0x2FFFF;
	_ =	strace $0x9FFFFFFF  }
0xcb: {  	(tm) =	ssettm $0x7FFFFFFF  }
tec
execute0_lowered:
.L_overlay_start_1:
0x0: {  	(tag) =	ssettag $0x1  }
0x1: {  	s0 =	rddreg [dreg:$0x0]  }
0x2: {  	s3 =	rddreg [dreg:$0x1]  }
0x3: {  	s7 =	rddreg [dreg:$0x2];
	s17 =	stileid.u32  }
0x4: {  	s1 =	rddreg [dreg:$0x3];
	s5 =	smul.u32 $0xA00, s17  }
0x5: {  	s2 =	rddreg [dreg:$0x4];
	s12 =	smul.u32 $0x280, s17  }
0x6: {  	s4 =	srdreg.scid;
	s30 =	simm.s32 $0x1B200;
	s14 =	smul.u32 $0x14000, s17  }
0x7: {  	s31 =	simm.s32 $0x1B280;
	s28 =	simm.s32 $0x4;
	s25 =	smul.u32 $0x5000, s17  }
0x8: {  	s8 =	sand.u32 $0x1, s4;
	s4 =	simm.s32 $0x0;
	s16 =	smul.u32 $0xC600, s17  }
0x9: {  	s9 =	sadd.s32 $0x1C200, s0;
	s10 =	sadd.s32 $0x3600, s0;
	s21 =	smul.u32 $0x18C0, s17  }
0xa: {  	s6 =	sadd.s32 $0x34E00, s0;
	s15 =	sshll.u32 s17, $0x6;
	s22 =	smul.u32 $0xA000, s8  }
0xb: {  	s17 =	simm.s32 $0x1E600;
	[smem:$0x7FF] =	sst s4;
	s23 =	smul.u32 $0x2800, s8  }
0xc: {  	s8 =	ssub.s32 $0x2, s8;
	s26 =	sor.u32 $0x1C0D, s15;
	_ =	strace $0x8000004A  }
0xd: {  	s13 =	sshrl.u32 s8, $0x1;
	s29 =	sshrl.u32 s14, $0x3;
	s14 =	sadd.s32 s14, s1  }
0xe: {  	s15 =	sshrl.u32 s16, $0x3;
	[dreg:$0x8] =	wrdreg s26;
	s11 =	sadd.s32 s5, s22  }
0xf: {  	s5 =	sadd.s32 $0xEA400, s0;
	s12 =	sadd.s32 s12, s23;
	s8 =	ssub.s32 s8, s13  }
0x10: {  	[dreg:$0x6] =	wrdreg s14;
	s3 =	sadd.s32 s3, s29;
	s13 =	sadd.s32 s25, s2  }
0x11: {  	s14 =	sshrl.u32 s25, $0x3;
	s16 =	sadd.s32 s9, s15;
	s18 =	sor.u32 $0x10, s15  }
0x12: {  	s19 =	sadd.s32 s10, s15;
	s29 =	sadd.s32 s21, s10;
	[dreg:$0x7] =	wrdreg s3  }
0x13: {  	s15 =	simm.s32 $0x1D600;
	s11 =	sshll.u32 s11, $0x2;
	[dreg:$0x9] =	wrdreg s13  }
0x14: {  	s12 =	sshll.u32 s12, $0x2;
	s3 =	sadd.s32 s7, s14;
	[dreg:$0xb] =	wrdreg s16  }
0x15: {  	[dreg:$0xc] =	wrdreg s19;
	s20 =	sadd.s32 s9, s18;
	s25 =	smax.u32 s8, $0x1  }
0x16: {  	[dreg:$0x12] =	wrdreg s29;
	s8 =	simm.s32 $0x1C400;
	s13 =	simm.s32 $0x1D480  }
0x17: {  	s7 =	simm.s32 $0xA;
	s14 =	simm.s32 $0x7;
	s16 =	simm.s32 $0x8  }
0x18: {  	s19 =	simm.s32 $0x0;
	s11 =	sadd.s32 s11, s0;
	[dreg:$0xa] =	wrdreg s3  }
0x19: {  	s0 =	sadd.s32 s12, s0;
	[dreg:$0xd] =	wrdreg s20;
	s3 =	sadd.s32 s10, s18  }
0x1a: {  	[dreg:$0x11] =	wrdreg s25;
	s20 =	sadd.s32 s21, s9;
	s21 =	simm.s32 $0xD  }
.Ltmp0:
0x1b: {  	s10 =	simm.s32 $0x1;
	s12 =	simm.s32 $0x1D400;
	(pc) =	sbr.rel .LBB2_1-.Ltmp0, $4  }
0x1c: {  	s18 =	simm.s32 $0x5;
	s9 =	simm.s32 $0x6;
	s25 =	simm.s32 $0x3  }
0x1d: {  	[dreg:$0xe] =	wrdreg s3;
	s24 =	sadd.s32 $0x13A400, s11;
	s0 =	sadd.s32 $0x18A400, s0  }
0x1e: {  	s3 =	simm.s32 $0x1B400;
	s11 =	simm.s32 $0x2;
	[dreg:$0xf] =	wrdreg s24  }
0x1f: {  	v0 =	vmov s22;
	v1 =	vmov s23;
	[dreg:$0x10] =	wrdreg s0;
	s24 =	simm.s32 $0x80;
	s0 =	simm.s32 $0x9  }
.LBB2_6:
0x20: {  	s19 =	simm.s32 $0xB  }
0x21: {  	_ =	swait.ge [sflag:s19], $0x1000  }
0x22: {  	[sflag:s19] =	ssyncset.done $0x0  }
0x23: {  	s26 =	simm.s32 $0xC;
	[sflag:s19] =	ssyncadd.s32 $0xFFFFF000  }
0x24: {  	_ =	swait.ge [sflag:s26], $0x1000  }
0x25: {  	[sflag:s26] =	ssyncset.done $0x0  }
0x26: {  	[sflag:s26] =	ssyncadd.s32 $0xFFFFF000  }
0x27: {  	[bflag:$0x0] =	sbarrier.arrive $0xFFFF  }
0x28: {  	s26 =	rddreg [dreg:$0x8]  }
0x29: {  	s22 =	rddreg [dreg:$0xf]  }
0x2a: {  	s29 =	rddreg [dreg:$0x14]  }
0x2b: {  	[hbm:s22], [sflag:s26] =	dma.local [spmem:s29], $0x2800  }
0x2c: {  	_ =	swait.ge [sflag:s21], $0x2800  }
0x2d: {  	[sflag:s21] =	ssyncset.done $0x0;
	s23 =	rddreg [dreg:$0x10]  }
0x2e: {  	s29 =	rddreg [dreg:$0x15];
	[sflag:s21] =	ssyncadd.s32 $0xFFFFD800  }
0x2f: {  	[hbm:s23], [sflag:s26] =	dma.local [spmem:s29], $0xA00  }
0x30: {  	_ =	swait.ge [sflag:s21], $0xA00  }
0x31: {  	s23 =	rddreg [dreg:$0x13]  }
0x32: {  	s29 =	rddreg [dreg:$0x11];
	s19 =	sadd.s32 $0x1, s23  }
0x33: {  	p0 =	sne.s32 s19, s29  }
.Ltmp1:
0x34: {  	_ = 	snop;
	(pc) =	sbr.rel @!p0 .LBB2_7-.Ltmp1, $3  }
0x35: {  	_ =	sdelay $0x1  }
0x36: {  	[sflag:s21] =	ssyncset.done $0x0  }
0x37: {  	[sflag:s21] =	ssyncadd.s32 $0xFFFFF600  }
.LBB2_1:
0x38: {  	[dreg:$0x13] =	wrdreg s19  }
0x39: {  	s22 =	rddreg [dreg:$0x6]  }
0x3a: {  	s29 =	rddreg [dreg:$0x7];
	s23 =	sshrl.u32 s22, $0x3  }
0x3b: {  	[dreg:$0x14] =	wrdreg s23  }
0x3c: {  	[spmem:s23], [sflag:s26] =	dma.local [hbm:s29], $0x2800  }
0x3d: {  	_ =	swait.ge [sflag:s21], $0x2800  }
0x3e: {  	s19 =	rddreg [dreg:$0x9]  }
0x3f: {  	[sflag:s21] =	ssyncset.done $0x0;
	s29 =	rddreg [dreg:$0xa];
	s23 =	sshrl.u32 s19, $0x3  }
0x40: {  	[sflag:s21] =	ssyncadd.s32 $0xFFFFD800;
	[dreg:$0x15] =	wrdreg s23  }
0x41: {  	[spmem:s23], [sflag:s26] =	dma.local [hbm:s29], $0xA00  }
0x42: {  	_ =	swait.ge [sflag:s21], $0xA00  }
0x43: {  	[sflag:s21] =	ssyncset.done $0x0  }
0x44: {  	[sflag:s21] =	ssyncadd.s32 $0xFFFFF600  }
0x45: {  	[bflag:$0x0] =	sbarrier.arrive $0xFFFF  }
0x46: {  	s23 =	simm.s32 $0x19000;
	s19 =	rddreg [dreg:$0xb]  }
0x47: {  	[tilespmem:s23], [sflag:$0xD] =	stream.linear.gather [hbm4b:s19+s4], $0x80, $0x38;
	[tilespmem:$0x1F600] =	vst v63  }
0x48: {  	_ =	swait.ge [sflag:s21], $0x80  }
0x49: {  	[sflag:s21] =	ssyncset.done $0x0  }
0x4a: {  	s29 =	simm.s32 $0x19080;
	s26 =	rddreg [dreg:$0xc];
	[sflag:s21] =	ssyncadd.s32 $0xFFFFFF80  }
0x4b: {  	[tilespmem:s29], [sflag:$0xD] =	stream.linear.gather [hbm4b:s26+s4], $0x80, $0x38;
	[tilespmem:$0x1F600] =	vst v63  }
0x4c: {  	_ =	swait.ge [sflag:s21], $0x80  }
0x4d: {  	[sflag:s21] =	ssyncset.done $0x0  }
0x4e: {  	[sflag:s21] =	ssyncadd.s32 $0xFFFFFF80  }
0x4f: {  	v2 =	vld [tilespmem:$0x19000]  }
0x50: {  	v3 =	vld [tilespmem:$0x19080]  }
0x51: {  	v4 =	vld [tilespmem:$0x19010]  }
0x52: {  	v5 =	vld [tilespmem:$0x19090]  }
0x53: {  	v6 =	vld [tilespmem:$0x19020]  }
0x54: {  	v7 =	vld [tilespmem:$0x190A0];
	v2 =	vadd.s32 v0, v2  }
0x55: {  	[tilespmem:$0x19100] =	vst v2;
	v2 =	vadd.s32 v1, v3;
	v3 =	vld [tilespmem:$0x19030]  }
0x56: {  	v44 =	vld [tilespmem:$0x190B0];
	[tilespmem:$0x19180] =	vst v2;
	v2 =	vadd.s32 v0, v4  }
0x57: {  	v45 =	vld [tilespmem:$0x19040];
	[tilespmem:$0x19110] =	vst v2;
	v2 =	vadd.s32 v1, v5  }
0x58: {  	v46 =	vld [tilespmem:$0x190C0];
	[tilespmem:$0x19190] =	vst v2;
	v2 =	vadd.s32 v0, v6  }
0x59: {  	v47 =	vld [tilespmem:$0x19050];
	[tilespmem:$0x19120] =	vst v2;
	v2 =	vadd.s32 v1, v7  }
0x5a: {  	[tilespmem:$0x191A0] =	vst v2;
	v2 =	vadd.s32 v0, v3;
	v3 =	vld [tilespmem:$0x190D0]  }
0x5b: {  	v48 =	vld [tilespmem:$0x19060];
	[tilespmem:$0x19130] =	vst v2;
	v2 =	vadd.s32 v1, v44  }
0x5c: {  	v49 =	vld [tilespmem:$0x190E0];
	[tilespmem:$0x191B0] =	vst v2;
	v2 =	vadd.s32 v0, v45  }
0x5d: {  	v50 =	vld [tilespmem:$0x19070];
	[tilespmem:$0x19140] =	vst v2;
	v2 =	vadd.s32 v1, v46  }
0x5e: {  	v51 =	vld [tilespmem:$0x190F0];
	[tilespmem:$0x191C0] =	vst v2;
	v2 =	vadd.s32 v0, v47  }
0x5f: {  	[tilespmem:$0x19150] =	vst v2;
	v2 =	vadd.s32 v1, v3  }
0x60: {  	[tilespmem:$0x191D0] =	vst v2;
	v2 =	vadd.s32 v0, v48  }
0x61: {  	[tilespmem:$0x19160] =	vst v2;
	v2 =	vadd.s32 v1, v49  }
0x62: {  	[tilespmem:$0x191E0] =	vst v2;
	v2 =	vadd.s32 v0, v50  }
0x63: {  	[tilespmem:$0x19170] =	vst v2;
	v2 =	vadd.s32 v1, v51  }
0x64: {  	s22 =	simm.s32 $0x19100;
	s23 =	simm.s32 $0x19200;
	[tilespmem:$0x191F0] =	vst v2  }
0x65: {  	[tilespmem:s23], [sflag:$0x1] =	stream.indirect.gather [hbm4b:s5+s24], $0x20, s22, s24, $0xb8;
	[tilespmem:$0x1F600] =	vst v63  }
0x66: {  	s26 =	simm.s32 $0x19180;
	s29 =	simm.s32 $0x1A200  }
0x67: {  	[tilespmem:s29], [sflag:$0x2] =	stream.indirect.gather [hbm4b:s6+s24], $0x20, s26, s24, $0xb8;
	[tilespmem:$0x1F600] =	vst v63  }
0x68: {  	s19 =	rddreg [dreg:$0xd]  }
0x69: {  	[tilespmem:s30], [sflag:$0xD] =	stream.linear.gather [hbm4b:s19+s4], $0x80, $0x38;
	[tilespmem:$0x1F600] =	vst v63  }
0x6a: {  	_ =	swait.ge [sflag:s21], $0x80  }
0x6b: {  	[sflag:s21] =	ssyncset.done $0x0  }
0x6c: {  	s23 =	rddreg [dreg:$0xe];
	[sflag:s21] =	ssyncadd.s32 $0xFFFFFF80  }
0x6d: {  	[tilespmem:s31], [sflag:$0xD] =	stream.linear.gather [hbm4b:s23+s4], $0x80, $0x38;
	[tilespmem:$0x1F600] =	vst v63  }
0x6e: {  	_ =	swait.ge [sflag:s21], $0x80  }
0x6f: {  	[sflag:s21] =	ssyncset.done $0x0  }
0x70: {  	[sflag:s21] =	ssyncadd.s32 $0xFFFFFF80  }
0x71: {  	v2 =	vld [tilespmem:$0x1B200]  }
0x72: {  	v3 =	vld [tilespmem:$0x1B280]  }
0x73: {  	v52 =	vld [tilespmem:$0x1B210]  }
0x74: {  	v53 =	vld [tilespmem:$0x1B290]  }
0x75: {  	v54 =	vld [tilespmem:$0x1B220]  }
0x76: {  	v55 =	vld [tilespmem:$0x1B2A0];
	v2 =	vadd.s32 v0, v2  }
0x77: {  	[tilespmem:$0x1B300] =	vst v2;
	v2 =	vadd.s32 v1, v3;
	v3 =	vld [tilespmem:$0x1B230]  }
0x78: {  	v56 =	vld [tilespmem:$0x1B2B0];
	[tilespmem:$0x1B380] =	vst v2;
	v2 =	vadd.s32 v0, v52  }
0x79: {  	v57 =	vld [tilespmem:$0x1B240];
	[tilespmem:$0x1B310] =	vst v2;
	v2 =	vadd.s32 v1, v53  }
0x7a: {  	v58 =	vld [tilespmem:$0x1B2C0];
	[tilespmem:$0x1B390] =	vst v2;
	v2 =	vadd.s32 v0, v54  }
0x7b: {  	v59 =	vld [tilespmem:$0x1B250];
	[tilespmem:$0x1B320] =	vst v2;
	v2 =	vadd.s32 v1, v55  }
0x7c: {  	[tilespmem:$0x1B3A0] =	vst v2;
	v2 =	vadd.s32 v0, v3;
	v3 =	vld [tilespmem:$0x1B2D0]  }
0x7d: {  	v60 =	vld [tilespmem:$0x1B260];
	[tilespmem:$0x1B330] =	vst v2;
	v2 =	vadd.s32 v1, v56  }
0x7e: {  	v61 =	vld [tilespmem:$0x1B2E0];
	[tilespmem:$0x1B3B0] =	vst v2;
	v2 =	vadd.s32 v0, v57  }
0x7f: {  	v62 =	vld [tilespmem:$0x1B270];
	[tilespmem:$0x1B340] =	vst v2;
	v2 =	vadd.s32 v1, v58  }
0x80: {  	v63 =	vld [tilespmem:$0x1B2F0];
	[tilespmem:$0x1B3C0] =	vst v2;
	v2 =	vadd.s32 v0, v59  }
0x81: {  	[tilespmem:$0x1B350] =	vst v2;
	v2 =	vadd.s32 v1, v3  }
0x82: {  	[tilespmem:$0x1B3D0] =	vst v2;
	v2 =	vadd.s32 v0, v60  }
0x83: {  	[tilespmem:$0x1B360] =	vst v2;
	v2 =	vadd.s32 v1, v61  }
0x84: {  	[tilespmem:$0x1B3E0] =	vst v2;
	v2 =	vadd.s32 v0, v62  }
0x85: {  	[tilespmem:$0x1B370] =	vst v2;
	v2 =	vadd.s32 v1, v63  }
0x86: {  	s26 =	simm.s32 $0x1B300;
	[tilespmem:$0x1B3F0] =	vst v2  }
0x87: {  	[tilespmem:s3], [sflag:$0x5] =	stream.indirect.gather [hbm4b:s5+s24], $0x20, s26, s24, $0xb8;
	[tilespmem:$0x1F600] =	vst v63  }
0x88: {  	s22 =	simm.s32 $0x0;
	s29 =	simm.s32 $0x1B380  }
0x89: {  	[tilespmem:s8], [sflag:$0x6] =	stream.indirect.gather [hbm4b:s6+s24], $0x20, s29, s24, $0xb8;
	[tilespmem:$0x1F600] =	vst v63  }
.LBB2_2:
0x8a: {  	_ =	swait.ge [sflag:s10], $0x1000  }
0x8b: {  	[sflag:s10] =	ssyncset.done $0x0  }
0x8c: {  	[sflag:s10] =	ssyncadd.s32 $0xFFFFF000  }
0x8d: {  	_ =	swait.ge [sflag:s11], $0x1000  }
0x8e: {  	s23 =	simm.s32 $0x19000;
	[sflag:s11] =	ssyncset.done $0x0  }
0x8f: {  	s19 =	simm.s32 $0x1A200;
	p0 =	seq.s32 s22, $0x0;
	[sflag:s11] =	ssyncadd.s32 $0xFFFFF000  }
0x90: {  	[spmem:s1] =	stream.indirect.scatter.add.f32 [tilespmem:s19], [sflag:$0x3], $0x20, s23, s24, $0xb8;
	[tilespmem:$0x1F600] =	vst v63  }
0x91: {  	s26 =	simm.s32 $0x19080;
	s29 =	simm.s32 $0x19200;
	s23 =	simm.s32 @!p0 $0xB  }
0x92: {  	[spmem:s2] =	stream.indirect.scatter.add.f32 [tilespmem:s29], [sflag:$0x4], $0x20, s26, s24, $0xb8;
	[tilespmem:$0x1F600] =	vst v63  }
0x93: {  	_ =	swait.ge @!p0 [sflag:s23], $0x1000  }
0x94: {  	[sflag:s23] =	ssyncset.done @!p0 $0x0  }
0x95: {  	s26 =	simm.s32 @!p0 $0xC;
	[sflag:s23] =	ssyncadd.s32 @!p0 $0xFFFFF000  }
0x96: {  	_ =	swait.ge @!p0 [sflag:s26], $0x1000  }
0x97: {  	s23 =	sadd.s32 s22, s20;
	[sflag:s26] =	ssyncset.done @!p0 $0x0  }
0x98: {  	s19 =	sadd.s32 $0x20, s23;
	[sflag:s26] =	ssyncadd.s32 @!p0 $0xFFFFF000  }
0x99: {  	[tilespmem:s12], [sflag:$0xD] =	stream.linear.gather [hbm4b:s19+s4], $0x80, $0x38;
	[tilespmem:$0x1F600] =	vst v63  }
0x9a: {  	_ =	swait.ge [sflag:s21], $0x80  }
0x9b: {  	s26 =	rddreg [dreg:$0x12]  }
0x9c: {  	[sflag:s21] =	ssyncset.done $0x0;
	s26 =	sadd.s32 s22, s26  }
0x9d: {  	[sflag:s21] =	ssyncadd.s32 $0xFFFFFF80;
	s29 =	sadd.s32 $0x20, s26  }
0x9e: {  	[tilespmem:s13], [sflag:$0xD] =	stream.linear.gather [hbm4b:s29+s4], $0x80, $0x38;
	[tilespmem:$0x1F600] =	vst v63  }
0x9f: {  	_ =	swait.ge [sflag:s21], $0x80  }
0xa0: {  	[sflag:s21] =	ssyncset.done $0x0  }
0xa1: {  	[sflag:s21] =	ssyncadd.s32 $0xFFFFFF80  }
0xa2: {  	v2 =	vld [tilespmem:$0x1D400]  }
0xa3: {  	v3 =	vld [tilespmem:$0x1D480]  }
0xa4: {  	v4 =	vld [tilespmem:$0x1D410]  }
0xa5: {  	v5 =	vld [tilespmem:$0x1D490]  }
0xa6: {  	v6 =	vld [tilespmem:$0x1D420]  }
0xa7: {  	v7 =	vld [tilespmem:$0x1D4A0];
	v2 =	vadd.s32 v0, v2  }
0xa8: {  	[tilespmem:$0x1D500] =	vst v2;
	v2 =	vadd.s32 v1, v3;
	v3 =	vld [tilespmem:$0x1D430]  }
0xa9: {  	v56 =	vld [tilespmem:$0x1D4B0];
	[tilespmem:$0x1D580] =	vst v2;
	v2 =	vadd.s32 v0, v4  }
0xaa: {  	v57 =	vld [tilespmem:$0x1D440];
	[tilespmem:$0x1D510] =	vst v2;
	v2 =	vadd.s32 v1, v5  }
0xab: {  	v58 =	vld [tilespmem:$0x1D4C0];
	[tilespmem:$0x1D590] =	vst v2;
	v2 =	vadd.s32 v0, v6  }
0xac: {  	v59 =	vld [tilespmem:$0x1D450];
	[tilespmem:$0x1D520] =	vst v2;
	v2 =	vadd.s32 v1, v7  }
0xad: {  	[tilespmem:$0x1D5A0] =	vst v2;
	v2 =	vadd.s32 v0, v3;
	v3 =	vld [tilespmem:$0x1D4D0]  }
0xae: {  	v60 =	vld [tilespmem:$0x1D460];
	[tilespmem:$0x1D530] =	vst v2;
	v2 =	vadd.s32 v1, v56  }
0xaf: {  	v61 =	vld [tilespmem:$0x1D4E0];
	[tilespmem:$0x1D5B0] =	vst v2;
	v2 =	vadd.s32 v0, v57  }
0xb0: {  	v62 =	vld [tilespmem:$0x1D470];
	[tilespmem:$0x1D540] =	vst v2;
	v2 =	vadd.s32 v1, v58  }
0xb1: {  	v63 =	vld [tilespmem:$0x1D4F0];
	[tilespmem:$0x1D5C0] =	vst v2;
	v2 =	vadd.s32 v0, v59  }
0xb2: {  	[tilespmem:$0x1D550] =	vst v2;
	v2 =	vadd.s32 v1, v3  }
0xb3: {  	[tilespmem:$0x1D5D0] =	vst v2;
	v2 =	vadd.s32 v0, v60  }
0xb4: {  	[tilespmem:$0x1D560] =	vst v2;
	v2 =	vadd.s32 v1, v61  }
0xb5: {  	[tilespmem:$0x1D5E0] =	vst v2;
	v2 =	vadd.s32 v0, v62  }
0xb6: {  	[tilespmem:$0x1D570] =	vst v2;
	v2 =	vadd.s32 v1, v63  }
0xb7: {  	s29 =	simm.s32 $0x1D500;
	[tilespmem:$0x1D5F0] =	vst v2  }
0xb8: {  	[tilespmem:s15], [sflag:$0x9] =	stream.indirect.gather [hbm4b:s5+s24], $0x20, s29, s24, $0xb8;
	[tilespmem:$0x1F600] =	vst v63  }
0xb9: {  	s29 =	simm.s32 $0x1D580  }
0xba: {  	[tilespmem:s17], [sflag:$0xA] =	stream.indirect.gather [hbm4b:s6+s24], $0x20, s29, s24, $0xb8;
	[tilespmem:$0x1F600] =	vst v63  }
0xbb: {  	_ =	swait.ge [sflag:s18], $0x1000  }
0xbc: {  	[sflag:s18] =	ssyncset.done $0x0  }
0xbd: {  	[sflag:s18] =	ssyncadd.s32 $0xFFFFF000  }
0xbe: {  	_ =	swait.ge [sflag:s9], $0x1000  }
0xbf: {  	[sflag:s9] =	ssyncset.done $0x0  }
0xc0: {  	[sflag:s9] =	ssyncadd.s32 $0xFFFFF000  }
0xc1: {  	[spmem:s1] =	stream.indirect.scatter.add.f32 [tilespmem:s8], [sflag:$0x7], $0x20, s30, s24, $0xb8;
	[tilespmem:$0x1F600] =	vst v63  }
0xc2: {  	_ = 	snop  }
0xc3: {  	[spmem:s2] =	stream.indirect.scatter.add.f32 [tilespmem:s3], [sflag:$0x8], $0x20, s31, s24, $0xb8;
	[tilespmem:$0x1F600] =	vst v63  }
0xc4: {  	p0 =	seq.s32 s22, $0x1890;
	_ =	swait.ge [sflag:s25], $0x1000  }
.Ltmp2:
0xc5: {  	[sflag:s25] =	ssyncset.done $0x0;
	(pc) =	sbr.rel @p0 .LBB2_4-.Ltmp2, $4  }
0xc6: {  	[sflag:s25] =	ssyncadd.s32 $0xFFFFF000  }
0xc7: {  	_ =	swait.ge [sflag:s28], $0x1000  }
0xc8: {  	[sflag:s28] =	ssyncset.done $0x0  }
0xc9: {  	[sflag:s28] =	ssyncadd.s32 $0xFFFFF000  }
0xca: {  	s29 =	sadd.s32 $0x30, s23;
	s19 =	simm.s32 $0x19000  }
0xcb: {  	[tilespmem:s19], [sflag:$0xD] =	stream.linear.gather [hbm4b:s29+s4], $0x80, $0x38;
	[tilespmem:$0x1F600] =	vst v63  }
0xcc: {  	_ =	swait.ge [sflag:s21], $0x80  }
0xcd: {  	[sflag:s21] =	ssyncset.done $0x0  }
0xce: {  	s29 =	sadd.s32 $0x30, s26;
	s19 =	simm.s32 $0x19080;
	[sflag:s21] =	ssyncadd.s32 $0xFFFFFF80  }
0xcf: {  	[tilespmem:s19], [sflag:$0xD] =	stream.linear.gather [hbm4b:s29+s4], $0x80, $0x38;
	[tilespmem:$0x1F600] =	vst v63  }
0xd0: {  	_ =	swait.ge [sflag:s21], $0x80  }
0xd1: {  	[sflag:s21] =	ssyncset.done $0x0  }
0xd2: {  	[sflag:s21] =	ssyncadd.s32 $0xFFFFFF80  }
0xd3: {  	v2 =	vld [tilespmem:$0x19000]  }
0xd4: {  	v3 =	vld [tilespmem:$0x19080]  }
0xd5: {  	v4 =	vld [tilespmem:$0x19010]  }
0xd6: {  	v5 =	vld [tilespmem:$0x19090]  }
0xd7: {  	v6 =	vld [tilespmem:$0x19020]  }
0xd8: {  	v7 =	vld [tilespmem:$0x190A0];
	v2 =	vadd.s32 v0, v2  }
0xd9: {  	[tilespmem:$0x19100] =	vst v2;
	v2 =	vadd.s32 v1, v3;
	v3 =	vld [tilespmem:$0x19030]  }
0xda: {  	v56 =	vld [tilespmem:$0x190B0];
	[tilespmem:$0x19180] =	vst v2;
	v2 =	vadd.s32 v0, v4  }
0xdb: {  	v57 =	vld [tilespmem:$0x19040];
	[tilespmem:$0x19110] =	vst v2;
	v2 =	vadd.s32 v1, v5  }
0xdc: {  	v58 =	vld [tilespmem:$0x190C0];
	[tilespmem:$0x19190] =	vst v2;
	v2 =	vadd.s32 v0, v6  }
0xdd: {  	v59 =	vld [tilespmem:$0x19050];
	[tilespmem:$0x19120] =	vst v2;
	v2 =	vadd.s32 v1, v7  }
0xde: {  	[tilespmem:$0x191A0] =	vst v2;
	v2 =	vadd.s32 v0, v3;
	v3 =	vld [tilespmem:$0x190D0]  }
0xdf: {  	v60 =	vld [tilespmem:$0x19060];
	[tilespmem:$0x19130] =	vst v2;
	v2 =	vadd.s32 v1, v56  }
0xe0: {  	v61 =	vld [tilespmem:$0x190E0];
	[tilespmem:$0x191B0] =	vst v2;
	v2 =	vadd.s32 v0, v57  }
0xe1: {  	v62 =	vld [tilespmem:$0x19070];
	[tilespmem:$0x19140] =	vst v2;
	v2 =	vadd.s32 v1, v58  }
0xe2: {  	v63 =	vld [tilespmem:$0x190F0];
	[tilespmem:$0x191C0] =	vst v2;
	v2 =	vadd.s32 v0, v59  }
0xe3: {  	[tilespmem:$0x19150] =	vst v2;
	v2 =	vadd.s32 v1, v3  }
0xe4: {  	[tilespmem:$0x191D0] =	vst v2;
	v2 =	vadd.s32 v0, v60  }
0xe5: {  	[tilespmem:$0x19160] =	vst v2;
	v2 =	vadd.s32 v1, v61  }
0xe6: {  	[tilespmem:$0x191E0] =	vst v2;
	v2 =	vadd.s32 v0, v62  }
0xe7: {  	[tilespmem:$0x19170] =	vst v2;
	v2 =	vadd.s32 v1, v63  }
0xe8: {  	s19 =	simm.s32 $0x19100;
	s29 =	simm.s32 $0x19200;
	[tilespmem:$0x191F0] =	vst v2  }
0xe9: {  	[tilespmem:s29], [sflag:$0x1] =	stream.indirect.gather [hbm4b:s5+s24], $0x20, s19, s24, $0xb8;
	[tilespmem:$0x1F600] =	vst v63  }
0xea: {  	s19 =	simm.s32 $0x19180;
	s29 =	simm.s32 $0x1A200  }
0xeb: {  	[tilespmem:s29], [sflag:$0x2] =	stream.indirect.gather [hbm4b:s6+s24], $0x20, s19, s24, $0xb8;
	[tilespmem:$0x1F600] =	vst v63  }
.LBB2_4:
0xec: {  	_ =	swait.ge [sflag:s0], $0x1000  }
0xed: {  	[sflag:s0] =	ssyncset.done $0x0  }
0xee: {  	[sflag:s0] =	ssyncadd.s32 $0xFFFFF000  }
0xef: {  	_ =	swait.ge [sflag:s7], $0x1000  }
0xf0: {  	[sflag:s7] =	ssyncset.done $0x0  }
0xf1: {  	[sflag:s7] =	ssyncadd.s32 $0xFFFFF000  }
0xf2: {  	[spmem:s1] =	stream.indirect.scatter.add.f32 [tilespmem:s17], [sflag:$0xB], $0x20, s12, s24, $0xb8;
	[tilespmem:$0x1F600] =	vst v63  }
0xf3: {  	_ = 	snop  }
0xf4: {  	[spmem:s2] =	stream.indirect.scatter.add.f32 [tilespmem:s15], [sflag:$0xC], $0x20, s13, s24, $0xb8;
	[tilespmem:$0x1F600] =	vst v63  }
0xf5: {  	_ =	swait.ge [sflag:s14], $0x1000  }
.Ltmp3:
0xf6: {  	[sflag:s14] =	ssyncset.done $0x0;
	(pc) =	sbr.rel @p0 .LBB2_6-.Ltmp3, $4  }
0xf7: {  	[sflag:s14] =	ssyncadd.s32 $0xFFFFF000  }
0xf8: {  	_ =	swait.ge [sflag:s16], $0x1000  }
0xf9: {  	[sflag:s16] =	ssyncset.done $0x0  }
0xfa: {  	[sflag:s16] =	ssyncadd.s32 $0xFFFFF000  }
0xfb: {  	s23 =	sadd.s32 $0x40, s23  }
0xfc: {  	[tilespmem:s30], [sflag:$0xD] =	stream.linear.gather [hbm4b:s23+s4], $0x80, $0x38;
	[tilespmem:$0x1F600] =	vst v63  }
0xfd: {  	_ =	swait.ge [sflag:s21], $0x80  }
0xfe: {  	[sflag:s21] =	ssyncset.done $0x0  }
0xff: {  	s26 =	sadd.s32 $0x40, s26;
	[sflag:s21] =	ssyncadd.s32 $0xFFFFFF80  }
0x100: {  	[tilespmem:s31], [sflag:$0xD] =	stream.linear.gather [hbm4b:s26+s4], $0x80, $0x38;
	[tilespmem:$0x1F600] =	vst v63  }
0x101: {  	_ =	swait.ge [sflag:s21], $0x80  }
0x102: {  	[sflag:s21] =	ssyncset.done $0x0  }
0x103: {  	[sflag:s21] =	ssyncadd.s32 $0xFFFFFF80  }
0x104: {  	v2 =	vld [tilespmem:$0x1B200]  }
0x105: {  	v3 =	vld [tilespmem:$0x1B280]  }
0x106: {  	v4 =	vld [tilespmem:$0x1B210]  }
0x107: {  	v5 =	vld [tilespmem:$0x1B290]  }
0x108: {  	v6 =	vld [tilespmem:$0x1B220]  }
0x109: {  	v7 =	vld [tilespmem:$0x1B2A0];
	v2 =	vadd.s32 v0, v2  }
0x10a: {  	[tilespmem:$0x1B300] =	vst v2;
	v2 =	vadd.s32 v1, v3;
	v3 =	vld [tilespmem:$0x1B230]  }
0x10b: {  	v56 =	vld [tilespmem:$0x1B2B0];
	[tilespmem:$0x1B380] =	vst v2;
	v2 =	vadd.s32 v0, v4  }
0x10c: {  	v57 =	vld [tilespmem:$0x1B240];
	[tilespmem:$0x1B310] =	vst v2;
	v2 =	vadd.s32 v1, v5  }
0x10d: {  	v58 =	vld [tilespmem:$0x1B2C0];
	[tilespmem:$0x1B390] =	vst v2;
	v2 =	vadd.s32 v0, v6  }
0x10e: {  	v59 =	vld [tilespmem:$0x1B250];
	[tilespmem:$0x1B320] =	vst v2;
	v2 =	vadd.s32 v1, v7  }
0x10f: {  	[tilespmem:$0x1B3A0] =	vst v2;
	v2 =	vadd.s32 v0, v3;
	v3 =	vld [tilespmem:$0x1B2D0]  }
0x110: {  	v60 =	vld [tilespmem:$0x1B260];
	[tilespmem:$0x1B330] =	vst v2;
	v2 =	vadd.s32 v1, v56  }
0x111: {  	v61 =	vld [tilespmem:$0x1B2E0];
	[tilespmem:$0x1B3B0] =	vst v2;
	v2 =	vadd.s32 v0, v57  }
0x112: {  	v62 =	vld [tilespmem:$0x1B270];
	[tilespmem:$0x1B340] =	vst v2;
	v2 =	vadd.s32 v1, v58  }
0x113: {  	v63 =	vld [tilespmem:$0x1B2F0];
	[tilespmem:$0x1B3C0] =	vst v2;
	v2 =	vadd.s32 v0, v59  }
0x114: {  	[tilespmem:$0x1B350] =	vst v2;
	v2 =	vadd.s32 v1, v3  }
0x115: {  	[tilespmem:$0x1B3D0] =	vst v2;
	v2 =	vadd.s32 v0, v60  }
0x116: {  	[tilespmem:$0x1B360] =	vst v2;
	v2 =	vadd.s32 v1, v61  }
0x117: {  	[tilespmem:$0x1B3E0] =	vst v2;
	v2 =	vadd.s32 v0, v62  }
.Ltmp4:
0x118: {  	[tilespmem:$0x1B370] =	vst v2;
	v2 =	vadd.s32 v1, v63;
	(pc) =	sbr.rel .LBB2_2-.Ltmp4, $4  }
0x119: {  	s19 =	simm.s32 $0x1B300;
	[tilespmem:$0x1B3F0] =	vst v2  }
0x11a: {  	[tilespmem:s3], [sflag:$0x5] =	stream.indirect.gather [hbm4b:s5+s24], $0x20, s19, s24, $0xb8;
	[tilespmem:$0x1F600] =	vst v63  }
0x11b: {  	s29 =	simm.s32 $0x1B380;
	s22 =	sadd.s32 $0x30, s22  }
0x11c: {  	[tilespmem:s8], [sflag:$0x6] =	stream.indirect.gather [hbm4b:s6+s24], $0x20, s29, s24, $0xb8;
	[tilespmem:$0x1F600] =	vst v63  }
.LBB2_7:
0x11d: {  	_ =	sfence.sel $0x180000  }
0x11e: {  	[bflag:$0x0] =	sbarrier.arrive $0xFFFF  }
0x11f: {  	_ =	strace $0x9000004A  }
0x120: {  	s0 =	stileid.u32;
	[bflag:$0x2] =	sbarrier.arrive $0xFFFF  }
0x121: {  	p0 =	sne.s32 s0, $0x0;
	s0 =	rddreg [dreg:$0x5]  }
0x122: {  	s0 =	sadd.s32 @!p0 $0x100000, s0  }
0x123: {  	[sflag:s0] =	ssyncadd.tile.s32 @!p0 $0x1;
	_ =	shalt  }
.Lfunc_end2:
_tile_overlayer_lowered:
.L_overlay_start_2:
0x124: {  	(tag) =	ssettag $0x2  }
0x125: {  	s0 =	rddreg [dreg:$0x0];
	s2 =	stileid.u32  }
0x126: {  	s1 =	rddreg [dreg:$0x1];
	p0 =	sne.s32 s2, $0x0  }
0x127: {  	s3 =	rddreg [dreg:$0x2];
	[bflag:$0x3] =	sbarrier.arrive $0xFFFF;
	s2 =	simm.s32 @!p0 $0x1C0D  }
0x128: {  	[timem:s3], [sflag:s2] =	dma.local @!p0 [hbm:s0], s1  }
0x129: {  	s0 =	simm.s32 @!p0 $0xD  }
0x12a: {  	_ =	swait.ge @!p0 [sflag:s0], s1  }
0x12b: {  	s1 =	ssub.s32 @!p0 $0x0, s1;
	[sflag:s0] =	ssyncset.done @!p0 $0x0  }
0x12c: {  	[sflag:s0] =	ssyncadd.s32 @!p0 s1  }
0x12d: {  	[bflag:$0x3] =	sbarrier.arrive $0xFFFF  }
0x12e: {  	_ =	shalt  }

// kernel: kernel.17.cloned.1.call-start
scs
__scs_entry_jumppad:
0x0: {  	(pc) =	sbr.rel $0x88, $3  }
0x1: {  	(tag) =	ssettag $0x0;
	lr =	simm.s32 $0x1  }
0x2: {  	[smem:$0x3F9D] =	sst lr;
	_ =	strace $0xD0000000  }
0x3: {  	_ = 	snop  }
0x4: {  	_ = 	snop  }
0x5: {  	_ = 	snop  }
0x6: {  	_ = 	snop  }
0x7: {  	_ = 	snop  }
__scs_overlays_trampoline_lowered:
0x8: {  	[smem:$0x3FAC] =	sst s0  }
0x9: {  	[smem:$0x3FAD] =	sst s1  }
0xa: {  	[smem:$0x3FAE] =	sst s2  }
0xb: {  	[smem:$0x3FAF] =	sst s3  }
0xc: {  	[smem:$0x3FB0] =	sst s4  }
0xd: {  	[smem:$0x3FB1] =	sst s5  }
0xe: {  	[smem:$0x3FB2] =	sst s6  }
0xf: {  	[smem:$0x3FB3] =	sst s7  }
0x10: {  	[smem:$0x3FB4] =	sst s8  }
0x11: {  	[smem:$0x3FB5] =	sst s9;
	s0 =	simm.s32 @!p0 $0x0  }
0x12: {  	s1 =	sld [smem:$0x3F9B];
	s0 =	simm.s32 @p0 $0x1  }
0x13: {  	[smem:$0x3FB6] =	sst s0;
	s0 =	simm.s32 @!p1 $0x0  }
0x14: {  	s2 =	sld [smem:$0x3F9A];
	s0 =	simm.s32 @p1 $0x1  }
0x15: {  	[smem:$0x3FB7] =	sst s0;
	s0 =	simm.s32 @!p2 $0x0  }
0x16: {  	s3 =	sld [smem:$0x3FDB];
	s0 =	simm.s32 @p2 $0x1  }
0x17: {  	s4 =	simm.s32 $0x1BF5;
	[smem:$0x3FB9] =	sst s0  }
0x18: {  	s0 =	sld [smem:$0x3F9C];
	_ =	swait.ge [sflag:s4], $0x0  }
0x19: {  	s7 =	sld [smem:$0x3F9D]  }
0x1a: {  	s8 =	sadd.s32 $0xFFFFE003, lr  }
0x1b: {  	s9 =	sadd.s32 $0xFFFFFEF7, lr;
	s5 =	simm.s32 $0xFFFFFFFF;
	p2 =	slt.u32 s8, $0xFFFFF086  }
0x1c: {  	p1 =	slt.u32 s9, $0xF7A;
	s5 =	simm.s32 @!p2 $0x0  }
0x1d: {  	s5 =	simm.s32 @p1 $0x1;
	p0 =	seq.s32 s7, s2  }
0x1e: {  	s7 =	smul.u32 @!p0 $0xF7A, s2;
	p2 =	seq.s32 @!p0 s5, $0x0  }
0x1f: {  	s9 =	smul.u32 $0xF7A, s1;
	s8 =	simm.s32 @!p0 $0x1BF5;
	p2 =	por !p2, p0  }
0x20: {  	[sflag:s8] =	ssyncset.s32 @!p0 $0xFFFFF086;
	s6 =	sadd.s32 @!p0 s3, s7;
	s7 =	simm.s32 @!p0 $0x108  }
0x21: {  	s3 =	sadd.s32 s3, s9;
	s6 =	sadd.s32 @!p0 $0x88, s6;
	s7 =	simm.s32 @p2 $0x1082  }
0x22: {  	[simem:s7], [sflag:s8] =	dma.local @!p0 [hbm:s6], $0xF7A  }
0x23: {  	s9 =	sor.u32 $0xD0000000, s2;
	s6 =	simm.s32 $0x108;
	_ =	swait.ge @!p0 [sflag:s8], $0x0  }
0x24: {  	s3 =	sadd.s32 $0x88, s3;
	s6 =	simm.s32 @!p1 $0x1082;
	[sflag:s4] =	ssyncset.s32 $0xFFFFF086  }
0x25: {  	[simem:s6], [sflag:s4] =	dma.local [hbm:s3], $0xF7A  }
0x26: {  	[smem:$0x3F9D] =	sst s1;
	(tag) =	ssettag s2;
	_ =	strace s9  }
0x27: {  	s1 =	sld [smem:$0x3FAD]  }
0x28: {  	s2 =	sld [smem:$0x3FAE]  }
0x29: {  	s4 =	sld [smem:$0x3FB0]  }
0x2a: {  	p0 =	seq.s32 s5, $0x0;
	s5 =	sld [smem:$0x3FB1]  }
0x2b: {  	s6 =	sld [smem:$0x3FB2]  }
0x2c: {  	s7 =	sld [smem:$0x3FB3]  }
0x2d: {  	s3 =	simm.s32 $0x108;
	s8 =	sld [smem:$0x3FB4]  }
0x2e: {  	s3 =	simm.s32 @!p0 $0x1082;
	s9 =	sld [smem:$0x3FB5]  }
0x2f: {  	lr =	sadd.s32 s0, s3;
	s0 =	sld [smem:$0x3FAC]  }
0x30: {  	s3 =	sld [smem:$0x3FAF]  }
0x31: {  	[smem:$0x3FB8] =	sst s10  }
0x32: {  	s10 =	sld [smem:$0x3FB6];
	_ =	sdelay $0x3  }
0x33: {  	p0 =	seq.s32 s10, $0x1;
	s10 =	sld [smem:$0x3FB8];
	_ =	sdelay $0x3  }
0x34: {  	[smem:$0x3FB8] =	sst s10  }
0x35: {  	s10 =	sld [smem:$0x3FB7];
	_ =	sdelay $0x3  }
0x36: {  	p1 =	seq.s32 s10, $0x1;
	s10 =	sld [smem:$0x3FB8];
	_ =	sdelay $0x3  }
0x37: {  	[smem:$0x3FB8] =	sst s10  }
0x38: {  	s10 =	sld [smem:$0x3FB9]  }
0x39: {  	_ = 	snop;
	(pc) =	sbr.ind lr, $3  }
0x3a: {  	_ = 	snop  }
0x3b: {  	_ = 	snop  }
0x3c: {  	p2 =	seq.s32 s10, $0x1;
	s10 =	sld [smem:$0x3FB8]  }
0x3d: {  	_ =	shalt  }
0x3e: {  	_ =	shalt  }
0x3f: {  	_ =	shalt  }
0x40: {  	_ =	shalt  }
0x41: {  	_ =	shalt  }
0x42: {  	_ =	shalt  }
0x43: {  	_ =	shalt  }
0x44: {  	_ =	shalt  }
0x45: {  	_ =	shalt  }
0x46: {  	_ =	shalt  }
0x47: {  	_ =	shalt  }
0x48: {  	_ =	shalt  }
0x49: {  	_ =	shalt  }
0x4a: {  	_ =	shalt  }
0x4b: {  	_ =	shalt  }
0x4c: {  	_ =	shalt  }
0x4d: {  	_ =	shalt  }
0x4e: {  	_ =	shalt  }
0x4f: {  	_ =	shalt  }
0x50: {  	_ =	shalt  }
0x51: {  	_ =	shalt  }
0x52: {  	_ =	shalt  }
0x53: {  	_ =	shalt  }
0x54: {  	_ =	shalt  }
0x55: {  	_ =	shalt  }
0x56: {  	_ =	shalt  }
0x57: {  	_ =	shalt  }
0x58: {  	_ =	shalt  }
0x59: {  	_ =	shalt  }
0x5a: {  	_ =	shalt  }
0x5b: {  	_ =	shalt  }
0x5c: {  	_ =	shalt  }
0x5d: {  	_ =	shalt  }
0x5e: {  	_ =	shalt  }
0x5f: {  	_ =	shalt  }
0x60: {  	_ =	shalt  }
0x61: {  	_ =	shalt  }
0x62: {  	_ =	shalt  }
0x63: {  	_ =	shalt  }
0x64: {  	_ =	shalt  }
0x65: {  	_ =	shalt  }
0x66: {  	_ =	shalt  }
0x67: {  	_ =	shalt  }
0x68: {  	_ =	shalt  }
0x69: {  	_ =	shalt  }
0x6a: {  	_ =	shalt  }
0x6b: {  	_ =	shalt  }
0x6c: {  	_ =	shalt  }
0x6d: {  	_ =	shalt  }
0x6e: {  	_ =	shalt  }
0x6f: {  	_ =	shalt  }
0x70: {  	_ =	shalt  }
0x71: {  	_ =	shalt  }
0x72: {  	_ =	shalt  }
0x73: {  	_ =	shalt  }
0x74: {  	_ =	shalt  }
0x75: {  	_ =	shalt  }
0x76: {  	_ =	shalt  }
0x77: {  	_ =	shalt  }
0x78: {  	_ =	shalt  }
0x79: {  	_ =	shalt  }
0x7a: {  	_ =	shalt  }
0x7b: {  	_ =	shalt  }
0x7c: {  	_ =	shalt  }
0x7d: {  	_ =	shalt  }
0x7e: {  	_ =	shalt  }
0x7f: {  	_ =	shalt  }
0x80: {  	_ =	shalt  }
0x81: {  	_ =	shalt  }
0x82: {  	_ =	shalt  }
0x83: {  	_ =	shalt  }
0x84: {  	_ =	shalt  }
0x85: {  	_ =	shalt  }
0x86: {  	_ =	shalt  }
0x87: {  	_ =	shalt  }
.Lfunc_end0:
.L_simem_size_0:
called_computation.2_lowered:
.L_overlay_start_0:
0x88: {  	s2 =	sld [smem:$0x3FD9]  }
0x89: {  	s3 =	sld [smem:$0x3FFE];
	_ =	sdelay $0x1  }
0x8a: {  	s1 =	srdreg.scid  }
0x8b: {  	s0 =	sand.u32 $0x1, s1  }
0x8c: {  	s14 =	sshll.u32 s0, $0xA;
	s2 =	sadd.s32 s3, s2  }
0x8d: {  	s2 =	sadd.s32 s2, s14  }
0x8e: {  	[smem:$0x3FC4] =	sst s2  }
0x8f: {  	_ = 	snop  }
0x90: {  	s2 =	sld [smem:$0x3FD0];
	_ =	sdelay $0x2  }
0x91: {  	s15 =	simm.s32 $0xA;
	s4 =	simm.s32 $0x10  }
0x92: {  	[smem:s4], [sflag:s15] =	dma.local [hbm:s2], $0x1  }
0x93: {  	_ =	swait.eq [sflag:s15], $0x1  }
0x94: {  	[sflag:s15] =	ssyncset.done $0x0  }
0x95: {  	s16 =	sld [smem:$0x10];
	[sflag:s15] =	ssyncadd.s32 $0xFFFFFFFF  }
0x96: {  	s17 =	sld [smem:$0x11];
	(tm) =	ssettm $0x1  }
0x97: {  	s18 =	sld [smem:$0x3FFB];
	_ =	sdelay $0x3  }
0x98: {  	_ =	strace s18  }
0x99: {  	s4 =	sld [smem:$0x3FFC];
	_ =	sdelay $0x3  }
0x9a: {  	_ =	strace s4  }
0x9b: {  	s4 =	sld [smem:$0x3FFD];
	_ =	sdelay $0x3  }
0x9c: {  	_ =	strace s4  }
0x9d: {  	_ =	strace $0x8FFFFFFF  }
0x9e: {  	s19 =	sld [smem:$0x3FDB];
	_ =	sdelay $0x1  }
0x9f: {  	s5 =	simm.s32 $_scs_section_size  }
0xa0: {  	s6 =	simm.s32 $_size__tile_overlayer_lowered;
	s7 =	simm.s32 $_tile_overlayer_lowered  }
0xa1: {  	s22 =	simm.s32 $0x1BFF;
	s21 =	sshll.u32 s7, $0x1;
	s4 =	sadd.s32 s5, s19  }
0xa2: {  	s8 =	simm.s32 $0x0;
	s20 =	sshll.u32 s6, $0x1;
	s6 =	sadd.s32 s21, s4  }
0xa3: {  	[timem:s8], [sflag:s22] =	dma.local [hbm:s6], s20  }
0xa4: {  	_ =	swait.ge [sflag:s22], s20  }
0xa5: {  	s5 =	ssub.s32 $0x0, s20;
	[sflag:s22] =	ssyncset.done $0x0  }
0xa6: {  	[sflag:s22] =	ssyncadd.s32 s5;
	_ =	sdelay $0x1  }
0xa7: {  	s23 =	simm.s32 $0x1B8B  }
0xa8: {  	_ =	swait.ge [sflag:s23], $0x1  }
0xa9: {  	[sflag:s23] =	ssyncset.done $0x0  }
0xaa: {  	s25 =	simm.s32 $0x1B8E;
	s24 =	sld [smem:$0x3FFE];
	[sflag:s23] =	ssyncadd.s32 $0xFFFFFFFF  }
0xab: {  	s26 =	simm.s32 $execute0_lowered;
	[smem:$0x3FD2] =	sst s25  }
0xac: {  	s6 =	sshll.u32 s26, $0x1;
	_ =	strace $0x8000004C;
	[dreg:$0x1] =	wrdreg $0xFFFFFFFF  }
0xad: {  	s28 =	simm.s32 $_size_execute0_lowered;
	s4 =	sadd.s32 s4, s6;
	[dreg:$0x0] =	wrdreg $0x0  }
0xae: {  	s6 =	sshll.u32 s28, $0x1;
	[dreg:$0x2] =	wrdreg s4  }
0xaf: {  	[dreg:$0x3] =	wrdreg s6  }
0xb0: {  	[dreg:$0x4] =	wrdreg $0xC0  }
0xb1: {  	_ =	task [dreg:s8], $0x5FFFF  }
0xb2: {  	[dreg:$0x1] =	wrdreg $0xFFFFFFFF  }
0xb3: {  	[dreg:$0x0] =	wrdreg $0x60  }
0xb4: {  	[dreg:$0x2] =	wrdreg s24  }
0xb5: {  	[dreg:$0x3] =	wrdreg s16  }
0xb6: {  	[dreg:$0x4] =	wrdreg s17  }
0xb7: {  	[dreg:$0x5] =	wrdreg $0x0  }
0xb8: {  	[dreg:$0x6] =	wrdreg $0x140000  }
0xb9: {  	[dreg:$0x7] =	wrdreg $0x9  }
0xba: {  	_ =	task.clear_ibuf [dreg:s8], $0x8FFFF;
	_ =	strace $0x9000004C  }
0xbb: {  	s29 =	simm.s32 $0x9;
	_ =	strace $0x8000004E  }
0xbc: {  	_ =	swait.ge [sflag:s29], $0x1  }
0xbd: {  	[sflag:s29] =	ssyncadd.s32 $0xFFFFFFFF  }
0xbe: {  	_ =	strace $0x9000004E  }
0xbf: {  	_ =	sfence  }
0xc0: {  	s30 =	sld [smem:$0x0];
	_ =	sdelay $0x2  }
0xc1: {  	s31 =	sshll.u32 s1, $0xD;
	s1 =	sshrl.u32 s1, $0x2  }
0xc2: {  	s3 =	sand.u32 $0x4000, s31;
	s1 =	sadd.s32 s1, s30  }
0xc3: {  	s0 =	sor.u32 s3, s0;
	s1 =	sshll.u32 s1, $0x11  }
0xc4: {  	s0 =	sor.u32 s1, s0  }
0xc5: {  	s0 =	sadd.s32 $0x8F2B, s0  }
0xc6: {  	[sflag:s0] =	ssyncadd.remote.s32 $0x1  }
0xc7: {  	_ =	sfence.sel $0xFFFF  }
0xc8: {  	[dreg:$0x0] =	wrdreg $0xFFFFFFFF;
	(pc) =	sbr.abs _section_cstart, $3  }
0xc9: {  	[dreg:$0x1] =	wrdreg $0xFFFFFFFF  }
0xca: {  	_ =	task.clear_ibuf [dreg:s8], $0x2FFFF;
	_ =	strace $0x9FFFFFFF  }
0xcb: {  	(tm) =	ssettm $0x7FFFFFFF  }
tec
execute0_lowered:
.L_overlay_start_1:
0x0: {  	(tag) =	ssettag $0x1  }
0x1: {  	s0 =	rddreg [dreg:$0x0]  }
0x2: {  	s3 =	rddreg [dreg:$0x1]  }
0x3: {  	s7 =	rddreg [dreg:$0x2];
	s17 =	stileid.u32  }
0x4: {  	s1 =	rddreg [dreg:$0x3];
	s5 =	smul.u32 $0xA00, s17  }
0x5: {  	s2 =	rddreg [dreg:$0x4];
	s12 =	smul.u32 $0x280, s17  }
0x6: {  	s4 =	srdreg.scid;
	s30 =	simm.s32 $0x1B200;
	s14 =	smul.u32 $0x14000, s17  }
0x7: {  	s31 =	simm.s32 $0x1B280;
	s28 =	simm.s32 $0x4;
	s25 =	smul.u32 $0x5000, s17  }
0x8: {  	s8 =	sand.u32 $0x1, s4;
	s4 =	simm.s32 $0x0;
	s16 =	smul.u32 $0xC600, s17  }
0x9: {  	s9 =	sadd.s32 $0x1C200, s0;
	s10 =	sadd.s32 $0x3600, s0;
	s21 =	smul.u32 $0x18C0, s17  }
0xa: {  	s6 =	sadd.s32 $0x18A400, s0;
	s15 =	sshll.u32 s17, $0x6;
	s22 =	smul.u32 $0xA000, s8  }
0xb: {  	s17 =	simm.s32 $0x1E600;
	[smem:$0x7FF] =	sst s4;
	s23 =	smul.u32 $0x2800, s8  }
0xc: {  	s8 =	ssub.s32 $0x2, s8;
	s26 =	sor.u32 $0x1C0D, s15;
	_ =	strace $0x8000004D  }
0xd: {  	s13 =	sshrl.u32 s8, $0x1;
	s29 =	sshrl.u32 s14, $0x3;
	s14 =	sadd.s32 s14, s1  }
0xe: {  	s15 =	sshrl.u32 s16, $0x3;
	[dreg:$0x8] =	wrdreg s26;
	s11 =	sadd.s32 s5, s22  }
0xf: {  	s5 =	sadd.s32 $0x19E400, s0;
	s12 =	sadd.s32 s12, s23;
	s8 =	ssub.s32 s8, s13  }
0x10: {  	[dreg:$0x6] =	wrdreg s14;
	s3 =	sadd.s32 s3, s29;
	s13 =	sadd.s32 s25, s2  }
0x11: {  	s14 =	sshrl.u32 s25, $0x3;
	s16 =	sadd.s32 s9, s15;
	s18 =	sor.u32 $0x10, s15  }
0x12: {  	s19 =	sadd.s32 s10, s15;
	s29 =	sadd.s32 s21, s10;
	[dreg:$0x7] =	wrdreg s3  }
0x13: {  	s15 =	simm.s32 $0x1D600;
	s11 =	sshll.u32 s11, $0x2;
	[dreg:$0x9] =	wrdreg s13  }
0x14: {  	s12 =	sshll.u32 s12, $0x2;
	s3 =	sadd.s32 s7, s14;
	[dreg:$0xb] =	wrdreg s16  }
0x15: {  	[dreg:$0xc] =	wrdreg s19;
	s20 =	sadd.s32 s9, s18;
	s25 =	smax.u32 s8, $0x1  }
0x16: {  	[dreg:$0x12] =	wrdreg s29;
	s8 =	simm.s32 $0x1C400;
	s13 =	simm.s32 $0x1D480  }
0x17: {  	s7 =	simm.s32 $0xA;
	s14 =	simm.s32 $0x7;
	s16 =	simm.s32 $0x8  }
0x18: {  	s19 =	simm.s32 $0x0;
	s11 =	sadd.s32 s11, s0;
	[dreg:$0xa] =	wrdreg s3  }
0x19: {  	s0 =	sadd.s32 s12, s0;
	[dreg:$0xd] =	wrdreg s20;
	s3 =	sadd.s32 s10, s18  }
0x1a: {  	[dreg:$0x11] =	wrdreg s25;
	s20 =	sadd.s32 s21, s9;
	s21 =	simm.s32 $0xD  }
.Ltmp0:
0x1b: {  	s10 =	simm.s32 $0x1;
	s12 =	simm.s32 $0x1D400;
	(pc) =	sbr.rel .LBB2_1-.Ltmp0, $4  }
0x1c: {  	s18 =	simm.s32 $0x5;
	s9 =	simm.s32 $0x6;
	s25 =	simm.s32 $0x3  }
0x1d: {  	[dreg:$0xe] =	wrdreg s3;
	s24 =	sadd.s32 $0x1EE400, s11;
	s0 =	sadd.s32 $0x34E00, s0  }
0x1e: {  	s3 =	simm.s32 $0x1B400;
	s11 =	simm.s32 $0x2;
	[dreg:$0xf] =	wrdreg s24  }
0x1f: {  	v0 =	vmov s22;
	v1 =	vmov s23;
	[dreg:$0x10] =	wrdreg s0;
	s24 =	simm.s32 $0x80;
	s0 =	simm.s32 $0x9  }
.LBB2_6:
0x20: {  	s19 =	simm.s32 $0xB  }
0x21: {  	_ =	swait.ge [sflag:s19], $0x1000  }
0x22: {  	[sflag:s19] =	ssyncset.done $0x0  }
0x23: {  	s26 =	simm.s32 $0xC;
	[sflag:s19] =	ssyncadd.s32 $0xFFFFF000  }
0x24: {  	_ =	swait.ge [sflag:s26], $0x1000  }
0x25: {  	[sflag:s26] =	ssyncset.done $0x0  }
0x26: {  	[sflag:s26] =	ssyncadd.s32 $0xFFFFF000  }
0x27: {  	[bflag:$0x0] =	sbarrier.arrive $0xFFFF  }
0x28: {  	s26 =	rddreg [dreg:$0x8]  }
0x29: {  	s22 =	rddreg [dreg:$0xf]  }
0x2a: {  	s29 =	rddreg [dreg:$0x14]  }
0x2b: {  	[hbm:s22], [sflag:s26] =	dma.local [spmem:s29], $0x2800  }
0x2c: {  	_ =	swait.ge [sflag:s21], $0x2800  }
0x2d: {  	[sflag:s21] =	ssyncset.done $0x0;
	s23 =	rddreg [dreg:$0x10]  }
0x2e: {  	s29 =	rddreg [dreg:$0x15];
	[sflag:s21] =	ssyncadd.s32 $0xFFFFD800  }
0x2f: {  	[hbm:s23], [sflag:s26] =	dma.local [spmem:s29], $0xA00  }
0x30: {  	_ =	swait.ge [sflag:s21], $0xA00  }
0x31: {  	s23 =	rddreg [dreg:$0x13]  }
0x32: {  	s29 =	rddreg [dreg:$0x11];
	s19 =	sadd.s32 $0x1, s23  }
0x33: {  	p0 =	sne.s32 s19, s29  }
.Ltmp1:
0x34: {  	_ = 	snop;
	(pc) =	sbr.rel @!p0 .LBB2_7-.Ltmp1, $3  }
0x35: {  	_ =	sdelay $0x1  }
0x36: {  	[sflag:s21] =	ssyncset.done $0x0  }
0x37: {  	[sflag:s21] =	ssyncadd.s32 $0xFFFFF600  }
.LBB2_1:
0x38: {  	[dreg:$0x13] =	wrdreg s19  }
0x39: {  	s22 =	rddreg [dreg:$0x6]  }
0x3a: {  	s29 =	rddreg [dreg:$0x7];
	s23 =	sshrl.u32 s22, $0x3  }
0x3b: {  	[dreg:$0x14] =	wrdreg s23  }
0x3c: {  	[spmem:s23], [sflag:s26] =	dma.local [hbm:s29], $0x2800  }
0x3d: {  	_ =	swait.ge [sflag:s21], $0x2800  }
0x3e: {  	s19 =	rddreg [dreg:$0x9]  }
0x3f: {  	[sflag:s21] =	ssyncset.done $0x0;
	s29 =	rddreg [dreg:$0xa];
	s23 =	sshrl.u32 s19, $0x3  }
0x40: {  	[sflag:s21] =	ssyncadd.s32 $0xFFFFD800;
	[dreg:$0x15] =	wrdreg s23  }
0x41: {  	[spmem:s23], [sflag:s26] =	dma.local [hbm:s29], $0xA00  }
0x42: {  	_ =	swait.ge [sflag:s21], $0xA00  }
0x43: {  	[sflag:s21] =	ssyncset.done $0x0  }
0x44: {  	[sflag:s21] =	ssyncadd.s32 $0xFFFFF600  }
0x45: {  	[bflag:$0x0] =	sbarrier.arrive $0xFFFF  }
0x46: {  	s23 =	simm.s32 $0x19000;
	s19 =	rddreg [dreg:$0xb]  }
0x47: {  	[tilespmem:s23], [sflag:$0xD] =	stream.linear.gather [hbm4b:s19+s4], $0x80, $0x38;
	[tilespmem:$0x1F600] =	vst v63  }
0x48: {  	_ =	swait.ge [sflag:s21], $0x80  }
0x49: {  	[sflag:s21] =	ssyncset.done $0x0  }
0x4a: {  	s29 =	simm.s32 $0x19080;
	s26 =	rddreg [dreg:$0xc];
	[sflag:s21] =	ssyncadd.s32 $0xFFFFFF80  }
0x4b: {  	[tilespmem:s29], [sflag:$0xD] =	stream.linear.gather [hbm4b:s26+s4], $0x80, $0x38;
	[tilespmem:$0x1F600] =	vst v63  }
0x4c: {  	_ =	swait.ge [sflag:s21], $0x80  }
0x4d: {  	[sflag:s21] =	ssyncset.done $0x0  }
0x4e: {  	[sflag:s21] =	ssyncadd.s32 $0xFFFFFF80  }
0x4f: {  	v2 =	vld [tilespmem:$0x19000]  }
0x50: {  	v3 =	vld [tilespmem:$0x19080]  }
0x51: {  	v4 =	vld [tilespmem:$0x19010]  }
0x52: {  	v5 =	vld [tilespmem:$0x19090]  }
0x53: {  	v6 =	vld [tilespmem:$0x19020]  }
0x54: {  	v7 =	vld [tilespmem:$0x190A0];
	v2 =	vadd.s32 v0, v2  }
0x55: {  	[tilespmem:$0x19100] =	vst v2;
	v2 =	vadd.s32 v1, v3;
	v3 =	vld [tilespmem:$0x19030]  }
0x56: {  	v44 =	vld [tilespmem:$0x190B0];
	[tilespmem:$0x19180] =	vst v2;
	v2 =	vadd.s32 v0, v4  }
0x57: {  	v45 =	vld [tilespmem:$0x19040];
	[tilespmem:$0x19110] =	vst v2;
	v2 =	vadd.s32 v1, v5  }
0x58: {  	v46 =	vld [tilespmem:$0x190C0];
	[tilespmem:$0x19190] =	vst v2;
	v2 =	vadd.s32 v0, v6  }
0x59: {  	v47 =	vld [tilespmem:$0x19050];
	[tilespmem:$0x19120] =	vst v2;
	v2 =	vadd.s32 v1, v7  }
0x5a: {  	[tilespmem:$0x191A0] =	vst v2;
	v2 =	vadd.s32 v0, v3;
	v3 =	vld [tilespmem:$0x190D0]  }
0x5b: {  	v48 =	vld [tilespmem:$0x19060];
	[tilespmem:$0x19130] =	vst v2;
	v2 =	vadd.s32 v1, v44  }
0x5c: {  	v49 =	vld [tilespmem:$0x190E0];
	[tilespmem:$0x191B0] =	vst v2;
	v2 =	vadd.s32 v0, v45  }
0x5d: {  	v50 =	vld [tilespmem:$0x19070];
	[tilespmem:$0x19140] =	vst v2;
	v2 =	vadd.s32 v1, v46  }
0x5e: {  	v51 =	vld [tilespmem:$0x190F0];
	[tilespmem:$0x191C0] =	vst v2;
	v2 =	vadd.s32 v0, v47  }
0x5f: {  	[tilespmem:$0x19150] =	vst v2;
	v2 =	vadd.s32 v1, v3  }
0x60: {  	[tilespmem:$0x191D0] =	vst v2;
	v2 =	vadd.s32 v0, v48  }
0x61: {  	[tilespmem:$0x19160] =	vst v2;
	v2 =	vadd.s32 v1, v49  }
0x62: {  	[tilespmem:$0x191E0] =	vst v2;
	v2 =	vadd.s32 v0, v50  }
0x63: {  	[tilespmem:$0x19170] =	vst v2;
	v2 =	vadd.s32 v1, v51  }
0x64: {  	s22 =	simm.s32 $0x19100;
	s23 =	simm.s32 $0x19200;
	[tilespmem:$0x191F0] =	vst v2  }
0x65: {  	[tilespmem:s23], [sflag:$0x1] =	stream.indirect.gather [hbm4b:s5+s24], $0x20, s22, s24, $0xb8;
	[tilespmem:$0x1F600] =	vst v63  }
0x66: {  	s26 =	simm.s32 $0x19180;
	s29 =	simm.s32 $0x1A200  }
0x67: {  	[tilespmem:s29], [sflag:$0x2] =	stream.indirect.gather [hbm4b:s6+s24], $0x20, s26, s24, $0xb8;
	[tilespmem:$0x1F600] =	vst v63  }
0x68: {  	s19 =	rddreg [dreg:$0xd]  }
0x69: {  	[tilespmem:s30], [sflag:$0xD] =	stream.linear.gather [hbm4b:s19+s4], $0x80, $0x38;
	[tilespmem:$0x1F600] =	vst v63  }
0x6a: {  	_ =	swait.ge [sflag:s21], $0x80  }
0x6b: {  	[sflag:s21] =	ssyncset.done $0x0  }
0x6c: {  	s23 =	rddreg [dreg:$0xe];
	[sflag:s21] =	ssyncadd.s32 $0xFFFFFF80  }
0x6d: {  	[tilespmem:s31], [sflag:$0xD] =	stream.linear.gather [hbm4b:s23+s4], $0x80, $0x38;
	[tilespmem:$0x1F600] =	vst v63  }
0x6e: {  	_ =	swait.ge [sflag:s21], $0x80  }
0x6f: {  	[sflag:s21] =	ssyncset.done $0x0  }
0x70: {  	[sflag:s21] =	ssyncadd.s32 $0xFFFFFF80  }
0x71: {  	v2 =	vld [tilespmem:$0x1B200]  }
0x72: {  	v3 =	vld [tilespmem:$0x1B280]  }
0x73: {  	v52 =	vld [tilespmem:$0x1B210]  }
0x74: {  	v53 =	vld [tilespmem:$0x1B290]  }
0x75: {  	v54 =	vld [tilespmem:$0x1B220]  }
0x76: {  	v55 =	vld [tilespmem:$0x1B2A0];
	v2 =	vadd.s32 v0, v2  }
0x77: {  	[tilespmem:$0x1B300] =	vst v2;
	v2 =	vadd.s32 v1, v3;
	v3 =	vld [tilespmem:$0x1B230]  }
0x78: {  	v56 =	vld [tilespmem:$0x1B2B0];
	[tilespmem:$0x1B380] =	vst v2;
	v2 =	vadd.s32 v0, v52  }
0x79: {  	v57 =	vld [tilespmem:$0x1B240];
	[tilespmem:$0x1B310] =	vst v2;
	v2 =	vadd.s32 v1, v53  }
0x7a: {  	v58 =	vld [tilespmem:$0x1B2C0];
	[tilespmem:$0x1B390] =	vst v2;
	v2 =	vadd.s32 v0, v54  }
0x7b: {  	v59 =	vld [tilespmem:$0x1B250];
	[tilespmem:$0x1B320] =	vst v2;
	v2 =	vadd.s32 v1, v55  }
0x7c: {  	[tilespmem:$0x1B3A0] =	vst v2;
	v2 =	vadd.s32 v0, v3;
	v3 =	vld [tilespmem:$0x1B2D0]  }
0x7d: {  	v60 =	vld [tilespmem:$0x1B260];
	[tilespmem:$0x1B330] =	vst v2;
	v2 =	vadd.s32 v1, v56  }
0x7e: {  	v61 =	vld [tilespmem:$0x1B2E0];
	[tilespmem:$0x1B3B0] =	vst v2;
	v2 =	vadd.s32 v0, v57  }
0x7f: {  	v62 =	vld [tilespmem:$0x1B270];
	[tilespmem:$0x1B340] =	vst v2;
	v2 =	vadd.s32 v1, v58  }
0x80: {  	v63 =	vld [tilespmem:$0x1B2F0];
	[tilespmem:$0x1B3C0] =	vst v2;
	v2 =	vadd.s32 v0, v59  }
0x81: {  	[tilespmem:$0x1B350] =	vst v2;
	v2 =	vadd.s32 v1, v3  }
0x82: {  	[tilespmem:$0x1B3D0] =	vst v2;
	v2 =	vadd.s32 v0, v60  }
0x83: {  	[tilespmem:$0x1B360] =	vst v2;
	v2 =	vadd.s32 v1, v61  }
0x84: {  	[tilespmem:$0x1B3E0] =	vst v2;
	v2 =	vadd.s32 v0, v62  }
0x85: {  	[tilespmem:$0x1B370] =	vst v2;
	v2 =	vadd.s32 v1, v63  }
0x86: {  	s26 =	simm.s32 $0x1B300;
	[tilespmem:$0x1B3F0] =	vst v2  }
0x87: {  	[tilespmem:s3], [sflag:$0x5] =	stream.indirect.gather [hbm4b:s5+s24], $0x20, s26, s24, $0xb8;
	[tilespmem:$0x1F600] =	vst v63  }
0x88: {  	s22 =	simm.s32 $0x0;
	s29 =	simm.s32 $0x1B380  }
0x89: {  	[tilespmem:s8], [sflag:$0x6] =	stream.indirect.gather [hbm4b:s6+s24], $0x20, s29, s24, $0xb8;
	[tilespmem:$0x1F600] =	vst v63  }
.LBB2_2:
0x8a: {  	_ =	swait.ge [sflag:s10], $0x1000  }
0x8b: {  	[sflag:s10] =	ssyncset.done $0x0  }
0x8c: {  	[sflag:s10] =	ssyncadd.s32 $0xFFFFF000  }
0x8d: {  	_ =	swait.ge [sflag:s11], $0x1000  }
0x8e: {  	s23 =	simm.s32 $0x19000;
	[sflag:s11] =	ssyncset.done $0x0  }
0x8f: {  	s19 =	simm.s32 $0x1A200;
	p0 =	seq.s32 s22, $0x0;
	[sflag:s11] =	ssyncadd.s32 $0xFFFFF000  }
0x90: {  	[spmem:s1] =	stream.indirect.scatter.add.f32 [tilespmem:s19], [sflag:$0x3], $0x20, s23, s24, $0xb8;
	[tilespmem:$0x1F600] =	vst v63  }
0x91: {  	s26 =	simm.s32 $0x19080;
	s29 =	simm.s32 $0x19200;
	s23 =	simm.s32 @!p0 $0xB  }
0x92: {  	[spmem:s2] =	stream.indirect.scatter.add.f32 [tilespmem:s29], [sflag:$0x4], $0x20, s26, s24, $0xb8;
	[tilespmem:$0x1F600] =	vst v63  }
0x93: {  	_ =	swait.ge @!p0 [sflag:s23], $0x1000  }
0x94: {  	[sflag:s23] =	ssyncset.done @!p0 $0x0  }
0x95: {  	s26 =	simm.s32 @!p0 $0xC;
	[sflag:s23] =	ssyncadd.s32 @!p0 $0xFFFFF000  }
0x96: {  	_ =	swait.ge @!p0 [sflag:s26], $0x1000  }
0x97: {  	s23 =	sadd.s32 s22, s20;
	[sflag:s26] =	ssyncset.done @!p0 $0x0  }
0x98: {  	s19 =	sadd.s32 $0x20, s23;
	[sflag:s26] =	ssyncadd.s32 @!p0 $0xFFFFF000  }
0x99: {  	[tilespmem:s12], [sflag:$0xD] =	stream.linear.gather [hbm4b:s19+s4], $0x80, $0x38;
	[tilespmem:$0x1F600] =	vst v63  }
0x9a: {  	_ =	swait.ge [sflag:s21], $0x80  }
0x9b: {  	s26 =	rddreg [dreg:$0x12]  }
0x9c: {  	[sflag:s21] =	ssyncset.done $0x0;
	s26 =	sadd.s32 s22, s26  }
0x9d: {  	[sflag:s21] =	ssyncadd.s32 $0xFFFFFF80;
	s29 =	sadd.s32 $0x20, s26  }
0x9e: {  	[tilespmem:s13], [sflag:$0xD] =	stream.linear.gather [hbm4b:s29+s4], $0x80, $0x38;
	[tilespmem:$0x1F600] =	vst v63  }
0x9f: {  	_ =	swait.ge [sflag:s21], $0x80  }
0xa0: {  	[sflag:s21] =	ssyncset.done $0x0  }
0xa1: {  	[sflag:s21] =	ssyncadd.s32 $0xFFFFFF80  }
0xa2: {  	v2 =	vld [tilespmem:$0x1D400]  }
0xa3: {  	v3 =	vld [tilespmem:$0x1D480]  }
0xa4: {  	v4 =	vld [tilespmem:$0x1D410]  }
0xa5: {  	v5 =	vld [tilespmem:$0x1D490]  }
0xa6: {  	v6 =	vld [tilespmem:$0x1D420]  }
0xa7: {  	v7 =	vld [tilespmem:$0x1D4A0];
	v2 =	vadd.s32 v0, v2  }
0xa8: {  	[tilespmem:$0x1D500] =	vst v2;
	v2 =	vadd.s32 v1, v3;
	v3 =	vld [tilespmem:$0x1D430]  }
0xa9: {  	v56 =	vld [tilespmem:$0x1D4B0];
	[tilespmem:$0x1D580] =	vst v2;
	v2 =	vadd.s32 v0, v4  }
0xaa: {  	v57 =	vld [tilespmem:$0x1D440];
	[tilespmem:$0x1D510] =	vst v2;
	v2 =	vadd.s32 v1, v5  }
0xab: {  	v58 =	vld [tilespmem:$0x1D4C0];
	[tilespmem:$0x1D590] =	vst v2;
	v2 =	vadd.s32 v0, v6  }
0xac: {  	v59 =	vld [tilespmem:$0x1D450];
	[tilespmem:$0x1D520] =	vst v2;
	v2 =	vadd.s32 v1, v7  }
0xad: {  	[tilespmem:$0x1D5A0] =	vst v2;
	v2 =	vadd.s32 v0, v3;
	v3 =	vld [tilespmem:$0x1D4D0]  }
0xae: {  	v60 =	vld [tilespmem:$0x1D460];
	[tilespmem:$0x1D530] =	vst v2;
	v2 =	vadd.s32 v1, v56  }
0xaf: {  	v61 =	vld [tilespmem:$0x1D4E0];
	[tilespmem:$0x1D5B0] =	vst v2;
	v2 =	vadd.s32 v0, v57  }
0xb0: {  	v62 =	vld [tilespmem:$0x1D470];
	[tilespmem:$0x1D540] =	vst v2;
	v2 =	vadd.s32 v1, v58  }
0xb1: {  	v63 =	vld [tilespmem:$0x1D4F0];
	[tilespmem:$0x1D5C0] =	vst v2;
	v2 =	vadd.s32 v0, v59  }
0xb2: {  	[tilespmem:$0x1D550] =	vst v2;
	v2 =	vadd.s32 v1, v3  }
0xb3: {  	[tilespmem:$0x1D5D0] =	vst v2;
	v2 =	vadd.s32 v0, v60  }
0xb4: {  	[tilespmem:$0x1D560] =	vst v2;
	v2 =	vadd.s32 v1, v61  }
0xb5: {  	[tilespmem:$0x1D5E0] =	vst v2;
	v2 =	vadd.s32 v0, v62  }
0xb6: {  	[tilespmem:$0x1D570] =	vst v2;
	v2 =	vadd.s32 v1, v63  }
0xb7: {  	s29 =	simm.s32 $0x1D500;
	[tilespmem:$0x1D5F0] =	vst v2  }
0xb8: {  	[tilespmem:s15], [sflag:$0x9] =	stream.indirect.gather [hbm4b:s5+s24], $0x20, s29, s24, $0xb8;
	[tilespmem:$0x1F600] =	vst v63  }
0xb9: {  	s29 =	simm.s32 $0x1D580  }
0xba: {  	[tilespmem:s17], [sflag:$0xA] =	stream.indirect.gather [hbm4b:s6+s24], $0x20, s29, s24, $0xb8;
	[tilespmem:$0x1F600] =	vst v63  }
0xbb: {  	_ =	swait.ge [sflag:s18], $0x1000  }
0xbc: {  	[sflag:s18] =	ssyncset.done $0x0  }
0xbd: {  	[sflag:s18] =	ssyncadd.s32 $0xFFFFF000  }
0xbe: {  	_ =	swait.ge [sflag:s9], $0x1000  }
0xbf: {  	[sflag:s9] =	ssyncset.done $0x0  }
0xc0: {  	[sflag:s9] =	ssyncadd.s32 $0xFFFFF000  }
0xc1: {  	[spmem:s1] =	stream.indirect.scatter.add.f32 [tilespmem:s8], [sflag:$0x7], $0x20, s30, s24, $0xb8;
	[tilespmem:$0x1F600] =	vst v63  }
0xc2: {  	_ = 	snop  }
0xc3: {  	[spmem:s2] =	stream.indirect.scatter.add.f32 [tilespmem:s3], [sflag:$0x8], $0x20, s31, s24, $0xb8;
	[tilespmem:$0x1F600] =	vst v63  }
0xc4: {  	p0 =	seq.s32 s22, $0x1890;
	_ =	swait.ge [sflag:s25], $0x1000  }
.Ltmp2:
0xc5: {  	[sflag:s25] =	ssyncset.done $0x0;
	(pc) =	sbr.rel @p0 .LBB2_4-.Ltmp2, $4  }
0xc6: {  	[sflag:s25] =	ssyncadd.s32 $0xFFFFF000  }
0xc7: {  	_ =	swait.ge [sflag:s28], $0x1000  }
0xc8: {  	[sflag:s28] =	ssyncset.done $0x0  }
0xc9: {  	[sflag:s28] =	ssyncadd.s32 $0xFFFFF000  }
0xca: {  	s29 =	sadd.s32 $0x30, s23;
	s19 =	simm.s32 $0x19000  }
0xcb: {  	[tilespmem:s19], [sflag:$0xD] =	stream.linear.gather [hbm4b:s29+s4], $0x80, $0x38;
	[tilespmem:$0x1F600] =	vst v63  }
0xcc: {  	_ =	swait.ge [sflag:s21], $0x80  }
0xcd: {  	[sflag:s21] =	ssyncset.done $0x0  }
0xce: {  	s29 =	sadd.s32 $0x30, s26;
	s19 =	simm.s32 $0x19080;
	[sflag:s21] =	ssyncadd.s32 $0xFFFFFF80  }
0xcf: {  	[tilespmem:s19], [sflag:$0xD] =	stream.linear.gather [hbm4b:s29+s4], $0x80, $0x38;
	[tilespmem:$0x1F600] =	vst v63  }
0xd0: {  	_ =	swait.ge [sflag:s21], $0x80  }
0xd1: {  	[sflag:s21] =	ssyncset.done $0x0  }
0xd2: {  	[sflag:s21] =	ssyncadd.s32 $0xFFFFFF80  }
0xd3: {  	v2 =	vld [tilespmem:$0x19000]  }
0xd4: {  	v3 =	vld [tilespmem:$0x19080]  }
0xd5: {  	v4 =	vld [tilespmem:$0x19010]  }
0xd6: {  	v5 =	vld [tilespmem:$0x19090]  }
0xd7: {  	v6 =	vld [tilespmem:$0x19020]  }
0xd8: {  	v7 =	vld [tilespmem:$0x190A0];
	v2 =	vadd.s32 v0, v2  }
0xd9: {  	[tilespmem:$0x19100] =	vst v2;
	v2 =	vadd.s32 v1, v3;
	v3 =	vld [tilespmem:$0x19030]  }
0xda: {  	v56 =	vld [tilespmem:$0x190B0];
	[tilespmem:$0x19180] =	vst v2;
	v2 =	vadd.s32 v0, v4  }
0xdb: {  	v57 =	vld [tilespmem:$0x19040];
	[tilespmem:$0x19110] =	vst v2;
	v2 =	vadd.s32 v1, v5  }
0xdc: {  	v58 =	vld [tilespmem:$0x190C0];
	[tilespmem:$0x19190] =	vst v2;
	v2 =	vadd.s32 v0, v6  }
0xdd: {  	v59 =	vld [tilespmem:$0x19050];
	[tilespmem:$0x19120] =	vst v2;
	v2 =	vadd.s32 v1, v7  }
0xde: {  	[tilespmem:$0x191A0] =	vst v2;
	v2 =	vadd.s32 v0, v3;
	v3 =	vld [tilespmem:$0x190D0]  }
0xdf: {  	v60 =	vld [tilespmem:$0x19060];
	[tilespmem:$0x19130] =	vst v2;
	v2 =	vadd.s32 v1, v56  }
0xe0: {  	v61 =	vld [tilespmem:$0x190E0];
	[tilespmem:$0x191B0] =	vst v2;
	v2 =	vadd.s32 v0, v57  }
0xe1: {  	v62 =	vld [tilespmem:$0x19070];
	[tilespmem:$0x19140] =	vst v2;
	v2 =	vadd.s32 v1, v58  }
0xe2: {  	v63 =	vld [tilespmem:$0x190F0];
	[tilespmem:$0x191C0] =	vst v2;
	v2 =	vadd.s32 v0, v59  }
0xe3: {  	[tilespmem:$0x19150] =	vst v2;
	v2 =	vadd.s32 v1, v3  }
0xe4: {  	[tilespmem:$0x191D0] =	vst v2;
	v2 =	vadd.s32 v0, v60  }
0xe5: {  	[tilespmem:$0x19160] =	vst v2;
	v2 =	vadd.s32 v1, v61  }
0xe6: {  	[tilespmem:$0x191E0] =	vst v2;
	v2 =	vadd.s32 v0, v62  }
0xe7: {  	[tilespmem:$0x19170] =	vst v2;
	v2 =	vadd.s32 v1, v63  }
0xe8: {  	s19 =	simm.s32 $0x19100;
	s29 =	simm.s32 $0x19200;
	[tilespmem:$0x191F0] =	vst v2  }
0xe9: {  	[tilespmem:s29], [sflag:$0x1] =	stream.indirect.gather [hbm4b:s5+s24], $0x20, s19, s24, $0xb8;
	[tilespmem:$0x1F600] =	vst v63  }
0xea: {  	s19 =	simm.s32 $0x19180;
	s29 =	simm.s32 $0x1A200  }
0xeb: {  	[tilespmem:s29], [sflag:$0x2] =	stream.indirect.gather [hbm4b:s6+s24], $0x20, s19, s24, $0xb8;
	[tilespmem:$0x1F600] =	vst v63  }
.LBB2_4:
0xec: {  	_ =	swait.ge [sflag:s0], $0x1000  }
0xed: {  	[sflag:s0] =	ssyncset.done $0x0  }
0xee: {  	[sflag:s0] =	ssyncadd.s32 $0xFFFFF000  }
0xef: {  	_ =	swait.ge [sflag:s7], $0x1000  }
0xf0: {  	[sflag:s7] =	ssyncset.done $0x0  }
0xf1: {  	[sflag:s7] =	ssyncadd.s32 $0xFFFFF000  }
0xf2: {  	[spmem:s1] =	stream.indirect.scatter.add.f32 [tilespmem:s17], [sflag:$0xB], $0x20, s12, s24, $0xb8;
	[tilespmem:$0x1F600] =	vst v63  }
0xf3: {  	_ = 	snop  }
0xf4: {  	[spmem:s2] =	stream.indirect.scatter.add.f32 [tilespmem:s15], [sflag:$0xC], $0x20, s13, s24, $0xb8;
	[tilespmem:$0x1F600] =	vst v63  }
0xf5: {  	_ =	swait.ge [sflag:s14], $0x1000  }
.Ltmp3:
0xf6: {  	[sflag:s14] =	ssyncset.done $0x0;
	(pc) =	sbr.rel @p0 .LBB2_6-.Ltmp3, $4  }
0xf7: {  	[sflag:s14] =	ssyncadd.s32 $0xFFFFF000  }
0xf8: {  	_ =	swait.ge [sflag:s16], $0x1000  }
0xf9: {  	[sflag:s16] =	ssyncset.done $0x0  }
0xfa: {  	[sflag:s16] =	ssyncadd.s32 $0xFFFFF000  }
0xfb: {  	s23 =	sadd.s32 $0x40, s23  }
0xfc: {  	[tilespmem:s30], [sflag:$0xD] =	stream.linear.gather [hbm4b:s23+s4], $0x80, $0x38;
	[tilespmem:$0x1F600] =	vst v63  }
0xfd: {  	_ =	swait.ge [sflag:s21], $0x80  }
0xfe: {  	[sflag:s21] =	ssyncset.done $0x0  }
0xff: {  	s26 =	sadd.s32 $0x40, s26;
	[sflag:s21] =	ssyncadd.s32 $0xFFFFFF80  }
0x100: {  	[tilespmem:s31], [sflag:$0xD] =	stream.linear.gather [hbm4b:s26+s4], $0x80, $0x38;
	[tilespmem:$0x1F600] =	vst v63  }
0x101: {  	_ =	swait.ge [sflag:s21], $0x80  }
0x102: {  	[sflag:s21] =	ssyncset.done $0x0  }
0x103: {  	[sflag:s21] =	ssyncadd.s32 $0xFFFFFF80  }
0x104: {  	v2 =	vld [tilespmem:$0x1B200]  }
0x105: {  	v3 =	vld [tilespmem:$0x1B280]  }
0x106: {  	v4 =	vld [tilespmem:$0x1B210]  }
0x107: {  	v5 =	vld [tilespmem:$0x1B290]  }
0x108: {  	v6 =	vld [tilespmem:$0x1B220]  }
0x109: {  	v7 =	vld [tilespmem:$0x1B2A0];
	v2 =	vadd.s32 v0, v2  }
0x10a: {  	[tilespmem:$0x1B300] =	vst v2;
	v2 =	vadd.s32 v1, v3;
	v3 =	vld [tilespmem:$0x1B230]  }
0x10b: {  	v56 =	vld [tilespmem:$0x1B2B0];
	[tilespmem:$0x1B380] =	vst v2;
	v2 =	vadd.s32 v0, v4  }
0x10c: {  	v57 =	vld [tilespmem:$0x1B240];
	[tilespmem:$0x1B310] =	vst v2;
	v2 =	vadd.s32 v1, v5  }
0x10d: {  	v58 =	vld [tilespmem:$0x1B2C0];
	[tilespmem:$0x1B390] =	vst v2;
	v2 =	vadd.s32 v0, v6  }
0x10e: {  	v59 =	vld [tilespmem:$0x1B250];
	[tilespmem:$0x1B320] =	vst v2;
	v2 =	vadd.s32 v1, v7  }
0x10f: {  	[tilespmem:$0x1B3A0] =	vst v2;
	v2 =	vadd.s32 v0, v3;
	v3 =	vld [tilespmem:$0x1B2D0]  }
0x110: {  	v60 =	vld [tilespmem:$0x1B260];
	[tilespmem:$0x1B330] =	vst v2;
	v2 =	vadd.s32 v1, v56  }
0x111: {  	v61 =	vld [tilespmem:$0x1B2E0];
	[tilespmem:$0x1B3B0] =	vst v2;
	v2 =	vadd.s32 v0, v57  }
0x112: {  	v62 =	vld [tilespmem:$0x1B270];
	[tilespmem:$0x1B340] =	vst v2;
	v2 =	vadd.s32 v1, v58  }
0x113: {  	v63 =	vld [tilespmem:$0x1B2F0];
	[tilespmem:$0x1B3C0] =	vst v2;
	v2 =	vadd.s32 v0, v59  }
0x114: {  	[tilespmem:$0x1B350] =	vst v2;
	v2 =	vadd.s32 v1, v3  }
0x115: {  	[tilespmem:$0x1B3D0] =	vst v2;
	v2 =	vadd.s32 v0, v60  }
0x116: {  	[tilespmem:$0x1B360] =	vst v2;
	v2 =	vadd.s32 v1, v61  }
0x117: {  	[tilespmem:$0x1B3E0] =	vst v2;
	v2 =	vadd.s32 v0, v62  }
.Ltmp4:
0x118: {  	[tilespmem:$0x1B370] =	vst v2;
	v2 =	vadd.s32 v1, v63;
	(pc) =	sbr.rel .LBB2_2-.Ltmp4, $4  }
0x119: {  	s19 =	simm.s32 $0x1B300;
	[tilespmem:$0x1B3F0] =	vst v2  }
0x11a: {  	[tilespmem:s3], [sflag:$0x5] =	stream.indirect.gather [hbm4b:s5+s24], $0x20, s19, s24, $0xb8;
	[tilespmem:$0x1F600] =	vst v63  }
0x11b: {  	s29 =	simm.s32 $0x1B380;
	s22 =	sadd.s32 $0x30, s22  }
0x11c: {  	[tilespmem:s8], [sflag:$0x6] =	stream.indirect.gather [hbm4b:s6+s24], $0x20, s29, s24, $0xb8;
	[tilespmem:$0x1F600] =	vst v63  }
.LBB2_7:
0x11d: {  	_ =	sfence.sel $0x180000  }
0x11e: {  	[bflag:$0x0] =	sbarrier.arrive $0xFFFF  }
0x11f: {  	_ =	strace $0x9000004D  }
0x120: {  	s0 =	stileid.u32;
	[bflag:$0x2] =	sbarrier.arrive $0xFFFF  }
0x121: {  	p0 =	sne.s32 s0, $0x0;
	s0 =	rddreg [dreg:$0x5]  }
0x122: {  	s0 =	sadd.s32 @!p0 $0x100000, s0  }
0x123: {  	[sflag:s0] =	ssyncadd.tile.s32 @!p0 $0x1;
	_ =	shalt  }
.Lfunc_end2:
_tile_overlayer_lowered:
.L_overlay_start_2:
0x124: {  	(tag) =	ssettag $0x2  }
0x125: {  	s0 =	rddreg [dreg:$0x0];
	s2 =	stileid.u32  }
0x126: {  	s1 =	rddreg [dreg:$0x1];
	p0 =	sne.s32 s2, $0x0  }
0x127: {  	s3 =	rddreg [dreg:$0x2];
	[bflag:$0x3] =	sbarrier.arrive $0xFFFF;
	s2 =	simm.s32 @!p0 $0x1C0D  }
0x128: {  	[timem:s3], [sflag:s2] =	dma.local @!p0 [hbm:s0], s1  }
0x129: {  	s0 =	simm.s32 @!p0 $0xD  }
0x12a: {  	_ =	swait.ge @!p0 [sflag:s0], s1  }
0x12b: {  	s1 =	ssub.s32 @!p0 $0x0, s1;
	[sflag:s0] =	ssyncset.done @!p0 $0x0  }
0x12c: {  	[sflag:s0] =	ssyncadd.s32 @!p0 s1  }
0x12d: {  	[bflag:$0x3] =	sbarrier.arrive $0xFFFF  }
0x12e: {  	_ =	shalt  }

</sc_bundles>
